<compile_context>
chip_gen: v7x
topology: tpu7x:2x2x1
jax: 0.10.2.dev20260603
libtpu: 0.0.44.dev20260713+nightly
codegen_flags: <defaults>
</compile_context>

<pallas_src>
import functools

import jax
import jax.numpy as jnp
from jax import lax
from jax.experimental import pallas as pl
from jax.experimental.pallas import tpu as pltpu
from jax.experimental.pallas import tpu_sc as plsc

N = 10000
D = 128
KNN = 16
NP = 10240
EPS = 1e-5
BLK = 1000
BQ = 256
PAD_H = 1e18
NEG = -1e36

NW = 32
NODES_W = NP // NW
SB = 8
EB = SB * KNN


def _f32(x):
    return x.astype(jnp.float32)



def _k1(x_ref, w1t_ref, h_ref, st_ref):
    i = pl.program_id(0)
    h = jnp.dot(x_ref[...], w1t_ref[...], preferred_element_type=jnp.float32)
    h_ref[...] = h

    @pl.when(i == 0)
    def _():
        st_ref[...] = jnp.zeros_like(st_ref)

    st_ref[0:1, :] += jnp.sum(h, axis=0, keepdims=True)
    st_ref[1:2, :] += jnp.sum(h * h, axis=0, keepdims=True)



def _k2(h_ref, p_ref, w2ft_ref, w2xt_ref, st_ref, g1_ref, b1_ref,
        u_ref, v_ref):
    m1 = st_ref[0:1, :] / N
    var1 = st_ref[1:2, :] / N - m1 * m1
    a1 = lax.rsqrt(var1 + EPS) * g1_ref[...]
    hn = jnp.maximum((h_ref[...] - m1) * a1 + b1_ref[...], 0.0)
    v = jnp.dot(p_ref[...], w2xt_ref[...], preferred_element_type=jnp.float32)
    u_ref[...] = jnp.dot(hn, w2ft_ref[...],
                         preferred_element_type=jnp.float32) + v
    v_ref[...] = v



NSEG = 640
GSEG = NP // NSEG


def _k3(qa_ref, pta_ref, idx_ref):
    pta = pta_ref[...]
    pn = 0.25 * jnp.sum(pta * pta, axis=0, keepdims=True)
    score = jnp.dot(qa_ref[...], pta,
                    preferred_element_type=jnp.float32) - pn

    iota = lax.broadcasted_iota(jnp.int32, (BQ, NSEG), 1)

    def sel(t, x, y):
        return (jnp.where(t, x[0], y[0]), jnp.where(t, x[1], y[1]))

    def mrg11(a, b):
        t = a[0] >= b[0]
        return [sel(t, a, b), sel(t, b, a)]

    def mrg22(a, b):
        t = a[0][0] >= b[0][0]
        r1 = sel(t, a[0], b[0])
        x = sel(t, a[1], b[1])
        y = sel(t, b[0], a[0])
        l2 = sel(t, b[1], a[1])
        t2 = x[0] >= y[0]
        r2 = sel(t2, x, y)
        r3 = sel(t2, y, sel(x[0] >= l2[0], x, l2))
        return [r1, r2, r3]

    def mrg33(a, b):
        t = a[0][0] >= b[0][0]
        r1 = sel(t, a[0], b[0])
        x = sel(t, a[1], b[1])
        y = sel(t, b[0], a[0])
        w3 = sel(t, a[2], b[2])
        l2 = sel(t, b[1], a[1])
        t2 = x[0] >= y[0]
        r2 = sel(t2, x, y)
        ca = sel(w3[0] >= y[0], w3, y)
        cb = sel(x[0] >= l2[0], x, l2)
        r3 = sel(t2, ca, cb)
        return [r1, r2, r3]

    lvl = [(score[:, s * NSEG:(s + 1) * NSEG], iota + s * NSEG)
           for s in range(GSEG)]
    pairs = [mrg11(lvl[2 * i], lvl[2 * i + 1]) for i in range(GSEG // 2)]
    tris = [mrg22(pairs[2 * i], pairs[2 * i + 1]) for i in range(GSEG // 4)]
    while len(tris) > 1:
        tris = [mrg33(tris[2 * i], tris[2 * i + 1])
                for i in range(len(tris) // 2)]
    (m1, c1), (m2, c2), (m3, c3) = tris[0]

    cols = []
    for _ in range(KNN):
        m = jnp.max(m1, axis=1, keepdims=True)
        j = jnp.min(jnp.where(m1 == m, iota, NSEG), axis=1, keepdims=True)
        oh = iota == j
        cols.append(jnp.max(jnp.where(oh, c1, -1), axis=1, keepdims=True))
        m1 = jnp.where(oh, m2, m1)
        c1 = jnp.where(oh, c2, c1)
        m2 = jnp.where(oh, m3, m2)
        c2 = jnp.where(oh, c3, c2)
        m3 = jnp.where(oh, NEG, m3)
    idx_ref[...] = jnp.concatenate(cols, axis=1)



NB = NODES_W // SB


def _k4_body(u_hbm, idx_hbm, m_hbm, n_hbm, s_hbm, q_hbm,
             idx_v0, rows_v0, idx_v1, rows_v1, mv, nv, sv, qv,
             sem0, sem1):
    wid = lax.axis_index("s") * 2 + lax.axis_index("c")
    node_base = wid * NODES_W
    bufs = ((idx_v0, rows_v0, sem0), (idx_v1, rows_v1, sem1))

    def start(b, buf):
        idx_v, rows_v, sem = buf
        pltpu.sync_copy(idx_hbm.at[pl.ds((node_base + b * SB) * KNN, EB)],
                        idx_v)
        pltpu.async_copy(u_hbm.at[idx_v], rows_v, sem)

    def process(b, cur, nxt):
        idx_v, rows_v, sem = cur

        @pl.when(b + 1 < NB)
        def _():
            start(b + 1, nxt)

        pltpu.make_async_copy(u_hbm.at[idx_v], rows_v, sem).wait()

        def node(i, carry2):
            base = i * KNN
            for c in range(D // 16):
                sl = pl.ds(c * 16, 16)
                r0 = rows_v[base, sl]
                am, an, asum, asq = r0, r0, r0, r0 * r0
                for s in range(1, KNN):
                    r = rows_v[base + s, sl]
                    am = jnp.maximum(am, r)
                    an = jnp.minimum(an, r)
                    asum = asum + r
                    asq = asq + r * r
                mv[i, sl] = am
                nv[i, sl] = an
                sv[i, sl] = asum
                qv[i, sl] = asq
            return carry2

        lax.fori_loop(0, SB, node, 0)
        nb = node_base + b * SB
        pltpu.sync_copy(mv, m_hbm.at[pl.ds(nb, SB)])
        pltpu.sync_copy(nv, n_hbm.at[pl.ds(nb, SB)])
        pltpu.sync_copy(sv, s_hbm.at[pl.ds(nb, SB)])
        pltpu.sync_copy(qv, q_hbm.at[pl.ds(nb, SB)])

    start(0, bufs[0])

    def pair(i, carry):
        process(2 * i, bufs[0], bufs[1])
        process(2 * i + 1, bufs[1], bufs[0])
        return carry

    lax.fori_loop(0, NB // 2, pair, 0)


def _gather_reduce(u, idx_flat):
    mesh = plsc.VectorSubcoreMesh(core_axis_name="c", subcore_axis_name="s")
    fn = functools.partial(
        pl.kernel,
        mesh=mesh,
        out_type=[jax.ShapeDtypeStruct((NP, D), jnp.float32)] * 4,
        scratch_types=[
            pltpu.VMEM((EB,), jnp.int32),
            pltpu.VMEM((EB, D), jnp.float32),
            pltpu.VMEM((EB,), jnp.int32),
            pltpu.VMEM((EB, D), jnp.float32),
            pltpu.VMEM((SB, D), jnp.float32),
            pltpu.VMEM((SB, D), jnp.float32),
            pltpu.VMEM((SB, D), jnp.float32),
            pltpu.VMEM((SB, D), jnp.float32),
            pltpu.SemaphoreType.DMA,
            pltpu.SemaphoreType.DMA,
        ],
    )(_k4_body)
    return fn(u, idx_flat)



def _k5(s_ref, q_ref, v_ref, out_ref):
    i = pl.program_id(0)

    @pl.when(i == 0)
    def _():
        out_ref[...] = jnp.zeros_like(out_ref)

    s = s_ref[...]
    v = v_ref[...]
    out_ref[0:1, :] += jnp.sum(s, axis=0, keepdims=True)
    out_ref[1:2, :] += jnp.sum(q_ref[...], axis=0, keepdims=True)
    out_ref[2:3, :] += jnp.sum(v, axis=0, keepdims=True)
    out_ref[3:4, :] += jnp.sum(v * v, axis=0, keepdims=True)
    out_ref[4:5, :] += jnp.sum(v * s, axis=0, keepdims=True)



def _k6(m_ref, n_ref, v_ref, w3t_ref, s2_ref, g2_ref, b2_ref,
        t_ref, st_ref):
    i = pl.program_id(0)
    nk = float(N * KNN)
    s_sum = s2_ref[0:1, :]
    q_sum = s2_ref[1:2, :]
    v_sum = s2_ref[2:3, :]
    v2_sum = s2_ref[3:4, :]
    vs_sum = s2_ref[4:5, :]
    mean2 = (s_sum - KNN * v_sum) / nk
    e2 = (q_sum - 2.0 * vs_sum + KNN * v2_sum) / nk
    var2 = e2 - mean2 * mean2
    a2 = lax.rsqrt(var2 + EPS) * g2_ref[...]
    v = v_ref[...]
    hi = a2 * (m_ref[...] - v - mean2)
    lo = a2 * (n_ref[...] - v - mean2)
    pooled = jnp.maximum(jnp.maximum(hi, lo) + b2_ref[...], 0.0)
    t = jnp.dot(pooled, w3t_ref[...], preferred_element_type=jnp.float32)
    t_ref[...] = t

    @pl.when(i == 0)
    def _():
        st_ref[...] = jnp.zeros_like(st_ref)

    st_ref[0:1, :] += jnp.sum(t, axis=0, keepdims=True)
    st_ref[1:2, :] += jnp.sum(t * t, axis=0, keepdims=True)



def _k7(t_ref, x_ref, st_ref, g3_ref, b3_ref, o_ref):
    m3 = st_ref[0:1, :] / N
    var3 = st_ref[1:2, :] / N - m3 * m3
    a3 = lax.rsqrt(var3 + EPS) * g3_ref[...]
    o_ref[...] = jnp.maximum(
        (t_ref[...] - m3) * a3 + b3_ref[...] + x_ref[...], 0.0)


def kernel(p, x, o, W1, g1, b1, W2, g2, b2, W3, g3, b3):
    p = _f32(p)
    x = _f32(x)
    f32 = jnp.float32

    row = lambda a: a.reshape(1, D)
    rowspec = pl.BlockSpec((1, D), lambda i: (0, 0))
    full = lambda r, c: pl.BlockSpec((r, c), lambda i: (0, 0))
    blk = pl.BlockSpec((BLK, D), lambda i: (i, 0))
    stspec = pl.BlockSpec((8, D), lambda i: (0, 0))

    h, st1 = pl.pallas_call(
        _k1,
        grid=(N // BLK,),
        in_specs=[blk, full(D, D)],
        out_specs=[blk, stspec],
        out_shape=[jax.ShapeDtypeStruct((N, D), f32),
                   jax.ShapeDtypeStruct((8, D), f32)],
    )(x, W1.T)

    p_pad = jnp.zeros((N, D), f32).at[:, :3].set(p)
    w2xt = jnp.zeros((D, D), f32).at[:3, :].set(W2[:, :3].T)
    u, v = pl.pallas_call(
        _k2,
        grid=(N // BLK,),
        in_specs=[blk, blk, full(D, D), full(D, D), stspec,
                  rowspec, rowspec],
        out_specs=[blk, blk],
        out_shape=[jax.ShapeDtypeStruct((N, D), f32),
                   jax.ShapeDtypeStruct((N, D), f32)],
    )(h, p_pad, W2[:, 3:].T, w2xt, st1, row(g1), row(b1))

    qa = jnp.zeros((NP, 8), f32).at[:N, :3].set(p)
    pta = jnp.zeros((8, NP), f32).at[:3, :N].set(2.0 * p.T)
    pta = pta.at[3, N:].set(PAD_H)
    idx = pl.pallas_call(
        _k3,
        grid=(NP // BQ,),
        in_specs=[pl.BlockSpec((BQ, 8), lambda i: (i, 0)), full(8, NP)],
        out_specs=pl.BlockSpec((BQ, KNN), lambda i: (i, 0)),
        out_shape=jax.ShapeDtypeStruct((NP, KNN), jnp.int32),
    )(qa, pta)

    mx, mn, sm, sq = _gather_reduce(u, idx.reshape(-1))

    sums2 = pl.pallas_call(
        _k5,
        grid=(N // BLK,),
        in_specs=[blk, blk, blk],
        out_specs=stspec,
        out_shape=jax.ShapeDtypeStruct((8, D), f32),
    )(sm[:N], sq[:N], v)

    t, st3 = pl.pallas_call(
        _k6,
        grid=(N // BLK,),
        in_specs=[blk, blk, blk, full(D, D), stspec, rowspec, rowspec],
        out_specs=[blk, stspec],
        out_shape=[jax.ShapeDtypeStruct((N, D), f32),
                   jax.ShapeDtypeStruct((8, D), f32)],
    )(mx[:N], mn[:N], v, W3.T, sums2, row(g2), row(b2))

    out = pl.pallas_call(
        _k7,
        grid=(N // BLK,),
        in_specs=[blk, blk, stspec, rowspec, rowspec],
        out_specs=blk,
        out_shape=jax.ShapeDtypeStruct((N, D), f32),
    )(t, x, st3, row(g3), row(b3))

    return (p, out, o)

# --- scband reference (transcript-rebuilt; emitter-appended) ---
"""Pipeline reference for scband-edge-conv-block-1623497638706 (READ-ONLY COPY).

The authoritative reference and input builder live on the scoring server;
editing this copy changes nothing except your own understanding.
"""

import jax, jax.numpy as jnp
import numpy as np

N = 10000
NSAMPLE = 16
IN_PLANES = 128
PLANES = 128
EPS = 1e-5


def setup_inputs(seed: int = 0) -> dict:
    key = jax.random.key(seed)
    k1, k2, k3, k4, k5 = jax.random.split(key, 5)
    p = jax.random.normal(k1, (N, 3), dtype=jnp.float32)
    x = jax.random.normal(k2, (N, IN_PLANES), dtype=jnp.float32)
    o = jnp.array([N], dtype=jnp.int32)
    W1 = jax.random.normal(k3, (PLANES, IN_PLANES), dtype=jnp.float32) * 0.05
    g1 = jnp.ones((PLANES,), dtype=jnp.float32)
    b1 = jnp.zeros((PLANES,), dtype=jnp.float32)
    W2 = jax.random.normal(k4, (PLANES, PLANES + 3), dtype=jnp.float32) * 0.05
    g2 = jnp.ones((PLANES,), dtype=jnp.float32)
    b2 = jnp.zeros((PLANES,), dtype=jnp.float32)
    W3 = jax.random.normal(k5, (PLANES, PLANES), dtype=jnp.float32) * 0.05
    g3 = jnp.ones((PLANES,), dtype=jnp.float32)
    b3 = jnp.zeros((PLANES,), dtype=jnp.float32)
    return {"p": p, "x": x, "o": o, "W1": W1, "g1": g1, "b1": b1,
            "W2": W2, "g2": g2, "b2": b2, "W3": W3, "g3": g3, "b3": b3}


def _knn_idx(p, k):
    # chunked pairwise-distance kNN (single batch segment, o=[N])
    pn = jnp.sum(p * p, axis=1)
    idx_chunks = []
    chunk = 1000
    for i in range(0, N, chunk):
        q = p[i:i + chunk]
        d = jnp.sum(q * q, axis=1)[:, None] - 2.0 * (q @ p.T) + pn[None, :]
        _, idx = jax.lax.top_k(-d, k)
        idx_chunks.append(idx)
    return jnp.concatenate(idx_chunks, axis=0)


def _bn1d_feat(h, g, b):
    # BatchNorm1d on [N, C] (training-mode batch stats)
    m = jnp.mean(h, axis=0, keepdims=True)
    v = jnp.var(h, axis=0, keepdims=True)
    return (h - m) / jnp.sqrt(v + EPS) * g[None, :] + b[None, :]


def _bn1d_seq(h, g, b):
    # BatchNorm1d on [N, C, S] (stats over N and S)
    m = jnp.mean(h, axis=(0, 2), keepdims=True)
    v = jnp.var(h, axis=(0, 2), keepdims=True)
    return (h - m) / jnp.sqrt(v + EPS) * g[None, :, None] + b[None, :, None]


def reference(p, x, o, W1, g1, b1, W2, g2, b2, W3, g3, b3):
    identity = x
    # linear1 + bn1 + relu
    h = x @ W1.T
    h = jax.nn.relu(_bn1d_feat(h, g1, b1))
    # queryandgroup(nsample, p, p, h, None, o, o, use_xyz=True)
    idx = _knn_idx(p, NSAMPLE)                       # [N, k]
    grouped_xyz = p[idx] - p[:, None, :]             # [N, k, 3]
    grouped_feat = h[idx]                            # [N, k, C]
    xk = jnp.concatenate([grouped_xyz, grouped_feat], axis=2)  # [N, k, 3+C]
    xk = jnp.transpose(xk, (0, 2, 1))                # [N, 3+C, k]
    # conv1d(k=1) + bn + relu
    feat = jnp.einsum('oc,ncs->nos', W2, xk)         # [N, C, k]
    feat = jax.nn.relu(_bn1d_seq(feat, g2, b2))
    # max over neighbors
    feat = jnp.max(feat, axis=2)                     # [N, C]
    # linear3 + bn3 + residual + relu
    out = feat @ W3.T
    out = _bn1d_feat(out, g3, b3)
    out = jax.nn.relu(out + identity)
    return (p, out, o)

if __name__ == "__main__":
    import jax
    _d = setup_inputs()
    print(jax.jit(kernel)(*tuple(_d.values())))

</pallas_src>

<mosaic_0001>
#map = affine_map<(d0, d1) -> (0, 0)>
#map1 = affine_map<(d0, d1) -> (0)>
module attributes {stable_mosaic.version = 14 : i64} {
  func.func @_k4_body(%arg0: i32, %arg1: i32, %arg2: memref<10000x128xf32, #tpu.memory_space<hbm>>, %arg3: memref<163840xi32, #tpu.memory_space<hbm>>, %arg4: memref<10240x128xf32, #tpu.memory_space<hbm>>, %arg5: memref<10240x128xf32, #tpu.memory_space<hbm>>, %arg6: memref<10240x128xf32, #tpu.memory_space<hbm>>, %arg7: memref<10240x128xf32, #tpu.memory_space<hbm>>, %arg8: memref<128xi32, #tpu.memory_space<vmem>>, %arg9: memref<128x128xf32, #tpu.memory_space<vmem>>, %arg10: memref<128xi32, #tpu.memory_space<vmem>>, %arg11: memref<128x128xf32, #tpu.memory_space<vmem>>, %arg12: memref<8x128xf32, #tpu.memory_space<vmem>>, %arg13: memref<8x128xf32, #tpu.memory_space<vmem>>, %arg14: memref<8x128xf32, #tpu.memory_space<vmem>>, %arg15: memref<8x128xf32, #tpu.memory_space<vmem>>, %arg16: memref<!tpu.dma_semaphore, #tpu.memory_space<semaphore_mem>>, %arg17: memref<!tpu.dma_semaphore, #tpu.memory_space<semaphore_mem>>) attributes {dimension_semantics = [#tpu.dimension_semantics<core_parallel>, #tpu.dimension_semantics<subcore_parallel>], iteration_bounds = array<i64: 2, 16>, scalar_prefetch = 0 : i64, scratch_operands = 10 : i64, tpu.core_type = #tpu.core_type<sc_vector_subcore>, window_params = [{transform_indices = #map}, {transform_indices = #map1}, {transform_indices = #map}, {transform_indices = #map}, {transform_indices = #map}, {transform_indices = #map}]} {
    %mul3A = arith.constant 2 : i32
    %mul3A_0 = arith.muli %arg1, %mul3A : i32
    %add3A = arith.addi %mul3A_0, %arg0 : i32
    %mul3A_1 = arith.constant 320 : i32
    %mul3A_2 = arith.muli %add3A, %mul3A_1 : i32
    %add3A_3 = arith.constant 0 : i32
    %add3A_4 = arith.addi %mul3A_2, %add3A_3 : i32
    %mul3A_5 = arith.constant 16 : i32
    %mul3A_6 = arith.muli %add3A_4, %mul3A_5 : i32
    "tpu.region"() ({
      %run_scoped3A = tpu.sem_alloc : memref<!tpu.dma_semaphore, #tpu.memory_space<semaphore_mem>>
      %dma_start3A_14 = tpu.memref_slice %arg3[%mul3A_6] : memref<163840xi32, #tpu.memory_space<hbm>> -> memref<128xi32, #tpu.memory_space<hbm>>
      %dma_start3A_15 = tpu.memref_slice %arg3[%mul3A_6] : memref<163840xi32, #tpu.memory_space<hbm>> -> memref<128xi32, #tpu.memory_space<hbm>>
      tpu.enqueue_dma source(%dma_start3A_15 : memref<128xi32, #tpu.memory_space<hbm>>) target(%arg8 : memref<128xi32, #tpu.memory_space<vmem>>) target_semaphore(%run_scoped3A : memref<!tpu.dma_semaphore, #tpu.memory_space<semaphore_mem>>)
      %dma_wait3A = tpu.memref_slice %arg3[%mul3A_6] : memref<163840xi32, #tpu.memory_space<hbm>> -> memref<128xi32, #tpu.memory_space<hbm>>
      %dma_wait3A_16 = tpu.memref_slice %arg3[%mul3A_6] : memref<163840xi32, #tpu.memory_space<hbm>> -> memref<128xi32, #tpu.memory_space<hbm>>
      tpu.wait_dma2 semaphore(%run_scoped3A : memref<!tpu.dma_semaphore, #tpu.memory_space<semaphore_mem>>) src(%dma_wait3A_16 : memref<128xi32, #tpu.memory_space<hbm>>) dst(%arg8 : memref<128xi32, #tpu.memory_space<vmem>>)
      tpu.yield
    }) : () -> ()
    %dma_start3A = arith.constant 0 : i32
    %dma_start3A_7 = arith.constant 0 : i32
    %dma_start3A_8 = tpu.memref_slice %arg2[%dma_start3A, %dma_start3A_7] : memref<10000x128xf32, #tpu.memory_space<hbm>> -> memref<10000x128xf32, #tpu.memory_space<hbm>>
    tpu.enqueue_indirect_dma source(%dma_start3A_8 : memref<10000x128xf32, #tpu.memory_space<hbm>>) target(%arg9 : memref<128x128xf32, #tpu.memory_space<vmem>>) offsets(%arg8 : memref<128xi32, #tpu.memory_space<vmem>>) semaphore(%arg16 : memref<!tpu.dma_semaphore, #tpu.memory_space<semaphore_mem>>)
    %scan3A = arith.constant 0 : i32
    %scan3A_9 = arith.constant 0 : i32
    %scan3A_10 = arith.constant 20 : i32
    %scan3A_11 = arith.addi %scan3A_9, %scan3A_10 : i32
    %scan3A_12 = arith.constant 1 : i32
    scf.for %scan3A_14 = %scan3A_9 to %scan3A_11 step %scan3A_12  : i32 {
      %mul3A_15 = arith.constant 2 : i32
      %mul3A_16 = arith.muli %mul3A_15, %scan3A_14 : i32
      %add3A_17 = arith.constant 1 : i32
      %add3A_18 = arith.addi %mul3A_16, %add3A_17 : i32
      %lt3A = arith.constant 40 : i32
      %lt3A_19 = arith.cmpi slt, %add3A_18, %lt3A : i32
      %convert_element_type3A = arith.extui %lt3A_19 : i1 to i32
      %cond3A = arith.constant 0 : i32
      %cond3A_20 = arith.cmpi ne, %convert_element_type3A, %cond3A : i32
      scf.if %cond3A_20 {
        %add3A_55 = arith.constant 1 : i32
        %add3A_56 = arith.addi %mul3A_16, %add3A_55 : i32
        %mul3A_57 = arith.constant 8 : i32
        %mul3A_58 = arith.muli %add3A_56, %mul3A_57 : i32
        %add3A_59 = arith.addi %mul3A_2, %mul3A_58 : i32
        %mul3A_60 = arith.constant 16 : i32
        %mul3A_61 = arith.muli %add3A_59, %mul3A_60 : i32
        "tpu.region"() ({
          %run_scoped3A = tpu.sem_alloc : memref<!tpu.dma_semaphore, #tpu.memory_space<semaphore_mem>>
          %dma_start3A_65 = tpu.memref_slice %arg3[%mul3A_61] : memref<163840xi32, #tpu.memory_space<hbm>> -> memref<128xi32, #tpu.memory_space<hbm>>
          %dma_start3A_66 = tpu.memref_slice %arg3[%mul3A_61] : memref<163840xi32, #tpu.memory_space<hbm>> -> memref<128xi32, #tpu.memory_space<hbm>>
          tpu.enqueue_dma source(%dma_start3A_66 : memref<128xi32, #tpu.memory_space<hbm>>) target(%arg10 : memref<128xi32, #tpu.memory_space<vmem>>) target_semaphore(%run_scoped3A : memref<!tpu.dma_semaphore, #tpu.memory_space<semaphore_mem>>)
          %dma_wait3A_67 = tpu.memref_slice %arg3[%mul3A_61] : memref<163840xi32, #tpu.memory_space<hbm>> -> memref<128xi32, #tpu.memory_space<hbm>>
          %dma_wait3A_68 = tpu.memref_slice %arg3[%mul3A_61] : memref<163840xi32, #tpu.memory_space<hbm>> -> memref<128xi32, #tpu.memory_space<hbm>>
          tpu.wait_dma2 semaphore(%run_scoped3A : memref<!tpu.dma_semaphore, #tpu.memory_space<semaphore_mem>>) src(%dma_wait3A_68 : memref<128xi32, #tpu.memory_space<hbm>>) dst(%arg10 : memref<128xi32, #tpu.memory_space<vmem>>)
          tpu.yield
        }) : () -> ()
        %dma_start3A_62 = arith.constant 0 : i32
        %dma_start3A_63 = arith.constant 0 : i32
        %dma_start3A_64 = tpu.memref_slice %arg2[%dma_start3A_62, %dma_start3A_63] : memref<10000x128xf32, #tpu.memory_space<hbm>> -> memref<10000x128xf32, #tpu.memory_space<hbm>>
        tpu.enqueue_indirect_dma source(%dma_start3A_64 : memref<10000x128xf32, #tpu.memory_space<hbm>>) target(%arg11 : memref<128x128xf32, #tpu.memory_space<vmem>>) offsets(%arg10 : memref<128xi32, #tpu.memory_space<vmem>>) semaphore(%arg17 : memref<!tpu.dma_semaphore, #tpu.memory_space<semaphore_mem>>)
      } else {
      }
      %dma_wait3A = arith.constant 0 : i32
      %dma_wait3A_21 = arith.constant 0 : i32
      %dma_wait3A_22 = tpu.memref_slice %arg2[%dma_wait3A, %dma_wait3A_21] : memref<10000x128xf32, #tpu.memory_space<hbm>> -> memref<10000x128xf32, #tpu.memory_space<hbm>>
      tpu.wait_indirect_dma semaphore(%arg16 : memref<!tpu.dma_semaphore, #tpu.memory_space<semaphore_mem>>) src(%dma_wait3A_22 : memref<10000x128xf32, #tpu.memory_space<hbm>>) dst(%arg9 : memref<128x128xf32, #tpu.memory_space<vmem>>)
      %scan3A_23 = arith.constant 0 : i32
      %scan3A_24 = arith.constant 0 : i32
      %scan3A_25 = arith.constant 8 : i32
      %scan3A_26 = arith.addi %scan3A_24, %scan3A_25 : i32
      %scan3A_27 = arith.constant 1 : i32
      scf.for %scan3A_55 = %scan3A_24 to %scan3A_26 step %scan3A_27  : i32 {
        %mul3A_56 = arith.constant 16 : i32
        %mul3A_57 = arith.muli %scan3A_55, %mul3A_56 : i32
        %get3A = arith.index_cast %mul3A_57 : i32 to index
        %get3A_58 = arith.constant 0 : index
        %get3A_59 = tpu.vector_load %arg9[%get3A, %get3A_58] {strides = array<i32>} : memref<128x128xf32, #tpu.memory_space<vmem>>, vector<1x16xf32>,
        %get3A_60 = vector.shape_cast %get3A_59 : vector<1x16xf32> to vector<16xf32>
        %mul3A_61 = arith.mulf %get3A_60, %get3A_60 : vector<16xf32>
        %add3A_62 = arith.constant 1 : i32
        %add3A_63 = arith.addi %mul3A_57, %add3A_62 : i32
        %get3A_64 = arith.index_cast %add3A_63 : i32 to index
        %get3A_65 = arith.constant 0 : index
        %get3A_66 = tpu.vector_load %arg9[%get3A_64, %get3A_65] {strides = array<i32>} : memref<128x128xf32, #tpu.memory_space<vmem>>, vector<1x16xf32>,
        %get3A_67 = vector.shape_cast %get3A_66 : vector<1x16xf32> to vector<16xf32>
        %max3A = arith.maximumf %get3A_60, %get3A_67 : vector<16xf32>
        %min3A = arith.minimumf %get3A_60, %get3A_67 : vector<16xf32>
        %add3A_68 = arith.addf %get3A_60, %get3A_67 : vector<16xf32>
        %mul3A_69 = arith.mulf %get3A_67, %get3A_67 : vector<16xf32>
        %add3A_70 = arith.addf %mul3A_61, %mul3A_69 : vector<16xf32>
        %add3A_71 = arith.constant 2 : i32
        %add3A_72 = arith.addi %mul3A_57, %add3A_71 : i32
        %get3A_73 = arith.index_cast %add3A_72 : i32 to index
        %get3A_74 = arith.constant 0 : index
        %get3A_75 = tpu.vector_load %arg9[%get3A_73, %get3A_74] {strides = array<i32>} : memref<128x128xf32, #tpu.memory_space<vmem>>, vector<1x16xf32>,
        %get3A_76 = vector.shape_cast %get3A_75 : vector<1x16xf32> to vector<16xf32>
        %max3A_77 = arith.maximumf %max3A, %get3A_76 : vector<16xf32>
        %min3A_78 = arith.minimumf %min3A, %get3A_76 : vector<16xf32>
        %add3A_79 = arith.addf %add3A_68, %get3A_76 : vector<16xf32>
        %mul3A_80 = arith.mulf %get3A_76, %get3A_76 : vector<16xf32>
        %add3A_81 = arith.addf %add3A_70, %mul3A_80 : vector<16xf32>
        %add3A_82 = arith.constant 3 : i32
        %add3A_83 = arith.addi %mul3A_57, %add3A_82 : i32
        %get3A_84 = arith.index_cast %add3A_83 : i32 to index
        %get3A_85 = arith.constant 0 : index
        %get3A_86 = tpu.vector_load %arg9[%get3A_84, %get3A_85] {strides = array<i32>} : memref<128x128xf32, #tpu.memory_space<vmem>>, vector<1x16xf32>,
        %get3A_87 = vector.shape_cast %get3A_86 : vector<1x16xf32> to vector<16xf32>
        %max3A_88 = arith.maximumf %max3A_77, %get3A_87 : vector<16xf32>
        %min3A_89 = arith.minimumf %min3A_78, %get3A_87 : vector<16xf32>
        %add3A_90 = arith.addf %add3A_79, %get3A_87 : vector<16xf32>
        %mul3A_91 = arith.mulf %get3A_87, %get3A_87 : vector<16xf32>
        %add3A_92 = arith.addf %add3A_81, %mul3A_91 : vector<16xf32>
        %add3A_93 = arith.constant 4 : i32
        %add3A_94 = arith.addi %mul3A_57, %add3A_93 : i32
        %get3A_95 = arith.index_cast %add3A_94 : i32 to index
        %get3A_96 = arith.constant 0 : index
        %get3A_97 = tpu.vector_load %arg9[%get3A_95, %get3A_96] {strides = array<i32>} : memref<128x128xf32, #tpu.memory_space<vmem>>, vector<1x16xf32>,
        %get3A_98 = vector.shape_cast %get3A_97 : vector<1x16xf32> to vector<16xf32>
        %max3A_99 = arith.maximumf %max3A_88, %get3A_98 : vector<16xf32>
        %min3A_100 = arith.minimumf %min3A_89, %get3A_98 : vector<16xf32>
        %add3A_101 = arith.addf %add3A_90, %get3A_98 : vector<16xf32>
        %mul3A_102 = arith.mulf %get3A_98, %get3A_98 : vector<16xf32>
        %add3A_103 = arith.addf %add3A_92, %mul3A_102 : vector<16xf32>
        %add3A_104 = arith.constant 5 : i32
        %add3A_105 = arith.addi %mul3A_57, %add3A_104 : i32
        %get3A_106 = arith.index_cast %add3A_105 : i32 to index
        %get3A_107 = arith.constant 0 : index
        %get3A_108 = tpu.vector_load %arg9[%get3A_106, %get3A_107] {strides = array<i32>} : memref<128x128xf32, #tpu.memory_space<vmem>>, vector<1x16xf32>,
        %get3A_109 = vector.shape_cast %get3A_108 : vector<1x16xf32> to vector<16xf32>
        %max3A_110 = arith.maximumf %max3A_99, %get3A_109 : vector<16xf32>
        %min3A_111 = arith.minimumf %min3A_100, %get3A_109 : vector<16xf32>
        %add3A_112 = arith.addf %add3A_101, %get3A_109 : vector<16xf32>
        %mul3A_113 = arith.mulf %get3A_109, %get3A_109 : vector<16xf32>
        %add3A_114 = arith.addf %add3A_103, %mul3A_113 : vector<16xf32>
        %add3A_115 = arith.constant 6 : i32
        %add3A_116 = arith.addi %mul3A_57, %add3A_115 : i32
        %get3A_117 = arith.index_cast %add3A_116 : i32 to index
        %get3A_118 = arith.constant 0 : index
        %get3A_119 = tpu.vector_load %arg9[%get3A_117, %get3A_118] {strides = array<i32>} : memref<128x128xf32, #tpu.memory_space<vmem>>, vector<1x16xf32>,
        %get3A_120 = vector.shape_cast %get3A_119 : vector<1x16xf32> to vector<16xf32>
        %max3A_121 = arith.maximumf %max3A_110, %get3A_120 : vector<16xf32>
        %min3A_122 = arith.minimumf %min3A_111, %get3A_120 : vector<16xf32>
        %add3A_123 = arith.addf %add3A_112, %get3A_120 : vector<16xf32>
        %mul3A_124 = arith.mulf %get3A_120, %get3A_120 : vector<16xf32>
        %add3A_125 = arith.addf %add3A_114, %mul3A_124 : vector<16xf32>
        %add3A_126 = arith.constant 7 : i32
        %add3A_127 = arith.addi %mul3A_57, %add3A_126 : i32
        %get3A_128 = arith.index_cast %add3A_127 : i32 to index
        %get3A_129 = arith.constant 0 : index
        %get3A_130 = tpu.vector_load %arg9[%get3A_128, %get3A_129] {strides = array<i32>} : memref<128x128xf32, #tpu.memory_space<vmem>>, vector<1x16xf32>,
        %get3A_131 = vector.shape_cast %get3A_130 : vector<1x16xf32> to vector<16xf32>
        %max3A_132 = arith.maximumf %max3A_121, %get3A_131 : vector<16xf32>
        %min3A_133 = arith.minimumf %min3A_122, %get3A_131 : vector<16xf32>
        %add3A_134 = arith.addf %add3A_123, %get3A_131 : vector<16xf32>
        %mul3A_135 = arith.mulf %get3A_131, %get3A_131 : vector<16xf32>
        %add3A_136 = arith.addf %add3A_125, %mul3A_135 : vector<16xf32>
        %add3A_137 = arith.constant 8 : i32
        %add3A_138 = arith.addi %mul3A_57, %add3A_137 : i32
        %get3A_139 = arith.index_cast %add3A_138 : i32 to index
        %get3A_140 = arith.constant 0 : index
        %get3A_141 = tpu.vector_load %arg9[%get3A_139, %get3A_140] {strides = array<i32>} : memref<128x128xf32, #tpu.memory_space<vmem>>, vector<1x16xf32>,
        %get3A_142 = vector.shape_cast %get3A_141 : vector<1x16xf32> to vector<16xf32>
        %max3A_143 = arith.maximumf %max3A_132, %get3A_142 : vector<16xf32>
        %min3A_144 = arith.minimumf %min3A_133, %get3A_142 : vector<16xf32>
        %add3A_145 = arith.addf %add3A_134, %get3A_142 : vector<16xf32>
        %mul3A_146 = arith.mulf %get3A_142, %get3A_142 : vector<16xf32>
        %add3A_147 = arith.addf %add3A_136, %mul3A_146 : vector<16xf32>
        %add3A_148 = arith.constant 9 : i32
        %add3A_149 = arith.addi %mul3A_57, %add3A_148 : i32
        %get3A_150 = arith.index_cast %add3A_149 : i32 to index
        %get3A_151 = arith.constant 0 : index
        %get3A_152 = tpu.vector_load %arg9[%get3A_150, %get3A_151] {strides = array<i32>} : memref<128x128xf32, #tpu.memory_space<vmem>>, vector<1x16xf32>,
        %get3A_153 = vector.shape_cast %get3A_152 : vector<1x16xf32> to vector<16xf32>
        %max3A_154 = arith.maximumf %max3A_143, %get3A_153 : vector<16xf32>
        %min3A_155 = arith.minimumf %min3A_144, %get3A_153 : vector<16xf32>
        %add3A_156 = arith.addf %add3A_145, %get3A_153 : vector<16xf32>
        %mul3A_157 = arith.mulf %get3A_153, %get3A_153 : vector<16xf32>
        %add3A_158 = arith.addf %add3A_147, %mul3A_157 : vector<16xf32>
        %add3A_159 = arith.constant 10 : i32
        %add3A_160 = arith.addi %mul3A_57, %add3A_159 : i32
        %get3A_161 = arith.index_cast %add3A_160 : i32 to index
        %get3A_162 = arith.constant 0 : index
        %get3A_163 = tpu.vector_load %arg9[%get3A_161, %get3A_162] {strides = array<i32>} : memref<128x128xf32, #tpu.memory_space<vmem>>, vector<1x16xf32>,
        %get3A_164 = vector.shape_cast %get3A_163 : vector<1x16xf32> to vector<16xf32>
        %max3A_165 = arith.maximumf %max3A_154, %get3A_164 : vector<16xf32>
        %min3A_166 = arith.minimumf %min3A_155, %get3A_164 : vector<16xf32>
        %add3A_167 = arith.addf %add3A_156, %get3A_164 : vector<16xf32>
        %mul3A_168 = arith.mulf %get3A_164, %get3A_164 : vector<16xf32>
        %add3A_169 = arith.addf %add3A_158, %mul3A_168 : vector<16xf32>
        %add3A_170 = arith.constant 11 : i32
        %add3A_171 = arith.addi %mul3A_57, %add3A_170 : i32
        %get3A_172 = arith.index_cast %add3A_171 : i32 to index
        %get3A_173 = arith.constant 0 : index
        %get3A_174 = tpu.vector_load %arg9[%get3A_172, %get3A_173] {strides = array<i32>} : memref<128x128xf32, #tpu.memory_space<vmem>>, vector<1x16xf32>,
        %get3A_175 = vector.shape_cast %get3A_174 : vector<1x16xf32> to vector<16xf32>
        %max3A_176 = arith.maximumf %max3A_165, %get3A_175 : vector<16xf32>
        %min3A_177 = arith.minimumf %min3A_166, %get3A_175 : vector<16xf32>
        %add3A_178 = arith.addf %add3A_167, %get3A_175 : vector<16xf32>
        %mul3A_179 = arith.mulf %get3A_175, %get3A_175 : vector<16xf32>
        %add3A_180 = arith.addf %add3A_169, %mul3A_179 : vector<16xf32>
        %add3A_181 = arith.constant 12 : i32
        %add3A_182 = arith.addi %mul3A_57, %add3A_181 : i32
        %get3A_183 = arith.index_cast %add3A_182 : i32 to index
        %get3A_184 = arith.constant 0 : index
        %get3A_185 = tpu.vector_load %arg9[%get3A_183, %get3A_184] {strides = array<i32>} : memref<128x128xf32, #tpu.memory_space<vmem>>, vector<1x16xf32>,
        %get3A_186 = vector.shape_cast %get3A_185 : vector<1x16xf32> to vector<16xf32>
        %max3A_187 = arith.maximumf %max3A_176, %get3A_186 : vector<16xf32>
        %min3A_188 = arith.minimumf %min3A_177, %get3A_186 : vector<16xf32>
        %add3A_189 = arith.addf %add3A_178, %get3A_186 : vector<16xf32>
        %mul3A_190 = arith.mulf %get3A_186, %get3A_186 : vector<16xf32>
        %add3A_191 = arith.addf %add3A_180, %mul3A_190 : vector<16xf32>
        %add3A_192 = arith.constant 13 : i32
        %add3A_193 = arith.addi %mul3A_57, %add3A_192 : i32
        %get3A_194 = arith.index_cast %add3A_193 : i32 to index
        %get3A_195 = arith.constant 0 : index
        %get3A_196 = tpu.vector_load %arg9[%get3A_194, %get3A_195] {strides = array<i32>} : memref<128x128xf32, #tpu.memory_space<vmem>>, vector<1x16xf32>,
        %get3A_197 = vector.shape_cast %get3A_196 : vector<1x16xf32> to vector<16xf32>
        %max3A_198 = arith.maximumf %max3A_187, %get3A_197 : vector<16xf32>
        %min3A_199 = arith.minimumf %min3A_188, %get3A_197 : vector<16xf32>
        %add3A_200 = arith.addf %add3A_189, %get3A_197 : vector<16xf32>
        %mul3A_201 = arith.mulf %get3A_197, %get3A_197 : vector<16xf32>
        %add3A_202 = arith.addf %add3A_191, %mul3A_201 : vector<16xf32>
        %add3A_203 = arith.constant 14 : i32
        %add3A_204 = arith.addi %mul3A_57, %add3A_203 : i32
        %get3A_205 = arith.index_cast %add3A_204 : i32 to index
        %get3A_206 = arith.constant 0 : index
        %get3A_207 = tpu.vector_load %arg9[%get3A_205, %get3A_206] {strides = array<i32>} : memref<128x128xf32, #tpu.memory_space<vmem>>, vector<1x16xf32>,
        %get3A_208 = vector.shape_cast %get3A_207 : vector<1x16xf32> to vector<16xf32>
        %max3A_209 = arith.maximumf %max3A_198, %get3A_208 : vector<16xf32>
        %min3A_210 = arith.minimumf %min3A_199, %get3A_208 : vector<16xf32>
        %add3A_211 = arith.addf %add3A_200, %get3A_208 : vector<16xf32>
        %mul3A_212 = arith.mulf %get3A_208, %get3A_208 : vector<16xf32>
        %add3A_213 = arith.addf %add3A_202, %mul3A_212 : vector<16xf32>
        %add3A_214 = arith.constant 15 : i32
        %add3A_215 = arith.addi %mul3A_57, %add3A_214 : i32
        %get3A_216 = arith.index_cast %add3A_215 : i32 to index
        %get3A_217 = arith.constant 0 : index
        %get3A_218 = tpu.vector_load %arg9[%get3A_216, %get3A_217] {strides = array<i32>} : memref<128x128xf32, #tpu.memory_space<vmem>>, vector<1x16xf32>,
        %get3A_219 = vector.shape_cast %get3A_218 : vector<1x16xf32> to vector<16xf32>
        %max3A_220 = arith.maximumf %max3A_209, %get3A_219 : vector<16xf32>
        %min3A_221 = arith.minimumf %min3A_210, %get3A_219 : vector<16xf32>
        %add3A_222 = arith.addf %add3A_211, %get3A_219 : vector<16xf32>
        %mul3A_223 = arith.mulf %get3A_219, %get3A_219 : vector<16xf32>
        %add3A_224 = arith.addf %add3A_213, %mul3A_223 : vector<16xf32>
        %swap3A = arith.index_cast %scan3A_55 : i32 to index
        %swap3A_225 = arith.constant 0 : index
        %swap3A_226 = tpu.vector_load %arg12[%swap3A, %swap3A_225] {strides = array<i32>} : memref<8x128xf32, #tpu.memory_space<vmem>>, vector<1x16xf32>,
        %swap3A_227 = vector.shape_cast %swap3A_226 : vector<1x16xf32> to vector<16xf32>
        %swap3A_228 = vector.shape_cast %max3A_220 : vector<16xf32> to vector<1x16xf32>
        tpu.vector_store %arg12[%swap3A, %swap3A_225], %swap3A_228 {strides = array<i32>} : memref<8x128xf32, #tpu.memory_space<vmem>>, vector<1x16xf32>,
        %swap3A_229 = arith.index_cast %scan3A_55 : i32 to index
        %swap3A_230 = arith.constant 0 : index
        %swap3A_231 = tpu.vector_load %arg13[%swap3A_229, %swap3A_230] {strides = array<i32>} : memref<8x128xf32, #tpu.memory_space<vmem>>, vector<1x16xf32>,
        %swap3A_232 = vector.shape_cast %swap3A_231 : vector<1x16xf32> to vector<16xf32>
        %swap3A_233 = vector.shape_cast %min3A_221 : vector<16xf32> to vector<1x16xf32>
        tpu.vector_store %arg13[%swap3A_229, %swap3A_230], %swap3A_233 {strides = array<i32>} : memref<8x128xf32, #tpu.memory_space<vmem>>, vector<1x16xf32>,
        %swap3A_234 = arith.index_cast %scan3A_55 : i32 to index
        %swap3A_235 = arith.constant 0 : index
        %swap3A_236 = tpu.vector_load %arg14[%swap3A_234, %swap3A_235] {strides = array<i32>} : memref<8x128xf32, #tpu.memory_space<vmem>>, vector<1x16xf32>,
        %swap3A_237 = vector.shape_cast %swap3A_236 : vector<1x16xf32> to vector<16xf32>
        %swap3A_238 = vector.shape_cast %add3A_222 : vector<16xf32> to vector<1x16xf32>
        tpu.vector_store %arg14[%swap3A_234, %swap3A_235], %swap3A_238 {strides = array<i32>} : memref<8x128xf32, #tpu.memory_space<vmem>>, vector<1x16xf32>,
        %swap3A_239 = arith.index_cast %scan3A_55 : i32 to index
        %swap3A_240 = arith.constant 0 : index
        %swap3A_241 = tpu.vector_load %arg15[%swap3A_239, %swap3A_240] {strides = array<i32>} : memref<8x128xf32, #tpu.memory_space<vmem>>, vector<1x16xf32>,
        %swap3A_242 = vector.shape_cast %swap3A_241 : vector<1x16xf32> to vector<16xf32>
        %swap3A_243 = vector.shape_cast %add3A_224 : vector<16xf32> to vector<1x16xf32>
        tpu.vector_store %arg15[%swap3A_239, %swap3A_240], %swap3A_243 {strides = array<i32>} : memref<8x128xf32, #tpu.memory_space<vmem>>, vector<1x16xf32>,
        %get3A_244 = arith.index_cast %mul3A_57 : i32 to index
        %get3A_245 = arith.constant 16 : index
        %get3A_246 = tpu.vector_load %arg9[%get3A_244, %get3A_245] {strides = array<i32>} : memref<128x128xf32, #tpu.memory_space<vmem>>, vector<1x16xf32>,
        %get3A_247 = vector.shape_cast %get3A_246 : vector<1x16xf32> to vector<16xf32>
        %mul3A_248 = arith.mulf %get3A_247, %get3A_247 : vector<16xf32>
        %add3A_249 = arith.constant 1 : i32
        %add3A_250 = arith.addi %mul3A_57, %add3A_249 : i32
        %get3A_251 = arith.index_cast %add3A_250 : i32 to index
        %get3A_252 = arith.constant 16 : index
        %get3A_253 = tpu.vector_load %arg9[%get3A_251, %get3A_252] {strides = array<i32>} : memref<128x128xf32, #tpu.memory_space<vmem>>, vector<1x16xf32>,
        %get3A_254 = vector.shape_cast %get3A_253 : vector<1x16xf32> to vector<16xf32>
        %max3A_255 = arith.maximumf %get3A_247, %get3A_254 : vector<16xf32>
        %min3A_256 = arith.minimumf %get3A_247, %get3A_254 : vector<16xf32>
        %add3A_257 = arith.addf %get3A_247, %get3A_254 : vector<16xf32>
        %mul3A_258 = arith.mulf %get3A_254, %get3A_254 : vector<16xf32>
        %add3A_259 = arith.addf %mul3A_248, %mul3A_258 : vector<16xf32>
        %add3A_260 = arith.constant 2 : i32
        %add3A_261 = arith.addi %mul3A_57, %add3A_260 : i32
        %get3A_262 = arith.index_cast %add3A_261 : i32 to index
        %get3A_263 = arith.constant 16 : index
        %get3A_264 = tpu.vector_load %arg9[%get3A_262, %get3A_263] {strides = array<i32>} : memref<128x128xf32, #tpu.memory_space<vmem>>, vector<1x16xf32>,
        %get3A_265 = vector.shape_cast %get3A_264 : vector<1x16xf32> to vector<16xf32>
        %max3A_266 = arith.maximumf %max3A_255, %get3A_265 : vector<16xf32>
        %min3A_267 = arith.minimumf %min3A_256, %get3A_265 : vector<16xf32>
        %add3A_268 = arith.addf %add3A_257, %get3A_265 : vector<16xf32>
        %mul3A_269 = arith.mulf %get3A_265, %get3A_265 : vector<16xf32>
        %add3A_270 = arith.addf %add3A_259, %mul3A_269 : vector<16xf32>
        %add3A_271 = arith.constant 3 : i32
        %add3A_272 = arith.addi %mul3A_57, %add3A_271 : i32
        %get3A_273 = arith.index_cast %add3A_272 : i32 to index
        %get3A_274 = arith.constant 16 : index
        %get3A_275 = tpu.vector_load %arg9[%get3A_273, %get3A_274] {strides = array<i32>} : memref<128x128xf32, #tpu.memory_space<vmem>>, vector<1x16xf32>,
        %get3A_276 = vector.shape_cast %get3A_275 : vector<1x16xf32> to vector<16xf32>
        %max3A_277 = arith.maximumf %max3A_266, %get3A_276 : vector<16xf32>
        %min3A_278 = arith.minimumf %min3A_267, %get3A_276 : vector<16xf32>
        %add3A_279 = arith.addf %add3A_268, %get3A_276 : vector<16xf32>
        %mul3A_280 = arith.mulf %get3A_276, %get3A_276 : vector<16xf32>
        %add3A_281 = arith.addf %add3A_270, %mul3A_280 : vector<16xf32>
        %add3A_282 = arith.constant 4 : i32
        %add3A_283 = arith.addi %mul3A_57, %add3A_282 : i32
        %get3A_284 = arith.index_cast %add3A_283 : i32 to index
        %get3A_285 = arith.constant 16 : index
        %get3A_286 = tpu.vector_load %arg9[%get3A_284, %get3A_285] {strides = array<i32>} : memref<128x128xf32, #tpu.memory_space<vmem>>, vector<1x16xf32>,
        %get3A_287 = vector.shape_cast %get3A_286 : vector<1x16xf32> to vector<16xf32>
        %max3A_288 = arith.maximumf %max3A_277, %get3A_287 : vector<16xf32>
        %min3A_289 = arith.minimumf %min3A_278, %get3A_287 : vector<16xf32>
        %add3A_290 = arith.addf %add3A_279, %get3A_287 : vector<16xf32>
        %mul3A_291 = arith.mulf %get3A_287, %get3A_287 : vector<16xf32>
        %add3A_292 = arith.addf %add3A_281, %mul3A_291 : vector<16xf32>
        %add3A_293 = arith.constant 5 : i32
        %add3A_294 = arith.addi %mul3A_57, %add3A_293 : i32
        %get3A_295 = arith.index_cast %add3A_294 : i32 to index
        %get3A_296 = arith.constant 16 : index
        %get3A_297 = tpu.vector_load %arg9[%get3A_295, %get3A_296] {strides = array<i32>} : memref<128x128xf32, #tpu.memory_space<vmem>>, vector<1x16xf32>,
        %get3A_298 = vector.shape_cast %get3A_297 : vector<1x16xf32> to vector<16xf32>
        %max3A_299 = arith.maximumf %max3A_288, %get3A_298 : vector<16xf32>
        %min3A_300 = arith.minimumf %min3A_289, %get3A_298 : vector<16xf32>
        %add3A_301 = arith.addf %add3A_290, %get3A_298 : vector<16xf32>
        %mul3A_302 = arith.mulf %get3A_298, %get3A_298 : vector<16xf32>
        %add3A_303 = arith.addf %add3A_292, %mul3A_302 : vector<16xf32>
        %add3A_304 = arith.constant 6 : i32
        %add3A_305 = arith.addi %mul3A_57, %add3A_304 : i32
        %get3A_306 = arith.index_cast %add3A_305 : i32 to index
        %get3A_307 = arith.constant 16 : index
        %get3A_308 = tpu.vector_load %arg9[%get3A_306, %get3A_307] {strides = array<i32>} : memref<128x128xf32, #tpu.memory_space<vmem>>, vector<1x16xf32>,
        %get3A_309 = vector.shape_cast %get3A_308 : vector<1x16xf32> to vector<16xf32>
        %max3A_310 = arith.maximumf %max3A_299, %get3A_309 : vector<16xf32>
        %min3A_311 = arith.minimumf %min3A_300, %get3A_309 : vector<16xf32>
        %add3A_312 = arith.addf %add3A_301, %get3A_309 : vector<16xf32>
        %mul3A_313 = arith.mulf %get3A_309, %get3A_309 : vector<16xf32>
        %add3A_314 = arith.addf %add3A_303, %mul3A_313 : vector<16xf32>
        %add3A_315 = arith.constant 7 : i32
        %add3A_316 = arith.addi %mul3A_57, %add3A_315 : i32
        %get3A_317 = arith.index_cast %add3A_316 : i32 to index
        %get3A_318 = arith.constant 16 : index
        %get3A_319 = tpu.vector_load %arg9[%get3A_317, %get3A_318] {strides = array<i32>} : memref<128x128xf32, #tpu.memory_space<vmem>>, vector<1x16xf32>,
        %get3A_320 = vector.shape_cast %get3A_319 : vector<1x16xf32> to vector<16xf32>
        %max3A_321 = arith.maximumf %max3A_310, %get3A_320 : vector<16xf32>
        %min3A_322 = arith.minimumf %min3A_311, %get3A_320 : vector<16xf32>
        %add3A_323 = arith.addf %add3A_312, %get3A_320 : vector<16xf32>
        %mul3A_324 = arith.mulf %get3A_320, %get3A_320 : vector<16xf32>
        %add3A_325 = arith.addf %add3A_314, %mul3A_324 : vector<16xf32>
        %add3A_326 = arith.constant 8 : i32
        %add3A_327 = arith.addi %mul3A_57, %add3A_326 : i32
        %get3A_328 = arith.index_cast %add3A_327 : i32 to index
        %get3A_329 = arith.constant 16 : index
        %get3A_330 = tpu.vector_load %arg9[%get3A_328, %get3A_329] {strides = array<i32>} : memref<128x128xf32, #tpu.memory_space<vmem>>, vector<1x16xf32>,
        %get3A_331 = vector.shape_cast %get3A_330 : vector<1x16xf32> to vector<16xf32>
        %max3A_332 = arith.maximumf %max3A_321, %get3A_331 : vector<16xf32>
        %min3A_333 = arith.minimumf %min3A_322, %get3A_331 : vector<16xf32>
        %add3A_334 = arith.addf %add3A_323, %get3A_331 : vector<16xf32>
        %mul3A_335 = arith.mulf %get3A_331, %get3A_331 : vector<16xf32>
        %add3A_336 = arith.addf %add3A_325, %mul3A_335 : vector<16xf32>
        %add3A_337 = arith.constant 9 : i32
        %add3A_338 = arith.addi %mul3A_57, %add3A_337 : i32
        %get3A_339 = arith.index_cast %add3A_338 : i32 to index
        %get3A_340 = arith.constant 16 : index
        %get3A_341 = tpu.vector_load %arg9[%get3A_339, %get3A_340] {strides = array<i32>} : memref<128x128xf32, #tpu.memory_space<vmem>>, vector<1x16xf32>,
        %get3A_342 = vector.shape_cast %get3A_341 : vector<1x16xf32> to vector<16xf32>
        %max3A_343 = arith.maximumf %max3A_332, %get3A_342 : vector<16xf32>
        %min3A_344 = arith.minimumf %min3A_333, %get3A_342 : vector<16xf32>
        %add3A_345 = arith.addf %add3A_334, %get3A_342 : vector<16xf32>
        %mul3A_346 = arith.mulf %get3A_342, %get3A_342 : vector<16xf32>
        %add3A_347 = arith.addf %add3A_336, %mul3A_346 : vector<16xf32>
        %add3A_348 = arith.constant 10 : i32
        %add3A_349 = arith.addi %mul3A_57, %add3A_348 : i32
        %get3A_350 = arith.index_cast %add3A_349 : i32 to index
        %get3A_351 = arith.constant 16 : index
        %get3A_352 = tpu.vector_load %arg9[%get3A_350, %get3A_351] {strides = array<i32>} : memref<128x128xf32, #tpu.memory_space<vmem>>, vector<1x16xf32>,
        %get3A_353 = vector.shape_cast %get3A_352 : vector<1x16xf32> to vector<16xf32>
        %max3A_354 = arith.maximumf %max3A_343, %get3A_353 : vector<16xf32>
        %min3A_355 = arith.minimumf %min3A_344, %get3A_353 : vector<16xf32>
        %add3A_356 = arith.addf %add3A_345, %get3A_353 : vector<16xf32>
        %mul3A_357 = arith.mulf %get3A_353, %get3A_353 : vector<16xf32>
        %add3A_358 = arith.addf %add3A_347, %mul3A_357 : vector<16xf32>
        %add3A_359 = arith.constant 11 : i32
        %add3A_360 = arith.addi %mul3A_57, %add3A_359 : i32
        %get3A_361 = arith.index_cast %add3A_360 : i32 to index
        %get3A_362 = arith.constant 16 : index
        %get3A_363 = tpu.vector_load %arg9[%get3A_361, %get3A_362] {strides = array<i32>} : memref<128x128xf32, #tpu.memory_space<vmem>>, vector<1x16xf32>,
        %get3A_364 = vector.shape_cast %get3A_363 : vector<1x16xf32> to vector<16xf32>
        %max3A_365 = arith.maximumf %max3A_354, %get3A_364 : vector<16xf32>
        %min3A_366 = arith.minimumf %min3A_355, %get3A_364 : vector<16xf32>
        %add3A_367 = arith.addf %add3A_356, %get3A_364 : vector<16xf32>
        %mul3A_368 = arith.mulf %get3A_364, %get3A_364 : vector<16xf32>
        %add3A_369 = arith.addf %add3A_358, %mul3A_368 : vector<16xf32>
        %add3A_370 = arith.constant 12 : i32
        %add3A_371 = arith.addi %mul3A_57, %add3A_370 : i32
        %get3A_372 = arith.index_cast %add3A_371 : i32 to index
        %get3A_373 = arith.constant 16 : index
        %get3A_374 = tpu.vector_load %arg9[%get3A_372, %get3A_373] {strides = array<i32>} : memref<128x128xf32, #tpu.memory_space<vmem>>, vector<1x16xf32>,
        %get3A_375 = vector.shape_cast %get3A_374 : vector<1x16xf32> to vector<16xf32>
        %max3A_376 = arith.maximumf %max3A_365, %get3A_375 : vector<16xf32>
        %min3A_377 = arith.minimumf %min3A_366, %get3A_375 : vector<16xf32>
        %add3A_378 = arith.addf %add3A_367, %get3A_375 : vector<16xf32>
        %mul3A_379 = arith.mulf %get3A_375, %get3A_375 : vector<16xf32>
        %add3A_380 = arith.addf %add3A_369, %mul3A_379 : vector<16xf32>
        %add3A_381 = arith.constant 13 : i32
        %add3A_382 = arith.addi %mul3A_57, %add3A_381 : i32
        %get3A_383 = arith.index_cast %add3A_382 : i32 to index
        %get3A_384 = arith.constant 16 : index
        %get3A_385 = tpu.vector_load %arg9[%get3A_383, %get3A_384] {strides = array<i32>} : memref<128x128xf32, #tpu.memory_space<vmem>>, vector<1x16xf32>,
        %get3A_386 = vector.shape_cast %get3A_385 : vector<1x16xf32> to vector<16xf32>
        %max3A_387 = arith.maximumf %max3A_376, %get3A_386 : vector<16xf32>
        %min3A_388 = arith.minimumf %min3A_377, %get3A_386 : vector<16xf32>
        %add3A_389 = arith.addf %add3A_378, %get3A_386 : vector<16xf32>
        %mul3A_390 = arith.mulf %get3A_386, %get3A_386 : vector<16xf32>
        %add3A_391 = arith.addf %add3A_380, %mul3A_390 : vector<16xf32>
        %add3A_392 = arith.constant 14 : i32
        %add3A_393 = arith.addi %mul3A_57, %add3A_392 : i32
        %get3A_394 = arith.index_cast %add3A_393 : i32 to index
        %get3A_395 = arith.constant 16 : index
        %get3A_396 = tpu.vector_load %arg9[%get3A_394, %get3A_395] {strides = array<i32>} : memref<128x128xf32, #tpu.memory_space<vmem>>, vector<1x16xf32>,
        %get3A_397 = vector.shape_cast %get3A_396 : vector<1x16xf32> to vector<16xf32>
        %max3A_398 = arith.maximumf %max3A_387, %get3A_397 : vector<16xf32>
        %min3A_399 = arith.minimumf %min3A_388, %get3A_397 : vector<16xf32>
        %add3A_400 = arith.addf %add3A_389, %get3A_397 : vector<16xf32>
        %mul3A_401 = arith.mulf %get3A_397, %get3A_397 : vector<16xf32>
        %add3A_402 = arith.addf %add3A_391, %mul3A_401 : vector<16xf32>
        %add3A_403 = arith.constant 15 : i32
        %add3A_404 = arith.addi %mul3A_57, %add3A_403 : i32
        %get3A_405 = arith.index_cast %add3A_404 : i32 to index
        %get3A_406 = arith.constant 16 : index
        %get3A_407 = tpu.vector_load %arg9[%get3A_405, %get3A_406] {strides = array<i32>} : memref<128x128xf32, #tpu.memory_space<vmem>>, vector<1x16xf32>,
        %get3A_408 = vector.shape_cast %get3A_407 : vector<1x16xf32> to vector<16xf32>
        %max3A_409 = arith.maximumf %max3A_398, %get3A_408 : vector<16xf32>
        %min3A_410 = arith.minimumf %min3A_399, %get3A_408 : vector<16xf32>
        %add3A_411 = arith.addf %add3A_400, %get3A_408 : vector<16xf32>
        %mul3A_412 = arith.mulf %get3A_408, %get3A_408 : vector<16xf32>
        %add3A_413 = arith.addf %add3A_402, %mul3A_412 : vector<16xf32>
        %swap3A_414 = arith.index_cast %scan3A_55 : i32 to index
        %swap3A_415 = arith.constant 16 : index
        %swap3A_416 = tpu.vector_load %arg12[%swap3A_414, %swap3A_415] {strides = array<i32>} : memref<8x128xf32, #tpu.memory_space<vmem>>, vector<1x16xf32>,
        %swap3A_417 = vector.shape_cast %swap3A_416 : vector<1x16xf32> to vector<16xf32>
        %swap3A_418 = vector.shape_cast %max3A_409 : vector<16xf32> to vector<1x16xf32>
        tpu.vector_store %arg12[%swap3A_414, %swap3A_415], %swap3A_418 {strides = array<i32>} : memref<8x128xf32, #tpu.memory_space<vmem>>, vector<1x16xf32>,
        %swap3A_419 = arith.index_cast %scan3A_55 : i32 to index
        %swap3A_420 = arith.constant 16 : index
        %swap3A_421 = tpu.vector_load %arg13[%swap3A_419, %swap3A_420] {strides = array<i32>} : memref<8x128xf32, #tpu.memory_space<vmem>>, vector<1x16xf32>,
        %swap3A_422 = vector.shape_cast %swap3A_421 : vector<1x16xf32> to vector<16xf32>
        %swap3A_423 = vector.shape_cast %min3A_410 : vector<16xf32> to vector<1x16xf32>
        tpu.vector_store %arg13[%swap3A_419, %swap3A_420], %swap3A_423 {strides = array<i32>} : memref<8x128xf32, #tpu.memory_space<vmem>>, vector<1x16xf32>,
        %swap3A_424 = arith.index_cast %scan3A_55 : i32 to index
        %swap3A_425 = arith.constant 16 : index
        %swap3A_426 = tpu.vector_load %arg14[%swap3A_424, %swap3A_425] {strides = array<i32>} : memref<8x128xf32, #tpu.memory_space<vmem>>, vector<1x16xf32>,
        %swap3A_427 = vector.shape_cast %swap3A_426 : vector<1x16xf32> to vector<16xf32>
        %swap3A_428 = vector.shape_cast %add3A_411 : vector<16xf32> to vector<1x16xf32>
        tpu.vector_store %arg14[%swap3A_424, %swap3A_425], %swap3A_428 {strides = array<i32>} : memref<8x128xf32, #tpu.memory_space<vmem>>, vector<1x16xf32>,
        %swap3A_429 = arith.index_cast %scan3A_55 : i32 to index
        %swap3A_430 = arith.constant 16 : index
        %swap3A_431 = tpu.vector_load %arg15[%swap3A_429, %swap3A_430] {strides = array<i32>} : memref<8x128xf32, #tpu.memory_space<vmem>>, vector<1x16xf32>,
        %swap3A_432 = vector.shape_cast %swap3A_431 : vector<1x16xf32> to vector<16xf32>
        %swap3A_433 = vector.shape_cast %add3A_413 : vector<16xf32> to vector<1x16xf32>
        tpu.vector_store %arg15[%swap3A_429, %swap3A_430], %swap3A_433 {strides = array<i32>} : memref<8x128xf32, #tpu.memory_space<vmem>>, vector<1x16xf32>,
        %get3A_434 = arith.index_cast %mul3A_57 : i32 to index
        %get3A_435 = arith.constant 32 : index
        %get3A_436 = tpu.vector_load %arg9[%get3A_434, %get3A_435] {strides = array<i32>} : memref<128x128xf32, #tpu.memory_space<vmem>>, vector<1x16xf32>,
        %get3A_437 = vector.shape_cast %get3A_436 : vector<1x16xf32> to vector<16xf32>
        %mul3A_438 = arith.mulf %get3A_437, %get3A_437 : vector<16xf32>
        %add3A_439 = arith.constant 1 : i32
        %add3A_440 = arith.addi %mul3A_57, %add3A_439 : i32
        %get3A_441 = arith.index_cast %add3A_440 : i32 to index
        %get3A_442 = arith.constant 32 : index
        %get3A_443 = tpu.vector_load %arg9[%get3A_441, %get3A_442] {strides = array<i32>} : memref<128x128xf32, #tpu.memory_space<vmem>>, vector<1x16xf32>,
        %get3A_444 = vector.shape_cast %get3A_443 : vector<1x16xf32> to vector<16xf32>
        %max3A_445 = arith.maximumf %get3A_437, %get3A_444 : vector<16xf32>
        %min3A_446 = arith.minimumf %get3A_437, %get3A_444 : vector<16xf32>
        %add3A_447 = arith.addf %get3A_437, %get3A_444 : vector<16xf32>
        %mul3A_448 = arith.mulf %get3A_444, %get3A_444 : vector<16xf32>
        %add3A_449 = arith.addf %mul3A_438, %mul3A_448 : vector<16xf32>
        %add3A_450 = arith.constant 2 : i32
        %add3A_451 = arith.addi %mul3A_57, %add3A_450 : i32
        %get3A_452 = arith.index_cast %add3A_451 : i32 to index
        %get3A_453 = arith.constant 32 : index
        %get3A_454 = tpu.vector_load %arg9[%get3A_452, %get3A_453] {strides = array<i32>} : memref<128x128xf32, #tpu.memory_space<vmem>>, vector<1x16xf32>,
        %get3A_455 = vector.shape_cast %get3A_454 : vector<1x16xf32> to vector<16xf32>
        %max3A_456 = arith.maximumf %max3A_445, %get3A_455 : vector<16xf32>
        %min3A_457 = arith.minimumf %min3A_446, %get3A_455 : vector<16xf32>
        %add3A_458 = arith.addf %add3A_447, %get3A_455 : vector<16xf32>
        %mul3A_459 = arith.mulf %get3A_455, %get3A_455 : vector<16xf32>
        %add3A_460 = arith.addf %add3A_449, %mul3A_459 : vector<16xf32>
        %add3A_461 = arith.constant 3 : i32
        %add3A_462 = arith.addi %mul3A_57, %add3A_461 : i32
        %get3A_463 = arith.index_cast %add3A_462 : i32 to index
        %get3A_464 = arith.constant 32 : index
        %get3A_465 = tpu.vector_load %arg9[%get3A_463, %get3A_464] {strides = array<i32>} : memref<128x128xf32, #tpu.memory_space<vmem>>, vector<1x16xf32>,
        %get3A_466 = vector.shape_cast %get3A_465 : vector<1x16xf32> to vector<16xf32>
        %max3A_467 = arith.maximumf %max3A_456, %get3A_466 : vector<16xf32>
        %min3A_468 = arith.minimumf %min3A_457, %get3A_466 : vector<16xf32>
        %add3A_469 = arith.addf %add3A_458, %get3A_466 : vector<16xf32>
        %mul3A_470 = arith.mulf %get3A_466, %get3A_466 : vector<16xf32>
        %add3A_471 = arith.addf %add3A_460, %mul3A_470 : vector<16xf32>
        %add3A_472 = arith.constant 4 : i32
        %add3A_473 = arith.addi %mul3A_57, %add3A_472 : i32
        %get3A_474 = arith.index_cast %add3A_473 : i32 to index
        %get3A_475 = arith.constant 32 : index
        %get3A_476 = tpu.vector_load %arg9[%get3A_474, %get3A_475] {strides = array<i32>} : memref<128x128xf32, #tpu.memory_space<vmem>>, vector<1x16xf32>,
        %get3A_477 = vector.shape_cast %get3A_476 : vector<1x16xf32> to vector<16xf32>
        %max3A_478 = arith.maximumf %max3A_467, %get3A_477 : vector<16xf32>
        %min3A_479 = arith.minimumf %min3A_468, %get3A_477 : vector<16xf32>
        %add3A_480 = arith.addf %add3A_469, %get3A_477 : vector<16xf32>
        %mul3A_481 = arith.mulf %get3A_477, %get3A_477 : vector<16xf32>
        %add3A_482 = arith.addf %add3A_471, %mul3A_481 : vector<16xf32>
        %add3A_483 = arith.constant 5 : i32
        %add3A_484 = arith.addi %mul3A_57, %add3A_483 : i32
        %get3A_485 = arith.index_cast %add3A_484 : i32 to index
        %get3A_486 = arith.constant 32 : index
        %get3A_487 = tpu.vector_load %arg9[%get3A_485, %get3A_486] {strides = array<i32>} : memref<128x128xf32, #tpu.memory_space<vmem>>, vector<1x16xf32>,
        %get3A_488 = vector.shape_cast %get3A_487 : vector<1x16xf32> to vector<16xf32>
        %max3A_489 = arith.maximumf %max3A_478, %get3A_488 : vector<16xf32>
        %min3A_490 = arith.minimumf %min3A_479, %get3A_488 : vector<16xf32>
        %add3A_491 = arith.addf %add3A_480, %get3A_488 : vector<16xf32>
        %mul3A_492 = arith.mulf %get3A_488, %get3A_488 : vector<16xf32>
        %add3A_493 = arith.addf %add3A_482, %mul3A_492 : vector<16xf32>
        %add3A_494 = arith.constant 6 : i32
        %add3A_495 = arith.addi %mul3A_57, %add3A_494 : i32
        %get3A_496 = arith.index_cast %add3A_495 : i32 to index
        %get3A_497 = arith.constant 32 : index
        %get3A_498 = tpu.vector_load %arg9[%get3A_496, %get3A_497] {strides = array<i32>} : memref<128x128xf32, #tpu.memory_space<vmem>>, vector<1x16xf32>,
        %get3A_499 = vector.shape_cast %get3A_498 : vector<1x16xf32> to vector<16xf32>
        %max3A_500 = arith.maximumf %max3A_489, %get3A_499 : vector<16xf32>
        %min3A_501 = arith.minimumf %min3A_490, %get3A_499 : vector<16xf32>
        %add3A_502 = arith.addf %add3A_491, %get3A_499 : vector<16xf32>
        %mul3A_503 = arith.mulf %get3A_499, %get3A_499 : vector<16xf32>
        %add3A_504 = arith.addf %add3A_493, %mul3A_503 : vector<16xf32>
        %add3A_505 = arith.constant 7 : i32
        %add3A_506 = arith.addi %mul3A_57, %add3A_505 : i32
        %get3A_507 = arith.index_cast %add3A_506 : i32 to index
        %get3A_508 = arith.constant 32 : index
        %get3A_509 = tpu.vector_load %arg9[%get3A_507, %get3A_508] {strides = array<i32>} : memref<128x128xf32, #tpu.memory_space<vmem>>, vector<1x16xf32>,
        %get3A_510 = vector.shape_cast %get3A_509 : vector<1x16xf32> to vector<16xf32>
        %max3A_511 = arith.maximumf %max3A_500, %get3A_510 : vector<16xf32>
        %min3A_512 = arith.minimumf %min3A_501, %get3A_510 : vector<16xf32>
        %add3A_513 = arith.addf %add3A_502, %get3A_510 : vector<16xf32>
        %mul3A_514 = arith.mulf %get3A_510, %get3A_510 : vector<16xf32>
        %add3A_515 = arith.addf %add3A_504, %mul3A_514 : vector<16xf32>
        %add3A_516 = arith.constant 8 : i32
        %add3A_517 = arith.addi %mul3A_57, %add3A_516 : i32
        %get3A_518 = arith.index_cast %add3A_517 : i32 to index
        %get3A_519 = arith.constant 32 : index
        %get3A_520 = tpu.vector_load %arg9[%get3A_518, %get3A_519] {strides = array<i32>} : memref<128x128xf32, #tpu.memory_space<vmem>>, vector<1x16xf32>,
        %get3A_521 = vector.shape_cast %get3A_520 : vector<1x16xf32> to vector<16xf32>
        %max3A_522 = arith.maximumf %max3A_511, %get3A_521 : vector<16xf32>
        %min3A_523 = arith.minimumf %min3A_512, %get3A_521 : vector<16xf32>
        %add3A_524 = arith.addf %add3A_513, %get3A_521 : vector<16xf32>
        %mul3A_525 = arith.mulf %get3A_521, %get3A_521 : vector<16xf32>
        %add3A_526 = arith.addf %add3A_515, %mul3A_525 : vector<16xf32>
        %add3A_527 = arith.constant 9 : i32
        %add3A_528 = arith.addi %mul3A_57, %add3A_527 : i32
        %get3A_529 = arith.index_cast %add3A_528 : i32 to index
        %get3A_530 = arith.constant 32 : index
        %get3A_531 = tpu.vector_load %arg9[%get3A_529, %get3A_530] {strides = array<i32>} : memref<128x128xf32, #tpu.memory_space<vmem>>, vector<1x16xf32>,
        %get3A_532 = vector.shape_cast %get3A_531 : vector<1x16xf32> to vector<16xf32>
        %max3A_533 = arith.maximumf %max3A_522, %get3A_532 : vector<16xf32>
        %min3A_534 = arith.minimumf %min3A_523, %get3A_532 : vector<16xf32>
        %add3A_535 = arith.addf %add3A_524, %get3A_532 : vector<16xf32>
        %mul3A_536 = arith.mulf %get3A_532, %get3A_532 : vector<16xf32>
        %add3A_537 = arith.addf %add3A_526, %mul3A_536 : vector<16xf32>
        %add3A_538 = arith.constant 10 : i32
        %add3A_539 = arith.addi %mul3A_57, %add3A_538 : i32
        %get3A_540 = arith.index_cast %add3A_539 : i32 to index
        %get3A_541 = arith.constant 32 : index
        %get3A_542 = tpu.vector_load %arg9[%get3A_540, %get3A_541] {strides = array<i32>} : memref<128x128xf32, #tpu.memory_space<vmem>>, vector<1x16xf32>,
        %get3A_543 = vector.shape_cast %get3A_542 : vector<1x16xf32> to vector<16xf32>
        %max3A_544 = arith.maximumf %max3A_533, %get3A_543 : vector<16xf32>
        %min3A_545 = arith.minimumf %min3A_534, %get3A_543 : vector<16xf32>
        %add3A_546 = arith.addf %add3A_535, %get3A_543 : vector<16xf32>
        %mul3A_547 = arith.mulf %get3A_543, %get3A_543 : vector<16xf32>
        %add3A_548 = arith.addf %add3A_537, %mul3A_547 : vector<16xf32>
        %add3A_549 = arith.constant 11 : i32
        %add3A_550 = arith.addi %mul3A_57, %add3A_549 : i32
        %get3A_551 = arith.index_cast %add3A_550 : i32 to index
        %get3A_552 = arith.constant 32 : index
        %get3A_553 = tpu.vector_load %arg9[%get3A_551, %get3A_552] {strides = array<i32>} : memref<128x128xf32, #tpu.memory_space<vmem>>, vector<1x16xf32>,
        %get3A_554 = vector.shape_cast %get3A_553 : vector<1x16xf32> to vector<16xf32>
        %max3A_555 = arith.maximumf %max3A_544, %get3A_554 : vector<16xf32>
        %min3A_556 = arith.minimumf %min3A_545, %get3A_554 : vector<16xf32>
        %add3A_557 = arith.addf %add3A_546, %get3A_554 : vector<16xf32>
        %mul3A_558 = arith.mulf %get3A_554, %get3A_554 : vector<16xf32>
        %add3A_559 = arith.addf %add3A_548, %mul3A_558 : vector<16xf32>
        %add3A_560 = arith.constant 12 : i32
        %add3A_561 = arith.addi %mul3A_57, %add3A_560 : i32
        %get3A_562 = arith.index_cast %add3A_561 : i32 to index
        %get3A_563 = arith.constant 32 : index
        %get3A_564 = tpu.vector_load %arg9[%get3A_562, %get3A_563] {strides = array<i32>} : memref<128x128xf32, #tpu.memory_space<vmem>>, vector<1x16xf32>,
        %get3A_565 = vector.shape_cast %get3A_564 : vector<1x16xf32> to vector<16xf32>
        %max3A_566 = arith.maximumf %max3A_555, %get3A_565 : vector<16xf32>
        %min3A_567 = arith.minimumf %min3A_556, %get3A_565 : vector<16xf32>
        %add3A_568 = arith.addf %add3A_557, %get3A_565 : vector<16xf32>
        %mul3A_569 = arith.mulf %get3A_565, %get3A_565 : vector<16xf32>
        %add3A_570 = arith.addf %add3A_559, %mul3A_569 : vector<16xf32>
        %add3A_571 = arith.constant 13 : i32
        %add3A_572 = arith.addi %mul3A_57, %add3A_571 : i32
        %get3A_573 = arith.index_cast %add3A_572 : i32 to index
        %get3A_574 = arith.constant 32 : index
        %get3A_575 = tpu.vector_load %arg9[%get3A_573, %get3A_574] {strides = array<i32>} : memref<128x128xf32, #tpu.memory_space<vmem>>, vector<1x16xf32>,
        %get3A_576 = vector.shape_cast %get3A_575 : vector<1x16xf32> to vector<16xf32>
        %max3A_577 = arith.maximumf %max3A_566, %get3A_576 : vector<16xf32>
        %min3A_578 = arith.minimumf %min3A_567, %get3A_576 : vector<16xf32>
        %add3A_579 = arith.addf %add3A_568, %get3A_576 : vector<16xf32>
        %mul3A_580 = arith.mulf %get3A_576, %get3A_576 : vector<16xf32>
        %add3A_581 = arith.addf %add3A_570, %mul3A_580 : vector<16xf32>
        %add3A_582 = arith.constant 14 : i32
        %add3A_583 = arith.addi %mul3A_57, %add3A_582 : i32
        %get3A_584 = arith.index_cast %add3A_583 : i32 to index
        %get3A_585 = arith.constant 32 : index
        %get3A_586 = tpu.vector_load %arg9[%get3A_584, %get3A_585] {strides = array<i32>} : memref<128x128xf32, #tpu.memory_space<vmem>>, vector<1x16xf32>,
        %get3A_587 = vector.shape_cast %get3A_586 : vector<1x16xf32> to vector<16xf32>
        %max3A_588 = arith.maximumf %max3A_577, %get3A_587 : vector<16xf32>
        %min3A_589 = arith.minimumf %min3A_578, %get3A_587 : vector<16xf32>
        %add3A_590 = arith.addf %add3A_579, %get3A_587 : vector<16xf32>
        %mul3A_591 = arith.mulf %get3A_587, %get3A_587 : vector<16xf32>
        %add3A_592 = arith.addf %add3A_581, %mul3A_591 : vector<16xf32>
        %add3A_593 = arith.constant 15 : i32
        %add3A_594 = arith.addi %mul3A_57, %add3A_593 : i32
        %get3A_595 = arith.index_cast %add3A_594 : i32 to index
        %get3A_596 = arith.constant 32 : index
        %get3A_597 = tpu.vector_load %arg9[%get3A_595, %get3A_596] {strides = array<i32>} : memref<128x128xf32, #tpu.memory_space<vmem>>, vector<1x16xf32>,
        %get3A_598 = vector.shape_cast %get3A_597 : vector<1x16xf32> to vector<16xf32>
        %max3A_599 = arith.maximumf %max3A_588, %get3A_598 : vector<16xf32>
        %min3A_600 = arith.minimumf %min3A_589, %get3A_598 : vector<16xf32>
        %add3A_601 = arith.addf %add3A_590, %get3A_598 : vector<16xf32>
        %mul3A_602 = arith.mulf %get3A_598, %get3A_598 : vector<16xf32>
        %add3A_603 = arith.addf %add3A_592, %mul3A_602 : vector<16xf32>
        %swap3A_604 = arith.index_cast %scan3A_55 : i32 to index
        %swap3A_605 = arith.constant 32 : index
        %swap3A_606 = tpu.vector_load %arg12[%swap3A_604, %swap3A_605] {strides = array<i32>} : memref<8x128xf32, #tpu.memory_space<vmem>>, vector<1x16xf32>,
        %swap3A_607 = vector.shape_cast %swap3A_606 : vector<1x16xf32> to vector<16xf32>
        %swap3A_608 = vector.shape_cast %max3A_599 : vector<16xf32> to vector<1x16xf32>
        tpu.vector_store %arg12[%swap3A_604, %swap3A_605], %swap3A_608 {strides = array<i32>} : memref<8x128xf32, #tpu.memory_space<vmem>>, vector<1x16xf32>,
        %swap3A_609 = arith.index_cast %scan3A_55 : i32 to index
        %swap3A_610 = arith.constant 32 : index
        %swap3A_611 = tpu.vector_load %arg13[%swap3A_609, %swap3A_610] {strides = array<i32>} : memref<8x128xf32, #tpu.memory_space<vmem>>, vector<1x16xf32>,
        %swap3A_612 = vector.shape_cast %swap3A_611 : vector<1x16xf32> to vector<16xf32>
        %swap3A_613 = vector.shape_cast %min3A_600 : vector<16xf32> to vector<1x16xf32>
        tpu.vector_store %arg13[%swap3A_609, %swap3A_610], %swap3A_613 {strides = array<i32>} : memref<8x128xf32, #tpu.memory_space<vmem>>, vector<1x16xf32>,
        %swap3A_614 = arith.index_cast %scan3A_55 : i32 to index
        %swap3A_615 = arith.constant 32 : index
        %swap3A_616 = tpu.vector_load %arg14[%swap3A_614, %swap3A_615] {strides = array<i32>} : memref<8x128xf32, #tpu.memory_space<vmem>>, vector<1x16xf32>,
        %swap3A_617 = vector.shape_cast %swap3A_616 : vector<1x16xf32> to vector<16xf32>
        %swap3A_618 = vector.shape_cast %add3A_601 : vector<16xf32> to vector<1x16xf32>
        tpu.vector_store %arg14[%swap3A_614, %swap3A_615], %swap3A_618 {strides = array<i32>} : memref<8x128xf32, #tpu.memory_space<vmem>>, vector<1x16xf32>,
        %swap3A_619 = arith.index_cast %scan3A_55 : i32 to index
        %swap3A_620 = arith.constant 32 : index
        %swap3A_621 = tpu.vector_load %arg15[%swap3A_619, %swap3A_620] {strides = array<i32>} : memref<8x128xf32, #tpu.memory_space<vmem>>, vector<1x16xf32>,
        %swap3A_622 = vector.shape_cast %swap3A_621 : vector<1x16xf32> to vector<16xf32>
        %swap3A_623 = vector.shape_cast %add3A_603 : vector<16xf32> to vector<1x16xf32>
        tpu.vector_store %arg15[%swap3A_619, %swap3A_620], %swap3A_623 {strides = array<i32>} : memref<8x128xf32, #tpu.memory_space<vmem>>, vector<1x16xf32>,
        %get3A_624 = arith.index_cast %mul3A_57 : i32 to index
        %get3A_625 = arith.constant 48 : index
        %get3A_626 = tpu.vector_load %arg9[%get3A_624, %get3A_625] {strides = array<i32>} : memref<128x128xf32, #tpu.memory_space<vmem>>, vector<1x16xf32>,
        %get3A_627 = vector.shape_cast %get3A_626 : vector<1x16xf32> to vector<16xf32>
        %mul3A_628 = arith.mulf %get3A_627, %get3A_627 : vector<16xf32>
        %add3A_629 = arith.constant 1 : i32
        %add3A_630 = arith.addi %mul3A_57, %add3A_629 : i32
        %get3A_631 = arith.index_cast %add3A_630 : i32 to index
        %get3A_632 = arith.constant 48 : index
        %get3A_633 = tpu.vector_load %arg9[%get3A_631, %get3A_632] {strides = array<i32>} : memref<128x128xf32, #tpu.memory_space<vmem>>, vector<1x16xf32>,
        %get3A_634 = vector.shape_cast %get3A_633 : vector<1x16xf32> to vector<16xf32>
        %max3A_635 = arith.maximumf %get3A_627, %get3A_634 : vector<16xf32>
        %min3A_636 = arith.minimumf %get3A_627, %get3A_634 : vector<16xf32>
        %add3A_637 = arith.addf %get3A_627, %get3A_634 : vector<16xf32>
        %mul3A_638 = arith.mulf %get3A_634, %get3A_634 : vector<16xf32>
        %add3A_639 = arith.addf %mul3A_628, %mul3A_638 : vector<16xf32>
        %add3A_640 = arith.constant 2 : i32
        %add3A_641 = arith.addi %mul3A_57, %add3A_640 : i32
        %get3A_642 = arith.index_cast %add3A_641 : i32 to index
        %get3A_643 = arith.constant 48 : index
        %get3A_644 = tpu.vector_load %arg9[%get3A_642, %get3A_643] {strides = array<i32>} : memref<128x128xf32, #tpu.memory_space<vmem>>, vector<1x16xf32>,
        %get3A_645 = vector.shape_cast %get3A_644 : vector<1x16xf32> to vector<16xf32>
        %max3A_646 = arith.maximumf %max3A_635, %get3A_645 : vector<16xf32>
        %min3A_647 = arith.minimumf %min3A_636, %get3A_645 : vector<16xf32>
        %add3A_648 = arith.addf %add3A_637, %get3A_645 : vector<16xf32>
        %mul3A_649 = arith.mulf %get3A_645, %get3A_645 : vector<16xf32>
        %add3A_650 = arith.addf %add3A_639, %mul3A_649 : vector<16xf32>
        %add3A_651 = arith.constant 3 : i32
        %add3A_652 = arith.addi %mul3A_57, %add3A_651 : i32
        %get3A_653 = arith.index_cast %add3A_652 : i32 to index
        %get3A_654 = arith.constant 48 : index
        %get3A_655 = tpu.vector_load %arg9[%get3A_653, %get3A_654] {strides = array<i32>} : memref<128x128xf32, #tpu.memory_space<vmem>>, vector<1x16xf32>,
        %get3A_656 = vector.shape_cast %get3A_655 : vector<1x16xf32> to vector<16xf32>
        %max3A_657 = arith.maximumf %max3A_646, %get3A_656 : vector<16xf32>
        %min3A_658 = arith.minimumf %min3A_647, %get3A_656 : vector<16xf32>
        %add3A_659 = arith.addf %add3A_648, %get3A_656 : vector<16xf32>
        %mul3A_660 = arith.mulf %get3A_656, %get3A_656 : vector<16xf32>
        %add3A_661 = arith.addf %add3A_650, %mul3A_660 : vector<16xf32>
        %add3A_662 = arith.constant 4 : i32
        %add3A_663 = arith.addi %mul3A_57, %add3A_662 : i32
        %get3A_664 = arith.index_cast %add3A_663 : i32 to index
        %get3A_665 = arith.constant 48 : index
        %get3A_666 = tpu.vector_load %arg9[%get3A_664, %get3A_665] {strides = array<i32>} : memref<128x128xf32, #tpu.memory_space<vmem>>, vector<1x16xf32>,
        %get3A_667 = vector.shape_cast %get3A_666 : vector<1x16xf32> to vector<16xf32>
        %max3A_668 = arith.maximumf %max3A_657, %get3A_667 : vector<16xf32>
        %min3A_669 = arith.minimumf %min3A_658, %get3A_667 : vector<16xf32>
        %add3A_670 = arith.addf %add3A_659, %get3A_667 : vector<16xf32>
        %mul3A_671 = arith.mulf %get3A_667, %get3A_667 : vector<16xf32>
        %add3A_672 = arith.addf %add3A_661, %mul3A_671 : vector<16xf32>
        %add3A_673 = arith.constant 5 : i32
        %add3A_674 = arith.addi %mul3A_57, %add3A_673 : i32
        %get3A_675 = arith.index_cast %add3A_674 : i32 to index
        %get3A_676 = arith.constant 48 : index
        %get3A_677 = tpu.vector_load %arg9[%get3A_675, %get3A_676] {strides = array<i32>} : memref<128x128xf32, #tpu.memory_space<vmem>>, vector<1x16xf32>,
        %get3A_678 = vector.shape_cast %get3A_677 : vector<1x16xf32> to vector<16xf32>
        %max3A_679 = arith.maximumf %max3A_668, %get3A_678 : vector<16xf32>
        %min3A_680 = arith.minimumf %min3A_669, %get3A_678 : vector<16xf32>
        %add3A_681 = arith.addf %add3A_670, %get3A_678 : vector<16xf32>
        %mul3A_682 = arith.mulf %get3A_678, %get3A_678 : vector<16xf32>
        %add3A_683 = arith.addf %add3A_672, %mul3A_682 : vector<16xf32>
        %add3A_684 = arith.constant 6 : i32
        %add3A_685 = arith.addi %mul3A_57, %add3A_684 : i32
        %get3A_686 = arith.index_cast %add3A_685 : i32 to index
        %get3A_687 = arith.constant 48 : index
        %get3A_688 = tpu.vector_load %arg9[%get3A_686, %get3A_687] {strides = array<i32>} : memref<128x128xf32, #tpu.memory_space<vmem>>, vector<1x16xf32>,
        %get3A_689 = vector.shape_cast %get3A_688 : vector<1x16xf32> to vector<16xf32>
        %max3A_690 = arith.maximumf %max3A_679, %get3A_689 : vector<16xf32>
        %min3A_691 = arith.minimumf %min3A_680, %get3A_689 : vector<16xf32>
        %add3A_692 = arith.addf %add3A_681, %get3A_689 : vector<16xf32>
        %mul3A_693 = arith.mulf %get3A_689, %get3A_689 : vector<16xf32>
        %add3A_694 = arith.addf %add3A_683, %mul3A_693 : vector<16xf32>
        %add3A_695 = arith.constant 7 : i32
        %add3A_696 = arith.addi %mul3A_57, %add3A_695 : i32
        %get3A_697 = arith.index_cast %add3A_696 : i32 to index
        %get3A_698 = arith.constant 48 : index
        %get3A_699 = tpu.vector_load %arg9[%get3A_697, %get3A_698] {strides = array<i32>} : memref<128x128xf32, #tpu.memory_space<vmem>>, vector<1x16xf32>,
        %get3A_700 = vector.shape_cast %get3A_699 : vector<1x16xf32> to vector<16xf32>
        %max3A_701 = arith.maximumf %max3A_690, %get3A_700 : vector<16xf32>
        %min3A_702 = arith.minimumf %min3A_691, %get3A_700 : vector<16xf32>
        %add3A_703 = arith.addf %add3A_692, %get3A_700 : vector<16xf32>
        %mul3A_704 = arith.mulf %get3A_700, %get3A_700 : vector<16xf32>
        %add3A_705 = arith.addf %add3A_694, %mul3A_704 : vector<16xf32>
        %add3A_706 = arith.constant 8 : i32
        %add3A_707 = arith.addi %mul3A_57, %add3A_706 : i32
        %get3A_708 = arith.index_cast %add3A_707 : i32 to index
        %get3A_709 = arith.constant 48 : index
        %get3A_710 = tpu.vector_load %arg9[%get3A_708, %get3A_709] {strides = array<i32>} : memref<128x128xf32, #tpu.memory_space<vmem>>, vector<1x16xf32>,
        %get3A_711 = vector.shape_cast %get3A_710 : vector<1x16xf32> to vector<16xf32>
        %max3A_712 = arith.maximumf %max3A_701, %get3A_711 : vector<16xf32>
        %min3A_713 = arith.minimumf %min3A_702, %get3A_711 : vector<16xf32>
        %add3A_714 = arith.addf %add3A_703, %get3A_711 : vector<16xf32>
        %mul3A_715 = arith.mulf %get3A_711, %get3A_711 : vector<16xf32>
        %add3A_716 = arith.addf %add3A_705, %mul3A_715 : vector<16xf32>
        %add3A_717 = arith.constant 9 : i32
        %add3A_718 = arith.addi %mul3A_57, %add3A_717 : i32
        %get3A_719 = arith.index_cast %add3A_718 : i32 to index
        %get3A_720 = arith.constant 48 : index
        %get3A_721 = tpu.vector_load %arg9[%get3A_719, %get3A_720] {strides = array<i32>} : memref<128x128xf32, #tpu.memory_space<vmem>>, vector<1x16xf32>,
        %get3A_722 = vector.shape_cast %get3A_721 : vector<1x16xf32> to vector<16xf32>
        %max3A_723 = arith.maximumf %max3A_712, %get3A_722 : vector<16xf32>
        %min3A_724 = arith.minimumf %min3A_713, %get3A_722 : vector<16xf32>
        %add3A_725 = arith.addf %add3A_714, %get3A_722 : vector<16xf32>
        %mul3A_726 = arith.mulf %get3A_722, %get3A_722 : vector<16xf32>
        %add3A_727 = arith.addf %add3A_716, %mul3A_726 : vector<16xf32>
        %add3A_728 = arith.constant 10 : i32
        %add3A_729 = arith.addi %mul3A_57, %add3A_728 : i32
        %get3A_730 = arith.index_cast %add3A_729 : i32 to index
        %get3A_731 = arith.constant 48 : index
        %get3A_732 = tpu.vector_load %arg9[%get3A_730, %get3A_731] {strides = array<i32>} : memref<128x128xf32, #tpu.memory_space<vmem>>, vector<1x16xf32>,
        %get3A_733 = vector.shape_cast %get3A_732 : vector<1x16xf32> to vector<16xf32>
        %max3A_734 = arith.maximumf %max3A_723, %get3A_733 : vector<16xf32>
        %min3A_735 = arith.minimumf %min3A_724, %get3A_733 : vector<16xf32>
        %add3A_736 = arith.addf %add3A_725, %get3A_733 : vector<16xf32>
        %mul3A_737 = arith.mulf %get3A_733, %get3A_733 : vector<16xf32>
        %add3A_738 = arith.addf %add3A_727, %mul3A_737 : vector<16xf32>
        %add3A_739 = arith.constant 11 : i32
        %add3A_740 = arith.addi %mul3A_57, %add3A_739 : i32
        %get3A_741 = arith.index_cast %add3A_740 : i32 to index
        %get3A_742 = arith.constant 48 : index
        %get3A_743 = tpu.vector_load %arg9[%get3A_741, %get3A_742] {strides = array<i32>} : memref<128x128xf32, #tpu.memory_space<vmem>>, vector<1x16xf32>,
        %get3A_744 = vector.shape_cast %get3A_743 : vector<1x16xf32> to vector<16xf32>
        %max3A_745 = arith.maximumf %max3A_734, %get3A_744 : vector<16xf32>
        %min3A_746 = arith.minimumf %min3A_735, %get3A_744 : vector<16xf32>
        %add3A_747 = arith.addf %add3A_736, %get3A_744 : vector<16xf32>
        %mul3A_748 = arith.mulf %get3A_744, %get3A_744 : vector<16xf32>
        %add3A_749 = arith.addf %add3A_738, %mul3A_748 : vector<16xf32>
        %add3A_750 = arith.constant 12 : i32
        %add3A_751 = arith.addi %mul3A_57, %add3A_750 : i32
        %get3A_752 = arith.index_cast %add3A_751 : i32 to index
        %get3A_753 = arith.constant 48 : index
        %get3A_754 = tpu.vector_load %arg9[%get3A_752, %get3A_753] {strides = array<i32>} : memref<128x128xf32, #tpu.memory_space<vmem>>, vector<1x16xf32>,
        %get3A_755 = vector.shape_cast %get3A_754 : vector<1x16xf32> to vector<16xf32>
        %max3A_756 = arith.maximumf %max3A_745, %get3A_755 : vector<16xf32>
        %min3A_757 = arith.minimumf %min3A_746, %get3A_755 : vector<16xf32>
        %add3A_758 = arith.addf %add3A_747, %get3A_755 : vector<16xf32>
        %mul3A_759 = arith.mulf %get3A_755, %get3A_755 : vector<16xf32>
        %add3A_760 = arith.addf %add3A_749, %mul3A_759 : vector<16xf32>
        %add3A_761 = arith.constant 13 : i32
        %add3A_762 = arith.addi %mul3A_57, %add3A_761 : i32
        %get3A_763 = arith.index_cast %add3A_762 : i32 to index
        %get3A_764 = arith.constant 48 : index
        %get3A_765 = tpu.vector_load %arg9[%get3A_763, %get3A_764] {strides = array<i32>} : memref<128x128xf32, #tpu.memory_space<vmem>>, vector<1x16xf32>,
        %get3A_766 = vector.shape_cast %get3A_765 : vector<1x16xf32> to vector<16xf32>
        %max3A_767 = arith.maximumf %max3A_756, %get3A_766 : vector<16xf32>
        %min3A_768 = arith.minimumf %min3A_757, %get3A_766 : vector<16xf32>
        %add3A_769 = arith.addf %add3A_758, %get3A_766 : vector<16xf32>
        %mul3A_770 = arith.mulf %get3A_766, %get3A_766 : vector<16xf32>
        %add3A_771 = arith.addf %add3A_760, %mul3A_770 : vector<16xf32>
        %add3A_772 = arith.constant 14 : i32
        %add3A_773 = arith.addi %mul3A_57, %add3A_772 : i32
        %get3A_774 = arith.index_cast %add3A_773 : i32 to index
        %get3A_775 = arith.constant 48 : index
        %get3A_776 = tpu.vector_load %arg9[%get3A_774, %get3A_775] {strides = array<i32>} : memref<128x128xf32, #tpu.memory_space<vmem>>, vector<1x16xf32>,
        %get3A_777 = vector.shape_cast %get3A_776 : vector<1x16xf32> to vector<16xf32>
        %max3A_778 = arith.maximumf %max3A_767, %get3A_777 : vector<16xf32>
        %min3A_779 = arith.minimumf %min3A_768, %get3A_777 : vector<16xf32>
        %add3A_780 = arith.addf %add3A_769, %get3A_777 : vector<16xf32>
        %mul3A_781 = arith.mulf %get3A_777, %get3A_777 : vector<16xf32>
        %add3A_782 = arith.addf %add3A_771, %mul3A_781 : vector<16xf32>
        %add3A_783 = arith.constant 15 : i32
        %add3A_784 = arith.addi %mul3A_57, %add3A_783 : i32
        %get3A_785 = arith.index_cast %add3A_784 : i32 to index
        %get3A_786 = arith.constant 48 : index
        %get3A_787 = tpu.vector_load %arg9[%get3A_785, %get3A_786] {strides = array<i32>} : memref<128x128xf32, #tpu.memory_space<vmem>>, vector<1x16xf32>,
        %get3A_788 = vector.shape_cast %get3A_787 : vector<1x16xf32> to vector<16xf32>
        %max3A_789 = arith.maximumf %max3A_778, %get3A_788 : vector<16xf32>
        %min3A_790 = arith.minimumf %min3A_779, %get3A_788 : vector<16xf32>
        %add3A_791 = arith.addf %add3A_780, %get3A_788 : vector<16xf32>
        %mul3A_792 = arith.mulf %get3A_788, %get3A_788 : vector<16xf32>
        %add3A_793 = arith.addf %add3A_782, %mul3A_792 : vector<16xf32>
        %swap3A_794 = arith.index_cast %scan3A_55 : i32 to index
        %swap3A_795 = arith.constant 48 : index
        %swap3A_796 = tpu.vector_load %arg12[%swap3A_794, %swap3A_795] {strides = array<i32>} : memref<8x128xf32, #tpu.memory_space<vmem>>, vector<1x16xf32>,
        %swap3A_797 = vector.shape_cast %swap3A_796 : vector<1x16xf32> to vector<16xf32>
        %swap3A_798 = vector.shape_cast %max3A_789 : vector<16xf32> to vector<1x16xf32>
        tpu.vector_store %arg12[%swap3A_794, %swap3A_795], %swap3A_798 {strides = array<i32>} : memref<8x128xf32, #tpu.memory_space<vmem>>, vector<1x16xf32>,
        %swap3A_799 = arith.index_cast %scan3A_55 : i32 to index
        %swap3A_800 = arith.constant 48 : index
        %swap3A_801 = tpu.vector_load %arg13[%swap3A_799, %swap3A_800] {strides = array<i32>} : memref<8x128xf32, #tpu.memory_space<vmem>>, vector<1x16xf32>,
        %swap3A_802 = vector.shape_cast %swap3A_801 : vector<1x16xf32> to vector<16xf32>
        %swap3A_803 = vector.shape_cast %min3A_790 : vector<16xf32> to vector<1x16xf32>
        tpu.vector_store %arg13[%swap3A_799, %swap3A_800], %swap3A_803 {strides = array<i32>} : memref<8x128xf32, #tpu.memory_space<vmem>>, vector<1x16xf32>,
        %swap3A_804 = arith.index_cast %scan3A_55 : i32 to index
        %swap3A_805 = arith.constant 48 : index
        %swap3A_806 = tpu.vector_load %arg14[%swap3A_804, %swap3A_805] {strides = array<i32>} : memref<8x128xf32, #tpu.memory_space<vmem>>, vector<1x16xf32>,
        %swap3A_807 = vector.shape_cast %swap3A_806 : vector<1x16xf32> to vector<16xf32>
        %swap3A_808 = vector.shape_cast %add3A_791 : vector<16xf32> to vector<1x16xf32>
        tpu.vector_store %arg14[%swap3A_804, %swap3A_805], %swap3A_808 {strides = array<i32>} : memref<8x128xf32, #tpu.memory_space<vmem>>, vector<1x16xf32>,
        %swap3A_809 = arith.index_cast %scan3A_55 : i32 to index
        %swap3A_810 = arith.constant 48 : index
        %swap3A_811 = tpu.vector_load %arg15[%swap3A_809, %swap3A_810] {strides = array<i32>} : memref<8x128xf32, #tpu.memory_space<vmem>>, vector<1x16xf32>,
        %swap3A_812 = vector.shape_cast %swap3A_811 : vector<1x16xf32> to vector<16xf32>
        %swap3A_813 = vector.shape_cast %add3A_793 : vector<16xf32> to vector<1x16xf32>
        tpu.vector_store %arg15[%swap3A_809, %swap3A_810], %swap3A_813 {strides = array<i32>} : memref<8x128xf32, #tpu.memory_space<vmem>>, vector<1x16xf32>,
        %get3A_814 = arith.index_cast %mul3A_57 : i32 to index
        %get3A_815 = arith.constant 64 : index
        %get3A_816 = tpu.vector_load %arg9[%get3A_814, %get3A_815] {strides = array<i32>} : memref<128x128xf32, #tpu.memory_space<vmem>>, vector<1x16xf32>,
        %get3A_817 = vector.shape_cast %get3A_816 : vector<1x16xf32> to vector<16xf32>
        %mul3A_818 = arith.mulf %get3A_817, %get3A_817 : vector<16xf32>
        %add3A_819 = arith.constant 1 : i32
        %add3A_820 = arith.addi %mul3A_57, %add3A_819 : i32
        %get3A_821 = arith.index_cast %add3A_820 : i32 to index
        %get3A_822 = arith.constant 64 : index
        %get3A_823 = tpu.vector_load %arg9[%get3A_821, %get3A_822] {strides = array<i32>} : memref<128x128xf32, #tpu.memory_space<vmem>>, vector<1x16xf32>,
        %get3A_824 = vector.shape_cast %get3A_823 : vector<1x16xf32> to vector<16xf32>
        %max3A_825 = arith.maximumf %get3A_817, %get3A_824 : vector<16xf32>
        %min3A_826 = arith.minimumf %get3A_817, %get3A_824 : vector<16xf32>
        %add3A_827 = arith.addf %get3A_817, %get3A_824 : vector<16xf32>
        %mul3A_828 = arith.mulf %get3A_824, %get3A_824 : vector<16xf32>
        %add3A_829 = arith.addf %mul3A_818, %mul3A_828 : vector<16xf32>
        %add3A_830 = arith.constant 2 : i32
        %add3A_831 = arith.addi %mul3A_57, %add3A_830 : i32
        %get3A_832 = arith.index_cast %add3A_831 : i32 to index
        %get3A_833 = arith.constant 64 : index
        %get3A_834 = tpu.vector_load %arg9[%get3A_832, %get3A_833] {strides = array<i32>} : memref<128x128xf32, #tpu.memory_space<vmem>>, vector<1x16xf32>,
        %get3A_835 = vector.shape_cast %get3A_834 : vector<1x16xf32> to vector<16xf32>
        %max3A_836 = arith.maximumf %max3A_825, %get3A_835 : vector<16xf32>
        %min3A_837 = arith.minimumf %min3A_826, %get3A_835 : vector<16xf32>
        %add3A_838 = arith.addf %add3A_827, %get3A_835 : vector<16xf32>
        %mul3A_839 = arith.mulf %get3A_835, %get3A_835 : vector<16xf32>
        %add3A_840 = arith.addf %add3A_829, %mul3A_839 : vector<16xf32>
        %add3A_841 = arith.constant 3 : i32
        %add3A_842 = arith.addi %mul3A_57, %add3A_841 : i32
        %get3A_843 = arith.index_cast %add3A_842 : i32 to index
        %get3A_844 = arith.constant 64 : index
        %get3A_845 = tpu.vector_load %arg9[%get3A_843, %get3A_844] {strides = array<i32>} : memref<128x128xf32, #tpu.memory_space<vmem>>, vector<1x16xf32>,
        %get3A_846 = vector.shape_cast %get3A_845 : vector<1x16xf32> to vector<16xf32>
        %max3A_847 = arith.maximumf %max3A_836, %get3A_846 : vector<16xf32>
        %min3A_848 = arith.minimumf %min3A_837, %get3A_846 : vector<16xf32>
        %add3A_849 = arith.addf %add3A_838, %get3A_846 : vector<16xf32>
        %mul3A_850 = arith.mulf %get3A_846, %get3A_846 : vector<16xf32>
        %add3A_851 = arith.addf %add3A_840, %mul3A_850 : vector<16xf32>
        %add3A_852 = arith.constant 4 : i32
        %add3A_853 = arith.addi %mul3A_57, %add3A_852 : i32
        %get3A_854 = arith.index_cast %add3A_853 : i32 to index
        %get3A_855 = arith.constant 64 : index
        %get3A_856 = tpu.vector_load %arg9[%get3A_854, %get3A_855] {strides = array<i32>} : memref<128x128xf32, #tpu.memory_space<vmem>>, vector<1x16xf32>,
        %get3A_857 = vector.shape_cast %get3A_856 : vector<1x16xf32> to vector<16xf32>
        %max3A_858 = arith.maximumf %max3A_847, %get3A_857 : vector<16xf32>
        %min3A_859 = arith.minimumf %min3A_848, %get3A_857 : vector<16xf32>
        %add3A_860 = arith.addf %add3A_849, %get3A_857 : vector<16xf32>
        %mul3A_861 = arith.mulf %get3A_857, %get3A_857 : vector<16xf32>
        %add3A_862 = arith.addf %add3A_851, %mul3A_861 : vector<16xf32>
        %add3A_863 = arith.constant 5 : i32
        %add3A_864 = arith.addi %mul3A_57, %add3A_863 : i32
        %get3A_865 = arith.index_cast %add3A_864 : i32 to index
        %get3A_866 = arith.constant 64 : index
        %get3A_867 = tpu.vector_load %arg9[%get3A_865, %get3A_866] {strides = array<i32>} : memref<128x128xf32, #tpu.memory_space<vmem>>, vector<1x16xf32>,
        %get3A_868 = vector.shape_cast %get3A_867 : vector<1x16xf32> to vector<16xf32>
        %max3A_869 = arith.maximumf %max3A_858, %get3A_868 : vector<16xf32>
        %min3A_870 = arith.minimumf %min3A_859, %get3A_868 : vector<16xf32>
        %add3A_871 = arith.addf %add3A_860, %get3A_868 : vector<16xf32>
        %mul3A_872 = arith.mulf %get3A_868, %get3A_868 : vector<16xf32>
        %add3A_873 = arith.addf %add3A_862, %mul3A_872 : vector<16xf32>
        %add3A_874 = arith.constant 6 : i32
        %add3A_875 = arith.addi %mul3A_57, %add3A_874 : i32
        %get3A_876 = arith.index_cast %add3A_875 : i32 to index
        %get3A_877 = arith.constant 64 : index
        %get3A_878 = tpu.vector_load %arg9[%get3A_876, %get3A_877] {strides = array<i32>} : memref<128x128xf32, #tpu.memory_space<vmem>>, vector<1x16xf32>,
        %get3A_879 = vector.shape_cast %get3A_878 : vector<1x16xf32> to vector<16xf32>
        %max3A_880 = arith.maximumf %max3A_869, %get3A_879 : vector<16xf32>
        %min3A_881 = arith.minimumf %min3A_870, %get3A_879 : vector<16xf32>
        %add3A_882 = arith.addf %add3A_871, %get3A_879 : vector<16xf32>
        %mul3A_883 = arith.mulf %get3A_879, %get3A_879 : vector<16xf32>
        %add3A_884 = arith.addf %add3A_873, %mul3A_883 : vector<16xf32>
        %add3A_885 = arith.constant 7 : i32
        %add3A_886 = arith.addi %mul3A_57, %add3A_885 : i32
        %get3A_887 = arith.index_cast %add3A_886 : i32 to index
        %get3A_888 = arith.constant 64 : index
        %get3A_889 = tpu.vector_load %arg9[%get3A_887, %get3A_888] {strides = array<i32>} : memref<128x128xf32, #tpu.memory_space<vmem>>, vector<1x16xf32>,
        %get3A_890 = vector.shape_cast %get3A_889 : vector<1x16xf32> to vector<16xf32>
        %max3A_891 = arith.maximumf %max3A_880, %get3A_890 : vector<16xf32>
        %min3A_892 = arith.minimumf %min3A_881, %get3A_890 : vector<16xf32>
        %add3A_893 = arith.addf %add3A_882, %get3A_890 : vector<16xf32>
        %mul3A_894 = arith.mulf %get3A_890, %get3A_890 : vector<16xf32>
        %add3A_895 = arith.addf %add3A_884, %mul3A_894 : vector<16xf32>
        %add3A_896 = arith.constant 8 : i32
        %add3A_897 = arith.addi %mul3A_57, %add3A_896 : i32
        %get3A_898 = arith.index_cast %add3A_897 : i32 to index
        %get3A_899 = arith.constant 64 : index
        %get3A_900 = tpu.vector_load %arg9[%get3A_898, %get3A_899] {strides = array<i32>} : memref<128x128xf32, #tpu.memory_space<vmem>>, vector<1x16xf32>,
        %get3A_901 = vector.shape_cast %get3A_900 : vector<1x16xf32> to vector<16xf32>
        %max3A_902 = arith.maximumf %max3A_891, %get3A_901 : vector<16xf32>
        %min3A_903 = arith.minimumf %min3A_892, %get3A_901 : vector<16xf32>
        %add3A_904 = arith.addf %add3A_893, %get3A_901 : vector<16xf32>
        %mul3A_905 = arith.mulf %get3A_901, %get3A_901 : vector<16xf32>
        %add3A_906 = arith.addf %add3A_895, %mul3A_905 : vector<16xf32>
        %add3A_907 = arith.constant 9 : i32
        %add3A_908 = arith.addi %mul3A_57, %add3A_907 : i32
        %get3A_909 = arith.index_cast %add3A_908 : i32 to index
        %get3A_910 = arith.constant 64 : index
        %get3A_911 = tpu.vector_load %arg9[%get3A_909, %get3A_910] {strides = array<i32>} : memref<128x128xf32, #tpu.memory_space<vmem>>, vector<1x16xf32>,
        %get3A_912 = vector.shape_cast %get3A_911 : vector<1x16xf32> to vector<16xf32>
        %max3A_913 = arith.maximumf %max3A_902, %get3A_912 : vector<16xf32>
        %min3A_914 = arith.minimumf %min3A_903, %get3A_912 : vector<16xf32>
        %add3A_915 = arith.addf %add3A_904, %get3A_912 : vector<16xf32>
        %mul3A_916 = arith.mulf %get3A_912, %get3A_912 : vector<16xf32>
        %add3A_917 = arith.addf %add3A_906, %mul3A_916 : vector<16xf32>
        %add3A_918 = arith.constant 10 : i32
        %add3A_919 = arith.addi %mul3A_57, %add3A_918 : i32
        %get3A_920 = arith.index_cast %add3A_919 : i32 to index
        %get3A_921 = arith.constant 64 : index
        %get3A_922 = tpu.vector_load %arg9[%get3A_920, %get3A_921] {strides = array<i32>} : memref<128x128xf32, #tpu.memory_space<vmem>>, vector<1x16xf32>,
        %get3A_923 = vector.shape_cast %get3A_922 : vector<1x16xf32> to vector<16xf32>
        %max3A_924 = arith.maximumf %max3A_913, %get3A_923 : vector<16xf32>
        %min3A_925 = arith.minimumf %min3A_914, %get3A_923 : vector<16xf32>
        %add3A_926 = arith.addf %add3A_915, %get3A_923 : vector<16xf32>
        %mul3A_927 = arith.mulf %get3A_923, %get3A_923 : vector<16xf32>
        %add3A_928 = arith.addf %add3A_917, %mul3A_927 : vector<16xf32>
        %add3A_929 = arith.constant 11 : i32
        %add3A_930 = arith.addi %mul3A_57, %add3A_929 : i32
        %get3A_931 = arith.index_cast %add3A_930 : i32 to index
        %get3A_932 = arith.constant 64 : index
        %get3A_933 = tpu.vector_load %arg9[%get3A_931, %get3A_932] {strides = array<i32>} : memref<128x128xf32, #tpu.memory_space<vmem>>, vector<1x16xf32>,
        %get3A_934 = vector.shape_cast %get3A_933 : vector<1x16xf32> to vector<16xf32>
        %max3A_935 = arith.maximumf %max3A_924, %get3A_934 : vector<16xf32>
        %min3A_936 = arith.minimumf %min3A_925, %get3A_934 : vector<16xf32>
        %add3A_937 = arith.addf %add3A_926, %get3A_934 : vector<16xf32>
        %mul3A_938 = arith.mulf %get3A_934, %get3A_934 : vector<16xf32>
        %add3A_939 = arith.addf %add3A_928, %mul3A_938 : vector<16xf32>
        %add3A_940 = arith.constant 12 : i32
        %add3A_941 = arith.addi %mul3A_57, %add3A_940 : i32
        %get3A_942 = arith.index_cast %add3A_941 : i32 to index
        %get3A_943 = arith.constant 64 : index
        %get3A_944 = tpu.vector_load %arg9[%get3A_942, %get3A_943] {strides = array<i32>} : memref<128x128xf32, #tpu.memory_space<vmem>>, vector<1x16xf32>,
        %get3A_945 = vector.shape_cast %get3A_944 : vector<1x16xf32> to vector<16xf32>
        %max3A_946 = arith.maximumf %max3A_935, %get3A_945 : vector<16xf32>
        %min3A_947 = arith.minimumf %min3A_936, %get3A_945 : vector<16xf32>
        %add3A_948 = arith.addf %add3A_937, %get3A_945 : vector<16xf32>
        %mul3A_949 = arith.mulf %get3A_945, %get3A_945 : vector<16xf32>
        %add3A_950 = arith.addf %add3A_939, %mul3A_949 : vector<16xf32>
        %add3A_951 = arith.constant 13 : i32
        %add3A_952 = arith.addi %mul3A_57, %add3A_951 : i32
        %get3A_953 = arith.index_cast %add3A_952 : i32 to index
        %get3A_954 = arith.constant 64 : index
        %get3A_955 = tpu.vector_load %arg9[%get3A_953, %get3A_954] {strides = array<i32>} : memref<128x128xf32, #tpu.memory_space<vmem>>, vector<1x16xf32>,
        %get3A_956 = vector.shape_cast %get3A_955 : vector<1x16xf32> to vector<16xf32>
        %max3A_957 = arith.maximumf %max3A_946, %get3A_956 : vector<16xf32>
        %min3A_958 = arith.minimumf %min3A_947, %get3A_956 : vector<16xf32>
        %add3A_959 = arith.addf %add3A_948, %get3A_956 : vector<16xf32>
        %mul3A_960 = arith.mulf %get3A_956, %get3A_956 : vector<16xf32>
        %add3A_961 = arith.addf %add3A_950, %mul3A_960 : vector<16xf32>
        %add3A_962 = arith.constant 14 : i32
        %add3A_963 = arith.addi %mul3A_57, %add3A_962 : i32
        %get3A_964 = arith.index_cast %add3A_963 : i32 to index
        %get3A_965 = arith.constant 64 : index
        %get3A_966 = tpu.vector_load %arg9[%get3A_964, %get3A_965] {strides = array<i32>} : memref<128x128xf32, #tpu.memory_space<vmem>>, vector<1x16xf32>,
        %get3A_967 = vector.shape_cast %get3A_966 : vector<1x16xf32> to vector<16xf32>
        %max3A_968 = arith.maximumf %max3A_957, %get3A_967 : vector<16xf32>
        %min3A_969 = arith.minimumf %min3A_958, %get3A_967 : vector<16xf32>
        %add3A_970 = arith.addf %add3A_959, %get3A_967 : vector<16xf32>
        %mul3A_971 = arith.mulf %get3A_967, %get3A_967 : vector<16xf32>
        %add3A_972 = arith.addf %add3A_961, %mul3A_971 : vector<16xf32>
        %add3A_973 = arith.constant 15 : i32
        %add3A_974 = arith.addi %mul3A_57, %add3A_973 : i32
        %get3A_975 = arith.index_cast %add3A_974 : i32 to index
        %get3A_976 = arith.constant 64 : index
        %get3A_977 = tpu.vector_load %arg9[%get3A_975, %get3A_976] {strides = array<i32>} : memref<128x128xf32, #tpu.memory_space<vmem>>, vector<1x16xf32>,
        %get3A_978 = vector.shape_cast %get3A_977 : vector<1x16xf32> to vector<16xf32>
        %max3A_979 = arith.maximumf %max3A_968, %get3A_978 : vector<16xf32>
        %min3A_980 = arith.minimumf %min3A_969, %get3A_978 : vector<16xf32>
        %add3A_981 = arith.addf %add3A_970, %get3A_978 : vector<16xf32>
        %mul3A_982 = arith.mulf %get3A_978, %get3A_978 : vector<16xf32>
        %add3A_983 = arith.addf %add3A_972, %mul3A_982 : vector<16xf32>
        %swap3A_984 = arith.index_cast %scan3A_55 : i32 to index
        %swap3A_985 = arith.constant 64 : index
        %swap3A_986 = tpu.vector_load %arg12[%swap3A_984, %swap3A_985] {strides = array<i32>} : memref<8x128xf32, #tpu.memory_space<vmem>>, vector<1x16xf32>,
        %swap3A_987 = vector.shape_cast %swap3A_986 : vector<1x16xf32> to vector<16xf32>
        %swap3A_988 = vector.shape_cast %max3A_979 : vector<16xf32> to vector<1x16xf32>
        tpu.vector_store %arg12[%swap3A_984, %swap3A_985], %swap3A_988 {strides = array<i32>} : memref<8x128xf32, #tpu.memory_space<vmem>>, vector<1x16xf32>,
        %swap3A_989 = arith.index_cast %scan3A_55 : i32 to index
        %swap3A_990 = arith.constant 64 : index
        %swap3A_991 = tpu.vector_load %arg13[%swap3A_989, %swap3A_990] {strides = array<i32>} : memref<8x128xf32, #tpu.memory_space<vmem>>, vector<1x16xf32>,
        %swap3A_992 = vector.shape_cast %swap3A_991 : vector<1x16xf32> to vector<16xf32>
        %swap3A_993 = vector.shape_cast %min3A_980 : vector<16xf32> to vector<1x16xf32>
        tpu.vector_store %arg13[%swap3A_989, %swap3A_990], %swap3A_993 {strides = array<i32>} : memref<8x128xf32, #tpu.memory_space<vmem>>, vector<1x16xf32>,
        %swap3A_994 = arith.index_cast %scan3A_55 : i32 to index
        %swap3A_995 = arith.constant 64 : index
        %swap3A_996 = tpu.vector_load %arg14[%swap3A_994, %swap3A_995] {strides = array<i32>} : memref<8x128xf32, #tpu.memory_space<vmem>>, vector<1x16xf32>,
        %swap3A_997 = vector.shape_cast %swap3A_996 : vector<1x16xf32> to vector<16xf32>
        %swap3A_998 = vector.shape_cast %add3A_981 : vector<16xf32> to vector<1x16xf32>
        tpu.vector_store %arg14[%swap3A_994, %swap3A_995], %swap3A_998 {strides = array<i32>} : memref<8x128xf32, #tpu.memory_space<vmem>>, vector<1x16xf32>,
        %swap3A_999 = arith.index_cast %scan3A_55 : i32 to index
        %swap3A_1000 = arith.constant 64 : index
        %swap3A_1001 = tpu.vector_load %arg15[%swap3A_999, %swap3A_1000] {strides = array<i32>} : memref<8x128xf32, #tpu.memory_space<vmem>>, vector<1x16xf32>,
        %swap3A_1002 = vector.shape_cast %swap3A_1001 : vector<1x16xf32> to vector<16xf32>
        %swap3A_1003 = vector.shape_cast %add3A_983 : vector<16xf32> to vector<1x16xf32>
        tpu.vector_store %arg15[%swap3A_999, %swap3A_1000], %swap3A_1003 {strides = array<i32>} : memref<8x128xf32, #tpu.memory_space<vmem>>, vector<1x16xf32>,
        %get3A_1004 = arith.index_cast %mul3A_57 : i32 to index
        %get3A_1005 = arith.constant 80 : index
        %get3A_1006 = tpu.vector_load %arg9[%get3A_1004, %get3A_1005] {strides = array<i32>} : memref<128x128xf32, #tpu.memory_space<vmem>>, vector<1x16xf32>,
        %get3A_1007 = vector.shape_cast %get3A_1006 : vector<1x16xf32> to vector<16xf32>
        %mul3A_1008 = arith.mulf %get3A_1007, %get3A_1007 : vector<16xf32>
        %add3A_1009 = arith.constant 1 : i32
        %add3A_1010 = arith.addi %mul3A_57, %add3A_1009 : i32
        %get3A_1011 = arith.index_cast %add3A_1010 : i32 to index
        %get3A_1012 = arith.constant 80 : index
        %get3A_1013 = tpu.vector_load %arg9[%get3A_1011, %get3A_1012] {strides = array<i32>} : memref<128x128xf32, #tpu.memory_space<vmem>>, vector<1x16xf32>,
        %get3A_1014 = vector.shape_cast %get3A_1013 : vector<1x16xf32> to vector<16xf32>
        %max3A_1015 = arith.maximumf %get3A_1007, %get3A_1014 : vector<16xf32>
        %min3A_1016 = arith.minimumf %get3A_1007, %get3A_1014 : vector<16xf32>
        %add3A_1017 = arith.addf %get3A_1007, %get3A_1014 : vector<16xf32>
        %mul3A_1018 = arith.mulf %get3A_1014, %get3A_1014 : vector<16xf32>
        %add3A_1019 = arith.addf %mul3A_1008, %mul3A_1018 : vector<16xf32>
        %add3A_1020 = arith.constant 2 : i32
        %add3A_1021 = arith.addi %mul3A_57, %add3A_1020 : i32
        %get3A_1022 = arith.index_cast %add3A_1021 : i32 to index
        %get3A_1023 = arith.constant 80 : index
        %get3A_1024 = tpu.vector_load %arg9[%get3A_1022, %get3A_1023] {strides = array<i32>} : memref<128x128xf32, #tpu.memory_space<vmem>>, vector<1x16xf32>,
        %get3A_1025 = vector.shape_cast %get3A_1024 : vector<1x16xf32> to vector<16xf32>
        %max3A_1026 = arith.maximumf %max3A_1015, %get3A_1025 : vector<16xf32>
        %min3A_1027 = arith.minimumf %min3A_1016, %get3A_1025 : vector<16xf32>
        %add3A_1028 = arith.addf %add3A_1017, %get3A_1025 : vector<16xf32>
        %mul3A_1029 = arith.mulf %get3A_1025, %get3A_1025 : vector<16xf32>
        %add3A_1030 = arith.addf %add3A_1019, %mul3A_1029 : vector<16xf32>
        %add3A_1031 = arith.constant 3 : i32
        %add3A_1032 = arith.addi %mul3A_57, %add3A_1031 : i32
        %get3A_1033 = arith.index_cast %add3A_1032 : i32 to index
        %get3A_1034 = arith.constant 80 : index
        %get3A_1035 = tpu.vector_load %arg9[%get3A_1033, %get3A_1034] {strides = array<i32>} : memref<128x128xf32, #tpu.memory_space<vmem>>, vector<1x16xf32>,
        %get3A_1036 = vector.shape_cast %get3A_1035 : vector<1x16xf32> to vector<16xf32>
        %max3A_1037 = arith.maximumf %max3A_1026, %get3A_1036 : vector<16xf32>
        %min3A_1038 = arith.minimumf %min3A_1027, %get3A_1036 : vector<16xf32>
        %add3A_1039 = arith.addf %add3A_1028, %get3A_1036 : vector<16xf32>
        %mul3A_1040 = arith.mulf %get3A_1036, %get3A_1036 : vector<16xf32>
        %add3A_1041 = arith.addf %add3A_1030, %mul3A_1040 : vector<16xf32>
        %add3A_1042 = arith.constant 4 : i32
        %add3A_1043 = arith.addi %mul3A_57, %add3A_1042 : i32
        %get3A_1044 = arith.index_cast %add3A_1043 : i32 to index
        %get3A_1045 = arith.constant 80 : index
        %get3A_1046 = tpu.vector_load %arg9[%get3A_1044, %get3A_1045] {strides = array<i32>} : memref<128x128xf32, #tpu.memory_space<vmem>>, vector<1x16xf32>,
        %get3A_1047 = vector.shape_cast %get3A_1046 : vector<1x16xf32> to vector<16xf32>
        %max3A_1048 = arith.maximumf %max3A_1037, %get3A_1047 : vector<16xf32>
        %min3A_1049 = arith.minimumf %min3A_1038, %get3A_1047 : vector<16xf32>
        %add3A_1050 = arith.addf %add3A_1039, %get3A_1047 : vector<16xf32>
        %mul3A_1051 = arith.mulf %get3A_1047, %get3A_1047 : vector<16xf32>
        %add3A_1052 = arith.addf %add3A_1041, %mul3A_1051 : vector<16xf32>
        %add3A_1053 = arith.constant 5 : i32
        %add3A_1054 = arith.addi %mul3A_57, %add3A_1053 : i32
        %get3A_1055 = arith.index_cast %add3A_1054 : i32 to index
        %get3A_1056 = arith.constant 80 : index
        %get3A_1057 = tpu.vector_load %arg9[%get3A_1055, %get3A_1056] {strides = array<i32>} : memref<128x128xf32, #tpu.memory_space<vmem>>, vector<1x16xf32>,
        %get3A_1058 = vector.shape_cast %get3A_1057 : vector<1x16xf32> to vector<16xf32>
        %max3A_1059 = arith.maximumf %max3A_1048, %get3A_1058 : vector<16xf32>
        %min3A_1060 = arith.minimumf %min3A_1049, %get3A_1058 : vector<16xf32>
        %add3A_1061 = arith.addf %add3A_1050, %get3A_1058 : vector<16xf32>
        %mul3A_1062 = arith.mulf %get3A_1058, %get3A_1058 : vector<16xf32>
        %add3A_1063 = arith.addf %add3A_1052, %mul3A_1062 : vector<16xf32>
        %add3A_1064 = arith.constant 6 : i32
        %add3A_1065 = arith.addi %mul3A_57, %add3A_1064 : i32
        %get3A_1066 = arith.index_cast %add3A_1065 : i32 to index
        %get3A_1067 = arith.constant 80 : index
        %get3A_1068 = tpu.vector_load %arg9[%get3A_1066, %get3A_1067] {strides = array<i32>} : memref<128x128xf32, #tpu.memory_space<vmem>>, vector<1x16xf32>,
        %get3A_1069 = vector.shape_cast %get3A_1068 : vector<1x16xf32> to vector<16xf32>
        %max3A_1070 = arith.maximumf %max3A_1059, %get3A_1069 : vector<16xf32>
        %min3A_1071 = arith.minimumf %min3A_1060, %get3A_1069 : vector<16xf32>
        %add3A_1072 = arith.addf %add3A_1061, %get3A_1069 : vector<16xf32>
        %mul3A_1073 = arith.mulf %get3A_1069, %get3A_1069 : vector<16xf32>
        %add3A_1074 = arith.addf %add3A_1063, %mul3A_1073 : vector<16xf32>
        %add3A_1075 = arith.constant 7 : i32
        %add3A_1076 = arith.addi %mul3A_57, %add3A_1075 : i32
        %get3A_1077 = arith.index_cast %add3A_1076 : i32 to index
        %get3A_1078 = arith.constant 80 : index
        %get3A_1079 = tpu.vector_load %arg9[%get3A_1077, %get3A_1078] {strides = array<i32>} : memref<128x128xf32, #tpu.memory_space<vmem>>, vector<1x16xf32>,
        %get3A_1080 = vector.shape_cast %get3A_1079 : vector<1x16xf32> to vector<16xf32>
        %max3A_1081 = arith.maximumf %max3A_1070, %get3A_1080 : vector<16xf32>
        %min3A_1082 = arith.minimumf %min3A_1071, %get3A_1080 : vector<16xf32>
        %add3A_1083 = arith.addf %add3A_1072, %get3A_1080 : vector<16xf32>
        %mul3A_1084 = arith.mulf %get3A_1080, %get3A_1080 : vector<16xf32>
        %add3A_1085 = arith.addf %add3A_1074, %mul3A_1084 : vector<16xf32>
        %add3A_1086 = arith.constant 8 : i32
        %add3A_1087 = arith.addi %mul3A_57, %add3A_1086 : i32
        %get3A_1088 = arith.index_cast %add3A_1087 : i32 to index
        %get3A_1089 = arith.constant 80 : index
        %get3A_1090 = tpu.vector_load %arg9[%get3A_1088, %get3A_1089] {strides = array<i32>} : memref<128x128xf32, #tpu.memory_space<vmem>>, vector<1x16xf32>,
        %get3A_1091 = vector.shape_cast %get3A_1090 : vector<1x16xf32> to vector<16xf32>
        %max3A_1092 = arith.maximumf %max3A_1081, %get3A_1091 : vector<16xf32>
        %min3A_1093 = arith.minimumf %min3A_1082, %get3A_1091 : vector<16xf32>
        %add3A_1094 = arith.addf %add3A_1083, %get3A_1091 : vector<16xf32>
        %mul3A_1095 = arith.mulf %get3A_1091, %get3A_1091 : vector<16xf32>
        %add3A_1096 = arith.addf %add3A_1085, %mul3A_1095 : vector<16xf32>
        %add3A_1097 = arith.constant 9 : i32
        %add3A_1098 = arith.addi %mul3A_57, %add3A_1097 : i32
        %get3A_1099 = arith.index_cast %add3A_1098 : i32 to index
        %get3A_1100 = arith.constant 80 : index
        %get3A_1101 = tpu.vector_load %arg9[%get3A_1099, %get3A_1100] {strides = array<i32>} : memref<128x128xf32, #tpu.memory_space<vmem>>, vector<1x16xf32>,
        %get3A_1102 = vector.shape_cast %get3A_1101 : vector<1x16xf32> to vector<16xf32>
        %max3A_1103 = arith.maximumf %max3A_1092, %get3A_1102 : vector<16xf32>
        %min3A_1104 = arith.minimumf %min3A_1093, %get3A_1102 : vector<16xf32>
        %add3A_1105 = arith.addf %add3A_1094, %get3A_1102 : vector<16xf32>
        %mul3A_1106 = arith.mulf %get3A_1102, %get3A_1102 : vector<16xf32>
        %add3A_1107 = arith.addf %add3A_1096, %mul3A_1106 : vector<16xf32>
        %add3A_1108 = arith.constant 10 : i32
        %add3A_1109 = arith.addi %mul3A_57, %add3A_1108 : i32
        %get3A_1110 = arith.index_cast %add3A_1109 : i32 to index
        %get3A_1111 = arith.constant 80 : index
        %get3A_1112 = tpu.vector_load %arg9[%get3A_1110, %get3A_1111] {strides = array<i32>} : memref<128x128xf32, #tpu.memory_space<vmem>>, vector<1x16xf32>,
        %get3A_1113 = vector.shape_cast %get3A_1112 : vector<1x16xf32> to vector<16xf32>
        %max3A_1114 = arith.maximumf %max3A_1103, %get3A_1113 : vector<16xf32>
        %min3A_1115 = arith.minimumf %min3A_1104, %get3A_1113 : vector<16xf32>
        %add3A_1116 = arith.addf %add3A_1105, %get3A_1113 : vector<16xf32>
        %mul3A_1117 = arith.mulf %get3A_1113, %get3A_1113 : vector<16xf32>
        %add3A_1118 = arith.addf %add3A_1107, %mul3A_1117 : vector<16xf32>
        %add3A_1119 = arith.constant 11 : i32
        %add3A_1120 = arith.addi %mul3A_57, %add3A_1119 : i32
        %get3A_1121 = arith.index_cast %add3A_1120 : i32 to index
        %get3A_1122 = arith.constant 80 : index
        %get3A_1123 = tpu.vector_load %arg9[%get3A_1121, %get3A_1122] {strides = array<i32>} : memref<128x128xf32, #tpu.memory_space<vmem>>, vector<1x16xf32>,
        %get3A_1124 = vector.shape_cast %get3A_1123 : vector<1x16xf32> to vector<16xf32>
        %max3A_1125 = arith.maximumf %max3A_1114, %get3A_1124 : vector<16xf32>
        %min3A_1126 = arith.minimumf %min3A_1115, %get3A_1124 : vector<16xf32>
        %add3A_1127 = arith.addf %add3A_1116, %get3A_1124 : vector<16xf32>
        %mul3A_1128 = arith.mulf %get3A_1124, %get3A_1124 : vector<16xf32>
        %add3A_1129 = arith.addf %add3A_1118, %mul3A_1128 : vector<16xf32>
        %add3A_1130 = arith.constant 12 : i32
        %add3A_1131 = arith.addi %mul3A_57, %add3A_1130 : i32
        %get3A_1132 = arith.index_cast %add3A_1131 : i32 to index
        %get3A_1133 = arith.constant 80 : index
        %get3A_1134 = tpu.vector_load %arg9[%get3A_1132, %get3A_1133] {strides = array<i32>} : memref<128x128xf32, #tpu.memory_space<vmem>>, vector<1x16xf32>,
        %get3A_1135 = vector.shape_cast %get3A_1134 : vector<1x16xf32> to vector<16xf32>
        %max3A_1136 = arith.maximumf %max3A_1125, %get3A_1135 : vector<16xf32>
        %min3A_1137 = arith.minimumf %min3A_1126, %get3A_1135 : vector<16xf32>
        %add3A_1138 = arith.addf %add3A_1127, %get3A_1135 : vector<16xf32>
        %mul3A_1139 = arith.mulf %get3A_1135, %get3A_1135 : vector<16xf32>
        %add3A_1140 = arith.addf %add3A_1129, %mul3A_1139 : vector<16xf32>
        %add3A_1141 = arith.constant 13 : i32
        %add3A_1142 = arith.addi %mul3A_57, %add3A_1141 : i32
        %get3A_1143 = arith.index_cast %add3A_1142 : i32 to index
        %get3A_1144 = arith.constant 80 : index
        %get3A_1145 = tpu.vector_load %arg9[%get3A_1143, %get3A_1144] {strides = array<i32>} : memref<128x128xf32, #tpu.memory_space<vmem>>, vector<1x16xf32>,
        %get3A_1146 = vector.shape_cast %get3A_1145 : vector<1x16xf32> to vector<16xf32>
        %max3A_1147 = arith.maximumf %max3A_1136, %get3A_1146 : vector<16xf32>
        %min3A_1148 = arith.minimumf %min3A_1137, %get3A_1146 : vector<16xf32>
        %add3A_1149 = arith.addf %add3A_1138, %get3A_1146 : vector<16xf32>
        %mul3A_1150 = arith.mulf %get3A_1146, %get3A_1146 : vector<16xf32>
        %add3A_1151 = arith.addf %add3A_1140, %mul3A_1150 : vector<16xf32>
        %add3A_1152 = arith.constant 14 : i32
        %add3A_1153 = arith.addi %mul3A_57, %add3A_1152 : i32
        %get3A_1154 = arith.index_cast %add3A_1153 : i32 to index
        %get3A_1155 = arith.constant 80 : index
        %get3A_1156 = tpu.vector_load %arg9[%get3A_1154, %get3A_1155] {strides = array<i32>} : memref<128x128xf32, #tpu.memory_space<vmem>>, vector<1x16xf32>,
        %get3A_1157 = vector.shape_cast %get3A_1156 : vector<1x16xf32> to vector<16xf32>
        %max3A_1158 = arith.maximumf %max3A_1147, %get3A_1157 : vector<16xf32>
        %min3A_1159 = arith.minimumf %min3A_1148, %get3A_1157 : vector<16xf32>
        %add3A_1160 = arith.addf %add3A_1149, %get3A_1157 : vector<16xf32>
        %mul3A_1161 = arith.mulf %get3A_1157, %get3A_1157 : vector<16xf32>
        %add3A_1162 = arith.addf %add3A_1151, %mul3A_1161 : vector<16xf32>
        %add3A_1163 = arith.constant 15 : i32
        %add3A_1164 = arith.addi %mul3A_57, %add3A_1163 : i32
        %get3A_1165 = arith.index_cast %add3A_1164 : i32 to index
        %get3A_1166 = arith.constant 80 : index
        %get3A_1167 = tpu.vector_load %arg9[%get3A_1165, %get3A_1166] {strides = array<i32>} : memref<128x128xf32, #tpu.memory_space<vmem>>, vector<1x16xf32>,
        %get3A_1168 = vector.shape_cast %get3A_1167 : vector<1x16xf32> to vector<16xf32>
        %max3A_1169 = arith.maximumf %max3A_1158, %get3A_1168 : vector<16xf32>
        %min3A_1170 = arith.minimumf %min3A_1159, %get3A_1168 : vector<16xf32>
        %add3A_1171 = arith.addf %add3A_1160, %get3A_1168 : vector<16xf32>
        %mul3A_1172 = arith.mulf %get3A_1168, %get3A_1168 : vector<16xf32>
        %add3A_1173 = arith.addf %add3A_1162, %mul3A_1172 : vector<16xf32>
        %swap3A_1174 = arith.index_cast %scan3A_55 : i32 to index
        %swap3A_1175 = arith.constant 80 : index
        %swap3A_1176 = tpu.vector_load %arg12[%swap3A_1174, %swap3A_1175] {strides = array<i32>} : memref<8x128xf32, #tpu.memory_space<vmem>>, vector<1x16xf32>,
        %swap3A_1177 = vector.shape_cast %swap3A_1176 : vector<1x16xf32> to vector<16xf32>
        %swap3A_1178 = vector.shape_cast %max3A_1169 : vector<16xf32> to vector<1x16xf32>
        tpu.vector_store %arg12[%swap3A_1174, %swap3A_1175], %swap3A_1178 {strides = array<i32>} : memref<8x128xf32, #tpu.memory_space<vmem>>, vector<1x16xf32>,
        %swap3A_1179 = arith.index_cast %scan3A_55 : i32 to index
        %swap3A_1180 = arith.constant 80 : index
        %swap3A_1181 = tpu.vector_load %arg13[%swap3A_1179, %swap3A_1180] {strides = array<i32>} : memref<8x128xf32, #tpu.memory_space<vmem>>, vector<1x16xf32>,
        %swap3A_1182 = vector.shape_cast %swap3A_1181 : vector<1x16xf32> to vector<16xf32>
        %swap3A_1183 = vector.shape_cast %min3A_1170 : vector<16xf32> to vector<1x16xf32>
        tpu.vector_store %arg13[%swap3A_1179, %swap3A_1180], %swap3A_1183 {strides = array<i32>} : memref<8x128xf32, #tpu.memory_space<vmem>>, vector<1x16xf32>,
        %swap3A_1184 = arith.index_cast %scan3A_55 : i32 to index
        %swap3A_1185 = arith.constant 80 : index
        %swap3A_1186 = tpu.vector_load %arg14[%swap3A_1184, %swap3A_1185] {strides = array<i32>} : memref<8x128xf32, #tpu.memory_space<vmem>>, vector<1x16xf32>,
        %swap3A_1187 = vector.shape_cast %swap3A_1186 : vector<1x16xf32> to vector<16xf32>
        %swap3A_1188 = vector.shape_cast %add3A_1171 : vector<16xf32> to vector<1x16xf32>
        tpu.vector_store %arg14[%swap3A_1184, %swap3A_1185], %swap3A_1188 {strides = array<i32>} : memref<8x128xf32, #tpu.memory_space<vmem>>, vector<1x16xf32>,
        %swap3A_1189 = arith.index_cast %scan3A_55 : i32 to index
        %swap3A_1190 = arith.constant 80 : index
        %swap3A_1191 = tpu.vector_load %arg15[%swap3A_1189, %swap3A_1190] {strides = array<i32>} : memref<8x128xf32, #tpu.memory_space<vmem>>, vector<1x16xf32>,
        %swap3A_1192 = vector.shape_cast %swap3A_1191 : vector<1x16xf32> to vector<16xf32>
        %swap3A_1193 = vector.shape_cast %add3A_1173 : vector<16xf32> to vector<1x16xf32>
        tpu.vector_store %arg15[%swap3A_1189, %swap3A_1190], %swap3A_1193 {strides = array<i32>} : memref<8x128xf32, #tpu.memory_space<vmem>>, vector<1x16xf32>,
        %get3A_1194 = arith.index_cast %mul3A_57 : i32 to index
        %get3A_1195 = arith.constant 96 : index
        %get3A_1196 = tpu.vector_load %arg9[%get3A_1194, %get3A_1195] {strides = array<i32>} : memref<128x128xf32, #tpu.memory_space<vmem>>, vector<1x16xf32>,
        %get3A_1197 = vector.shape_cast %get3A_1196 : vector<1x16xf32> to vector<16xf32>
        %mul3A_1198 = arith.mulf %get3A_1197, %get3A_1197 : vector<16xf32>
        %add3A_1199 = arith.constant 1 : i32
        %add3A_1200 = arith.addi %mul3A_57, %add3A_1199 : i32
        %get3A_1201 = arith.index_cast %add3A_1200 : i32 to index
        %get3A_1202 = arith.constant 96 : index
        %get3A_1203 = tpu.vector_load %arg9[%get3A_1201, %get3A_1202] {strides = array<i32>} : memref<128x128xf32, #tpu.memory_space<vmem>>, vector<1x16xf32>,
        %get3A_1204 = vector.shape_cast %get3A_1203 : vector<1x16xf32> to vector<16xf32>
        %max3A_1205 = arith.maximumf %get3A_1197, %get3A_1204 : vector<16xf32>
        %min3A_1206 = arith.minimumf %get3A_1197, %get3A_1204 : vector<16xf32>
        %add3A_1207 = arith.addf %get3A_1197, %get3A_1204 : vector<16xf32>
        %mul3A_1208 = arith.mulf %get3A_1204, %get3A_1204 : vector<16xf32>
        %add3A_1209 = arith.addf %mul3A_1198, %mul3A_1208 : vector<16xf32>
        %add3A_1210 = arith.constant 2 : i32
        %add3A_1211 = arith.addi %mul3A_57, %add3A_1210 : i32
        %get3A_1212 = arith.index_cast %add3A_1211 : i32 to index
        %get3A_1213 = arith.constant 96 : index
        %get3A_1214 = tpu.vector_load %arg9[%get3A_1212, %get3A_1213] {strides = array<i32>} : memref<128x128xf32, #tpu.memory_space<vmem>>, vector<1x16xf32>,
        %get3A_1215 = vector.shape_cast %get3A_1214 : vector<1x16xf32> to vector<16xf32>
        %max3A_1216 = arith.maximumf %max3A_1205, %get3A_1215 : vector<16xf32>
        %min3A_1217 = arith.minimumf %min3A_1206, %get3A_1215 : vector<16xf32>
        %add3A_1218 = arith.addf %add3A_1207, %get3A_1215 : vector<16xf32>
        %mul3A_1219 = arith.mulf %get3A_1215, %get3A_1215 : vector<16xf32>
        %add3A_1220 = arith.addf %add3A_1209, %mul3A_1219 : vector<16xf32>
        %add3A_1221 = arith.constant 3 : i32
        %add3A_1222 = arith.addi %mul3A_57, %add3A_1221 : i32
        %get3A_1223 = arith.index_cast %add3A_1222 : i32 to index
        %get3A_1224 = arith.constant 96 : index
        %get3A_1225 = tpu.vector_load %arg9[%get3A_1223, %get3A_1224] {strides = array<i32>} : memref<128x128xf32, #tpu.memory_space<vmem>>, vector<1x16xf32>,
        %get3A_1226 = vector.shape_cast %get3A_1225 : vector<1x16xf32> to vector<16xf32>
        %max3A_1227 = arith.maximumf %max3A_1216, %get3A_1226 : vector<16xf32>
        %min3A_1228 = arith.minimumf %min3A_1217, %get3A_1226 : vector<16xf32>
        %add3A_1229 = arith.addf %add3A_1218, %get3A_1226 : vector<16xf32>
        %mul3A_1230 = arith.mulf %get3A_1226, %get3A_1226 : vector<16xf32>
        %add3A_1231 = arith.addf %add3A_1220, %mul3A_1230 : vector<16xf32>
        %add3A_1232 = arith.constant 4 : i32
        %add3A_1233 = arith.addi %mul3A_57, %add3A_1232 : i32
        %get3A_1234 = arith.index_cast %add3A_1233 : i32 to index
        %get3A_1235 = arith.constant 96 : index
        %get3A_1236 = tpu.vector_load %arg9[%get3A_1234, %get3A_1235] {strides = array<i32>} : memref<128x128xf32, #tpu.memory_space<vmem>>, vector<1x16xf32>,
        %get3A_1237 = vector.shape_cast %get3A_1236 : vector<1x16xf32> to vector<16xf32>
        %max3A_1238 = arith.maximumf %max3A_1227, %get3A_1237 : vector<16xf32>
        %min3A_1239 = arith.minimumf %min3A_1228, %get3A_1237 : vector<16xf32>
        %add3A_1240 = arith.addf %add3A_1229, %get3A_1237 : vector<16xf32>
        %mul3A_1241 = arith.mulf %get3A_1237, %get3A_1237 : vector<16xf32>
        %add3A_1242 = arith.addf %add3A_1231, %mul3A_1241 : vector<16xf32>
        %add3A_1243 = arith.constant 5 : i32
        %add3A_1244 = arith.addi %mul3A_57, %add3A_1243 : i32
        %get3A_1245 = arith.index_cast %add3A_1244 : i32 to index
        %get3A_1246 = arith.constant 96 : index
        %get3A_1247 = tpu.vector_load %arg9[%get3A_1245, %get3A_1246] {strides = array<i32>} : memref<128x128xf32, #tpu.memory_space<vmem>>, vector<1x16xf32>,
        %get3A_1248 = vector.shape_cast %get3A_1247 : vector<1x16xf32> to vector<16xf32>
        %max3A_1249 = arith.maximumf %max3A_1238, %get3A_1248 : vector<16xf32>
        %min3A_1250 = arith.minimumf %min3A_1239, %get3A_1248 : vector<16xf32>
        %add3A_1251 = arith.addf %add3A_1240, %get3A_1248 : vector<16xf32>
        %mul3A_1252 = arith.mulf %get3A_1248, %get3A_1248 : vector<16xf32>
        %add3A_1253 = arith.addf %add3A_1242, %mul3A_1252 : vector<16xf32>
        %add3A_1254 = arith.constant 6 : i32
        %add3A_1255 = arith.addi %mul3A_57, %add3A_1254 : i32
        %get3A_1256 = arith.index_cast %add3A_1255 : i32 to index
        %get3A_1257 = arith.constant 96 : index
        %get3A_1258 = tpu.vector_load %arg9[%get3A_1256, %get3A_1257] {strides = array<i32>} : memref<128x128xf32, #tpu.memory_space<vmem>>, vector<1x16xf32>,
        %get3A_1259 = vector.shape_cast %get3A_1258 : vector<1x16xf32> to vector<16xf32>
        %max3A_1260 = arith.maximumf %max3A_1249, %get3A_1259 : vector<16xf32>
        %min3A_1261 = arith.minimumf %min3A_1250, %get3A_1259 : vector<16xf32>
        %add3A_1262 = arith.addf %add3A_1251, %get3A_1259 : vector<16xf32>
        %mul3A_1263 = arith.mulf %get3A_1259, %get3A_1259 : vector<16xf32>
        %add3A_1264 = arith.addf %add3A_1253, %mul3A_1263 : vector<16xf32>
        %add3A_1265 = arith.constant 7 : i32
        %add3A_1266 = arith.addi %mul3A_57, %add3A_1265 : i32
        %get3A_1267 = arith.index_cast %add3A_1266 : i32 to index
        %get3A_1268 = arith.constant 96 : index
        %get3A_1269 = tpu.vector_load %arg9[%get3A_1267, %get3A_1268] {strides = array<i32>} : memref<128x128xf32, #tpu.memory_space<vmem>>, vector<1x16xf32>,
        %get3A_1270 = vector.shape_cast %get3A_1269 : vector<1x16xf32> to vector<16xf32>
        %max3A_1271 = arith.maximumf %max3A_1260, %get3A_1270 : vector<16xf32>
        %min3A_1272 = arith.minimumf %min3A_1261, %get3A_1270 : vector<16xf32>
        %add3A_1273 = arith.addf %add3A_1262, %get3A_1270 : vector<16xf32>
        %mul3A_1274 = arith.mulf %get3A_1270, %get3A_1270 : vector<16xf32>
        %add3A_1275 = arith.addf %add3A_1264, %mul3A_1274 : vector<16xf32>
        %add3A_1276 = arith.constant 8 : i32
        %add3A_1277 = arith.addi %mul3A_57, %add3A_1276 : i32
        %get3A_1278 = arith.index_cast %add3A_1277 : i32 to index
        %get3A_1279 = arith.constant 96 : index
        %get3A_1280 = tpu.vector_load %arg9[%get3A_1278, %get3A_1279] {strides = array<i32>} : memref<128x128xf32, #tpu.memory_space<vmem>>, vector<1x16xf32>,
        %get3A_1281 = vector.shape_cast %get3A_1280 : vector<1x16xf32> to vector<16xf32>
        %max3A_1282 = arith.maximumf %max3A_1271, %get3A_1281 : vector<16xf32>
        %min3A_1283 = arith.minimumf %min3A_1272, %get3A_1281 : vector<16xf32>
        %add3A_1284 = arith.addf %add3A_1273, %get3A_1281 : vector<16xf32>
        %mul3A_1285 = arith.mulf %get3A_1281, %get3A_1281 : vector<16xf32>
        %add3A_1286 = arith.addf %add3A_1275, %mul3A_1285 : vector<16xf32>
        %add3A_1287 = arith.constant 9 : i32
        %add3A_1288 = arith.addi %mul3A_57, %add3A_1287 : i32
        %get3A_1289 = arith.index_cast %add3A_1288 : i32 to index
        %get3A_1290 = arith.constant 96 : index
        %get3A_1291 = tpu.vector_load %arg9[%get3A_1289, %get3A_1290] {strides = array<i32>} : memref<128x128xf32, #tpu.memory_space<vmem>>, vector<1x16xf32>,
        %get3A_1292 = vector.shape_cast %get3A_1291 : vector<1x16xf32> to vector<16xf32>
        %max3A_1293 = arith.maximumf %max3A_1282, %get3A_1292 : vector<16xf32>
        %min3A_1294 = arith.minimumf %min3A_1283, %get3A_1292 : vector<16xf32>
        %add3A_1295 = arith.addf %add3A_1284, %get3A_1292 : vector<16xf32>
        %mul3A_1296 = arith.mulf %get3A_1292, %get3A_1292 : vector<16xf32>
        %add3A_1297 = arith.addf %add3A_1286, %mul3A_1296 : vector<16xf32>
        %add3A_1298 = arith.constant 10 : i32
        %add3A_1299 = arith.addi %mul3A_57, %add3A_1298 : i32
        %get3A_1300 = arith.index_cast %add3A_1299 : i32 to index
        %get3A_1301 = arith.constant 96 : index
        %get3A_1302 = tpu.vector_load %arg9[%get3A_1300, %get3A_1301] {strides = array<i32>} : memref<128x128xf32, #tpu.memory_space<vmem>>, vector<1x16xf32>,
        %get3A_1303 = vector.shape_cast %get3A_1302 : vector<1x16xf32> to vector<16xf32>
        %max3A_1304 = arith.maximumf %max3A_1293, %get3A_1303 : vector<16xf32>
        %min3A_1305 = arith.minimumf %min3A_1294, %get3A_1303 : vector<16xf32>
        %add3A_1306 = arith.addf %add3A_1295, %get3A_1303 : vector<16xf32>
        %mul3A_1307 = arith.mulf %get3A_1303, %get3A_1303 : vector<16xf32>
        %add3A_1308 = arith.addf %add3A_1297, %mul3A_1307 : vector<16xf32>
        %add3A_1309 = arith.constant 11 : i32
        %add3A_1310 = arith.addi %mul3A_57, %add3A_1309 : i32
        %get3A_1311 = arith.index_cast %add3A_1310 : i32 to index
        %get3A_1312 = arith.constant 96 : index
        %get3A_1313 = tpu.vector_load %arg9[%get3A_1311, %get3A_1312] {strides = array<i32>} : memref<128x128xf32, #tpu.memory_space<vmem>>, vector<1x16xf32>,
        %get3A_1314 = vector.shape_cast %get3A_1313 : vector<1x16xf32> to vector<16xf32>
        %max3A_1315 = arith.maximumf %max3A_1304, %get3A_1314 : vector<16xf32>
        %min3A_1316 = arith.minimumf %min3A_1305, %get3A_1314 : vector<16xf32>
        %add3A_1317 = arith.addf %add3A_1306, %get3A_1314 : vector<16xf32>
        %mul3A_1318 = arith.mulf %get3A_1314, %get3A_1314 : vector<16xf32>
        %add3A_1319 = arith.addf %add3A_1308, %mul3A_1318 : vector<16xf32>
        %add3A_1320 = arith.constant 12 : i32
        %add3A_1321 = arith.addi %mul3A_57, %add3A_1320 : i32
        %get3A_1322 = arith.index_cast %add3A_1321 : i32 to index
        %get3A_1323 = arith.constant 96 : index
        %get3A_1324 = tpu.vector_load %arg9[%get3A_1322, %get3A_1323] {strides = array<i32>} : memref<128x128xf32, #tpu.memory_space<vmem>>, vector<1x16xf32>,
        %get3A_1325 = vector.shape_cast %get3A_1324 : vector<1x16xf32> to vector<16xf32>
        %max3A_1326 = arith.maximumf %max3A_1315, %get3A_1325 : vector<16xf32>
        %min3A_1327 = arith.minimumf %min3A_1316, %get3A_1325 : vector<16xf32>
        %add3A_1328 = arith.addf %add3A_1317, %get3A_1325 : vector<16xf32>
        %mul3A_1329 = arith.mulf %get3A_1325, %get3A_1325 : vector<16xf32>
        %add3A_1330 = arith.addf %add3A_1319, %mul3A_1329 : vector<16xf32>
        %add3A_1331 = arith.constant 13 : i32
        %add3A_1332 = arith.addi %mul3A_57, %add3A_1331 : i32
        %get3A_1333 = arith.index_cast %add3A_1332 : i32 to index
        %get3A_1334 = arith.constant 96 : index
        %get3A_1335 = tpu.vector_load %arg9[%get3A_1333, %get3A_1334] {strides = array<i32>} : memref<128x128xf32, #tpu.memory_space<vmem>>, vector<1x16xf32>,
        %get3A_1336 = vector.shape_cast %get3A_1335 : vector<1x16xf32> to vector<16xf32>
        %max3A_1337 = arith.maximumf %max3A_1326, %get3A_1336 : vector<16xf32>
        %min3A_1338 = arith.minimumf %min3A_1327, %get3A_1336 : vector<16xf32>
        %add3A_1339 = arith.addf %add3A_1328, %get3A_1336 : vector<16xf32>
        %mul3A_1340 = arith.mulf %get3A_1336, %get3A_1336 : vector<16xf32>
        %add3A_1341 = arith.addf %add3A_1330, %mul3A_1340 : vector<16xf32>
        %add3A_1342 = arith.constant 14 : i32
        %add3A_1343 = arith.addi %mul3A_57, %add3A_1342 : i32
        %get3A_1344 = arith.index_cast %add3A_1343 : i32 to index
        %get3A_1345 = arith.constant 96 : index
        %get3A_1346 = tpu.vector_load %arg9[%get3A_1344, %get3A_1345] {strides = array<i32>} : memref<128x128xf32, #tpu.memory_space<vmem>>, vector<1x16xf32>,
        %get3A_1347 = vector.shape_cast %get3A_1346 : vector<1x16xf32> to vector<16xf32>
        %max3A_1348 = arith.maximumf %max3A_1337, %get3A_1347 : vector<16xf32>
        %min3A_1349 = arith.minimumf %min3A_1338, %get3A_1347 : vector<16xf32>
        %add3A_1350 = arith.addf %add3A_1339, %get3A_1347 : vector<16xf32>
        %mul3A_1351 = arith.mulf %get3A_1347, %get3A_1347 : vector<16xf32>
        %add3A_1352 = arith.addf %add3A_1341, %mul3A_1351 : vector<16xf32>
        %add3A_1353 = arith.constant 15 : i32
        %add3A_1354 = arith.addi %mul3A_57, %add3A_1353 : i32
        %get3A_1355 = arith.index_cast %add3A_1354 : i32 to index
        %get3A_1356 = arith.constant 96 : index
        %get3A_1357 = tpu.vector_load %arg9[%get3A_1355, %get3A_1356] {strides = array<i32>} : memref<128x128xf32, #tpu.memory_space<vmem>>, vector<1x16xf32>,
        %get3A_1358 = vector.shape_cast %get3A_1357 : vector<1x16xf32> to vector<16xf32>
        %max3A_1359 = arith.maximumf %max3A_1348, %get3A_1358 : vector<16xf32>
        %min3A_1360 = arith.minimumf %min3A_1349, %get3A_1358 : vector<16xf32>
        %add3A_1361 = arith.addf %add3A_1350, %get3A_1358 : vector<16xf32>
        %mul3A_1362 = arith.mulf %get3A_1358, %get3A_1358 : vector<16xf32>
        %add3A_1363 = arith.addf %add3A_1352, %mul3A_1362 : vector<16xf32>
        %swap3A_1364 = arith.index_cast %scan3A_55 : i32 to index
        %swap3A_1365 = arith.constant 96 : index
        %swap3A_1366 = tpu.vector_load %arg12[%swap3A_1364, %swap3A_1365] {strides = array<i32>} : memref<8x128xf32, #tpu.memory_space<vmem>>, vector<1x16xf32>,
        %swap3A_1367 = vector.shape_cast %swap3A_1366 : vector<1x16xf32> to vector<16xf32>
        %swap3A_1368 = vector.shape_cast %max3A_1359 : vector<16xf32> to vector<1x16xf32>
        tpu.vector_store %arg12[%swap3A_1364, %swap3A_1365], %swap3A_1368 {strides = array<i32>} : memref<8x128xf32, #tpu.memory_space<vmem>>, vector<1x16xf32>,
        %swap3A_1369 = arith.index_cast %scan3A_55 : i32 to index
        %swap3A_1370 = arith.constant 96 : index
        %swap3A_1371 = tpu.vector_load %arg13[%swap3A_1369, %swap3A_1370] {strides = array<i32>} : memref<8x128xf32, #tpu.memory_space<vmem>>, vector<1x16xf32>,
        %swap3A_1372 = vector.shape_cast %swap3A_1371 : vector<1x16xf32> to vector<16xf32>
        %swap3A_1373 = vector.shape_cast %min3A_1360 : vector<16xf32> to vector<1x16xf32>
        tpu.vector_store %arg13[%swap3A_1369, %swap3A_1370], %swap3A_1373 {strides = array<i32>} : memref<8x128xf32, #tpu.memory_space<vmem>>, vector<1x16xf32>,
        %swap3A_1374 = arith.index_cast %scan3A_55 : i32 to index
        %swap3A_1375 = arith.constant 96 : index
        %swap3A_1376 = tpu.vector_load %arg14[%swap3A_1374, %swap3A_1375] {strides = array<i32>} : memref<8x128xf32, #tpu.memory_space<vmem>>, vector<1x16xf32>,
        %swap3A_1377 = vector.shape_cast %swap3A_1376 : vector<1x16xf32> to vector<16xf32>
        %swap3A_1378 = vector.shape_cast %add3A_1361 : vector<16xf32> to vector<1x16xf32>
        tpu.vector_store %arg14[%swap3A_1374, %swap3A_1375], %swap3A_1378 {strides = array<i32>} : memref<8x128xf32, #tpu.memory_space<vmem>>, vector<1x16xf32>,
        %swap3A_1379 = arith.index_cast %scan3A_55 : i32 to index
        %swap3A_1380 = arith.constant 96 : index
        %swap3A_1381 = tpu.vector_load %arg15[%swap3A_1379, %swap3A_1380] {strides = array<i32>} : memref<8x128xf32, #tpu.memory_space<vmem>>, vector<1x16xf32>,
        %swap3A_1382 = vector.shape_cast %swap3A_1381 : vector<1x16xf32> to vector<16xf32>
        %swap3A_1383 = vector.shape_cast %add3A_1363 : vector<16xf32> to vector<1x16xf32>
        tpu.vector_store %arg15[%swap3A_1379, %swap3A_1380], %swap3A_1383 {strides = array<i32>} : memref<8x128xf32, #tpu.memory_space<vmem>>, vector<1x16xf32>,
        %get3A_1384 = arith.index_cast %mul3A_57 : i32 to index
        %get3A_1385 = arith.constant 112 : index
        %get3A_1386 = tpu.vector_load %arg9[%get3A_1384, %get3A_1385] {strides = array<i32>} : memref<128x128xf32, #tpu.memory_space<vmem>>, vector<1x16xf32>,
        %get3A_1387 = vector.shape_cast %get3A_1386 : vector<1x16xf32> to vector<16xf32>
        %mul3A_1388 = arith.mulf %get3A_1387, %get3A_1387 : vector<16xf32>
        %add3A_1389 = arith.constant 1 : i32
        %add3A_1390 = arith.addi %mul3A_57, %add3A_1389 : i32
        %get3A_1391 = arith.index_cast %add3A_1390 : i32 to index
        %get3A_1392 = arith.constant 112 : index
        %get3A_1393 = tpu.vector_load %arg9[%get3A_1391, %get3A_1392] {strides = array<i32>} : memref<128x128xf32, #tpu.memory_space<vmem>>, vector<1x16xf32>,
        %get3A_1394 = vector.shape_cast %get3A_1393 : vector<1x16xf32> to vector<16xf32>
        %max3A_1395 = arith.maximumf %get3A_1387, %get3A_1394 : vector<16xf32>
        %min3A_1396 = arith.minimumf %get3A_1387, %get3A_1394 : vector<16xf32>
        %add3A_1397 = arith.addf %get3A_1387, %get3A_1394 : vector<16xf32>
        %mul3A_1398 = arith.mulf %get3A_1394, %get3A_1394 : vector<16xf32>
        %add3A_1399 = arith.addf %mul3A_1388, %mul3A_1398 : vector<16xf32>
        %add3A_1400 = arith.constant 2 : i32
        %add3A_1401 = arith.addi %mul3A_57, %add3A_1400 : i32
        %get3A_1402 = arith.index_cast %add3A_1401 : i32 to index
        %get3A_1403 = arith.constant 112 : index
        %get3A_1404 = tpu.vector_load %arg9[%get3A_1402, %get3A_1403] {strides = array<i32>} : memref<128x128xf32, #tpu.memory_space<vmem>>, vector<1x16xf32>,
        %get3A_1405 = vector.shape_cast %get3A_1404 : vector<1x16xf32> to vector<16xf32>
        %max3A_1406 = arith.maximumf %max3A_1395, %get3A_1405 : vector<16xf32>
        %min3A_1407 = arith.minimumf %min3A_1396, %get3A_1405 : vector<16xf32>
        %add3A_1408 = arith.addf %add3A_1397, %get3A_1405 : vector<16xf32>
        %mul3A_1409 = arith.mulf %get3A_1405, %get3A_1405 : vector<16xf32>
        %add3A_1410 = arith.addf %add3A_1399, %mul3A_1409 : vector<16xf32>
        %add3A_1411 = arith.constant 3 : i32
        %add3A_1412 = arith.addi %mul3A_57, %add3A_1411 : i32
        %get3A_1413 = arith.index_cast %add3A_1412 : i32 to index
        %get3A_1414 = arith.constant 112 : index
        %get3A_1415 = tpu.vector_load %arg9[%get3A_1413, %get3A_1414] {strides = array<i32>} : memref<128x128xf32, #tpu.memory_space<vmem>>, vector<1x16xf32>,
        %get3A_1416 = vector.shape_cast %get3A_1415 : vector<1x16xf32> to vector<16xf32>
        %max3A_1417 = arith.maximumf %max3A_1406, %get3A_1416 : vector<16xf32>
        %min3A_1418 = arith.minimumf %min3A_1407, %get3A_1416 : vector<16xf32>
        %add3A_1419 = arith.addf %add3A_1408, %get3A_1416 : vector<16xf32>
        %mul3A_1420 = arith.mulf %get3A_1416, %get3A_1416 : vector<16xf32>
        %add3A_1421 = arith.addf %add3A_1410, %mul3A_1420 : vector<16xf32>
        %add3A_1422 = arith.constant 4 : i32
        %add3A_1423 = arith.addi %mul3A_57, %add3A_1422 : i32
        %get3A_1424 = arith.index_cast %add3A_1423 : i32 to index
        %get3A_1425 = arith.constant 112 : index
        %get3A_1426 = tpu.vector_load %arg9[%get3A_1424, %get3A_1425] {strides = array<i32>} : memref<128x128xf32, #tpu.memory_space<vmem>>, vector<1x16xf32>,
        %get3A_1427 = vector.shape_cast %get3A_1426 : vector<1x16xf32> to vector<16xf32>
        %max3A_1428 = arith.maximumf %max3A_1417, %get3A_1427 : vector<16xf32>
        %min3A_1429 = arith.minimumf %min3A_1418, %get3A_1427 : vector<16xf32>
        %add3A_1430 = arith.addf %add3A_1419, %get3A_1427 : vector<16xf32>
        %mul3A_1431 = arith.mulf %get3A_1427, %get3A_1427 : vector<16xf32>
        %add3A_1432 = arith.addf %add3A_1421, %mul3A_1431 : vector<16xf32>
        %add3A_1433 = arith.constant 5 : i32
        %add3A_1434 = arith.addi %mul3A_57, %add3A_1433 : i32
        %get3A_1435 = arith.index_cast %add3A_1434 : i32 to index
        %get3A_1436 = arith.constant 112 : index
        %get3A_1437 = tpu.vector_load %arg9[%get3A_1435, %get3A_1436] {strides = array<i32>} : memref<128x128xf32, #tpu.memory_space<vmem>>, vector<1x16xf32>,
        %get3A_1438 = vector.shape_cast %get3A_1437 : vector<1x16xf32> to vector<16xf32>
        %max3A_1439 = arith.maximumf %max3A_1428, %get3A_1438 : vector<16xf32>
        %min3A_1440 = arith.minimumf %min3A_1429, %get3A_1438 : vector<16xf32>
        %add3A_1441 = arith.addf %add3A_1430, %get3A_1438 : vector<16xf32>
        %mul3A_1442 = arith.mulf %get3A_1438, %get3A_1438 : vector<16xf32>
        %add3A_1443 = arith.addf %add3A_1432, %mul3A_1442 : vector<16xf32>
        %add3A_1444 = arith.constant 6 : i32
        %add3A_1445 = arith.addi %mul3A_57, %add3A_1444 : i32
        %get3A_1446 = arith.index_cast %add3A_1445 : i32 to index
        %get3A_1447 = arith.constant 112 : index
        %get3A_1448 = tpu.vector_load %arg9[%get3A_1446, %get3A_1447] {strides = array<i32>} : memref<128x128xf32, #tpu.memory_space<vmem>>, vector<1x16xf32>,
        %get3A_1449 = vector.shape_cast %get3A_1448 : vector<1x16xf32> to vector<16xf32>
        %max3A_1450 = arith.maximumf %max3A_1439, %get3A_1449 : vector<16xf32>
        %min3A_1451 = arith.minimumf %min3A_1440, %get3A_1449 : vector<16xf32>
        %add3A_1452 = arith.addf %add3A_1441, %get3A_1449 : vector<16xf32>
        %mul3A_1453 = arith.mulf %get3A_1449, %get3A_1449 : vector<16xf32>
        %add3A_1454 = arith.addf %add3A_1443, %mul3A_1453 : vector<16xf32>
        %add3A_1455 = arith.constant 7 : i32
        %add3A_1456 = arith.addi %mul3A_57, %add3A_1455 : i32
        %get3A_1457 = arith.index_cast %add3A_1456 : i32 to index
        %get3A_1458 = arith.constant 112 : index
        %get3A_1459 = tpu.vector_load %arg9[%get3A_1457, %get3A_1458] {strides = array<i32>} : memref<128x128xf32, #tpu.memory_space<vmem>>, vector<1x16xf32>,
        %get3A_1460 = vector.shape_cast %get3A_1459 : vector<1x16xf32> to vector<16xf32>
        %max3A_1461 = arith.maximumf %max3A_1450, %get3A_1460 : vector<16xf32>
        %min3A_1462 = arith.minimumf %min3A_1451, %get3A_1460 : vector<16xf32>
        %add3A_1463 = arith.addf %add3A_1452, %get3A_1460 : vector<16xf32>
        %mul3A_1464 = arith.mulf %get3A_1460, %get3A_1460 : vector<16xf32>
        %add3A_1465 = arith.addf %add3A_1454, %mul3A_1464 : vector<16xf32>
        %add3A_1466 = arith.constant 8 : i32
        %add3A_1467 = arith.addi %mul3A_57, %add3A_1466 : i32
        %get3A_1468 = arith.index_cast %add3A_1467 : i32 to index
        %get3A_1469 = arith.constant 112 : index
        %get3A_1470 = tpu.vector_load %arg9[%get3A_1468, %get3A_1469] {strides = array<i32>} : memref<128x128xf32, #tpu.memory_space<vmem>>, vector<1x16xf32>,
        %get3A_1471 = vector.shape_cast %get3A_1470 : vector<1x16xf32> to vector<16xf32>
        %max3A_1472 = arith.maximumf %max3A_1461, %get3A_1471 : vector<16xf32>
        %min3A_1473 = arith.minimumf %min3A_1462, %get3A_1471 : vector<16xf32>
        %add3A_1474 = arith.addf %add3A_1463, %get3A_1471 : vector<16xf32>
        %mul3A_1475 = arith.mulf %get3A_1471, %get3A_1471 : vector<16xf32>
        %add3A_1476 = arith.addf %add3A_1465, %mul3A_1475 : vector<16xf32>
        %add3A_1477 = arith.constant 9 : i32
        %add3A_1478 = arith.addi %mul3A_57, %add3A_1477 : i32
        %get3A_1479 = arith.index_cast %add3A_1478 : i32 to index
        %get3A_1480 = arith.constant 112 : index
        %get3A_1481 = tpu.vector_load %arg9[%get3A_1479, %get3A_1480] {strides = array<i32>} : memref<128x128xf32, #tpu.memory_space<vmem>>, vector<1x16xf32>,
        %get3A_1482 = vector.shape_cast %get3A_1481 : vector<1x16xf32> to vector<16xf32>
        %max3A_1483 = arith.maximumf %max3A_1472, %get3A_1482 : vector<16xf32>
        %min3A_1484 = arith.minimumf %min3A_1473, %get3A_1482 : vector<16xf32>
        %add3A_1485 = arith.addf %add3A_1474, %get3A_1482 : vector<16xf32>
        %mul3A_1486 = arith.mulf %get3A_1482, %get3A_1482 : vector<16xf32>
        %add3A_1487 = arith.addf %add3A_1476, %mul3A_1486 : vector<16xf32>
        %add3A_1488 = arith.constant 10 : i32
        %add3A_1489 = arith.addi %mul3A_57, %add3A_1488 : i32
        %get3A_1490 = arith.index_cast %add3A_1489 : i32 to index
        %get3A_1491 = arith.constant 112 : index
        %get3A_1492 = tpu.vector_load %arg9[%get3A_1490, %get3A_1491] {strides = array<i32>} : memref<128x128xf32, #tpu.memory_space<vmem>>, vector<1x16xf32>,
        %get3A_1493 = vector.shape_cast %get3A_1492 : vector<1x16xf32> to vector<16xf32>
        %max3A_1494 = arith.maximumf %max3A_1483, %get3A_1493 : vector<16xf32>
        %min3A_1495 = arith.minimumf %min3A_1484, %get3A_1493 : vector<16xf32>
        %add3A_1496 = arith.addf %add3A_1485, %get3A_1493 : vector<16xf32>
        %mul3A_1497 = arith.mulf %get3A_1493, %get3A_1493 : vector<16xf32>
        %add3A_1498 = arith.addf %add3A_1487, %mul3A_1497 : vector<16xf32>
        %add3A_1499 = arith.constant 11 : i32
        %add3A_1500 = arith.addi %mul3A_57, %add3A_1499 : i32
        %get3A_1501 = arith.index_cast %add3A_1500 : i32 to index
        %get3A_1502 = arith.constant 112 : index
        %get3A_1503 = tpu.vector_load %arg9[%get3A_1501, %get3A_1502] {strides = array<i32>} : memref<128x128xf32, #tpu.memory_space<vmem>>, vector<1x16xf32>,
        %get3A_1504 = vector.shape_cast %get3A_1503 : vector<1x16xf32> to vector<16xf32>
        %max3A_1505 = arith.maximumf %max3A_1494, %get3A_1504 : vector<16xf32>
        %min3A_1506 = arith.minimumf %min3A_1495, %get3A_1504 : vector<16xf32>
        %add3A_1507 = arith.addf %add3A_1496, %get3A_1504 : vector<16xf32>
        %mul3A_1508 = arith.mulf %get3A_1504, %get3A_1504 : vector<16xf32>
        %add3A_1509 = arith.addf %add3A_1498, %mul3A_1508 : vector<16xf32>
        %add3A_1510 = arith.constant 12 : i32
        %add3A_1511 = arith.addi %mul3A_57, %add3A_1510 : i32
        %get3A_1512 = arith.index_cast %add3A_1511 : i32 to index
        %get3A_1513 = arith.constant 112 : index
        %get3A_1514 = tpu.vector_load %arg9[%get3A_1512, %get3A_1513] {strides = array<i32>} : memref<128x128xf32, #tpu.memory_space<vmem>>, vector<1x16xf32>,
        %get3A_1515 = vector.shape_cast %get3A_1514 : vector<1x16xf32> to vector<16xf32>
        %max3A_1516 = arith.maximumf %max3A_1505, %get3A_1515 : vector<16xf32>
        %min3A_1517 = arith.minimumf %min3A_1506, %get3A_1515 : vector<16xf32>
        %add3A_1518 = arith.addf %add3A_1507, %get3A_1515 : vector<16xf32>
        %mul3A_1519 = arith.mulf %get3A_1515, %get3A_1515 : vector<16xf32>
        %add3A_1520 = arith.addf %add3A_1509, %mul3A_1519 : vector<16xf32>
        %add3A_1521 = arith.constant 13 : i32
        %add3A_1522 = arith.addi %mul3A_57, %add3A_1521 : i32
        %get3A_1523 = arith.index_cast %add3A_1522 : i32 to index
        %get3A_1524 = arith.constant 112 : index
        %get3A_1525 = tpu.vector_load %arg9[%get3A_1523, %get3A_1524] {strides = array<i32>} : memref<128x128xf32, #tpu.memory_space<vmem>>, vector<1x16xf32>,
        %get3A_1526 = vector.shape_cast %get3A_1525 : vector<1x16xf32> to vector<16xf32>
        %max3A_1527 = arith.maximumf %max3A_1516, %get3A_1526 : vector<16xf32>
        %min3A_1528 = arith.minimumf %min3A_1517, %get3A_1526 : vector<16xf32>
        %add3A_1529 = arith.addf %add3A_1518, %get3A_1526 : vector<16xf32>
        %mul3A_1530 = arith.mulf %get3A_1526, %get3A_1526 : vector<16xf32>
        %add3A_1531 = arith.addf %add3A_1520, %mul3A_1530 : vector<16xf32>
        %add3A_1532 = arith.constant 14 : i32
        %add3A_1533 = arith.addi %mul3A_57, %add3A_1532 : i32
        %get3A_1534 = arith.index_cast %add3A_1533 : i32 to index
        %get3A_1535 = arith.constant 112 : index
        %get3A_1536 = tpu.vector_load %arg9[%get3A_1534, %get3A_1535] {strides = array<i32>} : memref<128x128xf32, #tpu.memory_space<vmem>>, vector<1x16xf32>,
        %get3A_1537 = vector.shape_cast %get3A_1536 : vector<1x16xf32> to vector<16xf32>
        %max3A_1538 = arith.maximumf %max3A_1527, %get3A_1537 : vector<16xf32>
        %min3A_1539 = arith.minimumf %min3A_1528, %get3A_1537 : vector<16xf32>
        %add3A_1540 = arith.addf %add3A_1529, %get3A_1537 : vector<16xf32>
        %mul3A_1541 = arith.mulf %get3A_1537, %get3A_1537 : vector<16xf32>
        %add3A_1542 = arith.addf %add3A_1531, %mul3A_1541 : vector<16xf32>
        %add3A_1543 = arith.constant 15 : i32
        %add3A_1544 = arith.addi %mul3A_57, %add3A_1543 : i32
        %get3A_1545 = arith.index_cast %add3A_1544 : i32 to index
        %get3A_1546 = arith.constant 112 : index
        %get3A_1547 = tpu.vector_load %arg9[%get3A_1545, %get3A_1546] {strides = array<i32>} : memref<128x128xf32, #tpu.memory_space<vmem>>, vector<1x16xf32>,
        %get3A_1548 = vector.shape_cast %get3A_1547 : vector<1x16xf32> to vector<16xf32>
        %max3A_1549 = arith.maximumf %max3A_1538, %get3A_1548 : vector<16xf32>
        %min3A_1550 = arith.minimumf %min3A_1539, %get3A_1548 : vector<16xf32>
        %add3A_1551 = arith.addf %add3A_1540, %get3A_1548 : vector<16xf32>
        %mul3A_1552 = arith.mulf %get3A_1548, %get3A_1548 : vector<16xf32>
        %add3A_1553 = arith.addf %add3A_1542, %mul3A_1552 : vector<16xf32>
        %swap3A_1554 = arith.index_cast %scan3A_55 : i32 to index
        %swap3A_1555 = arith.constant 112 : index
        %swap3A_1556 = tpu.vector_load %arg12[%swap3A_1554, %swap3A_1555] {strides = array<i32>} : memref<8x128xf32, #tpu.memory_space<vmem>>, vector<1x16xf32>,
        %swap3A_1557 = vector.shape_cast %swap3A_1556 : vector<1x16xf32> to vector<16xf32>
        %swap3A_1558 = vector.shape_cast %max3A_1549 : vector<16xf32> to vector<1x16xf32>
        tpu.vector_store %arg12[%swap3A_1554, %swap3A_1555], %swap3A_1558 {strides = array<i32>} : memref<8x128xf32, #tpu.memory_space<vmem>>, vector<1x16xf32>,
        %swap3A_1559 = arith.index_cast %scan3A_55 : i32 to index
        %swap3A_1560 = arith.constant 112 : index
        %swap3A_1561 = tpu.vector_load %arg13[%swap3A_1559, %swap3A_1560] {strides = array<i32>} : memref<8x128xf32, #tpu.memory_space<vmem>>, vector<1x16xf32>,
        %swap3A_1562 = vector.shape_cast %swap3A_1561 : vector<1x16xf32> to vector<16xf32>
        %swap3A_1563 = vector.shape_cast %min3A_1550 : vector<16xf32> to vector<1x16xf32>
        tpu.vector_store %arg13[%swap3A_1559, %swap3A_1560], %swap3A_1563 {strides = array<i32>} : memref<8x128xf32, #tpu.memory_space<vmem>>, vector<1x16xf32>,
        %swap3A_1564 = arith.index_cast %scan3A_55 : i32 to index
        %swap3A_1565 = arith.constant 112 : index
        %swap3A_1566 = tpu.vector_load %arg14[%swap3A_1564, %swap3A_1565] {strides = array<i32>} : memref<8x128xf32, #tpu.memory_space<vmem>>, vector<1x16xf32>,
        %swap3A_1567 = vector.shape_cast %swap3A_1566 : vector<1x16xf32> to vector<16xf32>
        %swap3A_1568 = vector.shape_cast %add3A_1551 : vector<16xf32> to vector<1x16xf32>
        tpu.vector_store %arg14[%swap3A_1564, %swap3A_1565], %swap3A_1568 {strides = array<i32>} : memref<8x128xf32, #tpu.memory_space<vmem>>, vector<1x16xf32>,
        %swap3A_1569 = arith.index_cast %scan3A_55 : i32 to index
        %swap3A_1570 = arith.constant 112 : index
        %swap3A_1571 = tpu.vector_load %arg15[%swap3A_1569, %swap3A_1570] {strides = array<i32>} : memref<8x128xf32, #tpu.memory_space<vmem>>, vector<1x16xf32>,
        %swap3A_1572 = vector.shape_cast %swap3A_1571 : vector<1x16xf32> to vector<16xf32>
        %swap3A_1573 = vector.shape_cast %add3A_1553 : vector<16xf32> to vector<1x16xf32>
        tpu.vector_store %arg15[%swap3A_1569, %swap3A_1570], %swap3A_1573 {strides = array<i32>} : memref<8x128xf32, #tpu.memory_space<vmem>>, vector<1x16xf32>,
      }
      %scan3A_28 = arith.constant 8 : i32
      %mul3A_29 = arith.constant 8 : i32
      %mul3A_30 = arith.muli %mul3A_16, %mul3A_29 : i32
      %add3A_31 = arith.addi %mul3A_2, %mul3A_30 : i32
      "tpu.region"() ({
        %run_scoped3A = tpu.sem_alloc : memref<!tpu.dma_semaphore, #tpu.memory_space<semaphore_mem>>
        %dma_start3A_55 = arith.constant 0 : i32
        %dma_start3A_56 = tpu.memref_slice %arg4[%add3A_31, %dma_start3A_55] : memref<10240x128xf32, #tpu.memory_space<hbm>> -> memref<8x128xf32, #tpu.memory_space<hbm>>
        %dma_start3A_57 = arith.constant 0 : i32
        %dma_start3A_58 = tpu.memref_slice %arg4[%add3A_31, %dma_start3A_57] : memref<10240x128xf32, #tpu.memory_space<hbm>> -> memref<8x128xf32, #tpu.memory_space<hbm>>
        tpu.enqueue_dma source(%arg12 : memref<8x128xf32, #tpu.memory_space<vmem>>) target(%dma_start3A_58 : memref<8x128xf32, #tpu.memory_space<hbm>>) target_semaphore(%run_scoped3A : memref<!tpu.dma_semaphore, #tpu.memory_space<semaphore_mem>>)
        %dma_wait3A_59 = arith.constant 0 : i32
        %dma_wait3A_60 = tpu.memref_slice %arg4[%add3A_31, %dma_wait3A_59] : memref<10240x128xf32, #tpu.memory_space<hbm>> -> memref<8x128xf32, #tpu.memory_space<hbm>>
        %dma_wait3A_61 = arith.constant 0 : i32
        %dma_wait3A_62 = tpu.memref_slice %arg4[%add3A_31, %dma_wait3A_61] : memref<10240x128xf32, #tpu.memory_space<hbm>> -> memref<8x128xf32, #tpu.memory_space<hbm>>
        tpu.wait_dma2 semaphore(%run_scoped3A : memref<!tpu.dma_semaphore, #tpu.memory_space<semaphore_mem>>) src(%arg12 : memref<8x128xf32, #tpu.memory_space<vmem>>) dst(%dma_wait3A_62 : memref<8x128xf32, #tpu.memory_space<hbm>>)
        tpu.yield
      }) : () -> ()
      "tpu.region"() ({
        %run_scoped3A = tpu.sem_alloc : memref<!tpu.dma_semaphore, #tpu.memory_space<semaphore_mem>>
        %dma_start3A_55 = arith.constant 0 : i32
        %dma_start3A_56 = tpu.memref_slice %arg5[%add3A_31, %dma_start3A_55] : memref<10240x128xf32, #tpu.memory_space<hbm>> -> memref<8x128xf32, #tpu.memory_space<hbm>>
        %dma_start3A_57 = arith.constant 0 : i32
        %dma_start3A_58 = tpu.memref_slice %arg5[%add3A_31, %dma_start3A_57] : memref<10240x128xf32, #tpu.memory_space<hbm>> -> memref<8x128xf32, #tpu.memory_space<hbm>>
        tpu.enqueue_dma source(%arg13 : memref<8x128xf32, #tpu.memory_space<vmem>>) target(%dma_start3A_58 : memref<8x128xf32, #tpu.memory_space<hbm>>) target_semaphore(%run_scoped3A : memref<!tpu.dma_semaphore, #tpu.memory_space<semaphore_mem>>)
        %dma_wait3A_59 = arith.constant 0 : i32
        %dma_wait3A_60 = tpu.memref_slice %arg5[%add3A_31, %dma_wait3A_59] : memref<10240x128xf32, #tpu.memory_space<hbm>> -> memref<8x128xf32, #tpu.memory_space<hbm>>
        %dma_wait3A_61 = arith.constant 0 : i32
        %dma_wait3A_62 = tpu.memref_slice %arg5[%add3A_31, %dma_wait3A_61] : memref<10240x128xf32, #tpu.memory_space<hbm>> -> memref<8x128xf32, #tpu.memory_space<hbm>>
        tpu.wait_dma2 semaphore(%run_scoped3A : memref<!tpu.dma_semaphore, #tpu.memory_space<semaphore_mem>>) src(%arg13 : memref<8x128xf32, #tpu.memory_space<vmem>>) dst(%dma_wait3A_62 : memref<8x128xf32, #tpu.memory_space<hbm>>)
        tpu.yield
      }) : () -> ()
      "tpu.region"() ({
        %run_scoped3A = tpu.sem_alloc : memref<!tpu.dma_semaphore, #tpu.memory_space<semaphore_mem>>
        %dma_start3A_55 = arith.constant 0 : i32
        %dma_start3A_56 = tpu.memref_slice %arg6[%add3A_31, %dma_start3A_55] : memref<10240x128xf32, #tpu.memory_space<hbm>> -> memref<8x128xf32, #tpu.memory_space<hbm>>
        %dma_start3A_57 = arith.constant 0 : i32
        %dma_start3A_58 = tpu.memref_slice %arg6[%add3A_31, %dma_start3A_57] : memref<10240x128xf32, #tpu.memory_space<hbm>> -> memref<8x128xf32, #tpu.memory_space<hbm>>
        tpu.enqueue_dma source(%arg14 : memref<8x128xf32, #tpu.memory_space<vmem>>) target(%dma_start3A_58 : memref<8x128xf32, #tpu.memory_space<hbm>>) target_semaphore(%run_scoped3A : memref<!tpu.dma_semaphore, #tpu.memory_space<semaphore_mem>>)
        %dma_wait3A_59 = arith.constant 0 : i32
        %dma_wait3A_60 = tpu.memref_slice %arg6[%add3A_31, %dma_wait3A_59] : memref<10240x128xf32, #tpu.memory_space<hbm>> -> memref<8x128xf32, #tpu.memory_space<hbm>>
        %dma_wait3A_61 = arith.constant 0 : i32
        %dma_wait3A_62 = tpu.memref_slice %arg6[%add3A_31, %dma_wait3A_61] : memref<10240x128xf32, #tpu.memory_space<hbm>> -> memref<8x128xf32, #tpu.memory_space<hbm>>
        tpu.wait_dma2 semaphore(%run_scoped3A : memref<!tpu.dma_semaphore, #tpu.memory_space<semaphore_mem>>) src(%arg14 : memref<8x128xf32, #tpu.memory_space<vmem>>) dst(%dma_wait3A_62 : memref<8x128xf32, #tpu.memory_space<hbm>>)
        tpu.yield
      }) : () -> ()
      "tpu.region"() ({
        %run_scoped3A = tpu.sem_alloc : memref<!tpu.dma_semaphore, #tpu.memory_space<semaphore_mem>>
        %dma_start3A_55 = arith.constant 0 : i32
        %dma_start3A_56 = tpu.memref_slice %arg7[%add3A_31, %dma_start3A_55] : memref<10240x128xf32, #tpu.memory_space<hbm>> -> memref<8x128xf32, #tpu.memory_space<hbm>>
        %dma_start3A_57 = arith.constant 0 : i32
        %dma_start3A_58 = tpu.memref_slice %arg7[%add3A_31, %dma_start3A_57] : memref<10240x128xf32, #tpu.memory_space<hbm>> -> memref<8x128xf32, #tpu.memory_space<hbm>>
        tpu.enqueue_dma source(%arg15 : memref<8x128xf32, #tpu.memory_space<vmem>>) target(%dma_start3A_58 : memref<8x128xf32, #tpu.memory_space<hbm>>) target_semaphore(%run_scoped3A : memref<!tpu.dma_semaphore, #tpu.memory_space<semaphore_mem>>)
        %dma_wait3A_59 = arith.constant 0 : i32
        %dma_wait3A_60 = tpu.memref_slice %arg7[%add3A_31, %dma_wait3A_59] : memref<10240x128xf32, #tpu.memory_space<hbm>> -> memref<8x128xf32, #tpu.memory_space<hbm>>
        %dma_wait3A_61 = arith.constant 0 : i32
        %dma_wait3A_62 = tpu.memref_slice %arg7[%add3A_31, %dma_wait3A_61] : memref<10240x128xf32, #tpu.memory_space<hbm>> -> memref<8x128xf32, #tpu.memory_space<hbm>>
        tpu.wait_dma2 semaphore(%run_scoped3A : memref<!tpu.dma_semaphore, #tpu.memory_space<semaphore_mem>>) src(%arg15 : memref<8x128xf32, #tpu.memory_space<vmem>>) dst(%dma_wait3A_62 : memref<8x128xf32, #tpu.memory_space<hbm>>)
        tpu.yield
      }) : () -> ()
      %mul3A_32 = arith.constant 2 : i32
      %mul3A_33 = arith.muli %mul3A_32, %scan3A_14 : i32
      %add3A_34 = arith.constant 1 : i32
      %add3A_35 = arith.addi %mul3A_33, %add3A_34 : i32
      %add3A_36 = arith.constant 1 : i32
      %add3A_37 = arith.addi %add3A_35, %add3A_36 : i32
      %lt3A_38 = arith.constant 40 : i32
      %lt3A_39 = arith.cmpi slt, %add3A_37, %lt3A_38 : i32
      %convert_element_type3A_40 = arith.extui %lt3A_39 : i1 to i32
      %cond3A_41 = arith.constant 0 : i32
      %cond3A_42 = arith.cmpi ne, %convert_element_type3A_40, %cond3A_41 : i32
      scf.if %cond3A_42 {
        %add3A_55 = arith.constant 1 : i32
        %add3A_56 = arith.addi %add3A_35, %add3A_55 : i32
        %mul3A_57 = arith.constant 8 : i32
        %mul3A_58 = arith.muli %add3A_56, %mul3A_57 : i32
        %add3A_59 = arith.addi %mul3A_2, %mul3A_58 : i32
        %mul3A_60 = arith.constant 16 : i32
        %mul3A_61 = arith.muli %add3A_59, %mul3A_60 : i32
        "tpu.region"() ({
          %run_scoped3A = tpu.sem_alloc : memref<!tpu.dma_semaphore, #tpu.memory_space<semaphore_mem>>
          %dma_start3A_65 = tpu.memref_slice %arg3[%mul3A_61] : memref<163840xi32, #tpu.memory_space<hbm>> -> memref<128xi32, #tpu.memory_space<hbm>>
          %dma_start3A_66 = tpu.memref_slice %arg3[%mul3A_61] : memref<163840xi32, #tpu.memory_space<hbm>> -> memref<128xi32, #tpu.memory_space<hbm>>
          tpu.enqueue_dma source(%dma_start3A_66 : memref<128xi32, #tpu.memory_space<hbm>>) target(%arg8 : memref<128xi32, #tpu.memory_space<vmem>>) target_semaphore(%run_scoped3A : memref<!tpu.dma_semaphore, #tpu.memory_space<semaphore_mem>>)
          %dma_wait3A_67 = tpu.memref_slice %arg3[%mul3A_61] : memref<163840xi32, #tpu.memory_space<hbm>> -> memref<128xi32, #tpu.memory_space<hbm>>
          %dma_wait3A_68 = tpu.memref_slice %arg3[%mul3A_61] : memref<163840xi32, #tpu.memory_space<hbm>> -> memref<128xi32, #tpu.memory_space<hbm>>
          tpu.wait_dma2 semaphore(%run_scoped3A : memref<!tpu.dma_semaphore, #tpu.memory_space<semaphore_mem>>) src(%dma_wait3A_68 : memref<128xi32, #tpu.memory_space<hbm>>) dst(%arg8 : memref<128xi32, #tpu.memory_space<vmem>>)
          tpu.yield
        }) : () -> ()
        %dma_start3A_62 = arith.constant 0 : i32
        %dma_start3A_63 = arith.constant 0 : i32
        %dma_start3A_64 = tpu.memref_slice %arg2[%dma_start3A_62, %dma_start3A_63] : memref<10000x128xf32, #tpu.memory_space<hbm>> -> memref<10000x128xf32, #tpu.memory_space<hbm>>
        tpu.enqueue_indirect_dma source(%dma_start3A_64 : memref<10000x128xf32, #tpu.memory_space<hbm>>) target(%arg9 : memref<128x128xf32, #tpu.memory_space<vmem>>) offsets(%arg8 : memref<128xi32, #tpu.memory_space<vmem>>) semaphore(%arg16 : memref<!tpu.dma_semaphore, #tpu.memory_space<semaphore_mem>>)
      } else {
      }
      %dma_wait3A_43 = arith.constant 0 : i32
      %dma_wait3A_44 = arith.constant 0 : i32
      %dma_wait3A_45 = tpu.memref_slice %arg2[%dma_wait3A_43, %dma_wait3A_44] : memref<10000x128xf32, #tpu.memory_space<hbm>> -> memref<10000x128xf32, #tpu.memory_space<hbm>>
      tpu.wait_indirect_dma semaphore(%arg17 : memref<!tpu.dma_semaphore, #tpu.memory_space<semaphore_mem>>) src(%dma_wait3A_45 : memref<10000x128xf32, #tpu.memory_space<hbm>>) dst(%arg11 : memref<128x128xf32, #tpu.memory_space<vmem>>)
      %scan3A_46 = arith.constant 0 : i32
      %scan3A_47 = arith.constant 0 : i32
      %scan3A_48 = arith.constant 8 : i32
      %scan3A_49 = arith.addi %scan3A_47, %scan3A_48 : i32
      %scan3A_50 = arith.constant 1 : i32
      scf.for %scan3A_55 = %scan3A_47 to %scan3A_49 step %scan3A_50  : i32 {
        %mul3A_56 = arith.constant 16 : i32
        %mul3A_57 = arith.muli %scan3A_55, %mul3A_56 : i32
        %get3A = arith.index_cast %mul3A_57 : i32 to index
        %get3A_58 = arith.constant 0 : index
        %get3A_59 = tpu.vector_load %arg11[%get3A, %get3A_58] {strides = array<i32>} : memref<128x128xf32, #tpu.memory_space<vmem>>, vector<1x16xf32>,
        %get3A_60 = vector.shape_cast %get3A_59 : vector<1x16xf32> to vector<16xf32>
        %mul3A_61 = arith.mulf %get3A_60, %get3A_60 : vector<16xf32>
        %add3A_62 = arith.constant 1 : i32
        %add3A_63 = arith.addi %mul3A_57, %add3A_62 : i32
        %get3A_64 = arith.index_cast %add3A_63 : i32 to index
        %get3A_65 = arith.constant 0 : index
        %get3A_66 = tpu.vector_load %arg11[%get3A_64, %get3A_65] {strides = array<i32>} : memref<128x128xf32, #tpu.memory_space<vmem>>, vector<1x16xf32>,
        %get3A_67 = vector.shape_cast %get3A_66 : vector<1x16xf32> to vector<16xf32>
        %max3A = arith.maximumf %get3A_60, %get3A_67 : vector<16xf32>
        %min3A = arith.minimumf %get3A_60, %get3A_67 : vector<16xf32>
        %add3A_68 = arith.addf %get3A_60, %get3A_67 : vector<16xf32>
        %mul3A_69 = arith.mulf %get3A_67, %get3A_67 : vector<16xf32>
        %add3A_70 = arith.addf %mul3A_61, %mul3A_69 : vector<16xf32>
        %add3A_71 = arith.constant 2 : i32
        %add3A_72 = arith.addi %mul3A_57, %add3A_71 : i32
        %get3A_73 = arith.index_cast %add3A_72 : i32 to index
        %get3A_74 = arith.constant 0 : index
        %get3A_75 = tpu.vector_load %arg11[%get3A_73, %get3A_74] {strides = array<i32>} : memref<128x128xf32, #tpu.memory_space<vmem>>, vector<1x16xf32>,
        %get3A_76 = vector.shape_cast %get3A_75 : vector<1x16xf32> to vector<16xf32>
        %max3A_77 = arith.maximumf %max3A, %get3A_76 : vector<16xf32>
        %min3A_78 = arith.minimumf %min3A, %get3A_76 : vector<16xf32>
        %add3A_79 = arith.addf %add3A_68, %get3A_76 : vector<16xf32>
        %mul3A_80 = arith.mulf %get3A_76, %get3A_76 : vector<16xf32>
        %add3A_81 = arith.addf %add3A_70, %mul3A_80 : vector<16xf32>
        %add3A_82 = arith.constant 3 : i32
        %add3A_83 = arith.addi %mul3A_57, %add3A_82 : i32
        %get3A_84 = arith.index_cast %add3A_83 : i32 to index
        %get3A_85 = arith.constant 0 : index
        %get3A_86 = tpu.vector_load %arg11[%get3A_84, %get3A_85] {strides = array<i32>} : memref<128x128xf32, #tpu.memory_space<vmem>>, vector<1x16xf32>,
        %get3A_87 = vector.shape_cast %get3A_86 : vector<1x16xf32> to vector<16xf32>
        %max3A_88 = arith.maximumf %max3A_77, %get3A_87 : vector<16xf32>
        %min3A_89 = arith.minimumf %min3A_78, %get3A_87 : vector<16xf32>
        %add3A_90 = arith.addf %add3A_79, %get3A_87 : vector<16xf32>
        %mul3A_91 = arith.mulf %get3A_87, %get3A_87 : vector<16xf32>
        %add3A_92 = arith.addf %add3A_81, %mul3A_91 : vector<16xf32>
        %add3A_93 = arith.constant 4 : i32
        %add3A_94 = arith.addi %mul3A_57, %add3A_93 : i32
        %get3A_95 = arith.index_cast %add3A_94 : i32 to index
        %get3A_96 = arith.constant 0 : index
        %get3A_97 = tpu.vector_load %arg11[%get3A_95, %get3A_96] {strides = array<i32>} : memref<128x128xf32, #tpu.memory_space<vmem>>, vector<1x16xf32>,
        %get3A_98 = vector.shape_cast %get3A_97 : vector<1x16xf32> to vector<16xf32>
        %max3A_99 = arith.maximumf %max3A_88, %get3A_98 : vector<16xf32>
        %min3A_100 = arith.minimumf %min3A_89, %get3A_98 : vector<16xf32>
        %add3A_101 = arith.addf %add3A_90, %get3A_98 : vector<16xf32>
        %mul3A_102 = arith.mulf %get3A_98, %get3A_98 : vector<16xf32>
        %add3A_103 = arith.addf %add3A_92, %mul3A_102 : vector<16xf32>
        %add3A_104 = arith.constant 5 : i32
        %add3A_105 = arith.addi %mul3A_57, %add3A_104 : i32
        %get3A_106 = arith.index_cast %add3A_105 : i32 to index
        %get3A_107 = arith.constant 0 : index
        %get3A_108 = tpu.vector_load %arg11[%get3A_106, %get3A_107] {strides = array<i32>} : memref<128x128xf32, #tpu.memory_space<vmem>>, vector<1x16xf32>,
        %get3A_109 = vector.shape_cast %get3A_108 : vector<1x16xf32> to vector<16xf32>
        %max3A_110 = arith.maximumf %max3A_99, %get3A_109 : vector<16xf32>
        %min3A_111 = arith.minimumf %min3A_100, %get3A_109 : vector<16xf32>
        %add3A_112 = arith.addf %add3A_101, %get3A_109 : vector<16xf32>
        %mul3A_113 = arith.mulf %get3A_109, %get3A_109 : vector<16xf32>
        %add3A_114 = arith.addf %add3A_103, %mul3A_113 : vector<16xf32>
        %add3A_115 = arith.constant 6 : i32
        %add3A_116 = arith.addi %mul3A_57, %add3A_115 : i32
        %get3A_117 = arith.index_cast %add3A_116 : i32 to index
        %get3A_118 = arith.constant 0 : index
        %get3A_119 = tpu.vector_load %arg11[%get3A_117, %get3A_118] {strides = array<i32>} : memref<128x128xf32, #tpu.memory_space<vmem>>, vector<1x16xf32>,
        %get3A_120 = vector.shape_cast %get3A_119 : vector<1x16xf32> to vector<16xf32>
        %max3A_121 = arith.maximumf %max3A_110, %get3A_120 : vector<16xf32>
        %min3A_122 = arith.minimumf %min3A_111, %get3A_120 : vector<16xf32>
        %add3A_123 = arith.addf %add3A_112, %get3A_120 : vector<16xf32>
        %mul3A_124 = arith.mulf %get3A_120, %get3A_120 : vector<16xf32>
        %add3A_125 = arith.addf %add3A_114, %mul3A_124 : vector<16xf32>
        %add3A_126 = arith.constant 7 : i32
        %add3A_127 = arith.addi %mul3A_57, %add3A_126 : i32
        %get3A_128 = arith.index_cast %add3A_127 : i32 to index
        %get3A_129 = arith.constant 0 : index
        %get3A_130 = tpu.vector_load %arg11[%get3A_128, %get3A_129] {strides = array<i32>} : memref<128x128xf32, #tpu.memory_space<vmem>>, vector<1x16xf32>,
        %get3A_131 = vector.shape_cast %get3A_130 : vector<1x16xf32> to vector<16xf32>
        %max3A_132 = arith.maximumf %max3A_121, %get3A_131 : vector<16xf32>
        %min3A_133 = arith.minimumf %min3A_122, %get3A_131 : vector<16xf32>
        %add3A_134 = arith.addf %add3A_123, %get3A_131 : vector<16xf32>
        %mul3A_135 = arith.mulf %get3A_131, %get3A_131 : vector<16xf32>
        %add3A_136 = arith.addf %add3A_125, %mul3A_135 : vector<16xf32>
        %add3A_137 = arith.constant 8 : i32
        %add3A_138 = arith.addi %mul3A_57, %add3A_137 : i32
        %get3A_139 = arith.index_cast %add3A_138 : i32 to index
        %get3A_140 = arith.constant 0 : index
        %get3A_141 = tpu.vector_load %arg11[%get3A_139, %get3A_140] {strides = array<i32>} : memref<128x128xf32, #tpu.memory_space<vmem>>, vector<1x16xf32>,
        %get3A_142 = vector.shape_cast %get3A_141 : vector<1x16xf32> to vector<16xf32>
        %max3A_143 = arith.maximumf %max3A_132, %get3A_142 : vector<16xf32>
        %min3A_144 = arith.minimumf %min3A_133, %get3A_142 : vector<16xf32>
        %add3A_145 = arith.addf %add3A_134, %get3A_142 : vector<16xf32>
        %mul3A_146 = arith.mulf %get3A_142, %get3A_142 : vector<16xf32>
        %add3A_147 = arith.addf %add3A_136, %mul3A_146 : vector<16xf32>
        %add3A_148 = arith.constant 9 : i32
        %add3A_149 = arith.addi %mul3A_57, %add3A_148 : i32
        %get3A_150 = arith.index_cast %add3A_149 : i32 to index
        %get3A_151 = arith.constant 0 : index
        %get3A_152 = tpu.vector_load %arg11[%get3A_150, %get3A_151] {strides = array<i32>} : memref<128x128xf32, #tpu.memory_space<vmem>>, vector<1x16xf32>,
        %get3A_153 = vector.shape_cast %get3A_152 : vector<1x16xf32> to vector<16xf32>
        %max3A_154 = arith.maximumf %max3A_143, %get3A_153 : vector<16xf32>
        %min3A_155 = arith.minimumf %min3A_144, %get3A_153 : vector<16xf32>
        %add3A_156 = arith.addf %add3A_145, %get3A_153 : vector<16xf32>
        %mul3A_157 = arith.mulf %get3A_153, %get3A_153 : vector<16xf32>
        %add3A_158 = arith.addf %add3A_147, %mul3A_157 : vector<16xf32>
        %add3A_159 = arith.constant 10 : i32
        %add3A_160 = arith.addi %mul3A_57, %add3A_159 : i32
        %get3A_161 = arith.index_cast %add3A_160 : i32 to index
        %get3A_162 = arith.constant 0 : index
        %get3A_163 = tpu.vector_load %arg11[%get3A_161, %get3A_162] {strides = array<i32>} : memref<128x128xf32, #tpu.memory_space<vmem>>, vector<1x16xf32>,
        %get3A_164 = vector.shape_cast %get3A_163 : vector<1x16xf32> to vector<16xf32>
        %max3A_165 = arith.maximumf %max3A_154, %get3A_164 : vector<16xf32>
        %min3A_166 = arith.minimumf %min3A_155, %get3A_164 : vector<16xf32>
        %add3A_167 = arith.addf %add3A_156, %get3A_164 : vector<16xf32>
        %mul3A_168 = arith.mulf %get3A_164, %get3A_164 : vector<16xf32>
        %add3A_169 = arith.addf %add3A_158, %mul3A_168 : vector<16xf32>
        %add3A_170 = arith.constant 11 : i32
        %add3A_171 = arith.addi %mul3A_57, %add3A_170 : i32
        %get3A_172 = arith.index_cast %add3A_171 : i32 to index
        %get3A_173 = arith.constant 0 : index
        %get3A_174 = tpu.vector_load %arg11[%get3A_172, %get3A_173] {strides = array<i32>} : memref<128x128xf32, #tpu.memory_space<vmem>>, vector<1x16xf32>,
        %get3A_175 = vector.shape_cast %get3A_174 : vector<1x16xf32> to vector<16xf32>
        %max3A_176 = arith.maximumf %max3A_165, %get3A_175 : vector<16xf32>
        %min3A_177 = arith.minimumf %min3A_166, %get3A_175 : vector<16xf32>
        %add3A_178 = arith.addf %add3A_167, %get3A_175 : vector<16xf32>
        %mul3A_179 = arith.mulf %get3A_175, %get3A_175 : vector<16xf32>
        %add3A_180 = arith.addf %add3A_169, %mul3A_179 : vector<16xf32>
        %add3A_181 = arith.constant 12 : i32
        %add3A_182 = arith.addi %mul3A_57, %add3A_181 : i32
        %get3A_183 = arith.index_cast %add3A_182 : i32 to index
        %get3A_184 = arith.constant 0 : index
        %get3A_185 = tpu.vector_load %arg11[%get3A_183, %get3A_184] {strides = array<i32>} : memref<128x128xf32, #tpu.memory_space<vmem>>, vector<1x16xf32>,
        %get3A_186 = vector.shape_cast %get3A_185 : vector<1x16xf32> to vector<16xf32>
        %max3A_187 = arith.maximumf %max3A_176, %get3A_186 : vector<16xf32>
        %min3A_188 = arith.minimumf %min3A_177, %get3A_186 : vector<16xf32>
        %add3A_189 = arith.addf %add3A_178, %get3A_186 : vector<16xf32>
        %mul3A_190 = arith.mulf %get3A_186, %get3A_186 : vector<16xf32>
        %add3A_191 = arith.addf %add3A_180, %mul3A_190 : vector<16xf32>
        %add3A_192 = arith.constant 13 : i32
        %add3A_193 = arith.addi %mul3A_57, %add3A_192 : i32
        %get3A_194 = arith.index_cast %add3A_193 : i32 to index
        %get3A_195 = arith.constant 0 : index
        %get3A_196 = tpu.vector_load %arg11[%get3A_194, %get3A_195] {strides = array<i32>} : memref<128x128xf32, #tpu.memory_space<vmem>>, vector<1x16xf32>,
        %get3A_197 = vector.shape_cast %get3A_196 : vector<1x16xf32> to vector<16xf32>
        %max3A_198 = arith.maximumf %max3A_187, %get3A_197 : vector<16xf32>
        %min3A_199 = arith.minimumf %min3A_188, %get3A_197 : vector<16xf32>
        %add3A_200 = arith.addf %add3A_189, %get3A_197 : vector<16xf32>
        %mul3A_201 = arith.mulf %get3A_197, %get3A_197 : vector<16xf32>
        %add3A_202 = arith.addf %add3A_191, %mul3A_201 : vector<16xf32>
        %add3A_203 = arith.constant 14 : i32
        %add3A_204 = arith.addi %mul3A_57, %add3A_203 : i32
        %get3A_205 = arith.index_cast %add3A_204 : i32 to index
        %get3A_206 = arith.constant 0 : index
        %get3A_207 = tpu.vector_load %arg11[%get3A_205, %get3A_206] {strides = array<i32>} : memref<128x128xf32, #tpu.memory_space<vmem>>, vector<1x16xf32>,
        %get3A_208 = vector.shape_cast %get3A_207 : vector<1x16xf32> to vector<16xf32>
        %max3A_209 = arith.maximumf %max3A_198, %get3A_208 : vector<16xf32>
        %min3A_210 = arith.minimumf %min3A_199, %get3A_208 : vector<16xf32>
        %add3A_211 = arith.addf %add3A_200, %get3A_208 : vector<16xf32>
        %mul3A_212 = arith.mulf %get3A_208, %get3A_208 : vector<16xf32>
        %add3A_213 = arith.addf %add3A_202, %mul3A_212 : vector<16xf32>
        %add3A_214 = arith.constant 15 : i32
        %add3A_215 = arith.addi %mul3A_57, %add3A_214 : i32
        %get3A_216 = arith.index_cast %add3A_215 : i32 to index
        %get3A_217 = arith.constant 0 : index
        %get3A_218 = tpu.vector_load %arg11[%get3A_216, %get3A_217] {strides = array<i32>} : memref<128x128xf32, #tpu.memory_space<vmem>>, vector<1x16xf32>,
        %get3A_219 = vector.shape_cast %get3A_218 : vector<1x16xf32> to vector<16xf32>
        %max3A_220 = arith.maximumf %max3A_209, %get3A_219 : vector<16xf32>
        %min3A_221 = arith.minimumf %min3A_210, %get3A_219 : vector<16xf32>
        %add3A_222 = arith.addf %add3A_211, %get3A_219 : vector<16xf32>
        %mul3A_223 = arith.mulf %get3A_219, %get3A_219 : vector<16xf32>
        %add3A_224 = arith.addf %add3A_213, %mul3A_223 : vector<16xf32>
        %swap3A = arith.index_cast %scan3A_55 : i32 to index
        %swap3A_225 = arith.constant 0 : index
        %swap3A_226 = tpu.vector_load %arg12[%swap3A, %swap3A_225] {strides = array<i32>} : memref<8x128xf32, #tpu.memory_space<vmem>>, vector<1x16xf32>,
        %swap3A_227 = vector.shape_cast %swap3A_226 : vector<1x16xf32> to vector<16xf32>
        %swap3A_228 = vector.shape_cast %max3A_220 : vector<16xf32> to vector<1x16xf32>
        tpu.vector_store %arg12[%swap3A, %swap3A_225], %swap3A_228 {strides = array<i32>} : memref<8x128xf32, #tpu.memory_space<vmem>>, vector<1x16xf32>,
        %swap3A_229 = arith.index_cast %scan3A_55 : i32 to index
        %swap3A_230 = arith.constant 0 : index
        %swap3A_231 = tpu.vector_load %arg13[%swap3A_229, %swap3A_230] {strides = array<i32>} : memref<8x128xf32, #tpu.memory_space<vmem>>, vector<1x16xf32>,
        %swap3A_232 = vector.shape_cast %swap3A_231 : vector<1x16xf32> to vector<16xf32>
        %swap3A_233 = vector.shape_cast %min3A_221 : vector<16xf32> to vector<1x16xf32>
        tpu.vector_store %arg13[%swap3A_229, %swap3A_230], %swap3A_233 {strides = array<i32>} : memref<8x128xf32, #tpu.memory_space<vmem>>, vector<1x16xf32>,
        %swap3A_234 = arith.index_cast %scan3A_55 : i32 to index
        %swap3A_235 = arith.constant 0 : index
        %swap3A_236 = tpu.vector_load %arg14[%swap3A_234, %swap3A_235] {strides = array<i32>} : memref<8x128xf32, #tpu.memory_space<vmem>>, vector<1x16xf32>,
        %swap3A_237 = vector.shape_cast %swap3A_236 : vector<1x16xf32> to vector<16xf32>
        %swap3A_238 = vector.shape_cast %add3A_222 : vector<16xf32> to vector<1x16xf32>
        tpu.vector_store %arg14[%swap3A_234, %swap3A_235], %swap3A_238 {strides = array<i32>} : memref<8x128xf32, #tpu.memory_space<vmem>>, vector<1x16xf32>,
        %swap3A_239 = arith.index_cast %scan3A_55 : i32 to index
        %swap3A_240 = arith.constant 0 : index
        %swap3A_241 = tpu.vector_load %arg15[%swap3A_239, %swap3A_240] {strides = array<i32>} : memref<8x128xf32, #tpu.memory_space<vmem>>, vector<1x16xf32>,
        %swap3A_242 = vector.shape_cast %swap3A_241 : vector<1x16xf32> to vector<16xf32>
        %swap3A_243 = vector.shape_cast %add3A_224 : vector<16xf32> to vector<1x16xf32>
        tpu.vector_store %arg15[%swap3A_239, %swap3A_240], %swap3A_243 {strides = array<i32>} : memref<8x128xf32, #tpu.memory_space<vmem>>, vector<1x16xf32>,
        %get3A_244 = arith.index_cast %mul3A_57 : i32 to index
        %get3A_245 = arith.constant 16 : index
        %get3A_246 = tpu.vector_load %arg11[%get3A_244, %get3A_245] {strides = array<i32>} : memref<128x128xf32, #tpu.memory_space<vmem>>, vector<1x16xf32>,
        %get3A_247 = vector.shape_cast %get3A_246 : vector<1x16xf32> to vector<16xf32>
        %mul3A_248 = arith.mulf %get3A_247, %get3A_247 : vector<16xf32>
        %add3A_249 = arith.constant 1 : i32
        %add3A_250 = arith.addi %mul3A_57, %add3A_249 : i32
        %get3A_251 = arith.index_cast %add3A_250 : i32 to index
        %get3A_252 = arith.constant 16 : index
        %get3A_253 = tpu.vector_load %arg11[%get3A_251, %get3A_252] {strides = array<i32>} : memref<128x128xf32, #tpu.memory_space<vmem>>, vector<1x16xf32>,
        %get3A_254 = vector.shape_cast %get3A_253 : vector<1x16xf32> to vector<16xf32>
        %max3A_255 = arith.maximumf %get3A_247, %get3A_254 : vector<16xf32>
        %min3A_256 = arith.minimumf %get3A_247, %get3A_254 : vector<16xf32>
        %add3A_257 = arith.addf %get3A_247, %get3A_254 : vector<16xf32>
        %mul3A_258 = arith.mulf %get3A_254, %get3A_254 : vector<16xf32>
        %add3A_259 = arith.addf %mul3A_248, %mul3A_258 : vector<16xf32>
        %add3A_260 = arith.constant 2 : i32
        %add3A_261 = arith.addi %mul3A_57, %add3A_260 : i32
        %get3A_262 = arith.index_cast %add3A_261 : i32 to index
        %get3A_263 = arith.constant 16 : index
        %get3A_264 = tpu.vector_load %arg11[%get3A_262, %get3A_263] {strides = array<i32>} : memref<128x128xf32, #tpu.memory_space<vmem>>, vector<1x16xf32>,
        %get3A_265 = vector.shape_cast %get3A_264 : vector<1x16xf32> to vector<16xf32>
        %max3A_266 = arith.maximumf %max3A_255, %get3A_265 : vector<16xf32>
        %min3A_267 = arith.minimumf %min3A_256, %get3A_265 : vector<16xf32>
        %add3A_268 = arith.addf %add3A_257, %get3A_265 : vector<16xf32>
        %mul3A_269 = arith.mulf %get3A_265, %get3A_265 : vector<16xf32>
        %add3A_270 = arith.addf %add3A_259, %mul3A_269 : vector<16xf32>
        %add3A_271 = arith.constant 3 : i32
        %add3A_272 = arith.addi %mul3A_57, %add3A_271 : i32
        %get3A_273 = arith.index_cast %add3A_272 : i32 to index
        %get3A_274 = arith.constant 16 : index
        %get3A_275 = tpu.vector_load %arg11[%get3A_273, %get3A_274] {strides = array<i32>} : memref<128x128xf32, #tpu.memory_space<vmem>>, vector<1x16xf32>,
        %get3A_276 = vector.shape_cast %get3A_275 : vector<1x16xf32> to vector<16xf32>
        %max3A_277 = arith.maximumf %max3A_266, %get3A_276 : vector<16xf32>
        %min3A_278 = arith.minimumf %min3A_267, %get3A_276 : vector<16xf32>
        %add3A_279 = arith.addf %add3A_268, %get3A_276 : vector<16xf32>
        %mul3A_280 = arith.mulf %get3A_276, %get3A_276 : vector<16xf32>
        %add3A_281 = arith.addf %add3A_270, %mul3A_280 : vector<16xf32>
        %add3A_282 = arith.constant 4 : i32
        %add3A_283 = arith.addi %mul3A_57, %add3A_282 : i32
        %get3A_284 = arith.index_cast %add3A_283 : i32 to index
        %get3A_285 = arith.constant 16 : index
        %get3A_286 = tpu.vector_load %arg11[%get3A_284, %get3A_285] {strides = array<i32>} : memref<128x128xf32, #tpu.memory_space<vmem>>, vector<1x16xf32>,
        %get3A_287 = vector.shape_cast %get3A_286 : vector<1x16xf32> to vector<16xf32>
        %max3A_288 = arith.maximumf %max3A_277, %get3A_287 : vector<16xf32>
        %min3A_289 = arith.minimumf %min3A_278, %get3A_287 : vector<16xf32>
        %add3A_290 = arith.addf %add3A_279, %get3A_287 : vector<16xf32>
        %mul3A_291 = arith.mulf %get3A_287, %get3A_287 : vector<16xf32>
        %add3A_292 = arith.addf %add3A_281, %mul3A_291 : vector<16xf32>
        %add3A_293 = arith.constant 5 : i32
        %add3A_294 = arith.addi %mul3A_57, %add3A_293 : i32
        %get3A_295 = arith.index_cast %add3A_294 : i32 to index
        %get3A_296 = arith.constant 16 : index
        %get3A_297 = tpu.vector_load %arg11[%get3A_295, %get3A_296] {strides = array<i32>} : memref<128x128xf32, #tpu.memory_space<vmem>>, vector<1x16xf32>,
        %get3A_298 = vector.shape_cast %get3A_297 : vector<1x16xf32> to vector<16xf32>
        %max3A_299 = arith.maximumf %max3A_288, %get3A_298 : vector<16xf32>
        %min3A_300 = arith.minimumf %min3A_289, %get3A_298 : vector<16xf32>
        %add3A_301 = arith.addf %add3A_290, %get3A_298 : vector<16xf32>
        %mul3A_302 = arith.mulf %get3A_298, %get3A_298 : vector<16xf32>
        %add3A_303 = arith.addf %add3A_292, %mul3A_302 : vector<16xf32>
        %add3A_304 = arith.constant 6 : i32
        %add3A_305 = arith.addi %mul3A_57, %add3A_304 : i32
        %get3A_306 = arith.index_cast %add3A_305 : i32 to index
        %get3A_307 = arith.constant 16 : index
        %get3A_308 = tpu.vector_load %arg11[%get3A_306, %get3A_307] {strides = array<i32>} : memref<128x128xf32, #tpu.memory_space<vmem>>, vector<1x16xf32>,
        %get3A_309 = vector.shape_cast %get3A_308 : vector<1x16xf32> to vector<16xf32>
        %max3A_310 = arith.maximumf %max3A_299, %get3A_309 : vector<16xf32>
        %min3A_311 = arith.minimumf %min3A_300, %get3A_309 : vector<16xf32>
        %add3A_312 = arith.addf %add3A_301, %get3A_309 : vector<16xf32>
        %mul3A_313 = arith.mulf %get3A_309, %get3A_309 : vector<16xf32>
        %add3A_314 = arith.addf %add3A_303, %mul3A_313 : vector<16xf32>
        %add3A_315 = arith.constant 7 : i32
        %add3A_316 = arith.addi %mul3A_57, %add3A_315 : i32
        %get3A_317 = arith.index_cast %add3A_316 : i32 to index
        %get3A_318 = arith.constant 16 : index
        %get3A_319 = tpu.vector_load %arg11[%get3A_317, %get3A_318] {strides = array<i32>} : memref<128x128xf32, #tpu.memory_space<vmem>>, vector<1x16xf32>,
        %get3A_320 = vector.shape_cast %get3A_319 : vector<1x16xf32> to vector<16xf32>
        %max3A_321 = arith.maximumf %max3A_310, %get3A_320 : vector<16xf32>
        %min3A_322 = arith.minimumf %min3A_311, %get3A_320 : vector<16xf32>
        %add3A_323 = arith.addf %add3A_312, %get3A_320 : vector<16xf32>
        %mul3A_324 = arith.mulf %get3A_320, %get3A_320 : vector<16xf32>
        %add3A_325 = arith.addf %add3A_314, %mul3A_324 : vector<16xf32>
        %add3A_326 = arith.constant 8 : i32
        %add3A_327 = arith.addi %mul3A_57, %add3A_326 : i32
        %get3A_328 = arith.index_cast %add3A_327 : i32 to index
        %get3A_329 = arith.constant 16 : index
        %get3A_330 = tpu.vector_load %arg11[%get3A_328, %get3A_329] {strides = array<i32>} : memref<128x128xf32, #tpu.memory_space<vmem>>, vector<1x16xf32>,
        %get3A_331 = vector.shape_cast %get3A_330 : vector<1x16xf32> to vector<16xf32>
        %max3A_332 = arith.maximumf %max3A_321, %get3A_331 : vector<16xf32>
        %min3A_333 = arith.minimumf %min3A_322, %get3A_331 : vector<16xf32>
        %add3A_334 = arith.addf %add3A_323, %get3A_331 : vector<16xf32>
        %mul3A_335 = arith.mulf %get3A_331, %get3A_331 : vector<16xf32>
        %add3A_336 = arith.addf %add3A_325, %mul3A_335 : vector<16xf32>
        %add3A_337 = arith.constant 9 : i32
        %add3A_338 = arith.addi %mul3A_57, %add3A_337 : i32
        %get3A_339 = arith.index_cast %add3A_338 : i32 to index
        %get3A_340 = arith.constant 16 : index
        %get3A_341 = tpu.vector_load %arg11[%get3A_339, %get3A_340] {strides = array<i32>} : memref<128x128xf32, #tpu.memory_space<vmem>>, vector<1x16xf32>,
        %get3A_342 = vector.shape_cast %get3A_341 : vector<1x16xf32> to vector<16xf32>
        %max3A_343 = arith.maximumf %max3A_332, %get3A_342 : vector<16xf32>
        %min3A_344 = arith.minimumf %min3A_333, %get3A_342 : vector<16xf32>
        %add3A_345 = arith.addf %add3A_334, %get3A_342 : vector<16xf32>
        %mul3A_346 = arith.mulf %get3A_342, %get3A_342 : vector<16xf32>
        %add3A_347 = arith.addf %add3A_336, %mul3A_346 : vector<16xf32>
        %add3A_348 = arith.constant 10 : i32
        %add3A_349 = arith.addi %mul3A_57, %add3A_348 : i32
        %get3A_350 = arith.index_cast %add3A_349 : i32 to index
        %get3A_351 = arith.constant 16 : index
        %get3A_352 = tpu.vector_load %arg11[%get3A_350, %get3A_351] {strides = array<i32>} : memref<128x128xf32, #tpu.memory_space<vmem>>, vector<1x16xf32>,
        %get3A_353 = vector.shape_cast %get3A_352 : vector<1x16xf32> to vector<16xf32>
        %max3A_354 = arith.maximumf %max3A_343, %get3A_353 : vector<16xf32>
        %min3A_355 = arith.minimumf %min3A_344, %get3A_353 : vector<16xf32>
        %add3A_356 = arith.addf %add3A_345, %get3A_353 : vector<16xf32>
        %mul3A_357 = arith.mulf %get3A_353, %get3A_353 : vector<16xf32>
        %add3A_358 = arith.addf %add3A_347, %mul3A_357 : vector<16xf32>
        %add3A_359 = arith.constant 11 : i32
        %add3A_360 = arith.addi %mul3A_57, %add3A_359 : i32
        %get3A_361 = arith.index_cast %add3A_360 : i32 to index
        %get3A_362 = arith.constant 16 : index
        %get3A_363 = tpu.vector_load %arg11[%get3A_361, %get3A_362] {strides = array<i32>} : memref<128x128xf32, #tpu.memory_space<vmem>>, vector<1x16xf32>,
        %get3A_364 = vector.shape_cast %get3A_363 : vector<1x16xf32> to vector<16xf32>
        %max3A_365 = arith.maximumf %max3A_354, %get3A_364 : vector<16xf32>
        %min3A_366 = arith.minimumf %min3A_355, %get3A_364 : vector<16xf32>
        %add3A_367 = arith.addf %add3A_356, %get3A_364 : vector<16xf32>
        %mul3A_368 = arith.mulf %get3A_364, %get3A_364 : vector<16xf32>
        %add3A_369 = arith.addf %add3A_358, %mul3A_368 : vector<16xf32>
        %add3A_370 = arith.constant 12 : i32
        %add3A_371 = arith.addi %mul3A_57, %add3A_370 : i32
        %get3A_372 = arith.index_cast %add3A_371 : i32 to index
        %get3A_373 = arith.constant 16 : index
        %get3A_374 = tpu.vector_load %arg11[%get3A_372, %get3A_373] {strides = array<i32>} : memref<128x128xf32, #tpu.memory_space<vmem>>, vector<1x16xf32>,
        %get3A_375 = vector.shape_cast %get3A_374 : vector<1x16xf32> to vector<16xf32>
        %max3A_376 = arith.maximumf %max3A_365, %get3A_375 : vector<16xf32>
        %min3A_377 = arith.minimumf %min3A_366, %get3A_375 : vector<16xf32>
        %add3A_378 = arith.addf %add3A_367, %get3A_375 : vector<16xf32>
        %mul3A_379 = arith.mulf %get3A_375, %get3A_375 : vector<16xf32>
        %add3A_380 = arith.addf %add3A_369, %mul3A_379 : vector<16xf32>
        %add3A_381 = arith.constant 13 : i32
        %add3A_382 = arith.addi %mul3A_57, %add3A_381 : i32
        %get3A_383 = arith.index_cast %add3A_382 : i32 to index
        %get3A_384 = arith.constant 16 : index
        %get3A_385 = tpu.vector_load %arg11[%get3A_383, %get3A_384] {strides = array<i32>} : memref<128x128xf32, #tpu.memory_space<vmem>>, vector<1x16xf32>,
        %get3A_386 = vector.shape_cast %get3A_385 : vector<1x16xf32> to vector<16xf32>
        %max3A_387 = arith.maximumf %max3A_376, %get3A_386 : vector<16xf32>
        %min3A_388 = arith.minimumf %min3A_377, %get3A_386 : vector<16xf32>
        %add3A_389 = arith.addf %add3A_378, %get3A_386 : vector<16xf32>
        %mul3A_390 = arith.mulf %get3A_386, %get3A_386 : vector<16xf32>
        %add3A_391 = arith.addf %add3A_380, %mul3A_390 : vector<16xf32>
        %add3A_392 = arith.constant 14 : i32
        %add3A_393 = arith.addi %mul3A_57, %add3A_392 : i32
        %get3A_394 = arith.index_cast %add3A_393 : i32 to index
        %get3A_395 = arith.constant 16 : index
        %get3A_396 = tpu.vector_load %arg11[%get3A_394, %get3A_395] {strides = array<i32>} : memref<128x128xf32, #tpu.memory_space<vmem>>, vector<1x16xf32>,
        %get3A_397 = vector.shape_cast %get3A_396 : vector<1x16xf32> to vector<16xf32>
        %max3A_398 = arith.maximumf %max3A_387, %get3A_397 : vector<16xf32>
        %min3A_399 = arith.minimumf %min3A_388, %get3A_397 : vector<16xf32>
        %add3A_400 = arith.addf %add3A_389, %get3A_397 : vector<16xf32>
        %mul3A_401 = arith.mulf %get3A_397, %get3A_397 : vector<16xf32>
        %add3A_402 = arith.addf %add3A_391, %mul3A_401 : vector<16xf32>
        %add3A_403 = arith.constant 15 : i32
        %add3A_404 = arith.addi %mul3A_57, %add3A_403 : i32
        %get3A_405 = arith.index_cast %add3A_404 : i32 to index
        %get3A_406 = arith.constant 16 : index
        %get3A_407 = tpu.vector_load %arg11[%get3A_405, %get3A_406] {strides = array<i32>} : memref<128x128xf32, #tpu.memory_space<vmem>>, vector<1x16xf32>,
        %get3A_408 = vector.shape_cast %get3A_407 : vector<1x16xf32> to vector<16xf32>
        %max3A_409 = arith.maximumf %max3A_398, %get3A_408 : vector<16xf32>
        %min3A_410 = arith.minimumf %min3A_399, %get3A_408 : vector<16xf32>
        %add3A_411 = arith.addf %add3A_400, %get3A_408 : vector<16xf32>
        %mul3A_412 = arith.mulf %get3A_408, %get3A_408 : vector<16xf32>
        %add3A_413 = arith.addf %add3A_402, %mul3A_412 : vector<16xf32>
        %swap3A_414 = arith.index_cast %scan3A_55 : i32 to index
        %swap3A_415 = arith.constant 16 : index
        %swap3A_416 = tpu.vector_load %arg12[%swap3A_414, %swap3A_415] {strides = array<i32>} : memref<8x128xf32, #tpu.memory_space<vmem>>, vector<1x16xf32>,
        %swap3A_417 = vector.shape_cast %swap3A_416 : vector<1x16xf32> to vector<16xf32>
        %swap3A_418 = vector.shape_cast %max3A_409 : vector<16xf32> to vector<1x16xf32>
        tpu.vector_store %arg12[%swap3A_414, %swap3A_415], %swap3A_418 {strides = array<i32>} : memref<8x128xf32, #tpu.memory_space<vmem>>, vector<1x16xf32>,
        %swap3A_419 = arith.index_cast %scan3A_55 : i32 to index
        %swap3A_420 = arith.constant 16 : index
        %swap3A_421 = tpu.vector_load %arg13[%swap3A_419, %swap3A_420] {strides = array<i32>} : memref<8x128xf32, #tpu.memory_space<vmem>>, vector<1x16xf32>,
        %swap3A_422 = vector.shape_cast %swap3A_421 : vector<1x16xf32> to vector<16xf32>
        %swap3A_423 = vector.shape_cast %min3A_410 : vector<16xf32> to vector<1x16xf32>
        tpu.vector_store %arg13[%swap3A_419, %swap3A_420], %swap3A_423 {strides = array<i32>} : memref<8x128xf32, #tpu.memory_space<vmem>>, vector<1x16xf32>,
        %swap3A_424 = arith.index_cast %scan3A_55 : i32 to index
        %swap3A_425 = arith.constant 16 : index
        %swap3A_426 = tpu.vector_load %arg14[%swap3A_424, %swap3A_425] {strides = array<i32>} : memref<8x128xf32, #tpu.memory_space<vmem>>, vector<1x16xf32>,
        %swap3A_427 = vector.shape_cast %swap3A_426 : vector<1x16xf32> to vector<16xf32>
        %swap3A_428 = vector.shape_cast %add3A_411 : vector<16xf32> to vector<1x16xf32>
        tpu.vector_store %arg14[%swap3A_424, %swap3A_425], %swap3A_428 {strides = array<i32>} : memref<8x128xf32, #tpu.memory_space<vmem>>, vector<1x16xf32>,
        %swap3A_429 = arith.index_cast %scan3A_55 : i32 to index
        %swap3A_430 = arith.constant 16 : index
        %swap3A_431 = tpu.vector_load %arg15[%swap3A_429, %swap3A_430] {strides = array<i32>} : memref<8x128xf32, #tpu.memory_space<vmem>>, vector<1x16xf32>,
        %swap3A_432 = vector.shape_cast %swap3A_431 : vector<1x16xf32> to vector<16xf32>
        %swap3A_433 = vector.shape_cast %add3A_413 : vector<16xf32> to vector<1x16xf32>
        tpu.vector_store %arg15[%swap3A_429, %swap3A_430], %swap3A_433 {strides = array<i32>} : memref<8x128xf32, #tpu.memory_space<vmem>>, vector<1x16xf32>,
        %get3A_434 = arith.index_cast %mul3A_57 : i32 to index
        %get3A_435 = arith.constant 32 : index
        %get3A_436 = tpu.vector_load %arg11[%get3A_434, %get3A_435] {strides = array<i32>} : memref<128x128xf32, #tpu.memory_space<vmem>>, vector<1x16xf32>,
        %get3A_437 = vector.shape_cast %get3A_436 : vector<1x16xf32> to vector<16xf32>
        %mul3A_438 = arith.mulf %get3A_437, %get3A_437 : vector<16xf32>
        %add3A_439 = arith.constant 1 : i32
        %add3A_440 = arith.addi %mul3A_57, %add3A_439 : i32
        %get3A_441 = arith.index_cast %add3A_440 : i32 to index
        %get3A_442 = arith.constant 32 : index
        %get3A_443 = tpu.vector_load %arg11[%get3A_441, %get3A_442] {strides = array<i32>} : memref<128x128xf32, #tpu.memory_space<vmem>>, vector<1x16xf32>,
        %get3A_444 = vector.shape_cast %get3A_443 : vector<1x16xf32> to vector<16xf32>
        %max3A_445 = arith.maximumf %get3A_437, %get3A_444 : vector<16xf32>
        %min3A_446 = arith.minimumf %get3A_437, %get3A_444 : vector<16xf32>
        %add3A_447 = arith.addf %get3A_437, %get3A_444 : vector<16xf32>
        %mul3A_448 = arith.mulf %get3A_444, %get3A_444 : vector<16xf32>
        %add3A_449 = arith.addf %mul3A_438, %mul3A_448 : vector<16xf32>
        %add3A_450 = arith.constant 2 : i32
        %add3A_451 = arith.addi %mul3A_57, %add3A_450 : i32
        %get3A_452 = arith.index_cast %add3A_451 : i32 to index
        %get3A_453 = arith.constant 32 : index
        %get3A_454 = tpu.vector_load %arg11[%get3A_452, %get3A_453] {strides = array<i32>} : memref<128x128xf32, #tpu.memory_space<vmem>>, vector<1x16xf32>,
        %get3A_455 = vector.shape_cast %get3A_454 : vector<1x16xf32> to vector<16xf32>
        %max3A_456 = arith.maximumf %max3A_445, %get3A_455 : vector<16xf32>
        %min3A_457 = arith.minimumf %min3A_446, %get3A_455 : vector<16xf32>
        %add3A_458 = arith.addf %add3A_447, %get3A_455 : vector<16xf32>
        %mul3A_459 = arith.mulf %get3A_455, %get3A_455 : vector<16xf32>
        %add3A_460 = arith.addf %add3A_449, %mul3A_459 : vector<16xf32>
        %add3A_461 = arith.constant 3 : i32
        %add3A_462 = arith.addi %mul3A_57, %add3A_461 : i32
        %get3A_463 = arith.index_cast %add3A_462 : i32 to index
        %get3A_464 = arith.constant 32 : index
        %get3A_465 = tpu.vector_load %arg11[%get3A_463, %get3A_464] {strides = array<i32>} : memref<128x128xf32, #tpu.memory_space<vmem>>, vector<1x16xf32>,
        %get3A_466 = vector.shape_cast %get3A_465 : vector<1x16xf32> to vector<16xf32>
        %max3A_467 = arith.maximumf %max3A_456, %get3A_466 : vector<16xf32>
        %min3A_468 = arith.minimumf %min3A_457, %get3A_466 : vector<16xf32>
        %add3A_469 = arith.addf %add3A_458, %get3A_466 : vector<16xf32>
        %mul3A_470 = arith.mulf %get3A_466, %get3A_466 : vector<16xf32>
        %add3A_471 = arith.addf %add3A_460, %mul3A_470 : vector<16xf32>
        %add3A_472 = arith.constant 4 : i32
        %add3A_473 = arith.addi %mul3A_57, %add3A_472 : i32
        %get3A_474 = arith.index_cast %add3A_473 : i32 to index
        %get3A_475 = arith.constant 32 : index
        %get3A_476 = tpu.vector_load %arg11[%get3A_474, %get3A_475] {strides = array<i32>} : memref<128x128xf32, #tpu.memory_space<vmem>>, vector<1x16xf32>,
        %get3A_477 = vector.shape_cast %get3A_476 : vector<1x16xf32> to vector<16xf32>
        %max3A_478 = arith.maximumf %max3A_467, %get3A_477 : vector<16xf32>
        %min3A_479 = arith.minimumf %min3A_468, %get3A_477 : vector<16xf32>
        %add3A_480 = arith.addf %add3A_469, %get3A_477 : vector<16xf32>
        %mul3A_481 = arith.mulf %get3A_477, %get3A_477 : vector<16xf32>
        %add3A_482 = arith.addf %add3A_471, %mul3A_481 : vector<16xf32>
        %add3A_483 = arith.constant 5 : i32
        %add3A_484 = arith.addi %mul3A_57, %add3A_483 : i32
        %get3A_485 = arith.index_cast %add3A_484 : i32 to index
        %get3A_486 = arith.constant 32 : index
        %get3A_487 = tpu.vector_load %arg11[%get3A_485, %get3A_486] {strides = array<i32>} : memref<128x128xf32, #tpu.memory_space<vmem>>, vector<1x16xf32>,
        %get3A_488 = vector.shape_cast %get3A_487 : vector<1x16xf32> to vector<16xf32>
        %max3A_489 = arith.maximumf %max3A_478, %get3A_488 : vector<16xf32>
        %min3A_490 = arith.minimumf %min3A_479, %get3A_488 : vector<16xf32>
        %add3A_491 = arith.addf %add3A_480, %get3A_488 : vector<16xf32>
        %mul3A_492 = arith.mulf %get3A_488, %get3A_488 : vector<16xf32>
        %add3A_493 = arith.addf %add3A_482, %mul3A_492 : vector<16xf32>
        %add3A_494 = arith.constant 6 : i32
        %add3A_495 = arith.addi %mul3A_57, %add3A_494 : i32
        %get3A_496 = arith.index_cast %add3A_495 : i32 to index
        %get3A_497 = arith.constant 32 : index
        %get3A_498 = tpu.vector_load %arg11[%get3A_496, %get3A_497] {strides = array<i32>} : memref<128x128xf32, #tpu.memory_space<vmem>>, vector<1x16xf32>,
        %get3A_499 = vector.shape_cast %get3A_498 : vector<1x16xf32> to vector<16xf32>
        %max3A_500 = arith.maximumf %max3A_489, %get3A_499 : vector<16xf32>
        %min3A_501 = arith.minimumf %min3A_490, %get3A_499 : vector<16xf32>
        %add3A_502 = arith.addf %add3A_491, %get3A_499 : vector<16xf32>
        %mul3A_503 = arith.mulf %get3A_499, %get3A_499 : vector<16xf32>
        %add3A_504 = arith.addf %add3A_493, %mul3A_503 : vector<16xf32>
        %add3A_505 = arith.constant 7 : i32
        %add3A_506 = arith.addi %mul3A_57, %add3A_505 : i32
        %get3A_507 = arith.index_cast %add3A_506 : i32 to index
        %get3A_508 = arith.constant 32 : index
        %get3A_509 = tpu.vector_load %arg11[%get3A_507, %get3A_508] {strides = array<i32>} : memref<128x128xf32, #tpu.memory_space<vmem>>, vector<1x16xf32>,
        %get3A_510 = vector.shape_cast %get3A_509 : vector<1x16xf32> to vector<16xf32>
        %max3A_511 = arith.maximumf %max3A_500, %get3A_510 : vector<16xf32>
        %min3A_512 = arith.minimumf %min3A_501, %get3A_510 : vector<16xf32>
        %add3A_513 = arith.addf %add3A_502, %get3A_510 : vector<16xf32>
        %mul3A_514 = arith.mulf %get3A_510, %get3A_510 : vector<16xf32>
        %add3A_515 = arith.addf %add3A_504, %mul3A_514 : vector<16xf32>
        %add3A_516 = arith.constant 8 : i32
        %add3A_517 = arith.addi %mul3A_57, %add3A_516 : i32
        %get3A_518 = arith.index_cast %add3A_517 : i32 to index
        %get3A_519 = arith.constant 32 : index
        %get3A_520 = tpu.vector_load %arg11[%get3A_518, %get3A_519] {strides = array<i32>} : memref<128x128xf32, #tpu.memory_space<vmem>>, vector<1x16xf32>,
        %get3A_521 = vector.shape_cast %get3A_520 : vector<1x16xf32> to vector<16xf32>
        %max3A_522 = arith.maximumf %max3A_511, %get3A_521 : vector<16xf32>
        %min3A_523 = arith.minimumf %min3A_512, %get3A_521 : vector<16xf32>
        %add3A_524 = arith.addf %add3A_513, %get3A_521 : vector<16xf32>
        %mul3A_525 = arith.mulf %get3A_521, %get3A_521 : vector<16xf32>
        %add3A_526 = arith.addf %add3A_515, %mul3A_525 : vector<16xf32>
        %add3A_527 = arith.constant 9 : i32
        %add3A_528 = arith.addi %mul3A_57, %add3A_527 : i32
        %get3A_529 = arith.index_cast %add3A_528 : i32 to index
        %get3A_530 = arith.constant 32 : index
        %get3A_531 = tpu.vector_load %arg11[%get3A_529, %get3A_530] {strides = array<i32>} : memref<128x128xf32, #tpu.memory_space<vmem>>, vector<1x16xf32>,
        %get3A_532 = vector.shape_cast %get3A_531 : vector<1x16xf32> to vector<16xf32>
        %max3A_533 = arith.maximumf %max3A_522, %get3A_532 : vector<16xf32>
        %min3A_534 = arith.minimumf %min3A_523, %get3A_532 : vector<16xf32>
        %add3A_535 = arith.addf %add3A_524, %get3A_532 : vector<16xf32>
        %mul3A_536 = arith.mulf %get3A_532, %get3A_532 : vector<16xf32>
        %add3A_537 = arith.addf %add3A_526, %mul3A_536 : vector<16xf32>
        %add3A_538 = arith.constant 10 : i32
        %add3A_539 = arith.addi %mul3A_57, %add3A_538 : i32
        %get3A_540 = arith.index_cast %add3A_539 : i32 to index
        %get3A_541 = arith.constant 32 : index
        %get3A_542 = tpu.vector_load %arg11[%get3A_540, %get3A_541] {strides = array<i32>} : memref<128x128xf32, #tpu.memory_space<vmem>>, vector<1x16xf32>,
        %get3A_543 = vector.shape_cast %get3A_542 : vector<1x16xf32> to vector<16xf32>
        %max3A_544 = arith.maximumf %max3A_533, %get3A_543 : vector<16xf32>
        %min3A_545 = arith.minimumf %min3A_534, %get3A_543 : vector<16xf32>
        %add3A_546 = arith.addf %add3A_535, %get3A_543 : vector<16xf32>
        %mul3A_547 = arith.mulf %get3A_543, %get3A_543 : vector<16xf32>
        %add3A_548 = arith.addf %add3A_537, %mul3A_547 : vector<16xf32>
        %add3A_549 = arith.constant 11 : i32
        %add3A_550 = arith.addi %mul3A_57, %add3A_549 : i32
        %get3A_551 = arith.index_cast %add3A_550 : i32 to index
        %get3A_552 = arith.constant 32 : index
        %get3A_553 = tpu.vector_load %arg11[%get3A_551, %get3A_552] {strides = array<i32>} : memref<128x128xf32, #tpu.memory_space<vmem>>, vector<1x16xf32>,
        %get3A_554 = vector.shape_cast %get3A_553 : vector<1x16xf32> to vector<16xf32>
        %max3A_555 = arith.maximumf %max3A_544, %get3A_554 : vector<16xf32>
        %min3A_556 = arith.minimumf %min3A_545, %get3A_554 : vector<16xf32>
        %add3A_557 = arith.addf %add3A_546, %get3A_554 : vector<16xf32>
        %mul3A_558 = arith.mulf %get3A_554, %get3A_554 : vector<16xf32>
        %add3A_559 = arith.addf %add3A_548, %mul3A_558 : vector<16xf32>
        %add3A_560 = arith.constant 12 : i32
        %add3A_561 = arith.addi %mul3A_57, %add3A_560 : i32
        %get3A_562 = arith.index_cast %add3A_561 : i32 to index
        %get3A_563 = arith.constant 32 : index
        %get3A_564 = tpu.vector_load %arg11[%get3A_562, %get3A_563] {strides = array<i32>} : memref<128x128xf32, #tpu.memory_space<vmem>>, vector<1x16xf32>,
        %get3A_565 = vector.shape_cast %get3A_564 : vector<1x16xf32> to vector<16xf32>
        %max3A_566 = arith.maximumf %max3A_555, %get3A_565 : vector<16xf32>
        %min3A_567 = arith.minimumf %min3A_556, %get3A_565 : vector<16xf32>
        %add3A_568 = arith.addf %add3A_557, %get3A_565 : vector<16xf32>
        %mul3A_569 = arith.mulf %get3A_565, %get3A_565 : vector<16xf32>
        %add3A_570 = arith.addf %add3A_559, %mul3A_569 : vector<16xf32>
        %add3A_571 = arith.constant 13 : i32
        %add3A_572 = arith.addi %mul3A_57, %add3A_571 : i32
        %get3A_573 = arith.index_cast %add3A_572 : i32 to index
        %get3A_574 = arith.constant 32 : index
        %get3A_575 = tpu.vector_load %arg11[%get3A_573, %get3A_574] {strides = array<i32>} : memref<128x128xf32, #tpu.memory_space<vmem>>, vector<1x16xf32>,
        %get3A_576 = vector.shape_cast %get3A_575 : vector<1x16xf32> to vector<16xf32>
        %max3A_577 = arith.maximumf %max3A_566, %get3A_576 : vector<16xf32>
        %min3A_578 = arith.minimumf %min3A_567, %get3A_576 : vector<16xf32>
        %add3A_579 = arith.addf %add3A_568, %get3A_576 : vector<16xf32>
        %mul3A_580 = arith.mulf %get3A_576, %get3A_576 : vector<16xf32>
        %add3A_581 = arith.addf %add3A_570, %mul3A_580 : vector<16xf32>
        %add3A_582 = arith.constant 14 : i32
        %add3A_583 = arith.addi %mul3A_57, %add3A_582 : i32
        %get3A_584 = arith.index_cast %add3A_583 : i32 to index
        %get3A_585 = arith.constant 32 : index
        %get3A_586 = tpu.vector_load %arg11[%get3A_584, %get3A_585] {strides = array<i32>} : memref<128x128xf32, #tpu.memory_space<vmem>>, vector<1x16xf32>,
        %get3A_587 = vector.shape_cast %get3A_586 : vector<1x16xf32> to vector<16xf32>
        %max3A_588 = arith.maximumf %max3A_577, %get3A_587 : vector<16xf32>
        %min3A_589 = arith.minimumf %min3A_578, %get3A_587 : vector<16xf32>
        %add3A_590 = arith.addf %add3A_579, %get3A_587 : vector<16xf32>
        %mul3A_591 = arith.mulf %get3A_587, %get3A_587 : vector<16xf32>
        %add3A_592 = arith.addf %add3A_581, %mul3A_591 : vector<16xf32>
        %add3A_593 = arith.constant 15 : i32
        %add3A_594 = arith.addi %mul3A_57, %add3A_593 : i32
        %get3A_595 = arith.index_cast %add3A_594 : i32 to index
        %get3A_596 = arith.constant 32 : index
        %get3A_597 = tpu.vector_load %arg11[%get3A_595, %get3A_596] {strides = array<i32>} : memref<128x128xf32, #tpu.memory_space<vmem>>, vector<1x16xf32>,
        %get3A_598 = vector.shape_cast %get3A_597 : vector<1x16xf32> to vector<16xf32>
        %max3A_599 = arith.maximumf %max3A_588, %get3A_598 : vector<16xf32>
        %min3A_600 = arith.minimumf %min3A_589, %get3A_598 : vector<16xf32>
        %add3A_601 = arith.addf %add3A_590, %get3A_598 : vector<16xf32>
        %mul3A_602 = arith.mulf %get3A_598, %get3A_598 : vector<16xf32>
        %add3A_603 = arith.addf %add3A_592, %mul3A_602 : vector<16xf32>
        %swap3A_604 = arith.index_cast %scan3A_55 : i32 to index
        %swap3A_605 = arith.constant 32 : index
        %swap3A_606 = tpu.vector_load %arg12[%swap3A_604, %swap3A_605] {strides = array<i32>} : memref<8x128xf32, #tpu.memory_space<vmem>>, vector<1x16xf32>,
        %swap3A_607 = vector.shape_cast %swap3A_606 : vector<1x16xf32> to vector<16xf32>
        %swap3A_608 = vector.shape_cast %max3A_599 : vector<16xf32> to vector<1x16xf32>
        tpu.vector_store %arg12[%swap3A_604, %swap3A_605], %swap3A_608 {strides = array<i32>} : memref<8x128xf32, #tpu.memory_space<vmem>>, vector<1x16xf32>,
        %swap3A_609 = arith.index_cast %scan3A_55 : i32 to index
        %swap3A_610 = arith.constant 32 : index
        %swap3A_611 = tpu.vector_load %arg13[%swap3A_609, %swap3A_610] {strides = array<i32>} : memref<8x128xf32, #tpu.memory_space<vmem>>, vector<1x16xf32>,
        %swap3A_612 = vector.shape_cast %swap3A_611 : vector<1x16xf32> to vector<16xf32>
        %swap3A_613 = vector.shape_cast %min3A_600 : vector<16xf32> to vector<1x16xf32>
        tpu.vector_store %arg13[%swap3A_609, %swap3A_610], %swap3A_613 {strides = array<i32>} : memref<8x128xf32, #tpu.memory_space<vmem>>, vector<1x16xf32>,
        %swap3A_614 = arith.index_cast %scan3A_55 : i32 to index
        %swap3A_615 = arith.constant 32 : index
        %swap3A_616 = tpu.vector_load %arg14[%swap3A_614, %swap3A_615] {strides = array<i32>} : memref<8x128xf32, #tpu.memory_space<vmem>>, vector<1x16xf32>,
        %swap3A_617 = vector.shape_cast %swap3A_616 : vector<1x16xf32> to vector<16xf32>
        %swap3A_618 = vector.shape_cast %add3A_601 : vector<16xf32> to vector<1x16xf32>
        tpu.vector_store %arg14[%swap3A_614, %swap3A_615], %swap3A_618 {strides = array<i32>} : memref<8x128xf32, #tpu.memory_space<vmem>>, vector<1x16xf32>,
        %swap3A_619 = arith.index_cast %scan3A_55 : i32 to index
        %swap3A_620 = arith.constant 32 : index
        %swap3A_621 = tpu.vector_load %arg15[%swap3A_619, %swap3A_620] {strides = array<i32>} : memref<8x128xf32, #tpu.memory_space<vmem>>, vector<1x16xf32>,
        %swap3A_622 = vector.shape_cast %swap3A_621 : vector<1x16xf32> to vector<16xf32>
        %swap3A_623 = vector.shape_cast %add3A_603 : vector<16xf32> to vector<1x16xf32>
        tpu.vector_store %arg15[%swap3A_619, %swap3A_620], %swap3A_623 {strides = array<i32>} : memref<8x128xf32, #tpu.memory_space<vmem>>, vector<1x16xf32>,
        %get3A_624 = arith.index_cast %mul3A_57 : i32 to index
        %get3A_625 = arith.constant 48 : index
        %get3A_626 = tpu.vector_load %arg11[%get3A_624, %get3A_625] {strides = array<i32>} : memref<128x128xf32, #tpu.memory_space<vmem>>, vector<1x16xf32>,
        %get3A_627 = vector.shape_cast %get3A_626 : vector<1x16xf32> to vector<16xf32>
        %mul3A_628 = arith.mulf %get3A_627, %get3A_627 : vector<16xf32>
        %add3A_629 = arith.constant 1 : i32
        %add3A_630 = arith.addi %mul3A_57, %add3A_629 : i32
        %get3A_631 = arith.index_cast %add3A_630 : i32 to index
        %get3A_632 = arith.constant 48 : index
        %get3A_633 = tpu.vector_load %arg11[%get3A_631, %get3A_632] {strides = array<i32>} : memref<128x128xf32, #tpu.memory_space<vmem>>, vector<1x16xf32>,
        %get3A_634 = vector.shape_cast %get3A_633 : vector<1x16xf32> to vector<16xf32>
        %max3A_635 = arith.maximumf %get3A_627, %get3A_634 : vector<16xf32>
        %min3A_636 = arith.minimumf %get3A_627, %get3A_634 : vector<16xf32>
        %add3A_637 = arith.addf %get3A_627, %get3A_634 : vector<16xf32>
        %mul3A_638 = arith.mulf %get3A_634, %get3A_634 : vector<16xf32>
        %add3A_639 = arith.addf %mul3A_628, %mul3A_638 : vector<16xf32>
        %add3A_640 = arith.constant 2 : i32
        %add3A_641 = arith.addi %mul3A_57, %add3A_640 : i32
        %get3A_642 = arith.index_cast %add3A_641 : i32 to index
        %get3A_643 = arith.constant 48 : index
        %get3A_644 = tpu.vector_load %arg11[%get3A_642, %get3A_643] {strides = array<i32>} : memref<128x128xf32, #tpu.memory_space<vmem>>, vector<1x16xf32>,
        %get3A_645 = vector.shape_cast %get3A_644 : vector<1x16xf32> to vector<16xf32>
        %max3A_646 = arith.maximumf %max3A_635, %get3A_645 : vector<16xf32>
        %min3A_647 = arith.minimumf %min3A_636, %get3A_645 : vector<16xf32>
        %add3A_648 = arith.addf %add3A_637, %get3A_645 : vector<16xf32>
        %mul3A_649 = arith.mulf %get3A_645, %get3A_645 : vector<16xf32>
        %add3A_650 = arith.addf %add3A_639, %mul3A_649 : vector<16xf32>
        %add3A_651 = arith.constant 3 : i32
        %add3A_652 = arith.addi %mul3A_57, %add3A_651 : i32
        %get3A_653 = arith.index_cast %add3A_652 : i32 to index
        %get3A_654 = arith.constant 48 : index
        %get3A_655 = tpu.vector_load %arg11[%get3A_653, %get3A_654] {strides = array<i32>} : memref<128x128xf32, #tpu.memory_space<vmem>>, vector<1x16xf32>,
        %get3A_656 = vector.shape_cast %get3A_655 : vector<1x16xf32> to vector<16xf32>
        %max3A_657 = arith.maximumf %max3A_646, %get3A_656 : vector<16xf32>
        %min3A_658 = arith.minimumf %min3A_647, %get3A_656 : vector<16xf32>
        %add3A_659 = arith.addf %add3A_648, %get3A_656 : vector<16xf32>
        %mul3A_660 = arith.mulf %get3A_656, %get3A_656 : vector<16xf32>
        %add3A_661 = arith.addf %add3A_650, %mul3A_660 : vector<16xf32>
        %add3A_662 = arith.constant 4 : i32
        %add3A_663 = arith.addi %mul3A_57, %add3A_662 : i32
        %get3A_664 = arith.index_cast %add3A_663 : i32 to index
        %get3A_665 = arith.constant 48 : index
        %get3A_666 = tpu.vector_load %arg11[%get3A_664, %get3A_665] {strides = array<i32>} : memref<128x128xf32, #tpu.memory_space<vmem>>, vector<1x16xf32>,
        %get3A_667 = vector.shape_cast %get3A_666 : vector<1x16xf32> to vector<16xf32>
        %max3A_668 = arith.maximumf %max3A_657, %get3A_667 : vector<16xf32>
        %min3A_669 = arith.minimumf %min3A_658, %get3A_667 : vector<16xf32>
        %add3A_670 = arith.addf %add3A_659, %get3A_667 : vector<16xf32>
        %mul3A_671 = arith.mulf %get3A_667, %get3A_667 : vector<16xf32>
        %add3A_672 = arith.addf %add3A_661, %mul3A_671 : vector<16xf32>
        %add3A_673 = arith.constant 5 : i32
        %add3A_674 = arith.addi %mul3A_57, %add3A_673 : i32
        %get3A_675 = arith.index_cast %add3A_674 : i32 to index
        %get3A_676 = arith.constant 48 : index
        %get3A_677 = tpu.vector_load %arg11[%get3A_675, %get3A_676] {strides = array<i32>} : memref<128x128xf32, #tpu.memory_space<vmem>>, vector<1x16xf32>,
        %get3A_678 = vector.shape_cast %get3A_677 : vector<1x16xf32> to vector<16xf32>
        %max3A_679 = arith.maximumf %max3A_668, %get3A_678 : vector<16xf32>
        %min3A_680 = arith.minimumf %min3A_669, %get3A_678 : vector<16xf32>
        %add3A_681 = arith.addf %add3A_670, %get3A_678 : vector<16xf32>
        %mul3A_682 = arith.mulf %get3A_678, %get3A_678 : vector<16xf32>
        %add3A_683 = arith.addf %add3A_672, %mul3A_682 : vector<16xf32>
        %add3A_684 = arith.constant 6 : i32
        %add3A_685 = arith.addi %mul3A_57, %add3A_684 : i32
        %get3A_686 = arith.index_cast %add3A_685 : i32 to index
        %get3A_687 = arith.constant 48 : index
        %get3A_688 = tpu.vector_load %arg11[%get3A_686, %get3A_687] {strides = array<i32>} : memref<128x128xf32, #tpu.memory_space<vmem>>, vector<1x16xf32>,
        %get3A_689 = vector.shape_cast %get3A_688 : vector<1x16xf32> to vector<16xf32>
        %max3A_690 = arith.maximumf %max3A_679, %get3A_689 : vector<16xf32>
        %min3A_691 = arith.minimumf %min3A_680, %get3A_689 : vector<16xf32>
        %add3A_692 = arith.addf %add3A_681, %get3A_689 : vector<16xf32>
        %mul3A_693 = arith.mulf %get3A_689, %get3A_689 : vector<16xf32>
        %add3A_694 = arith.addf %add3A_683, %mul3A_693 : vector<16xf32>
        %add3A_695 = arith.constant 7 : i32
        %add3A_696 = arith.addi %mul3A_57, %add3A_695 : i32
        %get3A_697 = arith.index_cast %add3A_696 : i32 to index
        %get3A_698 = arith.constant 48 : index
        %get3A_699 = tpu.vector_load %arg11[%get3A_697, %get3A_698] {strides = array<i32>} : memref<128x128xf32, #tpu.memory_space<vmem>>, vector<1x16xf32>,
        %get3A_700 = vector.shape_cast %get3A_699 : vector<1x16xf32> to vector<16xf32>
        %max3A_701 = arith.maximumf %max3A_690, %get3A_700 : vector<16xf32>
        %min3A_702 = arith.minimumf %min3A_691, %get3A_700 : vector<16xf32>
        %add3A_703 = arith.addf %add3A_692, %get3A_700 : vector<16xf32>
        %mul3A_704 = arith.mulf %get3A_700, %get3A_700 : vector<16xf32>
        %add3A_705 = arith.addf %add3A_694, %mul3A_704 : vector<16xf32>
        %add3A_706 = arith.constant 8 : i32
        %add3A_707 = arith.addi %mul3A_57, %add3A_706 : i32
        %get3A_708 = arith.index_cast %add3A_707 : i32 to index
        %get3A_709 = arith.constant 48 : index
        %get3A_710 = tpu.vector_load %arg11[%get3A_708, %get3A_709] {strides = array<i32>} : memref<128x128xf32, #tpu.memory_space<vmem>>, vector<1x16xf32>,
        %get3A_711 = vector.shape_cast %get3A_710 : vector<1x16xf32> to vector<16xf32>
        %max3A_712 = arith.maximumf %max3A_701, %get3A_711 : vector<16xf32>
        %min3A_713 = arith.minimumf %min3A_702, %get3A_711 : vector<16xf32>
        %add3A_714 = arith.addf %add3A_703, %get3A_711 : vector<16xf32>
        %mul3A_715 = arith.mulf %get3A_711, %get3A_711 : vector<16xf32>
        %add3A_716 = arith.addf %add3A_705, %mul3A_715 : vector<16xf32>
        %add3A_717 = arith.constant 9 : i32
        %add3A_718 = arith.addi %mul3A_57, %add3A_717 : i32
        %get3A_719 = arith.index_cast %add3A_718 : i32 to index
        %get3A_720 = arith.constant 48 : index
        %get3A_721 = tpu.vector_load %arg11[%get3A_719, %get3A_720] {strides = array<i32>} : memref<128x128xf32, #tpu.memory_space<vmem>>, vector<1x16xf32>,
        %get3A_722 = vector.shape_cast %get3A_721 : vector<1x16xf32> to vector<16xf32>
        %max3A_723 = arith.maximumf %max3A_712, %get3A_722 : vector<16xf32>
        %min3A_724 = arith.minimumf %min3A_713, %get3A_722 : vector<16xf32>
        %add3A_725 = arith.addf %add3A_714, %get3A_722 : vector<16xf32>
        %mul3A_726 = arith.mulf %get3A_722, %get3A_722 : vector<16xf32>
        %add3A_727 = arith.addf %add3A_716, %mul3A_726 : vector<16xf32>
        %add3A_728 = arith.constant 10 : i32
        %add3A_729 = arith.addi %mul3A_57, %add3A_728 : i32
        %get3A_730 = arith.index_cast %add3A_729 : i32 to index
        %get3A_731 = arith.constant 48 : index
        %get3A_732 = tpu.vector_load %arg11[%get3A_730, %get3A_731] {strides = array<i32>} : memref<128x128xf32, #tpu.memory_space<vmem>>, vector<1x16xf32>,
        %get3A_733 = vector.shape_cast %get3A_732 : vector<1x16xf32> to vector<16xf32>
        %max3A_734 = arith.maximumf %max3A_723, %get3A_733 : vector<16xf32>
        %min3A_735 = arith.minimumf %min3A_724, %get3A_733 : vector<16xf32>
        %add3A_736 = arith.addf %add3A_725, %get3A_733 : vector<16xf32>
        %mul3A_737 = arith.mulf %get3A_733, %get3A_733 : vector<16xf32>
        %add3A_738 = arith.addf %add3A_727, %mul3A_737 : vector<16xf32>
        %add3A_739 = arith.constant 11 : i32
        %add3A_740 = arith.addi %mul3A_57, %add3A_739 : i32
        %get3A_741 = arith.index_cast %add3A_740 : i32 to index
        %get3A_742 = arith.constant 48 : index
        %get3A_743 = tpu.vector_load %arg11[%get3A_741, %get3A_742] {strides = array<i32>} : memref<128x128xf32, #tpu.memory_space<vmem>>, vector<1x16xf32>,
        %get3A_744 = vector.shape_cast %get3A_743 : vector<1x16xf32> to vector<16xf32>
        %max3A_745 = arith.maximumf %max3A_734, %get3A_744 : vector<16xf32>
        %min3A_746 = arith.minimumf %min3A_735, %get3A_744 : vector<16xf32>
        %add3A_747 = arith.addf %add3A_736, %get3A_744 : vector<16xf32>
        %mul3A_748 = arith.mulf %get3A_744, %get3A_744 : vector<16xf32>
        %add3A_749 = arith.addf %add3A_738, %mul3A_748 : vector<16xf32>
        %add3A_750 = arith.constant 12 : i32
        %add3A_751 = arith.addi %mul3A_57, %add3A_750 : i32
        %get3A_752 = arith.index_cast %add3A_751 : i32 to index
        %get3A_753 = arith.constant 48 : index
        %get3A_754 = tpu.vector_load %arg11[%get3A_752, %get3A_753] {strides = array<i32>} : memref<128x128xf32, #tpu.memory_space<vmem>>, vector<1x16xf32>,
        %get3A_755 = vector.shape_cast %get3A_754 : vector<1x16xf32> to vector<16xf32>
        %max3A_756 = arith.maximumf %max3A_745, %get3A_755 : vector<16xf32>
        %min3A_757 = arith.minimumf %min3A_746, %get3A_755 : vector<16xf32>
        %add3A_758 = arith.addf %add3A_747, %get3A_755 : vector<16xf32>
        %mul3A_759 = arith.mulf %get3A_755, %get3A_755 : vector<16xf32>
        %add3A_760 = arith.addf %add3A_749, %mul3A_759 : vector<16xf32>
        %add3A_761 = arith.constant 13 : i32
        %add3A_762 = arith.addi %mul3A_57, %add3A_761 : i32
        %get3A_763 = arith.index_cast %add3A_762 : i32 to index
        %get3A_764 = arith.constant 48 : index
        %get3A_765 = tpu.vector_load %arg11[%get3A_763, %get3A_764] {strides = array<i32>} : memref<128x128xf32, #tpu.memory_space<vmem>>, vector<1x16xf32>,
        %get3A_766 = vector.shape_cast %get3A_765 : vector<1x16xf32> to vector<16xf32>
        %max3A_767 = arith.maximumf %max3A_756, %get3A_766 : vector<16xf32>
        %min3A_768 = arith.minimumf %min3A_757, %get3A_766 : vector<16xf32>
        %add3A_769 = arith.addf %add3A_758, %get3A_766 : vector<16xf32>
        %mul3A_770 = arith.mulf %get3A_766, %get3A_766 : vector<16xf32>
        %add3A_771 = arith.addf %add3A_760, %mul3A_770 : vector<16xf32>
        %add3A_772 = arith.constant 14 : i32
        %add3A_773 = arith.addi %mul3A_57, %add3A_772 : i32
        %get3A_774 = arith.index_cast %add3A_773 : i32 to index
        %get3A_775 = arith.constant 48 : index
        %get3A_776 = tpu.vector_load %arg11[%get3A_774, %get3A_775] {strides = array<i32>} : memref<128x128xf32, #tpu.memory_space<vmem>>, vector<1x16xf32>,
        %get3A_777 = vector.shape_cast %get3A_776 : vector<1x16xf32> to vector<16xf32>
        %max3A_778 = arith.maximumf %max3A_767, %get3A_777 : vector<16xf32>
        %min3A_779 = arith.minimumf %min3A_768, %get3A_777 : vector<16xf32>
        %add3A_780 = arith.addf %add3A_769, %get3A_777 : vector<16xf32>
        %mul3A_781 = arith.mulf %get3A_777, %get3A_777 : vector<16xf32>
        %add3A_782 = arith.addf %add3A_771, %mul3A_781 : vector<16xf32>
        %add3A_783 = arith.constant 15 : i32
        %add3A_784 = arith.addi %mul3A_57, %add3A_783 : i32
        %get3A_785 = arith.index_cast %add3A_784 : i32 to index
        %get3A_786 = arith.constant 48 : index
        %get3A_787 = tpu.vector_load %arg11[%get3A_785, %get3A_786] {strides = array<i32>} : memref<128x128xf32, #tpu.memory_space<vmem>>, vector<1x16xf32>,
        %get3A_788 = vector.shape_cast %get3A_787 : vector<1x16xf32> to vector<16xf32>
        %max3A_789 = arith.maximumf %max3A_778, %get3A_788 : vector<16xf32>
        %min3A_790 = arith.minimumf %min3A_779, %get3A_788 : vector<16xf32>
        %add3A_791 = arith.addf %add3A_780, %get3A_788 : vector<16xf32>
        %mul3A_792 = arith.mulf %get3A_788, %get3A_788 : vector<16xf32>
        %add3A_793 = arith.addf %add3A_782, %mul3A_792 : vector<16xf32>
        %swap3A_794 = arith.index_cast %scan3A_55 : i32 to index
        %swap3A_795 = arith.constant 48 : index
        %swap3A_796 = tpu.vector_load %arg12[%swap3A_794, %swap3A_795] {strides = array<i32>} : memref<8x128xf32, #tpu.memory_space<vmem>>, vector<1x16xf32>,
        %swap3A_797 = vector.shape_cast %swap3A_796 : vector<1x16xf32> to vector<16xf32>
        %swap3A_798 = vector.shape_cast %max3A_789 : vector<16xf32> to vector<1x16xf32>
        tpu.vector_store %arg12[%swap3A_794, %swap3A_795], %swap3A_798 {strides = array<i32>} : memref<8x128xf32, #tpu.memory_space<vmem>>, vector<1x16xf32>,
        %swap3A_799 = arith.index_cast %scan3A_55 : i32 to index
        %swap3A_800 = arith.constant 48 : index
        %swap3A_801 = tpu.vector_load %arg13[%swap3A_799, %swap3A_800] {strides = array<i32>} : memref<8x128xf32, #tpu.memory_space<vmem>>, vector<1x16xf32>,
        %swap3A_802 = vector.shape_cast %swap3A_801 : vector<1x16xf32> to vector<16xf32>
        %swap3A_803 = vector.shape_cast %min3A_790 : vector<16xf32> to vector<1x16xf32>
        tpu.vector_store %arg13[%swap3A_799, %swap3A_800], %swap3A_803 {strides = array<i32>} : memref<8x128xf32, #tpu.memory_space<vmem>>, vector<1x16xf32>,
        %swap3A_804 = arith.index_cast %scan3A_55 : i32 to index
        %swap3A_805 = arith.constant 48 : index
        %swap3A_806 = tpu.vector_load %arg14[%swap3A_804, %swap3A_805] {strides = array<i32>} : memref<8x128xf32, #tpu.memory_space<vmem>>, vector<1x16xf32>,
        %swap3A_807 = vector.shape_cast %swap3A_806 : vector<1x16xf32> to vector<16xf32>
        %swap3A_808 = vector.shape_cast %add3A_791 : vector<16xf32> to vector<1x16xf32>
        tpu.vector_store %arg14[%swap3A_804, %swap3A_805], %swap3A_808 {strides = array<i32>} : memref<8x128xf32, #tpu.memory_space<vmem>>, vector<1x16xf32>,
        %swap3A_809 = arith.index_cast %scan3A_55 : i32 to index
        %swap3A_810 = arith.constant 48 : index
        %swap3A_811 = tpu.vector_load %arg15[%swap3A_809, %swap3A_810] {strides = array<i32>} : memref<8x128xf32, #tpu.memory_space<vmem>>, vector<1x16xf32>,
        %swap3A_812 = vector.shape_cast %swap3A_811 : vector<1x16xf32> to vector<16xf32>
        %swap3A_813 = vector.shape_cast %add3A_793 : vector<16xf32> to vector<1x16xf32>
        tpu.vector_store %arg15[%swap3A_809, %swap3A_810], %swap3A_813 {strides = array<i32>} : memref<8x128xf32, #tpu.memory_space<vmem>>, vector<1x16xf32>,
        %get3A_814 = arith.index_cast %mul3A_57 : i32 to index
        %get3A_815 = arith.constant 64 : index
        %get3A_816 = tpu.vector_load %arg11[%get3A_814, %get3A_815] {strides = array<i32>} : memref<128x128xf32, #tpu.memory_space<vmem>>, vector<1x16xf32>,
        %get3A_817 = vector.shape_cast %get3A_816 : vector<1x16xf32> to vector<16xf32>
        %mul3A_818 = arith.mulf %get3A_817, %get3A_817 : vector<16xf32>
        %add3A_819 = arith.constant 1 : i32
        %add3A_820 = arith.addi %mul3A_57, %add3A_819 : i32
        %get3A_821 = arith.index_cast %add3A_820 : i32 to index
        %get3A_822 = arith.constant 64 : index
        %get3A_823 = tpu.vector_load %arg11[%get3A_821, %get3A_822] {strides = array<i32>} : memref<128x128xf32, #tpu.memory_space<vmem>>, vector<1x16xf32>,
        %get3A_824 = vector.shape_cast %get3A_823 : vector<1x16xf32> to vector<16xf32>
        %max3A_825 = arith.maximumf %get3A_817, %get3A_824 : vector<16xf32>
        %min3A_826 = arith.minimumf %get3A_817, %get3A_824 : vector<16xf32>
        %add3A_827 = arith.addf %get3A_817, %get3A_824 : vector<16xf32>
        %mul3A_828 = arith.mulf %get3A_824, %get3A_824 : vector<16xf32>
        %add3A_829 = arith.addf %mul3A_818, %mul3A_828 : vector<16xf32>
        %add3A_830 = arith.constant 2 : i32
        %add3A_831 = arith.addi %mul3A_57, %add3A_830 : i32
        %get3A_832 = arith.index_cast %add3A_831 : i32 to index
        %get3A_833 = arith.constant 64 : index
        %get3A_834 = tpu.vector_load %arg11[%get3A_832, %get3A_833] {strides = array<i32>} : memref<128x128xf32, #tpu.memory_space<vmem>>, vector<1x16xf32>,
        %get3A_835 = vector.shape_cast %get3A_834 : vector<1x16xf32> to vector<16xf32>
        %max3A_836 = arith.maximumf %max3A_825, %get3A_835 : vector<16xf32>
        %min3A_837 = arith.minimumf %min3A_826, %get3A_835 : vector<16xf32>
        %add3A_838 = arith.addf %add3A_827, %get3A_835 : vector<16xf32>
        %mul3A_839 = arith.mulf %get3A_835, %get3A_835 : vector<16xf32>
        %add3A_840 = arith.addf %add3A_829, %mul3A_839 : vector<16xf32>
        %add3A_841 = arith.constant 3 : i32
        %add3A_842 = arith.addi %mul3A_57, %add3A_841 : i32
        %get3A_843 = arith.index_cast %add3A_842 : i32 to index
        %get3A_844 = arith.constant 64 : index
        %get3A_845 = tpu.vector_load %arg11[%get3A_843, %get3A_844] {strides = array<i32>} : memref<128x128xf32, #tpu.memory_space<vmem>>, vector<1x16xf32>,
        %get3A_846 = vector.shape_cast %get3A_845 : vector<1x16xf32> to vector<16xf32>
        %max3A_847 = arith.maximumf %max3A_836, %get3A_846 : vector<16xf32>
        %min3A_848 = arith.minimumf %min3A_837, %get3A_846 : vector<16xf32>
        %add3A_849 = arith.addf %add3A_838, %get3A_846 : vector<16xf32>
        %mul3A_850 = arith.mulf %get3A_846, %get3A_846 : vector<16xf32>
        %add3A_851 = arith.addf %add3A_840, %mul3A_850 : vector<16xf32>
        %add3A_852 = arith.constant 4 : i32
        %add3A_853 = arith.addi %mul3A_57, %add3A_852 : i32
        %get3A_854 = arith.index_cast %add3A_853 : i32 to index
        %get3A_855 = arith.constant 64 : index
        %get3A_856 = tpu.vector_load %arg11[%get3A_854, %get3A_855] {strides = array<i32>} : memref<128x128xf32, #tpu.memory_space<vmem>>, vector<1x16xf32>,
        %get3A_857 = vector.shape_cast %get3A_856 : vector<1x16xf32> to vector<16xf32>
        %max3A_858 = arith.maximumf %max3A_847, %get3A_857 : vector<16xf32>
        %min3A_859 = arith.minimumf %min3A_848, %get3A_857 : vector<16xf32>
        %add3A_860 = arith.addf %add3A_849, %get3A_857 : vector<16xf32>
        %mul3A_861 = arith.mulf %get3A_857, %get3A_857 : vector<16xf32>
        %add3A_862 = arith.addf %add3A_851, %mul3A_861 : vector<16xf32>
        %add3A_863 = arith.constant 5 : i32
        %add3A_864 = arith.addi %mul3A_57, %add3A_863 : i32
        %get3A_865 = arith.index_cast %add3A_864 : i32 to index
        %get3A_866 = arith.constant 64 : index
        %get3A_867 = tpu.vector_load %arg11[%get3A_865, %get3A_866] {strides = array<i32>} : memref<128x128xf32, #tpu.memory_space<vmem>>, vector<1x16xf32>,
        %get3A_868 = vector.shape_cast %get3A_867 : vector<1x16xf32> to vector<16xf32>
        %max3A_869 = arith.maximumf %max3A_858, %get3A_868 : vector<16xf32>
        %min3A_870 = arith.minimumf %min3A_859, %get3A_868 : vector<16xf32>
        %add3A_871 = arith.addf %add3A_860, %get3A_868 : vector<16xf32>
        %mul3A_872 = arith.mulf %get3A_868, %get3A_868 : vector<16xf32>
        %add3A_873 = arith.addf %add3A_862, %mul3A_872 : vector<16xf32>
        %add3A_874 = arith.constant 6 : i32
        %add3A_875 = arith.addi %mul3A_57, %add3A_874 : i32
        %get3A_876 = arith.index_cast %add3A_875 : i32 to index
        %get3A_877 = arith.constant 64 : index
        %get3A_878 = tpu.vector_load %arg11[%get3A_876, %get3A_877] {strides = array<i32>} : memref<128x128xf32, #tpu.memory_space<vmem>>, vector<1x16xf32>,
        %get3A_879 = vector.shape_cast %get3A_878 : vector<1x16xf32> to vector<16xf32>
        %max3A_880 = arith.maximumf %max3A_869, %get3A_879 : vector<16xf32>
        %min3A_881 = arith.minimumf %min3A_870, %get3A_879 : vector<16xf32>
        %add3A_882 = arith.addf %add3A_871, %get3A_879 : vector<16xf32>
        %mul3A_883 = arith.mulf %get3A_879, %get3A_879 : vector<16xf32>
        %add3A_884 = arith.addf %add3A_873, %mul3A_883 : vector<16xf32>
        %add3A_885 = arith.constant 7 : i32
        %add3A_886 = arith.addi %mul3A_57, %add3A_885 : i32
        %get3A_887 = arith.index_cast %add3A_886 : i32 to index
        %get3A_888 = arith.constant 64 : index
        %get3A_889 = tpu.vector_load %arg11[%get3A_887, %get3A_888] {strides = array<i32>} : memref<128x128xf32, #tpu.memory_space<vmem>>, vector<1x16xf32>,
        %get3A_890 = vector.shape_cast %get3A_889 : vector<1x16xf32> to vector<16xf32>
        %max3A_891 = arith.maximumf %max3A_880, %get3A_890 : vector<16xf32>
        %min3A_892 = arith.minimumf %min3A_881, %get3A_890 : vector<16xf32>
        %add3A_893 = arith.addf %add3A_882, %get3A_890 : vector<16xf32>
        %mul3A_894 = arith.mulf %get3A_890, %get3A_890 : vector<16xf32>
        %add3A_895 = arith.addf %add3A_884, %mul3A_894 : vector<16xf32>
        %add3A_896 = arith.constant 8 : i32
        %add3A_897 = arith.addi %mul3A_57, %add3A_896 : i32
        %get3A_898 = arith.index_cast %add3A_897 : i32 to index
        %get3A_899 = arith.constant 64 : index
        %get3A_900 = tpu.vector_load %arg11[%get3A_898, %get3A_899] {strides = array<i32>} : memref<128x128xf32, #tpu.memory_space<vmem>>, vector<1x16xf32>,
        %get3A_901 = vector.shape_cast %get3A_900 : vector<1x16xf32> to vector<16xf32>
        %max3A_902 = arith.maximumf %max3A_891, %get3A_901 : vector<16xf32>
        %min3A_903 = arith.minimumf %min3A_892, %get3A_901 : vector<16xf32>
        %add3A_904 = arith.addf %add3A_893, %get3A_901 : vector<16xf32>
        %mul3A_905 = arith.mulf %get3A_901, %get3A_901 : vector<16xf32>
        %add3A_906 = arith.addf %add3A_895, %mul3A_905 : vector<16xf32>
        %add3A_907 = arith.constant 9 : i32
        %add3A_908 = arith.addi %mul3A_57, %add3A_907 : i32
        %get3A_909 = arith.index_cast %add3A_908 : i32 to index
        %get3A_910 = arith.constant 64 : index
        %get3A_911 = tpu.vector_load %arg11[%get3A_909, %get3A_910] {strides = array<i32>} : memref<128x128xf32, #tpu.memory_space<vmem>>, vector<1x16xf32>,
        %get3A_912 = vector.shape_cast %get3A_911 : vector<1x16xf32> to vector<16xf32>
        %max3A_913 = arith.maximumf %max3A_902, %get3A_912 : vector<16xf32>
        %min3A_914 = arith.minimumf %min3A_903, %get3A_912 : vector<16xf32>
        %add3A_915 = arith.addf %add3A_904, %get3A_912 : vector<16xf32>
        %mul3A_916 = arith.mulf %get3A_912, %get3A_912 : vector<16xf32>
        %add3A_917 = arith.addf %add3A_906, %mul3A_916 : vector<16xf32>
        %add3A_918 = arith.constant 10 : i32
        %add3A_919 = arith.addi %mul3A_57, %add3A_918 : i32
        %get3A_920 = arith.index_cast %add3A_919 : i32 to index
        %get3A_921 = arith.constant 64 : index
        %get3A_922 = tpu.vector_load %arg11[%get3A_920, %get3A_921] {strides = array<i32>} : memref<128x128xf32, #tpu.memory_space<vmem>>, vector<1x16xf32>,
        %get3A_923 = vector.shape_cast %get3A_922 : vector<1x16xf32> to vector<16xf32>
        %max3A_924 = arith.maximumf %max3A_913, %get3A_923 : vector<16xf32>
        %min3A_925 = arith.minimumf %min3A_914, %get3A_923 : vector<16xf32>
        %add3A_926 = arith.addf %add3A_915, %get3A_923 : vector<16xf32>
        %mul3A_927 = arith.mulf %get3A_923, %get3A_923 : vector<16xf32>
        %add3A_928 = arith.addf %add3A_917, %mul3A_927 : vector<16xf32>
        %add3A_929 = arith.constant 11 : i32
        %add3A_930 = arith.addi %mul3A_57, %add3A_929 : i32
        %get3A_931 = arith.index_cast %add3A_930 : i32 to index
        %get3A_932 = arith.constant 64 : index
        %get3A_933 = tpu.vector_load %arg11[%get3A_931, %get3A_932] {strides = array<i32>} : memref<128x128xf32, #tpu.memory_space<vmem>>, vector<1x16xf32>,
        %get3A_934 = vector.shape_cast %get3A_933 : vector<1x16xf32> to vector<16xf32>
        %max3A_935 = arith.maximumf %max3A_924, %get3A_934 : vector<16xf32>
        %min3A_936 = arith.minimumf %min3A_925, %get3A_934 : vector<16xf32>
        %add3A_937 = arith.addf %add3A_926, %get3A_934 : vector<16xf32>
        %mul3A_938 = arith.mulf %get3A_934, %get3A_934 : vector<16xf32>
        %add3A_939 = arith.addf %add3A_928, %mul3A_938 : vector<16xf32>
        %add3A_940 = arith.constant 12 : i32
        %add3A_941 = arith.addi %mul3A_57, %add3A_940 : i32
        %get3A_942 = arith.index_cast %add3A_941 : i32 to index
        %get3A_943 = arith.constant 64 : index
        %get3A_944 = tpu.vector_load %arg11[%get3A_942, %get3A_943] {strides = array<i32>} : memref<128x128xf32, #tpu.memory_space<vmem>>, vector<1x16xf32>,
        %get3A_945 = vector.shape_cast %get3A_944 : vector<1x16xf32> to vector<16xf32>
        %max3A_946 = arith.maximumf %max3A_935, %get3A_945 : vector<16xf32>
        %min3A_947 = arith.minimumf %min3A_936, %get3A_945 : vector<16xf32>
        %add3A_948 = arith.addf %add3A_937, %get3A_945 : vector<16xf32>
        %mul3A_949 = arith.mulf %get3A_945, %get3A_945 : vector<16xf32>
        %add3A_950 = arith.addf %add3A_939, %mul3A_949 : vector<16xf32>
        %add3A_951 = arith.constant 13 : i32
        %add3A_952 = arith.addi %mul3A_57, %add3A_951 : i32
        %get3A_953 = arith.index_cast %add3A_952 : i32 to index
        %get3A_954 = arith.constant 64 : index
        %get3A_955 = tpu.vector_load %arg11[%get3A_953, %get3A_954] {strides = array<i32>} : memref<128x128xf32, #tpu.memory_space<vmem>>, vector<1x16xf32>,
        %get3A_956 = vector.shape_cast %get3A_955 : vector<1x16xf32> to vector<16xf32>
        %max3A_957 = arith.maximumf %max3A_946, %get3A_956 : vector<16xf32>
        %min3A_958 = arith.minimumf %min3A_947, %get3A_956 : vector<16xf32>
        %add3A_959 = arith.addf %add3A_948, %get3A_956 : vector<16xf32>
        %mul3A_960 = arith.mulf %get3A_956, %get3A_956 : vector<16xf32>
        %add3A_961 = arith.addf %add3A_950, %mul3A_960 : vector<16xf32>
        %add3A_962 = arith.constant 14 : i32
        %add3A_963 = arith.addi %mul3A_57, %add3A_962 : i32
        %get3A_964 = arith.index_cast %add3A_963 : i32 to index
        %get3A_965 = arith.constant 64 : index
        %get3A_966 = tpu.vector_load %arg11[%get3A_964, %get3A_965] {strides = array<i32>} : memref<128x128xf32, #tpu.memory_space<vmem>>, vector<1x16xf32>,
        %get3A_967 = vector.shape_cast %get3A_966 : vector<1x16xf32> to vector<16xf32>
        %max3A_968 = arith.maximumf %max3A_957, %get3A_967 : vector<16xf32>
        %min3A_969 = arith.minimumf %min3A_958, %get3A_967 : vector<16xf32>
        %add3A_970 = arith.addf %add3A_959, %get3A_967 : vector<16xf32>
        %mul3A_971 = arith.mulf %get3A_967, %get3A_967 : vector<16xf32>
        %add3A_972 = arith.addf %add3A_961, %mul3A_971 : vector<16xf32>
        %add3A_973 = arith.constant 15 : i32
        %add3A_974 = arith.addi %mul3A_57, %add3A_973 : i32
        %get3A_975 = arith.index_cast %add3A_974 : i32 to index
        %get3A_976 = arith.constant 64 : index
        %get3A_977 = tpu.vector_load %arg11[%get3A_975, %get3A_976] {strides = array<i32>} : memref<128x128xf32, #tpu.memory_space<vmem>>, vector<1x16xf32>,
        %get3A_978 = vector.shape_cast %get3A_977 : vector<1x16xf32> to vector<16xf32>
        %max3A_979 = arith.maximumf %max3A_968, %get3A_978 : vector<16xf32>
        %min3A_980 = arith.minimumf %min3A_969, %get3A_978 : vector<16xf32>
        %add3A_981 = arith.addf %add3A_970, %get3A_978 : vector<16xf32>
        %mul3A_982 = arith.mulf %get3A_978, %get3A_978 : vector<16xf32>
        %add3A_983 = arith.addf %add3A_972, %mul3A_982 : vector<16xf32>
        %swap3A_984 = arith.index_cast %scan3A_55 : i32 to index
        %swap3A_985 = arith.constant 64 : index
        %swap3A_986 = tpu.vector_load %arg12[%swap3A_984, %swap3A_985] {strides = array<i32>} : memref<8x128xf32, #tpu.memory_space<vmem>>, vector<1x16xf32>,
        %swap3A_987 = vector.shape_cast %swap3A_986 : vector<1x16xf32> to vector<16xf32>
        %swap3A_988 = vector.shape_cast %max3A_979 : vector<16xf32> to vector<1x16xf32>
        tpu.vector_store %arg12[%swap3A_984, %swap3A_985], %swap3A_988 {strides = array<i32>} : memref<8x128xf32, #tpu.memory_space<vmem>>, vector<1x16xf32>,
        %swap3A_989 = arith.index_cast %scan3A_55 : i32 to index
        %swap3A_990 = arith.constant 64 : index
        %swap3A_991 = tpu.vector_load %arg13[%swap3A_989, %swap3A_990] {strides = array<i32>} : memref<8x128xf32, #tpu.memory_space<vmem>>, vector<1x16xf32>,
        %swap3A_992 = vector.shape_cast %swap3A_991 : vector<1x16xf32> to vector<16xf32>
        %swap3A_993 = vector.shape_cast %min3A_980 : vector<16xf32> to vector<1x16xf32>
        tpu.vector_store %arg13[%swap3A_989, %swap3A_990], %swap3A_993 {strides = array<i32>} : memref<8x128xf32, #tpu.memory_space<vmem>>, vector<1x16xf32>,
        %swap3A_994 = arith.index_cast %scan3A_55 : i32 to index
        %swap3A_995 = arith.constant 64 : index
        %swap3A_996 = tpu.vector_load %arg14[%swap3A_994, %swap3A_995] {strides = array<i32>} : memref<8x128xf32, #tpu.memory_space<vmem>>, vector<1x16xf32>,
        %swap3A_997 = vector.shape_cast %swap3A_996 : vector<1x16xf32> to vector<16xf32>
        %swap3A_998 = vector.shape_cast %add3A_981 : vector<16xf32> to vector<1x16xf32>
        tpu.vector_store %arg14[%swap3A_994, %swap3A_995], %swap3A_998 {strides = array<i32>} : memref<8x128xf32, #tpu.memory_space<vmem>>, vector<1x16xf32>,
        %swap3A_999 = arith.index_cast %scan3A_55 : i32 to index
        %swap3A_1000 = arith.constant 64 : index
        %swap3A_1001 = tpu.vector_load %arg15[%swap3A_999, %swap3A_1000] {strides = array<i32>} : memref<8x128xf32, #tpu.memory_space<vmem>>, vector<1x16xf32>,
        %swap3A_1002 = vector.shape_cast %swap3A_1001 : vector<1x16xf32> to vector<16xf32>
        %swap3A_1003 = vector.shape_cast %add3A_983 : vector<16xf32> to vector<1x16xf32>
        tpu.vector_store %arg15[%swap3A_999, %swap3A_1000], %swap3A_1003 {strides = array<i32>} : memref<8x128xf32, #tpu.memory_space<vmem>>, vector<1x16xf32>,
        %get3A_1004 = arith.index_cast %mul3A_57 : i32 to index
        %get3A_1005 = arith.constant 80 : index
        %get3A_1006 = tpu.vector_load %arg11[%get3A_1004, %get3A_1005] {strides = array<i32>} : memref<128x128xf32, #tpu.memory_space<vmem>>, vector<1x16xf32>,
        %get3A_1007 = vector.shape_cast %get3A_1006 : vector<1x16xf32> to vector<16xf32>
        %mul3A_1008 = arith.mulf %get3A_1007, %get3A_1007 : vector<16xf32>
        %add3A_1009 = arith.constant 1 : i32
        %add3A_1010 = arith.addi %mul3A_57, %add3A_1009 : i32
        %get3A_1011 = arith.index_cast %add3A_1010 : i32 to index
        %get3A_1012 = arith.constant 80 : index
        %get3A_1013 = tpu.vector_load %arg11[%get3A_1011, %get3A_1012] {strides = array<i32>} : memref<128x128xf32, #tpu.memory_space<vmem>>, vector<1x16xf32>,
        %get3A_1014 = vector.shape_cast %get3A_1013 : vector<1x16xf32> to vector<16xf32>
        %max3A_1015 = arith.maximumf %get3A_1007, %get3A_1014 : vector<16xf32>
        %min3A_1016 = arith.minimumf %get3A_1007, %get3A_1014 : vector<16xf32>
        %add3A_1017 = arith.addf %get3A_1007, %get3A_1014 : vector<16xf32>
        %mul3A_1018 = arith.mulf %get3A_1014, %get3A_1014 : vector<16xf32>
        %add3A_1019 = arith.addf %mul3A_1008, %mul3A_1018 : vector<16xf32>
        %add3A_1020 = arith.constant 2 : i32
        %add3A_1021 = arith.addi %mul3A_57, %add3A_1020 : i32
        %get3A_1022 = arith.index_cast %add3A_1021 : i32 to index
        %get3A_1023 = arith.constant 80 : index
        %get3A_1024 = tpu.vector_load %arg11[%get3A_1022, %get3A_1023] {strides = array<i32>} : memref<128x128xf32, #tpu.memory_space<vmem>>, vector<1x16xf32>,
        %get3A_1025 = vector.shape_cast %get3A_1024 : vector<1x16xf32> to vector<16xf32>
        %max3A_1026 = arith.maximumf %max3A_1015, %get3A_1025 : vector<16xf32>
        %min3A_1027 = arith.minimumf %min3A_1016, %get3A_1025 : vector<16xf32>
        %add3A_1028 = arith.addf %add3A_1017, %get3A_1025 : vector<16xf32>
        %mul3A_1029 = arith.mulf %get3A_1025, %get3A_1025 : vector<16xf32>
        %add3A_1030 = arith.addf %add3A_1019, %mul3A_1029 : vector<16xf32>
        %add3A_1031 = arith.constant 3 : i32
        %add3A_1032 = arith.addi %mul3A_57, %add3A_1031 : i32
        %get3A_1033 = arith.index_cast %add3A_1032 : i32 to index
        %get3A_1034 = arith.constant 80 : index
        %get3A_1035 = tpu.vector_load %arg11[%get3A_1033, %get3A_1034] {strides = array<i32>} : memref<128x128xf32, #tpu.memory_space<vmem>>, vector<1x16xf32>,
        %get3A_1036 = vector.shape_cast %get3A_1035 : vector<1x16xf32> to vector<16xf32>
        %max3A_1037 = arith.maximumf %max3A_1026, %get3A_1036 : vector<16xf32>
        %min3A_1038 = arith.minimumf %min3A_1027, %get3A_1036 : vector<16xf32>
        %add3A_1039 = arith.addf %add3A_1028, %get3A_1036 : vector<16xf32>
        %mul3A_1040 = arith.mulf %get3A_1036, %get3A_1036 : vector<16xf32>
        %add3A_1041 = arith.addf %add3A_1030, %mul3A_1040 : vector<16xf32>
        %add3A_1042 = arith.constant 4 : i32
        %add3A_1043 = arith.addi %mul3A_57, %add3A_1042 : i32
        %get3A_1044 = arith.index_cast %add3A_1043 : i32 to index
        %get3A_1045 = arith.constant 80 : index
        %get3A_1046 = tpu.vector_load %arg11[%get3A_1044, %get3A_1045] {strides = array<i32>} : memref<128x128xf32, #tpu.memory_space<vmem>>, vector<1x16xf32>,
        %get3A_1047 = vector.shape_cast %get3A_1046 : vector<1x16xf32> to vector<16xf32>
        %max3A_1048 = arith.maximumf %max3A_1037, %get3A_1047 : vector<16xf32>
        %min3A_1049 = arith.minimumf %min3A_1038, %get3A_1047 : vector<16xf32>
        %add3A_1050 = arith.addf %add3A_1039, %get3A_1047 : vector<16xf32>
        %mul3A_1051 = arith.mulf %get3A_1047, %get3A_1047 : vector<16xf32>
        %add3A_1052 = arith.addf %add3A_1041, %mul3A_1051 : vector<16xf32>
        %add3A_1053 = arith.constant 5 : i32
        %add3A_1054 = arith.addi %mul3A_57, %add3A_1053 : i32
        %get3A_1055 = arith.index_cast %add3A_1054 : i32 to index
        %get3A_1056 = arith.constant 80 : index
        %get3A_1057 = tpu.vector_load %arg11[%get3A_1055, %get3A_1056] {strides = array<i32>} : memref<128x128xf32, #tpu.memory_space<vmem>>, vector<1x16xf32>,
        %get3A_1058 = vector.shape_cast %get3A_1057 : vector<1x16xf32> to vector<16xf32>
        %max3A_1059 = arith.maximumf %max3A_1048, %get3A_1058 : vector<16xf32>
        %min3A_1060 = arith.minimumf %min3A_1049, %get3A_1058 : vector<16xf32>
        %add3A_1061 = arith.addf %add3A_1050, %get3A_1058 : vector<16xf32>
        %mul3A_1062 = arith.mulf %get3A_1058, %get3A_1058 : vector<16xf32>
        %add3A_1063 = arith.addf %add3A_1052, %mul3A_1062 : vector<16xf32>
        %add3A_1064 = arith.constant 6 : i32
        %add3A_1065 = arith.addi %mul3A_57, %add3A_1064 : i32
        %get3A_1066 = arith.index_cast %add3A_1065 : i32 to index
        %get3A_1067 = arith.constant 80 : index
        %get3A_1068 = tpu.vector_load %arg11[%get3A_1066, %get3A_1067] {strides = array<i32>} : memref<128x128xf32, #tpu.memory_space<vmem>>, vector<1x16xf32>,
        %get3A_1069 = vector.shape_cast %get3A_1068 : vector<1x16xf32> to vector<16xf32>
        %max3A_1070 = arith.maximumf %max3A_1059, %get3A_1069 : vector<16xf32>
        %min3A_1071 = arith.minimumf %min3A_1060, %get3A_1069 : vector<16xf32>
        %add3A_1072 = arith.addf %add3A_1061, %get3A_1069 : vector<16xf32>
        %mul3A_1073 = arith.mulf %get3A_1069, %get3A_1069 : vector<16xf32>
        %add3A_1074 = arith.addf %add3A_1063, %mul3A_1073 : vector<16xf32>
        %add3A_1075 = arith.constant 7 : i32
        %add3A_1076 = arith.addi %mul3A_57, %add3A_1075 : i32
        %get3A_1077 = arith.index_cast %add3A_1076 : i32 to index
        %get3A_1078 = arith.constant 80 : index
        %get3A_1079 = tpu.vector_load %arg11[%get3A_1077, %get3A_1078] {strides = array<i32>} : memref<128x128xf32, #tpu.memory_space<vmem>>, vector<1x16xf32>,
        %get3A_1080 = vector.shape_cast %get3A_1079 : vector<1x16xf32> to vector<16xf32>
        %max3A_1081 = arith.maximumf %max3A_1070, %get3A_1080 : vector<16xf32>
        %min3A_1082 = arith.minimumf %min3A_1071, %get3A_1080 : vector<16xf32>
        %add3A_1083 = arith.addf %add3A_1072, %get3A_1080 : vector<16xf32>
        %mul3A_1084 = arith.mulf %get3A_1080, %get3A_1080 : vector<16xf32>
        %add3A_1085 = arith.addf %add3A_1074, %mul3A_1084 : vector<16xf32>
        %add3A_1086 = arith.constant 8 : i32
        %add3A_1087 = arith.addi %mul3A_57, %add3A_1086 : i32
        %get3A_1088 = arith.index_cast %add3A_1087 : i32 to index
        %get3A_1089 = arith.constant 80 : index
        %get3A_1090 = tpu.vector_load %arg11[%get3A_1088, %get3A_1089] {strides = array<i32>} : memref<128x128xf32, #tpu.memory_space<vmem>>, vector<1x16xf32>,
        %get3A_1091 = vector.shape_cast %get3A_1090 : vector<1x16xf32> to vector<16xf32>
        %max3A_1092 = arith.maximumf %max3A_1081, %get3A_1091 : vector<16xf32>
        %min3A_1093 = arith.minimumf %min3A_1082, %get3A_1091 : vector<16xf32>
        %add3A_1094 = arith.addf %add3A_1083, %get3A_1091 : vector<16xf32>
        %mul3A_1095 = arith.mulf %get3A_1091, %get3A_1091 : vector<16xf32>
        %add3A_1096 = arith.addf %add3A_1085, %mul3A_1095 : vector<16xf32>
        %add3A_1097 = arith.constant 9 : i32
        %add3A_1098 = arith.addi %mul3A_57, %add3A_1097 : i32
        %get3A_1099 = arith.index_cast %add3A_1098 : i32 to index
        %get3A_1100 = arith.constant 80 : index
        %get3A_1101 = tpu.vector_load %arg11[%get3A_1099, %get3A_1100] {strides = array<i32>} : memref<128x128xf32, #tpu.memory_space<vmem>>, vector<1x16xf32>,
        %get3A_1102 = vector.shape_cast %get3A_1101 : vector<1x16xf32> to vector<16xf32>
        %max3A_1103 = arith.maximumf %max3A_1092, %get3A_1102 : vector<16xf32>
        %min3A_1104 = arith.minimumf %min3A_1093, %get3A_1102 : vector<16xf32>
        %add3A_1105 = arith.addf %add3A_1094, %get3A_1102 : vector<16xf32>
        %mul3A_1106 = arith.mulf %get3A_1102, %get3A_1102 : vector<16xf32>
        %add3A_1107 = arith.addf %add3A_1096, %mul3A_1106 : vector<16xf32>
        %add3A_1108 = arith.constant 10 : i32
        %add3A_1109 = arith.addi %mul3A_57, %add3A_1108 : i32
        %get3A_1110 = arith.index_cast %add3A_1109 : i32 to index
        %get3A_1111 = arith.constant 80 : index
        %get3A_1112 = tpu.vector_load %arg11[%get3A_1110, %get3A_1111] {strides = array<i32>} : memref<128x128xf32, #tpu.memory_space<vmem>>, vector<1x16xf32>,
        %get3A_1113 = vector.shape_cast %get3A_1112 : vector<1x16xf32> to vector<16xf32>
        %max3A_1114 = arith.maximumf %max3A_1103, %get3A_1113 : vector<16xf32>
        %min3A_1115 = arith.minimumf %min3A_1104, %get3A_1113 : vector<16xf32>
        %add3A_1116 = arith.addf %add3A_1105, %get3A_1113 : vector<16xf32>
        %mul3A_1117 = arith.mulf %get3A_1113, %get3A_1113 : vector<16xf32>
        %add3A_1118 = arith.addf %add3A_1107, %mul3A_1117 : vector<16xf32>
        %add3A_1119 = arith.constant 11 : i32
        %add3A_1120 = arith.addi %mul3A_57, %add3A_1119 : i32
        %get3A_1121 = arith.index_cast %add3A_1120 : i32 to index
        %get3A_1122 = arith.constant 80 : index
        %get3A_1123 = tpu.vector_load %arg11[%get3A_1121, %get3A_1122] {strides = array<i32>} : memref<128x128xf32, #tpu.memory_space<vmem>>, vector<1x16xf32>,
        %get3A_1124 = vector.shape_cast %get3A_1123 : vector<1x16xf32> to vector<16xf32>
        %max3A_1125 = arith.maximumf %max3A_1114, %get3A_1124 : vector<16xf32>
        %min3A_1126 = arith.minimumf %min3A_1115, %get3A_1124 : vector<16xf32>
        %add3A_1127 = arith.addf %add3A_1116, %get3A_1124 : vector<16xf32>
        %mul3A_1128 = arith.mulf %get3A_1124, %get3A_1124 : vector<16xf32>
        %add3A_1129 = arith.addf %add3A_1118, %mul3A_1128 : vector<16xf32>
        %add3A_1130 = arith.constant 12 : i32
        %add3A_1131 = arith.addi %mul3A_57, %add3A_1130 : i32
        %get3A_1132 = arith.index_cast %add3A_1131 : i32 to index
        %get3A_1133 = arith.constant 80 : index
        %get3A_1134 = tpu.vector_load %arg11[%get3A_1132, %get3A_1133] {strides = array<i32>} : memref<128x128xf32, #tpu.memory_space<vmem>>, vector<1x16xf32>,
        %get3A_1135 = vector.shape_cast %get3A_1134 : vector<1x16xf32> to vector<16xf32>
        %max3A_1136 = arith.maximumf %max3A_1125, %get3A_1135 : vector<16xf32>
        %min3A_1137 = arith.minimumf %min3A_1126, %get3A_1135 : vector<16xf32>
        %add3A_1138 = arith.addf %add3A_1127, %get3A_1135 : vector<16xf32>
        %mul3A_1139 = arith.mulf %get3A_1135, %get3A_1135 : vector<16xf32>
        %add3A_1140 = arith.addf %add3A_1129, %mul3A_1139 : vector<16xf32>
        %add3A_1141 = arith.constant 13 : i32
        %add3A_1142 = arith.addi %mul3A_57, %add3A_1141 : i32
        %get3A_1143 = arith.index_cast %add3A_1142 : i32 to index
        %get3A_1144 = arith.constant 80 : index
        %get3A_1145 = tpu.vector_load %arg11[%get3A_1143, %get3A_1144] {strides = array<i32>} : memref<128x128xf32, #tpu.memory_space<vmem>>, vector<1x16xf32>,
        %get3A_1146 = vector.shape_cast %get3A_1145 : vector<1x16xf32> to vector<16xf32>
        %max3A_1147 = arith.maximumf %max3A_1136, %get3A_1146 : vector<16xf32>
        %min3A_1148 = arith.minimumf %min3A_1137, %get3A_1146 : vector<16xf32>
        %add3A_1149 = arith.addf %add3A_1138, %get3A_1146 : vector<16xf32>
        %mul3A_1150 = arith.mulf %get3A_1146, %get3A_1146 : vector<16xf32>
        %add3A_1151 = arith.addf %add3A_1140, %mul3A_1150 : vector<16xf32>
        %add3A_1152 = arith.constant 14 : i32
        %add3A_1153 = arith.addi %mul3A_57, %add3A_1152 : i32
        %get3A_1154 = arith.index_cast %add3A_1153 : i32 to index
        %get3A_1155 = arith.constant 80 : index
        %get3A_1156 = tpu.vector_load %arg11[%get3A_1154, %get3A_1155] {strides = array<i32>} : memref<128x128xf32, #tpu.memory_space<vmem>>, vector<1x16xf32>,
        %get3A_1157 = vector.shape_cast %get3A_1156 : vector<1x16xf32> to vector<16xf32>
        %max3A_1158 = arith.maximumf %max3A_1147, %get3A_1157 : vector<16xf32>
        %min3A_1159 = arith.minimumf %min3A_1148, %get3A_1157 : vector<16xf32>
        %add3A_1160 = arith.addf %add3A_1149, %get3A_1157 : vector<16xf32>
        %mul3A_1161 = arith.mulf %get3A_1157, %get3A_1157 : vector<16xf32>
        %add3A_1162 = arith.addf %add3A_1151, %mul3A_1161 : vector<16xf32>
        %add3A_1163 = arith.constant 15 : i32
        %add3A_1164 = arith.addi %mul3A_57, %add3A_1163 : i32
        %get3A_1165 = arith.index_cast %add3A_1164 : i32 to index
        %get3A_1166 = arith.constant 80 : index
        %get3A_1167 = tpu.vector_load %arg11[%get3A_1165, %get3A_1166] {strides = array<i32>} : memref<128x128xf32, #tpu.memory_space<vmem>>, vector<1x16xf32>,
        %get3A_1168 = vector.shape_cast %get3A_1167 : vector<1x16xf32> to vector<16xf32>
        %max3A_1169 = arith.maximumf %max3A_1158, %get3A_1168 : vector<16xf32>
        %min3A_1170 = arith.minimumf %min3A_1159, %get3A_1168 : vector<16xf32>
        %add3A_1171 = arith.addf %add3A_1160, %get3A_1168 : vector<16xf32>
        %mul3A_1172 = arith.mulf %get3A_1168, %get3A_1168 : vector<16xf32>
        %add3A_1173 = arith.addf %add3A_1162, %mul3A_1172 : vector<16xf32>
        %swap3A_1174 = arith.index_cast %scan3A_55 : i32 to index
        %swap3A_1175 = arith.constant 80 : index
        %swap3A_1176 = tpu.vector_load %arg12[%swap3A_1174, %swap3A_1175] {strides = array<i32>} : memref<8x128xf32, #tpu.memory_space<vmem>>, vector<1x16xf32>,
        %swap3A_1177 = vector.shape_cast %swap3A_1176 : vector<1x16xf32> to vector<16xf32>
        %swap3A_1178 = vector.shape_cast %max3A_1169 : vector<16xf32> to vector<1x16xf32>
        tpu.vector_store %arg12[%swap3A_1174, %swap3A_1175], %swap3A_1178 {strides = array<i32>} : memref<8x128xf32, #tpu.memory_space<vmem>>, vector<1x16xf32>,
        %swap3A_1179 = arith.index_cast %scan3A_55 : i32 to index
        %swap3A_1180 = arith.constant 80 : index
        %swap3A_1181 = tpu.vector_load %arg13[%swap3A_1179, %swap3A_1180] {strides = array<i32>} : memref<8x128xf32, #tpu.memory_space<vmem>>, vector<1x16xf32>,
        %swap3A_1182 = vector.shape_cast %swap3A_1181 : vector<1x16xf32> to vector<16xf32>
        %swap3A_1183 = vector.shape_cast %min3A_1170 : vector<16xf32> to vector<1x16xf32>
        tpu.vector_store %arg13[%swap3A_1179, %swap3A_1180], %swap3A_1183 {strides = array<i32>} : memref<8x128xf32, #tpu.memory_space<vmem>>, vector<1x16xf32>,
        %swap3A_1184 = arith.index_cast %scan3A_55 : i32 to index
        %swap3A_1185 = arith.constant 80 : index
        %swap3A_1186 = tpu.vector_load %arg14[%swap3A_1184, %swap3A_1185] {strides = array<i32>} : memref<8x128xf32, #tpu.memory_space<vmem>>, vector<1x16xf32>,
        %swap3A_1187 = vector.shape_cast %swap3A_1186 : vector<1x16xf32> to vector<16xf32>
        %swap3A_1188 = vector.shape_cast %add3A_1171 : vector<16xf32> to vector<1x16xf32>
        tpu.vector_store %arg14[%swap3A_1184, %swap3A_1185], %swap3A_1188 {strides = array<i32>} : memref<8x128xf32, #tpu.memory_space<vmem>>, vector<1x16xf32>,
        %swap3A_1189 = arith.index_cast %scan3A_55 : i32 to index
        %swap3A_1190 = arith.constant 80 : index
        %swap3A_1191 = tpu.vector_load %arg15[%swap3A_1189, %swap3A_1190] {strides = array<i32>} : memref<8x128xf32, #tpu.memory_space<vmem>>, vector<1x16xf32>,
        %swap3A_1192 = vector.shape_cast %swap3A_1191 : vector<1x16xf32> to vector<16xf32>
        %swap3A_1193 = vector.shape_cast %add3A_1173 : vector<16xf32> to vector<1x16xf32>
        tpu.vector_store %arg15[%swap3A_1189, %swap3A_1190], %swap3A_1193 {strides = array<i32>} : memref<8x128xf32, #tpu.memory_space<vmem>>, vector<1x16xf32>,
        %get3A_1194 = arith.index_cast %mul3A_57 : i32 to index
        %get3A_1195 = arith.constant 96 : index
        %get3A_1196 = tpu.vector_load %arg11[%get3A_1194, %get3A_1195] {strides = array<i32>} : memref<128x128xf32, #tpu.memory_space<vmem>>, vector<1x16xf32>,
        %get3A_1197 = vector.shape_cast %get3A_1196 : vector<1x16xf32> to vector<16xf32>
        %mul3A_1198 = arith.mulf %get3A_1197, %get3A_1197 : vector<16xf32>
        %add3A_1199 = arith.constant 1 : i32
        %add3A_1200 = arith.addi %mul3A_57, %add3A_1199 : i32
        %get3A_1201 = arith.index_cast %add3A_1200 : i32 to index
        %get3A_1202 = arith.constant 96 : index
        %get3A_1203 = tpu.vector_load %arg11[%get3A_1201, %get3A_1202] {strides = array<i32>} : memref<128x128xf32, #tpu.memory_space<vmem>>, vector<1x16xf32>,
        %get3A_1204 = vector.shape_cast %get3A_1203 : vector<1x16xf32> to vector<16xf32>
        %max3A_1205 = arith.maximumf %get3A_1197, %get3A_1204 : vector<16xf32>
        %min3A_1206 = arith.minimumf %get3A_1197, %get3A_1204 : vector<16xf32>
        %add3A_1207 = arith.addf %get3A_1197, %get3A_1204 : vector<16xf32>
        %mul3A_1208 = arith.mulf %get3A_1204, %get3A_1204 : vector<16xf32>
        %add3A_1209 = arith.addf %mul3A_1198, %mul3A_1208 : vector<16xf32>
        %add3A_1210 = arith.constant 2 : i32
        %add3A_1211 = arith.addi %mul3A_57, %add3A_1210 : i32
        %get3A_1212 = arith.index_cast %add3A_1211 : i32 to index
        %get3A_1213 = arith.constant 96 : index
        %get3A_1214 = tpu.vector_load %arg11[%get3A_1212, %get3A_1213] {strides = array<i32>} : memref<128x128xf32, #tpu.memory_space<vmem>>, vector<1x16xf32>,
        %get3A_1215 = vector.shape_cast %get3A_1214 : vector<1x16xf32> to vector<16xf32>
        %max3A_1216 = arith.maximumf %max3A_1205, %get3A_1215 : vector<16xf32>
        %min3A_1217 = arith.minimumf %min3A_1206, %get3A_1215 : vector<16xf32>
        %add3A_1218 = arith.addf %add3A_1207, %get3A_1215 : vector<16xf32>
        %mul3A_1219 = arith.mulf %get3A_1215, %get3A_1215 : vector<16xf32>
        %add3A_1220 = arith.addf %add3A_1209, %mul3A_1219 : vector<16xf32>
        %add3A_1221 = arith.constant 3 : i32
        %add3A_1222 = arith.addi %mul3A_57, %add3A_1221 : i32
        %get3A_1223 = arith.index_cast %add3A_1222 : i32 to index
        %get3A_1224 = arith.constant 96 : index
        %get3A_1225 = tpu.vector_load %arg11[%get3A_1223, %get3A_1224] {strides = array<i32>} : memref<128x128xf32, #tpu.memory_space<vmem>>, vector<1x16xf32>,
        %get3A_1226 = vector.shape_cast %get3A_1225 : vector<1x16xf32> to vector<16xf32>
        %max3A_1227 = arith.maximumf %max3A_1216, %get3A_1226 : vector<16xf32>
        %min3A_1228 = arith.minimumf %min3A_1217, %get3A_1226 : vector<16xf32>
        %add3A_1229 = arith.addf %add3A_1218, %get3A_1226 : vector<16xf32>
        %mul3A_1230 = arith.mulf %get3A_1226, %get3A_1226 : vector<16xf32>
        %add3A_1231 = arith.addf %add3A_1220, %mul3A_1230 : vector<16xf32>
        %add3A_1232 = arith.constant 4 : i32
        %add3A_1233 = arith.addi %mul3A_57, %add3A_1232 : i32
        %get3A_1234 = arith.index_cast %add3A_1233 : i32 to index
        %get3A_1235 = arith.constant 96 : index
        %get3A_1236 = tpu.vector_load %arg11[%get3A_1234, %get3A_1235] {strides = array<i32>} : memref<128x128xf32, #tpu.memory_space<vmem>>, vector<1x16xf32>,
        %get3A_1237 = vector.shape_cast %get3A_1236 : vector<1x16xf32> to vector<16xf32>
        %max3A_1238 = arith.maximumf %max3A_1227, %get3A_1237 : vector<16xf32>
        %min3A_1239 = arith.minimumf %min3A_1228, %get3A_1237 : vector<16xf32>
        %add3A_1240 = arith.addf %add3A_1229, %get3A_1237 : vector<16xf32>
        %mul3A_1241 = arith.mulf %get3A_1237, %get3A_1237 : vector<16xf32>
        %add3A_1242 = arith.addf %add3A_1231, %mul3A_1241 : vector<16xf32>
        %add3A_1243 = arith.constant 5 : i32
        %add3A_1244 = arith.addi %mul3A_57, %add3A_1243 : i32
        %get3A_1245 = arith.index_cast %add3A_1244 : i32 to index
        %get3A_1246 = arith.constant 96 : index
        %get3A_1247 = tpu.vector_load %arg11[%get3A_1245, %get3A_1246] {strides = array<i32>} : memref<128x128xf32, #tpu.memory_space<vmem>>, vector<1x16xf32>,
        %get3A_1248 = vector.shape_cast %get3A_1247 : vector<1x16xf32> to vector<16xf32>
        %max3A_1249 = arith.maximumf %max3A_1238, %get3A_1248 : vector<16xf32>
        %min3A_1250 = arith.minimumf %min3A_1239, %get3A_1248 : vector<16xf32>
        %add3A_1251 = arith.addf %add3A_1240, %get3A_1248 : vector<16xf32>
        %mul3A_1252 = arith.mulf %get3A_1248, %get3A_1248 : vector<16xf32>
        %add3A_1253 = arith.addf %add3A_1242, %mul3A_1252 : vector<16xf32>
        %add3A_1254 = arith.constant 6 : i32
        %add3A_1255 = arith.addi %mul3A_57, %add3A_1254 : i32
        %get3A_1256 = arith.index_cast %add3A_1255 : i32 to index
        %get3A_1257 = arith.constant 96 : index
        %get3A_1258 = tpu.vector_load %arg11[%get3A_1256, %get3A_1257] {strides = array<i32>} : memref<128x128xf32, #tpu.memory_space<vmem>>, vector<1x16xf32>,
        %get3A_1259 = vector.shape_cast %get3A_1258 : vector<1x16xf32> to vector<16xf32>
        %max3A_1260 = arith.maximumf %max3A_1249, %get3A_1259 : vector<16xf32>
        %min3A_1261 = arith.minimumf %min3A_1250, %get3A_1259 : vector<16xf32>
        %add3A_1262 = arith.addf %add3A_1251, %get3A_1259 : vector<16xf32>
        %mul3A_1263 = arith.mulf %get3A_1259, %get3A_1259 : vector<16xf32>
        %add3A_1264 = arith.addf %add3A_1253, %mul3A_1263 : vector<16xf32>
        %add3A_1265 = arith.constant 7 : i32
        %add3A_1266 = arith.addi %mul3A_57, %add3A_1265 : i32
        %get3A_1267 = arith.index_cast %add3A_1266 : i32 to index
        %get3A_1268 = arith.constant 96 : index
        %get3A_1269 = tpu.vector_load %arg11[%get3A_1267, %get3A_1268] {strides = array<i32>} : memref<128x128xf32, #tpu.memory_space<vmem>>, vector<1x16xf32>,
        %get3A_1270 = vector.shape_cast %get3A_1269 : vector<1x16xf32> to vector<16xf32>
        %max3A_1271 = arith.maximumf %max3A_1260, %get3A_1270 : vector<16xf32>
        %min3A_1272 = arith.minimumf %min3A_1261, %get3A_1270 : vector<16xf32>
        %add3A_1273 = arith.addf %add3A_1262, %get3A_1270 : vector<16xf32>
        %mul3A_1274 = arith.mulf %get3A_1270, %get3A_1270 : vector<16xf32>
        %add3A_1275 = arith.addf %add3A_1264, %mul3A_1274 : vector<16xf32>
        %add3A_1276 = arith.constant 8 : i32
        %add3A_1277 = arith.addi %mul3A_57, %add3A_1276 : i32
        %get3A_1278 = arith.index_cast %add3A_1277 : i32 to index
        %get3A_1279 = arith.constant 96 : index
        %get3A_1280 = tpu.vector_load %arg11[%get3A_1278, %get3A_1279] {strides = array<i32>} : memref<128x128xf32, #tpu.memory_space<vmem>>, vector<1x16xf32>,
        %get3A_1281 = vector.shape_cast %get3A_1280 : vector<1x16xf32> to vector<16xf32>
        %max3A_1282 = arith.maximumf %max3A_1271, %get3A_1281 : vector<16xf32>
        %min3A_1283 = arith.minimumf %min3A_1272, %get3A_1281 : vector<16xf32>
        %add3A_1284 = arith.addf %add3A_1273, %get3A_1281 : vector<16xf32>
        %mul3A_1285 = arith.mulf %get3A_1281, %get3A_1281 : vector<16xf32>
        %add3A_1286 = arith.addf %add3A_1275, %mul3A_1285 : vector<16xf32>
        %add3A_1287 = arith.constant 9 : i32
        %add3A_1288 = arith.addi %mul3A_57, %add3A_1287 : i32
        %get3A_1289 = arith.index_cast %add3A_1288 : i32 to index
        %get3A_1290 = arith.constant 96 : index
        %get3A_1291 = tpu.vector_load %arg11[%get3A_1289, %get3A_1290] {strides = array<i32>} : memref<128x128xf32, #tpu.memory_space<vmem>>, vector<1x16xf32>,
        %get3A_1292 = vector.shape_cast %get3A_1291 : vector<1x16xf32> to vector<16xf32>
        %max3A_1293 = arith.maximumf %max3A_1282, %get3A_1292 : vector<16xf32>
        %min3A_1294 = arith.minimumf %min3A_1283, %get3A_1292 : vector<16xf32>
        %add3A_1295 = arith.addf %add3A_1284, %get3A_1292 : vector<16xf32>
        %mul3A_1296 = arith.mulf %get3A_1292, %get3A_1292 : vector<16xf32>
        %add3A_1297 = arith.addf %add3A_1286, %mul3A_1296 : vector<16xf32>
        %add3A_1298 = arith.constant 10 : i32
        %add3A_1299 = arith.addi %mul3A_57, %add3A_1298 : i32
        %get3A_1300 = arith.index_cast %add3A_1299 : i32 to index
        %get3A_1301 = arith.constant 96 : index
        %get3A_1302 = tpu.vector_load %arg11[%get3A_1300, %get3A_1301] {strides = array<i32>} : memref<128x128xf32, #tpu.memory_space<vmem>>, vector<1x16xf32>,
        %get3A_1303 = vector.shape_cast %get3A_1302 : vector<1x16xf32> to vector<16xf32>
        %max3A_1304 = arith.maximumf %max3A_1293, %get3A_1303 : vector<16xf32>
        %min3A_1305 = arith.minimumf %min3A_1294, %get3A_1303 : vector<16xf32>
        %add3A_1306 = arith.addf %add3A_1295, %get3A_1303 : vector<16xf32>
        %mul3A_1307 = arith.mulf %get3A_1303, %get3A_1303 : vector<16xf32>
        %add3A_1308 = arith.addf %add3A_1297, %mul3A_1307 : vector<16xf32>
        %add3A_1309 = arith.constant 11 : i32
        %add3A_1310 = arith.addi %mul3A_57, %add3A_1309 : i32
        %get3A_1311 = arith.index_cast %add3A_1310 : i32 to index
        %get3A_1312 = arith.constant 96 : index
        %get3A_1313 = tpu.vector_load %arg11[%get3A_1311, %get3A_1312] {strides = array<i32>} : memref<128x128xf32, #tpu.memory_space<vmem>>, vector<1x16xf32>,
        %get3A_1314 = vector.shape_cast %get3A_1313 : vector<1x16xf32> to vector<16xf32>
        %max3A_1315 = arith.maximumf %max3A_1304, %get3A_1314 : vector<16xf32>
        %min3A_1316 = arith.minimumf %min3A_1305, %get3A_1314 : vector<16xf32>
        %add3A_1317 = arith.addf %add3A_1306, %get3A_1314 : vector<16xf32>
        %mul3A_1318 = arith.mulf %get3A_1314, %get3A_1314 : vector<16xf32>
        %add3A_1319 = arith.addf %add3A_1308, %mul3A_1318 : vector<16xf32>
        %add3A_1320 = arith.constant 12 : i32
        %add3A_1321 = arith.addi %mul3A_57, %add3A_1320 : i32
        %get3A_1322 = arith.index_cast %add3A_1321 : i32 to index
        %get3A_1323 = arith.constant 96 : index
        %get3A_1324 = tpu.vector_load %arg11[%get3A_1322, %get3A_1323] {strides = array<i32>} : memref<128x128xf32, #tpu.memory_space<vmem>>, vector<1x16xf32>,
        %get3A_1325 = vector.shape_cast %get3A_1324 : vector<1x16xf32> to vector<16xf32>
        %max3A_1326 = arith.maximumf %max3A_1315, %get3A_1325 : vector<16xf32>
        %min3A_1327 = arith.minimumf %min3A_1316, %get3A_1325 : vector<16xf32>
        %add3A_1328 = arith.addf %add3A_1317, %get3A_1325 : vector<16xf32>
        %mul3A_1329 = arith.mulf %get3A_1325, %get3A_1325 : vector<16xf32>
        %add3A_1330 = arith.addf %add3A_1319, %mul3A_1329 : vector<16xf32>
        %add3A_1331 = arith.constant 13 : i32
        %add3A_1332 = arith.addi %mul3A_57, %add3A_1331 : i32
        %get3A_1333 = arith.index_cast %add3A_1332 : i32 to index
        %get3A_1334 = arith.constant 96 : index
        %get3A_1335 = tpu.vector_load %arg11[%get3A_1333, %get3A_1334] {strides = array<i32>} : memref<128x128xf32, #tpu.memory_space<vmem>>, vector<1x16xf32>,
        %get3A_1336 = vector.shape_cast %get3A_1335 : vector<1x16xf32> to vector<16xf32>
        %max3A_1337 = arith.maximumf %max3A_1326, %get3A_1336 : vector<16xf32>
        %min3A_1338 = arith.minimumf %min3A_1327, %get3A_1336 : vector<16xf32>
        %add3A_1339 = arith.addf %add3A_1328, %get3A_1336 : vector<16xf32>
        %mul3A_1340 = arith.mulf %get3A_1336, %get3A_1336 : vector<16xf32>
        %add3A_1341 = arith.addf %add3A_1330, %mul3A_1340 : vector<16xf32>
        %add3A_1342 = arith.constant 14 : i32
        %add3A_1343 = arith.addi %mul3A_57, %add3A_1342 : i32
        %get3A_1344 = arith.index_cast %add3A_1343 : i32 to index
        %get3A_1345 = arith.constant 96 : index
        %get3A_1346 = tpu.vector_load %arg11[%get3A_1344, %get3A_1345] {strides = array<i32>} : memref<128x128xf32, #tpu.memory_space<vmem>>, vector<1x16xf32>,
        %get3A_1347 = vector.shape_cast %get3A_1346 : vector<1x16xf32> to vector<16xf32>
        %max3A_1348 = arith.maximumf %max3A_1337, %get3A_1347 : vector<16xf32>
        %min3A_1349 = arith.minimumf %min3A_1338, %get3A_1347 : vector<16xf32>
        %add3A_1350 = arith.addf %add3A_1339, %get3A_1347 : vector<16xf32>
        %mul3A_1351 = arith.mulf %get3A_1347, %get3A_1347 : vector<16xf32>
        %add3A_1352 = arith.addf %add3A_1341, %mul3A_1351 : vector<16xf32>
        %add3A_1353 = arith.constant 15 : i32
        %add3A_1354 = arith.addi %mul3A_57, %add3A_1353 : i32
        %get3A_1355 = arith.index_cast %add3A_1354 : i32 to index
        %get3A_1356 = arith.constant 96 : index
        %get3A_1357 = tpu.vector_load %arg11[%get3A_1355, %get3A_1356] {strides = array<i32>} : memref<128x128xf32, #tpu.memory_space<vmem>>, vector<1x16xf32>,
        %get3A_1358 = vector.shape_cast %get3A_1357 : vector<1x16xf32> to vector<16xf32>
        %max3A_1359 = arith.maximumf %max3A_1348, %get3A_1358 : vector<16xf32>
        %min3A_1360 = arith.minimumf %min3A_1349, %get3A_1358 : vector<16xf32>
        %add3A_1361 = arith.addf %add3A_1350, %get3A_1358 : vector<16xf32>
        %mul3A_1362 = arith.mulf %get3A_1358, %get3A_1358 : vector<16xf32>
        %add3A_1363 = arith.addf %add3A_1352, %mul3A_1362 : vector<16xf32>
        %swap3A_1364 = arith.index_cast %scan3A_55 : i32 to index
        %swap3A_1365 = arith.constant 96 : index
        %swap3A_1366 = tpu.vector_load %arg12[%swap3A_1364, %swap3A_1365] {strides = array<i32>} : memref<8x128xf32, #tpu.memory_space<vmem>>, vector<1x16xf32>,
        %swap3A_1367 = vector.shape_cast %swap3A_1366 : vector<1x16xf32> to vector<16xf32>
        %swap3A_1368 = vector.shape_cast %max3A_1359 : vector<16xf32> to vector<1x16xf32>
        tpu.vector_store %arg12[%swap3A_1364, %swap3A_1365], %swap3A_1368 {strides = array<i32>} : memref<8x128xf32, #tpu.memory_space<vmem>>, vector<1x16xf32>,
        %swap3A_1369 = arith.index_cast %scan3A_55 : i32 to index
        %swap3A_1370 = arith.constant 96 : index
        %swap3A_1371 = tpu.vector_load %arg13[%swap3A_1369, %swap3A_1370] {strides = array<i32>} : memref<8x128xf32, #tpu.memory_space<vmem>>, vector<1x16xf32>,
        %swap3A_1372 = vector.shape_cast %swap3A_1371 : vector<1x16xf32> to vector<16xf32>
        %swap3A_1373 = vector.shape_cast %min3A_1360 : vector<16xf32> to vector<1x16xf32>
        tpu.vector_store %arg13[%swap3A_1369, %swap3A_1370], %swap3A_1373 {strides = array<i32>} : memref<8x128xf32, #tpu.memory_space<vmem>>, vector<1x16xf32>,
        %swap3A_1374 = arith.index_cast %scan3A_55 : i32 to index
        %swap3A_1375 = arith.constant 96 : index
        %swap3A_1376 = tpu.vector_load %arg14[%swap3A_1374, %swap3A_1375] {strides = array<i32>} : memref<8x128xf32, #tpu.memory_space<vmem>>, vector<1x16xf32>,
        %swap3A_1377 = vector.shape_cast %swap3A_1376 : vector<1x16xf32> to vector<16xf32>
        %swap3A_1378 = vector.shape_cast %add3A_1361 : vector<16xf32> to vector<1x16xf32>
        tpu.vector_store %arg14[%swap3A_1374, %swap3A_1375], %swap3A_1378 {strides = array<i32>} : memref<8x128xf32, #tpu.memory_space<vmem>>, vector<1x16xf32>,
        %swap3A_1379 = arith.index_cast %scan3A_55 : i32 to index
        %swap3A_1380 = arith.constant 96 : index
        %swap3A_1381 = tpu.vector_load %arg15[%swap3A_1379, %swap3A_1380] {strides = array<i32>} : memref<8x128xf32, #tpu.memory_space<vmem>>, vector<1x16xf32>,
        %swap3A_1382 = vector.shape_cast %swap3A_1381 : vector<1x16xf32> to vector<16xf32>
        %swap3A_1383 = vector.shape_cast %add3A_1363 : vector<16xf32> to vector<1x16xf32>
        tpu.vector_store %arg15[%swap3A_1379, %swap3A_1380], %swap3A_1383 {strides = array<i32>} : memref<8x128xf32, #tpu.memory_space<vmem>>, vector<1x16xf32>,
        %get3A_1384 = arith.index_cast %mul3A_57 : i32 to index
        %get3A_1385 = arith.constant 112 : index
        %get3A_1386 = tpu.vector_load %arg11[%get3A_1384, %get3A_1385] {strides = array<i32>} : memref<128x128xf32, #tpu.memory_space<vmem>>, vector<1x16xf32>,
        %get3A_1387 = vector.shape_cast %get3A_1386 : vector<1x16xf32> to vector<16xf32>
        %mul3A_1388 = arith.mulf %get3A_1387, %get3A_1387 : vector<16xf32>
        %add3A_1389 = arith.constant 1 : i32
        %add3A_1390 = arith.addi %mul3A_57, %add3A_1389 : i32
        %get3A_1391 = arith.index_cast %add3A_1390 : i32 to index
        %get3A_1392 = arith.constant 112 : index
        %get3A_1393 = tpu.vector_load %arg11[%get3A_1391, %get3A_1392] {strides = array<i32>} : memref<128x128xf32, #tpu.memory_space<vmem>>, vector<1x16xf32>,
        %get3A_1394 = vector.shape_cast %get3A_1393 : vector<1x16xf32> to vector<16xf32>
        %max3A_1395 = arith.maximumf %get3A_1387, %get3A_1394 : vector<16xf32>
        %min3A_1396 = arith.minimumf %get3A_1387, %get3A_1394 : vector<16xf32>
        %add3A_1397 = arith.addf %get3A_1387, %get3A_1394 : vector<16xf32>
        %mul3A_1398 = arith.mulf %get3A_1394, %get3A_1394 : vector<16xf32>
        %add3A_1399 = arith.addf %mul3A_1388, %mul3A_1398 : vector<16xf32>
        %add3A_1400 = arith.constant 2 : i32
        %add3A_1401 = arith.addi %mul3A_57, %add3A_1400 : i32
        %get3A_1402 = arith.index_cast %add3A_1401 : i32 to index
        %get3A_1403 = arith.constant 112 : index
        %get3A_1404 = tpu.vector_load %arg11[%get3A_1402, %get3A_1403] {strides = array<i32>} : memref<128x128xf32, #tpu.memory_space<vmem>>, vector<1x16xf32>,
        %get3A_1405 = vector.shape_cast %get3A_1404 : vector<1x16xf32> to vector<16xf32>
        %max3A_1406 = arith.maximumf %max3A_1395, %get3A_1405 : vector<16xf32>
        %min3A_1407 = arith.minimumf %min3A_1396, %get3A_1405 : vector<16xf32>
        %add3A_1408 = arith.addf %add3A_1397, %get3A_1405 : vector<16xf32>
        %mul3A_1409 = arith.mulf %get3A_1405, %get3A_1405 : vector<16xf32>
        %add3A_1410 = arith.addf %add3A_1399, %mul3A_1409 : vector<16xf32>
        %add3A_1411 = arith.constant 3 : i32
        %add3A_1412 = arith.addi %mul3A_57, %add3A_1411 : i32
        %get3A_1413 = arith.index_cast %add3A_1412 : i32 to index
        %get3A_1414 = arith.constant 112 : index
        %get3A_1415 = tpu.vector_load %arg11[%get3A_1413, %get3A_1414] {strides = array<i32>} : memref<128x128xf32, #tpu.memory_space<vmem>>, vector<1x16xf32>,
        %get3A_1416 = vector.shape_cast %get3A_1415 : vector<1x16xf32> to vector<16xf32>
        %max3A_1417 = arith.maximumf %max3A_1406, %get3A_1416 : vector<16xf32>
        %min3A_1418 = arith.minimumf %min3A_1407, %get3A_1416 : vector<16xf32>
        %add3A_1419 = arith.addf %add3A_1408, %get3A_1416 : vector<16xf32>
        %mul3A_1420 = arith.mulf %get3A_1416, %get3A_1416 : vector<16xf32>
        %add3A_1421 = arith.addf %add3A_1410, %mul3A_1420 : vector<16xf32>
        %add3A_1422 = arith.constant 4 : i32
        %add3A_1423 = arith.addi %mul3A_57, %add3A_1422 : i32
        %get3A_1424 = arith.index_cast %add3A_1423 : i32 to index
        %get3A_1425 = arith.constant 112 : index
        %get3A_1426 = tpu.vector_load %arg11[%get3A_1424, %get3A_1425] {strides = array<i32>} : memref<128x128xf32, #tpu.memory_space<vmem>>, vector<1x16xf32>,
        %get3A_1427 = vector.shape_cast %get3A_1426 : vector<1x16xf32> to vector<16xf32>
        %max3A_1428 = arith.maximumf %max3A_1417, %get3A_1427 : vector<16xf32>
        %min3A_1429 = arith.minimumf %min3A_1418, %get3A_1427 : vector<16xf32>
        %add3A_1430 = arith.addf %add3A_1419, %get3A_1427 : vector<16xf32>
        %mul3A_1431 = arith.mulf %get3A_1427, %get3A_1427 : vector<16xf32>
        %add3A_1432 = arith.addf %add3A_1421, %mul3A_1431 : vector<16xf32>
        %add3A_1433 = arith.constant 5 : i32
        %add3A_1434 = arith.addi %mul3A_57, %add3A_1433 : i32
        %get3A_1435 = arith.index_cast %add3A_1434 : i32 to index
        %get3A_1436 = arith.constant 112 : index
        %get3A_1437 = tpu.vector_load %arg11[%get3A_1435, %get3A_1436] {strides = array<i32>} : memref<128x128xf32, #tpu.memory_space<vmem>>, vector<1x16xf32>,
        %get3A_1438 = vector.shape_cast %get3A_1437 : vector<1x16xf32> to vector<16xf32>
        %max3A_1439 = arith.maximumf %max3A_1428, %get3A_1438 : vector<16xf32>
        %min3A_1440 = arith.minimumf %min3A_1429, %get3A_1438 : vector<16xf32>
        %add3A_1441 = arith.addf %add3A_1430, %get3A_1438 : vector<16xf32>
        %mul3A_1442 = arith.mulf %get3A_1438, %get3A_1438 : vector<16xf32>
        %add3A_1443 = arith.addf %add3A_1432, %mul3A_1442 : vector<16xf32>
        %add3A_1444 = arith.constant 6 : i32
        %add3A_1445 = arith.addi %mul3A_57, %add3A_1444 : i32
        %get3A_1446 = arith.index_cast %add3A_1445 : i32 to index
        %get3A_1447 = arith.constant 112 : index
        %get3A_1448 = tpu.vector_load %arg11[%get3A_1446, %get3A_1447] {strides = array<i32>} : memref<128x128xf32, #tpu.memory_space<vmem>>, vector<1x16xf32>,
        %get3A_1449 = vector.shape_cast %get3A_1448 : vector<1x16xf32> to vector<16xf32>
        %max3A_1450 = arith.maximumf %max3A_1439, %get3A_1449 : vector<16xf32>
        %min3A_1451 = arith.minimumf %min3A_1440, %get3A_1449 : vector<16xf32>
        %add3A_1452 = arith.addf %add3A_1441, %get3A_1449 : vector<16xf32>
        %mul3A_1453 = arith.mulf %get3A_1449, %get3A_1449 : vector<16xf32>
        %add3A_1454 = arith.addf %add3A_1443, %mul3A_1453 : vector<16xf32>
        %add3A_1455 = arith.constant 7 : i32
        %add3A_1456 = arith.addi %mul3A_57, %add3A_1455 : i32
        %get3A_1457 = arith.index_cast %add3A_1456 : i32 to index
        %get3A_1458 = arith.constant 112 : index
        %get3A_1459 = tpu.vector_load %arg11[%get3A_1457, %get3A_1458] {strides = array<i32>} : memref<128x128xf32, #tpu.memory_space<vmem>>, vector<1x16xf32>,
        %get3A_1460 = vector.shape_cast %get3A_1459 : vector<1x16xf32> to vector<16xf32>
        %max3A_1461 = arith.maximumf %max3A_1450, %get3A_1460 : vector<16xf32>
        %min3A_1462 = arith.minimumf %min3A_1451, %get3A_1460 : vector<16xf32>
        %add3A_1463 = arith.addf %add3A_1452, %get3A_1460 : vector<16xf32>
        %mul3A_1464 = arith.mulf %get3A_1460, %get3A_1460 : vector<16xf32>
        %add3A_1465 = arith.addf %add3A_1454, %mul3A_1464 : vector<16xf32>
        %add3A_1466 = arith.constant 8 : i32
        %add3A_1467 = arith.addi %mul3A_57, %add3A_1466 : i32
        %get3A_1468 = arith.index_cast %add3A_1467 : i32 to index
        %get3A_1469 = arith.constant 112 : index
        %get3A_1470 = tpu.vector_load %arg11[%get3A_1468, %get3A_1469] {strides = array<i32>} : memref<128x128xf32, #tpu.memory_space<vmem>>, vector<1x16xf32>,
        %get3A_1471 = vector.shape_cast %get3A_1470 : vector<1x16xf32> to vector<16xf32>
        %max3A_1472 = arith.maximumf %max3A_1461, %get3A_1471 : vector<16xf32>
        %min3A_1473 = arith.minimumf %min3A_1462, %get3A_1471 : vector<16xf32>
        %add3A_1474 = arith.addf %add3A_1463, %get3A_1471 : vector<16xf32>
        %mul3A_1475 = arith.mulf %get3A_1471, %get3A_1471 : vector<16xf32>
        %add3A_1476 = arith.addf %add3A_1465, %mul3A_1475 : vector<16xf32>
        %add3A_1477 = arith.constant 9 : i32
        %add3A_1478 = arith.addi %mul3A_57, %add3A_1477 : i32
        %get3A_1479 = arith.index_cast %add3A_1478 : i32 to index
        %get3A_1480 = arith.constant 112 : index
        %get3A_1481 = tpu.vector_load %arg11[%get3A_1479, %get3A_1480] {strides = array<i32>} : memref<128x128xf32, #tpu.memory_space<vmem>>, vector<1x16xf32>,
        %get3A_1482 = vector.shape_cast %get3A_1481 : vector<1x16xf32> to vector<16xf32>
        %max3A_1483 = arith.maximumf %max3A_1472, %get3A_1482 : vector<16xf32>
        %min3A_1484 = arith.minimumf %min3A_1473, %get3A_1482 : vector<16xf32>
        %add3A_1485 = arith.addf %add3A_1474, %get3A_1482 : vector<16xf32>
        %mul3A_1486 = arith.mulf %get3A_1482, %get3A_1482 : vector<16xf32>
        %add3A_1487 = arith.addf %add3A_1476, %mul3A_1486 : vector<16xf32>
        %add3A_1488 = arith.constant 10 : i32
        %add3A_1489 = arith.addi %mul3A_57, %add3A_1488 : i32
        %get3A_1490 = arith.index_cast %add3A_1489 : i32 to index
        %get3A_1491 = arith.constant 112 : index
        %get3A_1492 = tpu.vector_load %arg11[%get3A_1490, %get3A_1491] {strides = array<i32>} : memref<128x128xf32, #tpu.memory_space<vmem>>, vector<1x16xf32>,
        %get3A_1493 = vector.shape_cast %get3A_1492 : vector<1x16xf32> to vector<16xf32>
        %max3A_1494 = arith.maximumf %max3A_1483, %get3A_1493 : vector<16xf32>
        %min3A_1495 = arith.minimumf %min3A_1484, %get3A_1493 : vector<16xf32>
        %add3A_1496 = arith.addf %add3A_1485, %get3A_1493 : vector<16xf32>
        %mul3A_1497 = arith.mulf %get3A_1493, %get3A_1493 : vector<16xf32>
        %add3A_1498 = arith.addf %add3A_1487, %mul3A_1497 : vector<16xf32>
        %add3A_1499 = arith.constant 11 : i32
        %add3A_1500 = arith.addi %mul3A_57, %add3A_1499 : i32
        %get3A_1501 = arith.index_cast %add3A_1500 : i32 to index
        %get3A_1502 = arith.constant 112 : index
        %get3A_1503 = tpu.vector_load %arg11[%get3A_1501, %get3A_1502] {strides = array<i32>} : memref<128x128xf32, #tpu.memory_space<vmem>>, vector<1x16xf32>,
        %get3A_1504 = vector.shape_cast %get3A_1503 : vector<1x16xf32> to vector<16xf32>
        %max3A_1505 = arith.maximumf %max3A_1494, %get3A_1504 : vector<16xf32>
        %min3A_1506 = arith.minimumf %min3A_1495, %get3A_1504 : vector<16xf32>
        %add3A_1507 = arith.addf %add3A_1496, %get3A_1504 : vector<16xf32>
        %mul3A_1508 = arith.mulf %get3A_1504, %get3A_1504 : vector<16xf32>
        %add3A_1509 = arith.addf %add3A_1498, %mul3A_1508 : vector<16xf32>
        %add3A_1510 = arith.constant 12 : i32
        %add3A_1511 = arith.addi %mul3A_57, %add3A_1510 : i32
        %get3A_1512 = arith.index_cast %add3A_1511 : i32 to index
        %get3A_1513 = arith.constant 112 : index
        %get3A_1514 = tpu.vector_load %arg11[%get3A_1512, %get3A_1513] {strides = array<i32>} : memref<128x128xf32, #tpu.memory_space<vmem>>, vector<1x16xf32>,
        %get3A_1515 = vector.shape_cast %get3A_1514 : vector<1x16xf32> to vector<16xf32>
        %max3A_1516 = arith.maximumf %max3A_1505, %get3A_1515 : vector<16xf32>
        %min3A_1517 = arith.minimumf %min3A_1506, %get3A_1515 : vector<16xf32>
        %add3A_1518 = arith.addf %add3A_1507, %get3A_1515 : vector<16xf32>
        %mul3A_1519 = arith.mulf %get3A_1515, %get3A_1515 : vector<16xf32>
        %add3A_1520 = arith.addf %add3A_1509, %mul3A_1519 : vector<16xf32>
        %add3A_1521 = arith.constant 13 : i32
        %add3A_1522 = arith.addi %mul3A_57, %add3A_1521 : i32
        %get3A_1523 = arith.index_cast %add3A_1522 : i32 to index
        %get3A_1524 = arith.constant 112 : index
        %get3A_1525 = tpu.vector_load %arg11[%get3A_1523, %get3A_1524] {strides = array<i32>} : memref<128x128xf32, #tpu.memory_space<vmem>>, vector<1x16xf32>,
        %get3A_1526 = vector.shape_cast %get3A_1525 : vector<1x16xf32> to vector<16xf32>
        %max3A_1527 = arith.maximumf %max3A_1516, %get3A_1526 : vector<16xf32>
        %min3A_1528 = arith.minimumf %min3A_1517, %get3A_1526 : vector<16xf32>
        %add3A_1529 = arith.addf %add3A_1518, %get3A_1526 : vector<16xf32>
        %mul3A_1530 = arith.mulf %get3A_1526, %get3A_1526 : vector<16xf32>
        %add3A_1531 = arith.addf %add3A_1520, %mul3A_1530 : vector<16xf32>
        %add3A_1532 = arith.constant 14 : i32
        %add3A_1533 = arith.addi %mul3A_57, %add3A_1532 : i32
        %get3A_1534 = arith.index_cast %add3A_1533 : i32 to index
        %get3A_1535 = arith.constant 112 : index
        %get3A_1536 = tpu.vector_load %arg11[%get3A_1534, %get3A_1535] {strides = array<i32>} : memref<128x128xf32, #tpu.memory_space<vmem>>, vector<1x16xf32>,
        %get3A_1537 = vector.shape_cast %get3A_1536 : vector<1x16xf32> to vector<16xf32>
        %max3A_1538 = arith.maximumf %max3A_1527, %get3A_1537 : vector<16xf32>
        %min3A_1539 = arith.minimumf %min3A_1528, %get3A_1537 : vector<16xf32>
        %add3A_1540 = arith.addf %add3A_1529, %get3A_1537 : vector<16xf32>
        %mul3A_1541 = arith.mulf %get3A_1537, %get3A_1537 : vector<16xf32>
        %add3A_1542 = arith.addf %add3A_1531, %mul3A_1541 : vector<16xf32>
        %add3A_1543 = arith.constant 15 : i32
        %add3A_1544 = arith.addi %mul3A_57, %add3A_1543 : i32
        %get3A_1545 = arith.index_cast %add3A_1544 : i32 to index
        %get3A_1546 = arith.constant 112 : index
        %get3A_1547 = tpu.vector_load %arg11[%get3A_1545, %get3A_1546] {strides = array<i32>} : memref<128x128xf32, #tpu.memory_space<vmem>>, vector<1x16xf32>,
        %get3A_1548 = vector.shape_cast %get3A_1547 : vector<1x16xf32> to vector<16xf32>
        %max3A_1549 = arith.maximumf %max3A_1538, %get3A_1548 : vector<16xf32>
        %min3A_1550 = arith.minimumf %min3A_1539, %get3A_1548 : vector<16xf32>
        %add3A_1551 = arith.addf %add3A_1540, %get3A_1548 : vector<16xf32>
        %mul3A_1552 = arith.mulf %get3A_1548, %get3A_1548 : vector<16xf32>
        %add3A_1553 = arith.addf %add3A_1542, %mul3A_1552 : vector<16xf32>
        %swap3A_1554 = arith.index_cast %scan3A_55 : i32 to index
        %swap3A_1555 = arith.constant 112 : index
        %swap3A_1556 = tpu.vector_load %arg12[%swap3A_1554, %swap3A_1555] {strides = array<i32>} : memref<8x128xf32, #tpu.memory_space<vmem>>, vector<1x16xf32>,
        %swap3A_1557 = vector.shape_cast %swap3A_1556 : vector<1x16xf32> to vector<16xf32>
        %swap3A_1558 = vector.shape_cast %max3A_1549 : vector<16xf32> to vector<1x16xf32>
        tpu.vector_store %arg12[%swap3A_1554, %swap3A_1555], %swap3A_1558 {strides = array<i32>} : memref<8x128xf32, #tpu.memory_space<vmem>>, vector<1x16xf32>,
        %swap3A_1559 = arith.index_cast %scan3A_55 : i32 to index
        %swap3A_1560 = arith.constant 112 : index
        %swap3A_1561 = tpu.vector_load %arg13[%swap3A_1559, %swap3A_1560] {strides = array<i32>} : memref<8x128xf32, #tpu.memory_space<vmem>>, vector<1x16xf32>,
        %swap3A_1562 = vector.shape_cast %swap3A_1561 : vector<1x16xf32> to vector<16xf32>
        %swap3A_1563 = vector.shape_cast %min3A_1550 : vector<16xf32> to vector<1x16xf32>
        tpu.vector_store %arg13[%swap3A_1559, %swap3A_1560], %swap3A_1563 {strides = array<i32>} : memref<8x128xf32, #tpu.memory_space<vmem>>, vector<1x16xf32>,
        %swap3A_1564 = arith.index_cast %scan3A_55 : i32 to index
        %swap3A_1565 = arith.constant 112 : index
        %swap3A_1566 = tpu.vector_load %arg14[%swap3A_1564, %swap3A_1565] {strides = array<i32>} : memref<8x128xf32, #tpu.memory_space<vmem>>, vector<1x16xf32>,
        %swap3A_1567 = vector.shape_cast %swap3A_1566 : vector<1x16xf32> to vector<16xf32>
        %swap3A_1568 = vector.shape_cast %add3A_1551 : vector<16xf32> to vector<1x16xf32>
        tpu.vector_store %arg14[%swap3A_1564, %swap3A_1565], %swap3A_1568 {strides = array<i32>} : memref<8x128xf32, #tpu.memory_space<vmem>>, vector<1x16xf32>,
        %swap3A_1569 = arith.index_cast %scan3A_55 : i32 to index
        %swap3A_1570 = arith.constant 112 : index
        %swap3A_1571 = tpu.vector_load %arg15[%swap3A_1569, %swap3A_1570] {strides = array<i32>} : memref<8x128xf32, #tpu.memory_space<vmem>>, vector<1x16xf32>,
        %swap3A_1572 = vector.shape_cast %swap3A_1571 : vector<1x16xf32> to vector<16xf32>
        %swap3A_1573 = vector.shape_cast %add3A_1553 : vector<16xf32> to vector<1x16xf32>
        tpu.vector_store %arg15[%swap3A_1569, %swap3A_1570], %swap3A_1573 {strides = array<i32>} : memref<8x128xf32, #tpu.memory_space<vmem>>, vector<1x16xf32>,
      }
      %scan3A_51 = arith.constant 8 : i32
      %mul3A_52 = arith.constant 8 : i32
      %mul3A_53 = arith.muli %add3A_35, %mul3A_52 : i32
      %add3A_54 = arith.addi %mul3A_2, %mul3A_53 : i32
      "tpu.region"() ({
        %run_scoped3A = tpu.sem_alloc : memref<!tpu.dma_semaphore, #tpu.memory_space<semaphore_mem>>
        %dma_start3A_55 = arith.constant 0 : i32
        %dma_start3A_56 = tpu.memref_slice %arg4[%add3A_54, %dma_start3A_55] : memref<10240x128xf32, #tpu.memory_space<hbm>> -> memref<8x128xf32, #tpu.memory_space<hbm>>
        %dma_start3A_57 = arith.constant 0 : i32
        %dma_start3A_58 = tpu.memref_slice %arg4[%add3A_54, %dma_start3A_57] : memref<10240x128xf32, #tpu.memory_space<hbm>> -> memref<8x128xf32, #tpu.memory_space<hbm>>
        tpu.enqueue_dma source(%arg12 : memref<8x128xf32, #tpu.memory_space<vmem>>) target(%dma_start3A_58 : memref<8x128xf32, #tpu.memory_space<hbm>>) target_semaphore(%run_scoped3A : memref<!tpu.dma_semaphore, #tpu.memory_space<semaphore_mem>>)
        %dma_wait3A_59 = arith.constant 0 : i32
        %dma_wait3A_60 = tpu.memref_slice %arg4[%add3A_54, %dma_wait3A_59] : memref<10240x128xf32, #tpu.memory_space<hbm>> -> memref<8x128xf32, #tpu.memory_space<hbm>>
        %dma_wait3A_61 = arith.constant 0 : i32
        %dma_wait3A_62 = tpu.memref_slice %arg4[%add3A_54, %dma_wait3A_61] : memref<10240x128xf32, #tpu.memory_space<hbm>> -> memref<8x128xf32, #tpu.memory_space<hbm>>
        tpu.wait_dma2 semaphore(%run_scoped3A : memref<!tpu.dma_semaphore, #tpu.memory_space<semaphore_mem>>) src(%arg12 : memref<8x128xf32, #tpu.memory_space<vmem>>) dst(%dma_wait3A_62 : memref<8x128xf32, #tpu.memory_space<hbm>>)
        tpu.yield
      }) : () -> ()
      "tpu.region"() ({
        %run_scoped3A = tpu.sem_alloc : memref<!tpu.dma_semaphore, #tpu.memory_space<semaphore_mem>>
        %dma_start3A_55 = arith.constant 0 : i32
        %dma_start3A_56 = tpu.memref_slice %arg5[%add3A_54, %dma_start3A_55] : memref<10240x128xf32, #tpu.memory_space<hbm>> -> memref<8x128xf32, #tpu.memory_space<hbm>>
        %dma_start3A_57 = arith.constant 0 : i32
        %dma_start3A_58 = tpu.memref_slice %arg5[%add3A_54, %dma_start3A_57] : memref<10240x128xf32, #tpu.memory_space<hbm>> -> memref<8x128xf32, #tpu.memory_space<hbm>>
        tpu.enqueue_dma source(%arg13 : memref<8x128xf32, #tpu.memory_space<vmem>>) target(%dma_start3A_58 : memref<8x128xf32, #tpu.memory_space<hbm>>) target_semaphore(%run_scoped3A : memref<!tpu.dma_semaphore, #tpu.memory_space<semaphore_mem>>)
        %dma_wait3A_59 = arith.constant 0 : i32
        %dma_wait3A_60 = tpu.memref_slice %arg5[%add3A_54, %dma_wait3A_59] : memref<10240x128xf32, #tpu.memory_space<hbm>> -> memref<8x128xf32, #tpu.memory_space<hbm>>
        %dma_wait3A_61 = arith.constant 0 : i32
        %dma_wait3A_62 = tpu.memref_slice %arg5[%add3A_54, %dma_wait3A_61] : memref<10240x128xf32, #tpu.memory_space<hbm>> -> memref<8x128xf32, #tpu.memory_space<hbm>>
        tpu.wait_dma2 semaphore(%run_scoped3A : memref<!tpu.dma_semaphore, #tpu.memory_space<semaphore_mem>>) src(%arg13 : memref<8x128xf32, #tpu.memory_space<vmem>>) dst(%dma_wait3A_62 : memref<8x128xf32, #tpu.memory_space<hbm>>)
        tpu.yield
      }) : () -> ()
      "tpu.region"() ({
        %run_scoped3A = tpu.sem_alloc : memref<!tpu.dma_semaphore, #tpu.memory_space<semaphore_mem>>
        %dma_start3A_55 = arith.constant 0 : i32
        %dma_start3A_56 = tpu.memref_slice %arg6[%add3A_54, %dma_start3A_55] : memref<10240x128xf32, #tpu.memory_space<hbm>> -> memref<8x128xf32, #tpu.memory_space<hbm>>
        %dma_start3A_57 = arith.constant 0 : i32
        %dma_start3A_58 = tpu.memref_slice %arg6[%add3A_54, %dma_start3A_57] : memref<10240x128xf32, #tpu.memory_space<hbm>> -> memref<8x128xf32, #tpu.memory_space<hbm>>
        tpu.enqueue_dma source(%arg14 : memref<8x128xf32, #tpu.memory_space<vmem>>) target(%dma_start3A_58 : memref<8x128xf32, #tpu.memory_space<hbm>>) target_semaphore(%run_scoped3A : memref<!tpu.dma_semaphore, #tpu.memory_space<semaphore_mem>>)
        %dma_wait3A_59 = arith.constant 0 : i32
        %dma_wait3A_60 = tpu.memref_slice %arg6[%add3A_54, %dma_wait3A_59] : memref<10240x128xf32, #tpu.memory_space<hbm>> -> memref<8x128xf32, #tpu.memory_space<hbm>>
        %dma_wait3A_61 = arith.constant 0 : i32
        %dma_wait3A_62 = tpu.memref_slice %arg6[%add3A_54, %dma_wait3A_61] : memref<10240x128xf32, #tpu.memory_space<hbm>> -> memref<8x128xf32, #tpu.memory_space<hbm>>
        tpu.wait_dma2 semaphore(%run_scoped3A : memref<!tpu.dma_semaphore, #tpu.memory_space<semaphore_mem>>) src(%arg14 : memref<8x128xf32, #tpu.memory_space<vmem>>) dst(%dma_wait3A_62 : memref<8x128xf32, #tpu.memory_space<hbm>>)
        tpu.yield
      }) : () -> ()
      "tpu.region"() ({
        %run_scoped3A = tpu.sem_alloc : memref<!tpu.dma_semaphore, #tpu.memory_space<semaphore_mem>>
        %dma_start3A_55 = arith.constant 0 : i32
        %dma_start3A_56 = tpu.memref_slice %arg7[%add3A_54, %dma_start3A_55] : memref<10240x128xf32, #tpu.memory_space<hbm>> -> memref<8x128xf32, #tpu.memory_space<hbm>>
        %dma_start3A_57 = arith.constant 0 : i32
        %dma_start3A_58 = tpu.memref_slice %arg7[%add3A_54, %dma_start3A_57] : memref<10240x128xf32, #tpu.memory_space<hbm>> -> memref<8x128xf32, #tpu.memory_space<hbm>>
        tpu.enqueue_dma source(%arg15 : memref<8x128xf32, #tpu.memory_space<vmem>>) target(%dma_start3A_58 : memref<8x128xf32, #tpu.memory_space<hbm>>) target_semaphore(%run_scoped3A : memref<!tpu.dma_semaphore, #tpu.memory_space<semaphore_mem>>)
        %dma_wait3A_59 = arith.constant 0 : i32
        %dma_wait3A_60 = tpu.memref_slice %arg7[%add3A_54, %dma_wait3A_59] : memref<10240x128xf32, #tpu.memory_space<hbm>> -> memref<8x128xf32, #tpu.memory_space<hbm>>
        %dma_wait3A_61 = arith.constant 0 : i32
        %dma_wait3A_62 = tpu.memref_slice %arg7[%add3A_54, %dma_wait3A_61] : memref<10240x128xf32, #tpu.memory_space<hbm>> -> memref<8x128xf32, #tpu.memory_space<hbm>>
        tpu.wait_dma2 semaphore(%run_scoped3A : memref<!tpu.dma_semaphore, #tpu.memory_space<semaphore_mem>>) src(%arg15 : memref<8x128xf32, #tpu.memory_space<vmem>>) dst(%dma_wait3A_62 : memref<8x128xf32, #tpu.memory_space<hbm>>)
        tpu.yield
      }) : () -> ()
    }
    %scan3A_13 = arith.constant 20 : i32
    return
  }
}

module attributes {stable_mosaic.version = 14 : i64} {
  func.func @_k3(%arg0: i32, %arg1: memref<256x8xf32, #tpu.memory_space<vmem>>, %arg2: memref<8x10240xf32, #tpu.memory_space<vmem>>, %arg3: memref<256x16xi32, #tpu.memory_space<vmem>>) attributes {dimension_semantics = [#tpu.dimension_semantics<arbitrary>], iteration_bounds = array<i64: 40>, scalar_prefetch = 0 : i64, scratch_operands = 0 : i64, tpu.core_type = #tpu.core_type<tc>, window_params = [{transform_indices = @transform_0, window_bounds = array<i64: 256, 8>}, {pipeline_mode = #tpu.pipeline_mode<synchronous>, transform_indices = @transform_1, window_bounds = array<i64: 8, 10240>}, {transform_indices = @transform_2, window_bounds = array<i64: 256, 16>}]} {
    %get3A = arith.constant 0 : index
    %get3A_0 = arith.constant 0 : index
    %get3A_1 = vector.load %arg2[%get3A, %get3A_0] : memref<8x10240xf32, #tpu.memory_space<vmem>>, vector<8x10240xf32>
    %mul3A = arith.mulf %get3A_1, %get3A_1 : vector<8x10240xf32>
    %reduce_sum3A = arith.constant dense<0.000000e+00> : vector<10240xf32>
    %reduce_sum3A_2 = vector.multi_reduction <add>, %mul3A, %reduce_sum3A [0] : vector<8x10240xf32> to vector<10240xf32>
    %broadcast_in_dim3A = vector.shape_cast %reduce_sum3A_2 : vector<10240xf32> to vector<1x10240xf32>
    %mul3A_3 = arith.constant 2.500000e-01 : f32
    %mul3A_4 = vector.broadcast %mul3A_3 : f32 to vector<1x10240xf32>
    %mul3A_5 = arith.mulf %mul3A_4, %broadcast_in_dim3A : vector<1x10240xf32>
    %get3A_6 = arith.constant 0 : index
    %get3A_7 = arith.constant 0 : index
    %get3A_8 = vector.load %arg1[%get3A_6, %get3A_7] : memref<256x8xf32, #tpu.memory_space<vmem>>, vector<256x8xf32>
    %dot_general3A = arith.constant dense<0.000000e+00> : vector<256x10240xf32>
    %dot_general3A_9 = tpu.matmul %get3A_8, %get3A_1, %dot_general3A {dimension_numbers = #tpu.dot_dimension_numbers<[1], [0], [0], [1], [0, 0, 1, 1], [], []>, transpose_lhs_hint = false} : vector<256x8xf32>, vector<8x10240xf32>, vector<256x10240xf32> -> vector<256x10240xf32>
    %sub3A = vector.broadcast %mul3A_5 : vector<1x10240xf32> to vector<256x10240xf32>
    %sub3A_10 = arith.subf %dot_general3A_9, %sub3A : vector<256x10240xf32>
    %iota3A = tpu.iota {dimensions = array<i32: 1>} : vector<256x640xi32>
    %slice3A = vector.extract_strided_slice %sub3A_10 {offsets = [0, 0], sizes = [256, 640], strides = [1, 1]} : vector<256x10240xf32> to vector<256x640xf32>
    %add3A = arith.constant 0 : i32
    %add3A_11 = vector.broadcast %add3A : i32 to vector<256x640xi32>
    %add3A_12 = arith.addi %iota3A, %add3A_11 : vector<256x640xi32>
    %slice3A_13 = vector.extract_strided_slice %sub3A_10 {offsets = [0, 640], sizes = [256, 640], strides = [1, 1]} : vector<256x10240xf32> to vector<256x640xf32>
    %add3A_14 = arith.constant 640 : i32
    %add3A_15 = vector.broadcast %add3A_14 : i32 to vector<256x640xi32>
    %add3A_16 = arith.addi %iota3A, %add3A_15 : vector<256x640xi32>
    %slice3A_17 = vector.extract_strided_slice %sub3A_10 {offsets = [0, 1280], sizes = [256, 640], strides = [1, 1]} : vector<256x10240xf32> to vector<256x640xf32>
    %add3A_18 = arith.constant 1280 : i32
    %add3A_19 = vector.broadcast %add3A_18 : i32 to vector<256x640xi32>
    %add3A_20 = arith.addi %iota3A, %add3A_19 : vector<256x640xi32>
    %slice3A_21 = vector.extract_strided_slice %sub3A_10 {offsets = [0, 1920], sizes = [256, 640], strides = [1, 1]} : vector<256x10240xf32> to vector<256x640xf32>
    %add3A_22 = arith.constant 1920 : i32
    %add3A_23 = vector.broadcast %add3A_22 : i32 to vector<256x640xi32>
    %add3A_24 = arith.addi %iota3A, %add3A_23 : vector<256x640xi32>
    %slice3A_25 = vector.extract_strided_slice %sub3A_10 {offsets = [0, 2560], sizes = [256, 640], strides = [1, 1]} : vector<256x10240xf32> to vector<256x640xf32>
    %add3A_26 = arith.constant 2560 : i32
    %add3A_27 = vector.broadcast %add3A_26 : i32 to vector<256x640xi32>
    %add3A_28 = arith.addi %iota3A, %add3A_27 : vector<256x640xi32>
    %slice3A_29 = vector.extract_strided_slice %sub3A_10 {offsets = [0, 3200], sizes = [256, 640], strides = [1, 1]} : vector<256x10240xf32> to vector<256x640xf32>
    %add3A_30 = arith.constant 3200 : i32
    %add3A_31 = vector.broadcast %add3A_30 : i32 to vector<256x640xi32>
    %add3A_32 = arith.addi %iota3A, %add3A_31 : vector<256x640xi32>
    %slice3A_33 = vector.extract_strided_slice %sub3A_10 {offsets = [0, 3840], sizes = [256, 640], strides = [1, 1]} : vector<256x10240xf32> to vector<256x640xf32>
    %add3A_34 = arith.constant 3840 : i32
    %add3A_35 = vector.broadcast %add3A_34 : i32 to vector<256x640xi32>
    %add3A_36 = arith.addi %iota3A, %add3A_35 : vector<256x640xi32>
    %slice3A_37 = vector.extract_strided_slice %sub3A_10 {offsets = [0, 4480], sizes = [256, 640], strides = [1, 1]} : vector<256x10240xf32> to vector<256x640xf32>
    %add3A_38 = arith.constant 4480 : i32
    %add3A_39 = vector.broadcast %add3A_38 : i32 to vector<256x640xi32>
    %add3A_40 = arith.addi %iota3A, %add3A_39 : vector<256x640xi32>
    %slice3A_41 = vector.extract_strided_slice %sub3A_10 {offsets = [0, 5120], sizes = [256, 640], strides = [1, 1]} : vector<256x10240xf32> to vector<256x640xf32>
    %add3A_42 = arith.constant 5120 : i32
    %add3A_43 = vector.broadcast %add3A_42 : i32 to vector<256x640xi32>
    %add3A_44 = arith.addi %iota3A, %add3A_43 : vector<256x640xi32>
    %slice3A_45 = vector.extract_strided_slice %sub3A_10 {offsets = [0, 5760], sizes = [256, 640], strides = [1, 1]} : vector<256x10240xf32> to vector<256x640xf32>
    %add3A_46 = arith.constant 5760 : i32
    %add3A_47 = vector.broadcast %add3A_46 : i32 to vector<256x640xi32>
    %add3A_48 = arith.addi %iota3A, %add3A_47 : vector<256x640xi32>
    %slice3A_49 = vector.extract_strided_slice %sub3A_10 {offsets = [0, 6400], sizes = [256, 640], strides = [1, 1]} : vector<256x10240xf32> to vector<256x640xf32>
    %add3A_50 = arith.constant 6400 : i32
    %add3A_51 = vector.broadcast %add3A_50 : i32 to vector<256x640xi32>
    %add3A_52 = arith.addi %iota3A, %add3A_51 : vector<256x640xi32>
    %slice3A_53 = vector.extract_strided_slice %sub3A_10 {offsets = [0, 7040], sizes = [256, 640], strides = [1, 1]} : vector<256x10240xf32> to vector<256x640xf32>
    %add3A_54 = arith.constant 7040 : i32
    %add3A_55 = vector.broadcast %add3A_54 : i32 to vector<256x640xi32>
    %add3A_56 = arith.addi %iota3A, %add3A_55 : vector<256x640xi32>
    %slice3A_57 = vector.extract_strided_slice %sub3A_10 {offsets = [0, 7680], sizes = [256, 640], strides = [1, 1]} : vector<256x10240xf32> to vector<256x640xf32>
    %add3A_58 = arith.constant 7680 : i32
    %add3A_59 = vector.broadcast %add3A_58 : i32 to vector<256x640xi32>
    %add3A_60 = arith.addi %iota3A, %add3A_59 : vector<256x640xi32>
    %slice3A_61 = vector.extract_strided_slice %sub3A_10 {offsets = [0, 8320], sizes = [256, 640], strides = [1, 1]} : vector<256x10240xf32> to vector<256x640xf32>
    %add3A_62 = arith.constant 8320 : i32
    %add3A_63 = vector.broadcast %add3A_62 : i32 to vector<256x640xi32>
    %add3A_64 = arith.addi %iota3A, %add3A_63 : vector<256x640xi32>
    %slice3A_65 = vector.extract_strided_slice %sub3A_10 {offsets = [0, 8960], sizes = [256, 640], strides = [1, 1]} : vector<256x10240xf32> to vector<256x640xf32>
    %add3A_66 = arith.constant 8960 : i32
    %add3A_67 = vector.broadcast %add3A_66 : i32 to vector<256x640xi32>
    %add3A_68 = arith.addi %iota3A, %add3A_67 : vector<256x640xi32>
    %slice3A_69 = vector.extract_strided_slice %sub3A_10 {offsets = [0, 9600], sizes = [256, 640], strides = [1, 1]} : vector<256x10240xf32> to vector<256x640xf32>
    %add3A_70 = arith.constant 9600 : i32
    %add3A_71 = vector.broadcast %add3A_70 : i32 to vector<256x640xi32>
    %add3A_72 = arith.addi %iota3A, %add3A_71 : vector<256x640xi32>
    %ge3A = arith.cmpf oge, %slice3A, %slice3A_13 : vector<256x640xf32>
    %select_n3A = arith.select %ge3A, %slice3A, %slice3A_13 : vector<256x640xi1>, vector<256x640xf32>
    %select_n3A_73 = arith.select %ge3A, %add3A_12, %add3A_16 : vector<256x640xi1>, vector<256x640xi32>
    %select_n3A_74 = arith.select %ge3A, %slice3A_13, %slice3A : vector<256x640xi1>, vector<256x640xf32>
    %select_n3A_75 = arith.select %ge3A, %add3A_16, %add3A_12 : vector<256x640xi1>, vector<256x640xi32>
    %ge3A_76 = arith.cmpf oge, %slice3A_17, %slice3A_21 : vector<256x640xf32>
    %select_n3A_77 = arith.select %ge3A_76, %slice3A_17, %slice3A_21 : vector<256x640xi1>, vector<256x640xf32>
    %select_n3A_78 = arith.select %ge3A_76, %add3A_20, %add3A_24 : vector<256x640xi1>, vector<256x640xi32>
    %select_n3A_79 = arith.select %ge3A_76, %slice3A_21, %slice3A_17 : vector<256x640xi1>, vector<256x640xf32>
    %select_n3A_80 = arith.select %ge3A_76, %add3A_24, %add3A_20 : vector<256x640xi1>, vector<256x640xi32>
    %ge3A_81 = arith.cmpf oge, %slice3A_25, %slice3A_29 : vector<256x640xf32>
    %select_n3A_82 = arith.select %ge3A_81, %slice3A_25, %slice3A_29 : vector<256x640xi1>, vector<256x640xf32>
    %select_n3A_83 = arith.select %ge3A_81, %add3A_28, %add3A_32 : vector<256x640xi1>, vector<256x640xi32>
    %select_n3A_84 = arith.select %ge3A_81, %slice3A_29, %slice3A_25 : vector<256x640xi1>, vector<256x640xf32>
    %select_n3A_85 = arith.select %ge3A_81, %add3A_32, %add3A_28 : vector<256x640xi1>, vector<256x640xi32>
    %ge3A_86 = arith.cmpf oge, %slice3A_33, %slice3A_37 : vector<256x640xf32>
    %select_n3A_87 = arith.select %ge3A_86, %slice3A_33, %slice3A_37 : vector<256x640xi1>, vector<256x640xf32>
    %select_n3A_88 = arith.select %ge3A_86, %add3A_36, %add3A_40 : vector<256x640xi1>, vector<256x640xi32>
    %select_n3A_89 = arith.select %ge3A_86, %slice3A_37, %slice3A_33 : vector<256x640xi1>, vector<256x640xf32>
    %select_n3A_90 = arith.select %ge3A_86, %add3A_40, %add3A_36 : vector<256x640xi1>, vector<256x640xi32>
    %ge3A_91 = arith.cmpf oge, %slice3A_41, %slice3A_45 : vector<256x640xf32>
    %select_n3A_92 = arith.select %ge3A_91, %slice3A_41, %slice3A_45 : vector<256x640xi1>, vector<256x640xf32>
    %select_n3A_93 = arith.select %ge3A_91, %add3A_44, %add3A_48 : vector<256x640xi1>, vector<256x640xi32>
    %select_n3A_94 = arith.select %ge3A_91, %slice3A_45, %slice3A_41 : vector<256x640xi1>, vector<256x640xf32>
    %select_n3A_95 = arith.select %ge3A_91, %add3A_48, %add3A_44 : vector<256x640xi1>, vector<256x640xi32>
    %ge3A_96 = arith.cmpf oge, %slice3A_49, %slice3A_53 : vector<256x640xf32>
    %select_n3A_97 = arith.select %ge3A_96, %slice3A_49, %slice3A_53 : vector<256x640xi1>, vector<256x640xf32>
    %select_n3A_98 = arith.select %ge3A_96, %add3A_52, %add3A_56 : vector<256x640xi1>, vector<256x640xi32>
    %select_n3A_99 = arith.select %ge3A_96, %slice3A_53, %slice3A_49 : vector<256x640xi1>, vector<256x640xf32>
    %select_n3A_100 = arith.select %ge3A_96, %add3A_56, %add3A_52 : vector<256x640xi1>, vector<256x640xi32>
    %ge3A_101 = arith.cmpf oge, %slice3A_57, %slice3A_61 : vector<256x640xf32>
    %select_n3A_102 = arith.select %ge3A_101, %slice3A_57, %slice3A_61 : vector<256x640xi1>, vector<256x640xf32>
    %select_n3A_103 = arith.select %ge3A_101, %add3A_60, %add3A_64 : vector<256x640xi1>, vector<256x640xi32>
    %select_n3A_104 = arith.select %ge3A_101, %slice3A_61, %slice3A_57 : vector<256x640xi1>, vector<256x640xf32>
    %select_n3A_105 = arith.select %ge3A_101, %add3A_64, %add3A_60 : vector<256x640xi1>, vector<256x640xi32>
    %ge3A_106 = arith.cmpf oge, %slice3A_65, %slice3A_69 : vector<256x640xf32>
    %select_n3A_107 = arith.select %ge3A_106, %slice3A_65, %slice3A_69 : vector<256x640xi1>, vector<256x640xf32>
    %select_n3A_108 = arith.select %ge3A_106, %add3A_68, %add3A_72 : vector<256x640xi1>, vector<256x640xi32>
    %select_n3A_109 = arith.select %ge3A_106, %slice3A_69, %slice3A_65 : vector<256x640xi1>, vector<256x640xf32>
    %select_n3A_110 = arith.select %ge3A_106, %add3A_72, %add3A_68 : vector<256x640xi1>, vector<256x640xi32>
    %ge3A_111 = arith.cmpf oge, %select_n3A, %select_n3A_77 : vector<256x640xf32>
    %select_n3A_112 = arith.select %ge3A_111, %select_n3A, %select_n3A_77 : vector<256x640xi1>, vector<256x640xf32>
    %select_n3A_113 = arith.select %ge3A_111, %select_n3A_73, %select_n3A_78 : vector<256x640xi1>, vector<256x640xi32>
    %select_n3A_114 = arith.select %ge3A_111, %select_n3A_74, %select_n3A_79 : vector<256x640xi1>, vector<256x640xf32>
    %select_n3A_115 = arith.select %ge3A_111, %select_n3A_75, %select_n3A_80 : vector<256x640xi1>, vector<256x640xi32>
    %select_n3A_116 = arith.select %ge3A_111, %select_n3A_77, %select_n3A : vector<256x640xi1>, vector<256x640xf32>
    %select_n3A_117 = arith.select %ge3A_111, %select_n3A_78, %select_n3A_73 : vector<256x640xi1>, vector<256x640xi32>
    %select_n3A_118 = arith.select %ge3A_111, %select_n3A_79, %select_n3A_74 : vector<256x640xi1>, vector<256x640xf32>
    %select_n3A_119 = arith.select %ge3A_111, %select_n3A_80, %select_n3A_75 : vector<256x640xi1>, vector<256x640xi32>
    %ge3A_120 = arith.cmpf oge, %select_n3A_114, %select_n3A_116 : vector<256x640xf32>
    %select_n3A_121 = arith.select %ge3A_120, %select_n3A_114, %select_n3A_116 : vector<256x640xi1>, vector<256x640xf32>
    %select_n3A_122 = arith.select %ge3A_120, %select_n3A_115, %select_n3A_117 : vector<256x640xi1>, vector<256x640xi32>
    %ge3A_123 = arith.cmpf oge, %select_n3A_114, %select_n3A_118 : vector<256x640xf32>
    %select_n3A_124 = arith.select %ge3A_123, %select_n3A_114, %select_n3A_118 : vector<256x640xi1>, vector<256x640xf32>
    %select_n3A_125 = arith.select %ge3A_123, %select_n3A_115, %select_n3A_119 : vector<256x640xi1>, vector<256x640xi32>
    %select_n3A_126 = arith.select %ge3A_120, %select_n3A_116, %select_n3A_124 : vector<256x640xi1>, vector<256x640xf32>
    %select_n3A_127 = arith.select %ge3A_120, %select_n3A_117, %select_n3A_125 : vector<256x640xi1>, vector<256x640xi32>
    %ge3A_128 = arith.cmpf oge, %select_n3A_82, %select_n3A_87 : vector<256x640xf32>
    %select_n3A_129 = arith.select %ge3A_128, %select_n3A_82, %select_n3A_87 : vector<256x640xi1>, vector<256x640xf32>
    %select_n3A_130 = arith.select %ge3A_128, %select_n3A_83, %select_n3A_88 : vector<256x640xi1>, vector<256x640xi32>
    %select_n3A_131 = arith.select %ge3A_128, %select_n3A_84, %select_n3A_89 : vector<256x640xi1>, vector<256x640xf32>
    %select_n3A_132 = arith.select %ge3A_128, %select_n3A_85, %select_n3A_90 : vector<256x640xi1>, vector<256x640xi32>
    %select_n3A_133 = arith.select %ge3A_128, %select_n3A_87, %select_n3A_82 : vector<256x640xi1>, vector<256x640xf32>
    %select_n3A_134 = arith.select %ge3A_128, %select_n3A_88, %select_n3A_83 : vector<256x640xi1>, vector<256x640xi32>
    %select_n3A_135 = arith.select %ge3A_128, %select_n3A_89, %select_n3A_84 : vector<256x640xi1>, vector<256x640xf32>
    %select_n3A_136 = arith.select %ge3A_128, %select_n3A_90, %select_n3A_85 : vector<256x640xi1>, vector<256x640xi32>
    %ge3A_137 = arith.cmpf oge, %select_n3A_131, %select_n3A_133 : vector<256x640xf32>
    %select_n3A_138 = arith.select %ge3A_137, %select_n3A_131, %select_n3A_133 : vector<256x640xi1>, vector<256x640xf32>
    %select_n3A_139 = arith.select %ge3A_137, %select_n3A_132, %select_n3A_134 : vector<256x640xi1>, vector<256x640xi32>
    %ge3A_140 = arith.cmpf oge, %select_n3A_131, %select_n3A_135 : vector<256x640xf32>
    %select_n3A_141 = arith.select %ge3A_140, %select_n3A_131, %select_n3A_135 : vector<256x640xi1>, vector<256x640xf32>
    %select_n3A_142 = arith.select %ge3A_140, %select_n3A_132, %select_n3A_136 : vector<256x640xi1>, vector<256x640xi32>
    %select_n3A_143 = arith.select %ge3A_137, %select_n3A_133, %select_n3A_141 : vector<256x640xi1>, vector<256x640xf32>
    %select_n3A_144 = arith.select %ge3A_137, %select_n3A_134, %select_n3A_142 : vector<256x640xi1>, vector<256x640xi32>
    %ge3A_145 = arith.cmpf oge, %select_n3A_92, %select_n3A_97 : vector<256x640xf32>
    %select_n3A_146 = arith.select %ge3A_145, %select_n3A_92, %select_n3A_97 : vector<256x640xi1>, vector<256x640xf32>
    %select_n3A_147 = arith.select %ge3A_145, %select_n3A_93, %select_n3A_98 : vector<256x640xi1>, vector<256x640xi32>
    %select_n3A_148 = arith.select %ge3A_145, %select_n3A_94, %select_n3A_99 : vector<256x640xi1>, vector<256x640xf32>
    %select_n3A_149 = arith.select %ge3A_145, %select_n3A_95, %select_n3A_100 : vector<256x640xi1>, vector<256x640xi32>
    %select_n3A_150 = arith.select %ge3A_145, %select_n3A_97, %select_n3A_92 : vector<256x640xi1>, vector<256x640xf32>
    %select_n3A_151 = arith.select %ge3A_145, %select_n3A_98, %select_n3A_93 : vector<256x640xi1>, vector<256x640xi32>
    %select_n3A_152 = arith.select %ge3A_145, %select_n3A_99, %select_n3A_94 : vector<256x640xi1>, vector<256x640xf32>
    %select_n3A_153 = arith.select %ge3A_145, %select_n3A_100, %select_n3A_95 : vector<256x640xi1>, vector<256x640xi32>
    %ge3A_154 = arith.cmpf oge, %select_n3A_148, %select_n3A_150 : vector<256x640xf32>
    %select_n3A_155 = arith.select %ge3A_154, %select_n3A_148, %select_n3A_150 : vector<256x640xi1>, vector<256x640xf32>
    %select_n3A_156 = arith.select %ge3A_154, %select_n3A_149, %select_n3A_151 : vector<256x640xi1>, vector<256x640xi32>
    %ge3A_157 = arith.cmpf oge, %select_n3A_148, %select_n3A_152 : vector<256x640xf32>
    %select_n3A_158 = arith.select %ge3A_157, %select_n3A_148, %select_n3A_152 : vector<256x640xi1>, vector<256x640xf32>
    %select_n3A_159 = arith.select %ge3A_157, %select_n3A_149, %select_n3A_153 : vector<256x640xi1>, vector<256x640xi32>
    %select_n3A_160 = arith.select %ge3A_154, %select_n3A_150, %select_n3A_158 : vector<256x640xi1>, vector<256x640xf32>
    %select_n3A_161 = arith.select %ge3A_154, %select_n3A_151, %select_n3A_159 : vector<256x640xi1>, vector<256x640xi32>
    %ge3A_162 = arith.cmpf oge, %select_n3A_102, %select_n3A_107 : vector<256x640xf32>
    %select_n3A_163 = arith.select %ge3A_162, %select_n3A_102, %select_n3A_107 : vector<256x640xi1>, vector<256x640xf32>
    %select_n3A_164 = arith.select %ge3A_162, %select_n3A_103, %select_n3A_108 : vector<256x640xi1>, vector<256x640xi32>
    %select_n3A_165 = arith.select %ge3A_162, %select_n3A_104, %select_n3A_109 : vector<256x640xi1>, vector<256x640xf32>
    %select_n3A_166 = arith.select %ge3A_162, %select_n3A_105, %select_n3A_110 : vector<256x640xi1>, vector<256x640xi32>
    %select_n3A_167 = arith.select %ge3A_162, %select_n3A_107, %select_n3A_102 : vector<256x640xi1>, vector<256x640xf32>
    %select_n3A_168 = arith.select %ge3A_162, %select_n3A_108, %select_n3A_103 : vector<256x640xi1>, vector<256x640xi32>
    %select_n3A_169 = arith.select %ge3A_162, %select_n3A_109, %select_n3A_104 : vector<256x640xi1>, vector<256x640xf32>
    %select_n3A_170 = arith.select %ge3A_162, %select_n3A_110, %select_n3A_105 : vector<256x640xi1>, vector<256x640xi32>
    %ge3A_171 = arith.cmpf oge, %select_n3A_165, %select_n3A_167 : vector<256x640xf32>
    %select_n3A_172 = arith.select %ge3A_171, %select_n3A_165, %select_n3A_167 : vector<256x640xi1>, vector<256x640xf32>
    %select_n3A_173 = arith.select %ge3A_171, %select_n3A_166, %select_n3A_168 : vector<256x640xi1>, vector<256x640xi32>
    %ge3A_174 = arith.cmpf oge, %select_n3A_165, %select_n3A_169 : vector<256x640xf32>
    %select_n3A_175 = arith.select %ge3A_174, %select_n3A_165, %select_n3A_169 : vector<256x640xi1>, vector<256x640xf32>
    %select_n3A_176 = arith.select %ge3A_174, %select_n3A_166, %select_n3A_170 : vector<256x640xi1>, vector<256x640xi32>
    %select_n3A_177 = arith.select %ge3A_171, %select_n3A_167, %select_n3A_175 : vector<256x640xi1>, vector<256x640xf32>
    %select_n3A_178 = arith.select %ge3A_171, %select_n3A_168, %select_n3A_176 : vector<256x640xi1>, vector<256x640xi32>
    %ge3A_179 = arith.cmpf oge, %select_n3A_112, %select_n3A_129 : vector<256x640xf32>
    %select_n3A_180 = arith.select %ge3A_179, %select_n3A_112, %select_n3A_129 : vector<256x640xi1>, vector<256x640xf32>
    %select_n3A_181 = arith.select %ge3A_179, %select_n3A_113, %select_n3A_130 : vector<256x640xi1>, vector<256x640xi32>
    %select_n3A_182 = arith.select %ge3A_179, %select_n3A_121, %select_n3A_138 : vector<256x640xi1>, vector<256x640xf32>
    %select_n3A_183 = arith.select %ge3A_179, %select_n3A_122, %select_n3A_139 : vector<256x640xi1>, vector<256x640xi32>
    %select_n3A_184 = arith.select %ge3A_179, %select_n3A_129, %select_n3A_112 : vector<256x640xi1>, vector<256x640xf32>
    %select_n3A_185 = arith.select %ge3A_179, %select_n3A_130, %select_n3A_113 : vector<256x640xi1>, vector<256x640xi32>
    %select_n3A_186 = arith.select %ge3A_179, %select_n3A_126, %select_n3A_143 : vector<256x640xi1>, vector<256x640xf32>
    %select_n3A_187 = arith.select %ge3A_179, %select_n3A_127, %select_n3A_144 : vector<256x640xi1>, vector<256x640xi32>
    %select_n3A_188 = arith.select %ge3A_179, %select_n3A_138, %select_n3A_121 : vector<256x640xi1>, vector<256x640xf32>
    %select_n3A_189 = arith.select %ge3A_179, %select_n3A_139, %select_n3A_122 : vector<256x640xi1>, vector<256x640xi32>
    %ge3A_190 = arith.cmpf oge, %select_n3A_182, %select_n3A_184 : vector<256x640xf32>
    %select_n3A_191 = arith.select %ge3A_190, %select_n3A_182, %select_n3A_184 : vector<256x640xi1>, vector<256x640xf32>
    %select_n3A_192 = arith.select %ge3A_190, %select_n3A_183, %select_n3A_185 : vector<256x640xi1>, vector<256x640xi32>
    %ge3A_193 = arith.cmpf oge, %select_n3A_186, %select_n3A_184 : vector<256x640xf32>
    %select_n3A_194 = arith.select %ge3A_193, %select_n3A_186, %select_n3A_184 : vector<256x640xi1>, vector<256x640xf32>
    %select_n3A_195 = arith.select %ge3A_193, %select_n3A_187, %select_n3A_185 : vector<256x640xi1>, vector<256x640xi32>
    %ge3A_196 = arith.cmpf oge, %select_n3A_182, %select_n3A_188 : vector<256x640xf32>
    %select_n3A_197 = arith.select %ge3A_196, %select_n3A_182, %select_n3A_188 : vector<256x640xi1>, vector<256x640xf32>
    %select_n3A_198 = arith.select %ge3A_196, %select_n3A_183, %select_n3A_189 : vector<256x640xi1>, vector<256x640xi32>
    %select_n3A_199 = arith.select %ge3A_190, %select_n3A_194, %select_n3A_197 : vector<256x640xi1>, vector<256x640xf32>
    %select_n3A_200 = arith.select %ge3A_190, %select_n3A_195, %select_n3A_198 : vector<256x640xi1>, vector<256x640xi32>
    %ge3A_201 = arith.cmpf oge, %select_n3A_146, %select_n3A_163 : vector<256x640xf32>
    %select_n3A_202 = arith.select %ge3A_201, %select_n3A_146, %select_n3A_163 : vector<256x640xi1>, vector<256x640xf32>
    %select_n3A_203 = arith.select %ge3A_201, %select_n3A_147, %select_n3A_164 : vector<256x640xi1>, vector<256x640xi32>
    %select_n3A_204 = arith.select %ge3A_201, %select_n3A_155, %select_n3A_172 : vector<256x640xi1>, vector<256x640xf32>
    %select_n3A_205 = arith.select %ge3A_201, %select_n3A_156, %select_n3A_173 : vector<256x640xi1>, vector<256x640xi32>
    %select_n3A_206 = arith.select %ge3A_201, %select_n3A_163, %select_n3A_146 : vector<256x640xi1>, vector<256x640xf32>
    %select_n3A_207 = arith.select %ge3A_201, %select_n3A_164, %select_n3A_147 : vector<256x640xi1>, vector<256x640xi32>
    %select_n3A_208 = arith.select %ge3A_201, %select_n3A_160, %select_n3A_177 : vector<256x640xi1>, vector<256x640xf32>
    %select_n3A_209 = arith.select %ge3A_201, %select_n3A_161, %select_n3A_178 : vector<256x640xi1>, vector<256x640xi32>
    %select_n3A_210 = arith.select %ge3A_201, %select_n3A_172, %select_n3A_155 : vector<256x640xi1>, vector<256x640xf32>
    %select_n3A_211 = arith.select %ge3A_201, %select_n3A_173, %select_n3A_156 : vector<256x640xi1>, vector<256x640xi32>
    %ge3A_212 = arith.cmpf oge, %select_n3A_204, %select_n3A_206 : vector<256x640xf32>
    %select_n3A_213 = arith.select %ge3A_212, %select_n3A_204, %select_n3A_206 : vector<256x640xi1>, vector<256x640xf32>
    %select_n3A_214 = arith.select %ge3A_212, %select_n3A_205, %select_n3A_207 : vector<256x640xi1>, vector<256x640xi32>
    %ge3A_215 = arith.cmpf oge, %select_n3A_208, %select_n3A_206 : vector<256x640xf32>
    %select_n3A_216 = arith.select %ge3A_215, %select_n3A_208, %select_n3A_206 : vector<256x640xi1>, vector<256x640xf32>
    %select_n3A_217 = arith.select %ge3A_215, %select_n3A_209, %select_n3A_207 : vector<256x640xi1>, vector<256x640xi32>
    %ge3A_218 = arith.cmpf oge, %select_n3A_204, %select_n3A_210 : vector<256x640xf32>
    %select_n3A_219 = arith.select %ge3A_218, %select_n3A_204, %select_n3A_210 : vector<256x640xi1>, vector<256x640xf32>
    %select_n3A_220 = arith.select %ge3A_218, %select_n3A_205, %select_n3A_211 : vector<256x640xi1>, vector<256x640xi32>
    %select_n3A_221 = arith.select %ge3A_212, %select_n3A_216, %select_n3A_219 : vector<256x640xi1>, vector<256x640xf32>
    %select_n3A_222 = arith.select %ge3A_212, %select_n3A_217, %select_n3A_220 : vector<256x640xi1>, vector<256x640xi32>
    %ge3A_223 = arith.cmpf oge, %select_n3A_180, %select_n3A_202 : vector<256x640xf32>
    %select_n3A_224 = arith.select %ge3A_223, %select_n3A_180, %select_n3A_202 : vector<256x640xi1>, vector<256x640xf32>
    %select_n3A_225 = arith.select %ge3A_223, %select_n3A_181, %select_n3A_203 : vector<256x640xi1>, vector<256x640xi32>
    %select_n3A_226 = arith.select %ge3A_223, %select_n3A_191, %select_n3A_213 : vector<256x640xi1>, vector<256x640xf32>
    %select_n3A_227 = arith.select %ge3A_223, %select_n3A_192, %select_n3A_214 : vector<256x640xi1>, vector<256x640xi32>
    %select_n3A_228 = arith.select %ge3A_223, %select_n3A_202, %select_n3A_180 : vector<256x640xi1>, vector<256x640xf32>
    %select_n3A_229 = arith.select %ge3A_223, %select_n3A_203, %select_n3A_181 : vector<256x640xi1>, vector<256x640xi32>
    %select_n3A_230 = arith.select %ge3A_223, %select_n3A_199, %select_n3A_221 : vector<256x640xi1>, vector<256x640xf32>
    %select_n3A_231 = arith.select %ge3A_223, %select_n3A_200, %select_n3A_222 : vector<256x640xi1>, vector<256x640xi32>
    %select_n3A_232 = arith.select %ge3A_223, %select_n3A_213, %select_n3A_191 : vector<256x640xi1>, vector<256x640xf32>
    %select_n3A_233 = arith.select %ge3A_223, %select_n3A_214, %select_n3A_192 : vector<256x640xi1>, vector<256x640xi32>
    %ge3A_234 = arith.cmpf oge, %select_n3A_226, %select_n3A_228 : vector<256x640xf32>
    %select_n3A_235 = arith.select %ge3A_234, %select_n3A_226, %select_n3A_228 : vector<256x640xi1>, vector<256x640xf32>
    %select_n3A_236 = arith.select %ge3A_234, %select_n3A_227, %select_n3A_229 : vector<256x640xi1>, vector<256x640xi32>
    %ge3A_237 = arith.cmpf oge, %select_n3A_230, %select_n3A_228 : vector<256x640xf32>
    %select_n3A_238 = arith.select %ge3A_237, %select_n3A_230, %select_n3A_228 : vector<256x640xi1>, vector<256x640xf32>
    %select_n3A_239 = arith.select %ge3A_237, %select_n3A_231, %select_n3A_229 : vector<256x640xi1>, vector<256x640xi32>
    %ge3A_240 = arith.cmpf oge, %select_n3A_226, %select_n3A_232 : vector<256x640xf32>
    %select_n3A_241 = arith.select %ge3A_240, %select_n3A_226, %select_n3A_232 : vector<256x640xi1>, vector<256x640xf32>
    %select_n3A_242 = arith.select %ge3A_240, %select_n3A_227, %select_n3A_233 : vector<256x640xi1>, vector<256x640xi32>
    %select_n3A_243 = arith.select %ge3A_234, %select_n3A_238, %select_n3A_241 : vector<256x640xi1>, vector<256x640xf32>
    %select_n3A_244 = arith.select %ge3A_234, %select_n3A_239, %select_n3A_242 : vector<256x640xi1>, vector<256x640xi32>
    %reduce_max3A = arith.constant dense<0xFF800000> : vector<256xf32>
    %reduce_max3A_245 = vector.multi_reduction <maximumf>, %select_n3A_224, %reduce_max3A [1] : vector<256x640xf32> to vector<256xf32>
    %broadcast_in_dim3A_246 = vector.shape_cast %reduce_max3A_245 : vector<256xf32> to vector<256x1xf32>
    %eq3A = vector.broadcast %broadcast_in_dim3A_246 : vector<256x1xf32> to vector<256x640xf32>
    %eq3A_247 = arith.cmpf oeq, %select_n3A_224, %eq3A : vector<256x640xf32>
    %jit3A = arith.constant 640 : i32
    %broadcast_in_dim3A_248 = vector.broadcast %jit3A : i32 to vector<256x640xi32>
    %select_n3A_249 = arith.select %eq3A_247, %iota3A, %broadcast_in_dim3A_248 : vector<256x640xi1>, vector<256x640xi32>
    %reduce_min3A = arith.constant dense<2147483647> : vector<256xi32>
    %reduce_min3A_250 = vector.multi_reduction <minsi>, %select_n3A_249, %reduce_min3A [1] : vector<256x640xi32> to vector<256xi32>
    %broadcast_in_dim3A_251 = vector.shape_cast %reduce_min3A_250 : vector<256xi32> to vector<256x1xi32>
    %eq3A_252 = vector.broadcast %broadcast_in_dim3A_251 : vector<256x1xi32> to vector<256x640xi32>
    %eq3A_253 = arith.cmpi eq, %iota3A, %eq3A_252 : vector<256x640xi32>
    %jit3A_254 = arith.constant -1 : i32
    %broadcast_in_dim3A_255 = vector.broadcast %jit3A_254 : i32 to vector<256x640xi32>
    %select_n3A_256 = arith.select %eq3A_253, %select_n3A_225, %broadcast_in_dim3A_255 : vector<256x640xi1>, vector<256x640xi32>
    %reduce_max3A_257 = arith.constant dense<-2147483648> : vector<256xi32>
    %reduce_max3A_258 = vector.multi_reduction <maxsi>, %select_n3A_256, %reduce_max3A_257 [1] : vector<256x640xi32> to vector<256xi32>
    %broadcast_in_dim3A_259 = vector.shape_cast %reduce_max3A_258 : vector<256xi32> to vector<256x1xi32>
    %select_n3A_260 = arith.select %eq3A_253, %select_n3A_235, %select_n3A_224 : vector<256x640xi1>, vector<256x640xf32>
    %select_n3A_261 = arith.select %eq3A_253, %select_n3A_236, %select_n3A_225 : vector<256x640xi1>, vector<256x640xi32>
    %select_n3A_262 = arith.select %eq3A_253, %select_n3A_243, %select_n3A_235 : vector<256x640xi1>, vector<256x640xf32>
    %select_n3A_263 = arith.select %eq3A_253, %select_n3A_244, %select_n3A_236 : vector<256x640xi1>, vector<256x640xi32>
    %jit3A_264 = arith.constant -9.99999961E+35 : f32
    %broadcast_in_dim3A_265 = vector.broadcast %jit3A_264 : f32 to vector<256x640xf32>
    %select_n3A_266 = arith.select %eq3A_253, %broadcast_in_dim3A_265, %select_n3A_243 : vector<256x640xi1>, vector<256x640xf32>
    %reduce_max3A_267 = arith.constant dense<0xFF800000> : vector<256xf32>
    %reduce_max3A_268 = vector.multi_reduction <maximumf>, %select_n3A_260, %reduce_max3A_267 [1] : vector<256x640xf32> to vector<256xf32>
    %broadcast_in_dim3A_269 = vector.shape_cast %reduce_max3A_268 : vector<256xf32> to vector<256x1xf32>
    %eq3A_270 = vector.broadcast %broadcast_in_dim3A_269 : vector<256x1xf32> to vector<256x640xf32>
    %eq3A_271 = arith.cmpf oeq, %select_n3A_260, %eq3A_270 : vector<256x640xf32>
    %jit3A_272 = arith.constant 640 : i32
    %broadcast_in_dim3A_273 = vector.broadcast %jit3A_272 : i32 to vector<256x640xi32>
    %select_n3A_274 = arith.select %eq3A_271, %iota3A, %broadcast_in_dim3A_273 : vector<256x640xi1>, vector<256x640xi32>
    %reduce_min3A_275 = arith.constant dense<2147483647> : vector<256xi32>
    %reduce_min3A_276 = vector.multi_reduction <minsi>, %select_n3A_274, %reduce_min3A_275 [1] : vector<256x640xi32> to vector<256xi32>
    %broadcast_in_dim3A_277 = vector.shape_cast %reduce_min3A_276 : vector<256xi32> to vector<256x1xi32>
    %eq3A_278 = vector.broadcast %broadcast_in_dim3A_277 : vector<256x1xi32> to vector<256x640xi32>
    %eq3A_279 = arith.cmpi eq, %iota3A, %eq3A_278 : vector<256x640xi32>
    %jit3A_280 = arith.constant -1 : i32
    %broadcast_in_dim3A_281 = vector.broadcast %jit3A_280 : i32 to vector<256x640xi32>
    %select_n3A_282 = arith.select %eq3A_279, %select_n3A_261, %broadcast_in_dim3A_281 : vector<256x640xi1>, vector<256x640xi32>
    %reduce_max3A_283 = arith.constant dense<-2147483648> : vector<256xi32>
    %reduce_max3A_284 = vector.multi_reduction <maxsi>, %select_n3A_282, %reduce_max3A_283 [1] : vector<256x640xi32> to vector<256xi32>
    %broadcast_in_dim3A_285 = vector.shape_cast %reduce_max3A_284 : vector<256xi32> to vector<256x1xi32>
    %select_n3A_286 = arith.select %eq3A_279, %select_n3A_262, %select_n3A_260 : vector<256x640xi1>, vector<256x640xf32>
    %select_n3A_287 = arith.select %eq3A_279, %select_n3A_263, %select_n3A_261 : vector<256x640xi1>, vector<256x640xi32>
    %select_n3A_288 = arith.select %eq3A_279, %select_n3A_266, %select_n3A_262 : vector<256x640xi1>, vector<256x640xf32>
    %select_n3A_289 = arith.select %eq3A_279, %select_n3A_244, %select_n3A_263 : vector<256x640xi1>, vector<256x640xi32>
    %jit3A_290 = arith.constant -9.99999961E+35 : f32
    %broadcast_in_dim3A_291 = vector.broadcast %jit3A_290 : f32 to vector<256x640xf32>
    %select_n3A_292 = arith.select %eq3A_279, %broadcast_in_dim3A_291, %select_n3A_266 : vector<256x640xi1>, vector<256x640xf32>
    %reduce_max3A_293 = arith.constant dense<0xFF800000> : vector<256xf32>
    %reduce_max3A_294 = vector.multi_reduction <maximumf>, %select_n3A_286, %reduce_max3A_293 [1] : vector<256x640xf32> to vector<256xf32>
    %broadcast_in_dim3A_295 = vector.shape_cast %reduce_max3A_294 : vector<256xf32> to vector<256x1xf32>
    %eq3A_296 = vector.broadcast %broadcast_in_dim3A_295 : vector<256x1xf32> to vector<256x640xf32>
    %eq3A_297 = arith.cmpf oeq, %select_n3A_286, %eq3A_296 : vector<256x640xf32>
    %jit3A_298 = arith.constant 640 : i32
    %broadcast_in_dim3A_299 = vector.broadcast %jit3A_298 : i32 to vector<256x640xi32>
    %select_n3A_300 = arith.select %eq3A_297, %iota3A, %broadcast_in_dim3A_299 : vector<256x640xi1>, vector<256x640xi32>
    %reduce_min3A_301 = arith.constant dense<2147483647> : vector<256xi32>
    %reduce_min3A_302 = vector.multi_reduction <minsi>, %select_n3A_300, %reduce_min3A_301 [1] : vector<256x640xi32> to vector<256xi32>
    %broadcast_in_dim3A_303 = vector.shape_cast %reduce_min3A_302 : vector<256xi32> to vector<256x1xi32>
    %eq3A_304 = vector.broadcast %broadcast_in_dim3A_303 : vector<256x1xi32> to vector<256x640xi32>
    %eq3A_305 = arith.cmpi eq, %iota3A, %eq3A_304 : vector<256x640xi32>
    %jit3A_306 = arith.constant -1 : i32
    %broadcast_in_dim3A_307 = vector.broadcast %jit3A_306 : i32 to vector<256x640xi32>
    %select_n3A_308 = arith.select %eq3A_305, %select_n3A_287, %broadcast_in_dim3A_307 : vector<256x640xi1>, vector<256x640xi32>
    %reduce_max3A_309 = arith.constant dense<-2147483648> : vector<256xi32>
    %reduce_max3A_310 = vector.multi_reduction <maxsi>, %select_n3A_308, %reduce_max3A_309 [1] : vector<256x640xi32> to vector<256xi32>
    %broadcast_in_dim3A_311 = vector.shape_cast %reduce_max3A_310 : vector<256xi32> to vector<256x1xi32>
    %select_n3A_312 = arith.select %eq3A_305, %select_n3A_288, %select_n3A_286 : vector<256x640xi1>, vector<256x640xf32>
    %select_n3A_313 = arith.select %eq3A_305, %select_n3A_289, %select_n3A_287 : vector<256x640xi1>, vector<256x640xi32>
    %select_n3A_314 = arith.select %eq3A_305, %select_n3A_292, %select_n3A_288 : vector<256x640xi1>, vector<256x640xf32>
    %select_n3A_315 = arith.select %eq3A_305, %select_n3A_244, %select_n3A_289 : vector<256x640xi1>, vector<256x640xi32>
    %jit3A_316 = arith.constant -9.99999961E+35 : f32
    %broadcast_in_dim3A_317 = vector.broadcast %jit3A_316 : f32 to vector<256x640xf32>
    %select_n3A_318 = arith.select %eq3A_305, %broadcast_in_dim3A_317, %select_n3A_292 : vector<256x640xi1>, vector<256x640xf32>
    %reduce_max3A_319 = arith.constant dense<0xFF800000> : vector<256xf32>
    %reduce_max3A_320 = vector.multi_reduction <maximumf>, %select_n3A_312, %reduce_max3A_319 [1] : vector<256x640xf32> to vector<256xf32>
    %broadcast_in_dim3A_321 = vector.shape_cast %reduce_max3A_320 : vector<256xf32> to vector<256x1xf32>
    %eq3A_322 = vector.broadcast %broadcast_in_dim3A_321 : vector<256x1xf32> to vector<256x640xf32>
    %eq3A_323 = arith.cmpf oeq, %select_n3A_312, %eq3A_322 : vector<256x640xf32>
    %jit3A_324 = arith.constant 640 : i32
    %broadcast_in_dim3A_325 = vector.broadcast %jit3A_324 : i32 to vector<256x640xi32>
    %select_n3A_326 = arith.select %eq3A_323, %iota3A, %broadcast_in_dim3A_325 : vector<256x640xi1>, vector<256x640xi32>
    %reduce_min3A_327 = arith.constant dense<2147483647> : vector<256xi32>
    %reduce_min3A_328 = vector.multi_reduction <minsi>, %select_n3A_326, %reduce_min3A_327 [1] : vector<256x640xi32> to vector<256xi32>
    %broadcast_in_dim3A_329 = vector.shape_cast %reduce_min3A_328 : vector<256xi32> to vector<256x1xi32>
    %eq3A_330 = vector.broadcast %broadcast_in_dim3A_329 : vector<256x1xi32> to vector<256x640xi32>
    %eq3A_331 = arith.cmpi eq, %iota3A, %eq3A_330 : vector<256x640xi32>
    %jit3A_332 = arith.constant -1 : i32
    %broadcast_in_dim3A_333 = vector.broadcast %jit3A_332 : i32 to vector<256x640xi32>
    %select_n3A_334 = arith.select %eq3A_331, %select_n3A_313, %broadcast_in_dim3A_333 : vector<256x640xi1>, vector<256x640xi32>
    %reduce_max3A_335 = arith.constant dense<-2147483648> : vector<256xi32>
    %reduce_max3A_336 = vector.multi_reduction <maxsi>, %select_n3A_334, %reduce_max3A_335 [1] : vector<256x640xi32> to vector<256xi32>
    %broadcast_in_dim3A_337 = vector.shape_cast %reduce_max3A_336 : vector<256xi32> to vector<256x1xi32>
    %select_n3A_338 = arith.select %eq3A_331, %select_n3A_314, %select_n3A_312 : vector<256x640xi1>, vector<256x640xf32>
    %select_n3A_339 = arith.select %eq3A_331, %select_n3A_315, %select_n3A_313 : vector<256x640xi1>, vector<256x640xi32>
    %select_n3A_340 = arith.select %eq3A_331, %select_n3A_318, %select_n3A_314 : vector<256x640xi1>, vector<256x640xf32>
    %select_n3A_341 = arith.select %eq3A_331, %select_n3A_244, %select_n3A_315 : vector<256x640xi1>, vector<256x640xi32>
    %jit3A_342 = arith.constant -9.99999961E+35 : f32
    %broadcast_in_dim3A_343 = vector.broadcast %jit3A_342 : f32 to vector<256x640xf32>
    %select_n3A_344 = arith.select %eq3A_331, %broadcast_in_dim3A_343, %select_n3A_318 : vector<256x640xi1>, vector<256x640xf32>
    %reduce_max3A_345 = arith.constant dense<0xFF800000> : vector<256xf32>
    %reduce_max3A_346 = vector.multi_reduction <maximumf>, %select_n3A_338, %reduce_max3A_345 [1] : vector<256x640xf32> to vector<256xf32>
    %broadcast_in_dim3A_347 = vector.shape_cast %reduce_max3A_346 : vector<256xf32> to vector<256x1xf32>
    %eq3A_348 = vector.broadcast %broadcast_in_dim3A_347 : vector<256x1xf32> to vector<256x640xf32>
    %eq3A_349 = arith.cmpf oeq, %select_n3A_338, %eq3A_348 : vector<256x640xf32>
    %jit3A_350 = arith.constant 640 : i32
    %broadcast_in_dim3A_351 = vector.broadcast %jit3A_350 : i32 to vector<256x640xi32>
    %select_n3A_352 = arith.select %eq3A_349, %iota3A, %broadcast_in_dim3A_351 : vector<256x640xi1>, vector<256x640xi32>
    %reduce_min3A_353 = arith.constant dense<2147483647> : vector<256xi32>
    %reduce_min3A_354 = vector.multi_reduction <minsi>, %select_n3A_352, %reduce_min3A_353 [1] : vector<256x640xi32> to vector<256xi32>
    %broadcast_in_dim3A_355 = vector.shape_cast %reduce_min3A_354 : vector<256xi32> to vector<256x1xi32>
    %eq3A_356 = vector.broadcast %broadcast_in_dim3A_355 : vector<256x1xi32> to vector<256x640xi32>
    %eq3A_357 = arith.cmpi eq, %iota3A, %eq3A_356 : vector<256x640xi32>
    %jit3A_358 = arith.constant -1 : i32
    %broadcast_in_dim3A_359 = vector.broadcast %jit3A_358 : i32 to vector<256x640xi32>
    %select_n3A_360 = arith.select %eq3A_357, %select_n3A_339, %broadcast_in_dim3A_359 : vector<256x640xi1>, vector<256x640xi32>
    %reduce_max3A_361 = arith.constant dense<-2147483648> : vector<256xi32>
    %reduce_max3A_362 = vector.multi_reduction <maxsi>, %select_n3A_360, %reduce_max3A_361 [1] : vector<256x640xi32> to vector<256xi32>
    %broadcast_in_dim3A_363 = vector.shape_cast %reduce_max3A_362 : vector<256xi32> to vector<256x1xi32>
    %select_n3A_364 = arith.select %eq3A_357, %select_n3A_340, %select_n3A_338 : vector<256x640xi1>, vector<256x640xf32>
    %select_n3A_365 = arith.select %eq3A_357, %select_n3A_341, %select_n3A_339 : vector<256x640xi1>, vector<256x640xi32>
    %select_n3A_366 = arith.select %eq3A_357, %select_n3A_344, %select_n3A_340 : vector<256x640xi1>, vector<256x640xf32>
    %select_n3A_367 = arith.select %eq3A_357, %select_n3A_244, %select_n3A_341 : vector<256x640xi1>, vector<256x640xi32>
    %jit3A_368 = arith.constant -9.99999961E+35 : f32
    %broadcast_in_dim3A_369 = vector.broadcast %jit3A_368 : f32 to vector<256x640xf32>
    %select_n3A_370 = arith.select %eq3A_357, %broadcast_in_dim3A_369, %select_n3A_344 : vector<256x640xi1>, vector<256x640xf32>
    %reduce_max3A_371 = arith.constant dense<0xFF800000> : vector<256xf32>
    %reduce_max3A_372 = vector.multi_reduction <maximumf>, %select_n3A_364, %reduce_max3A_371 [1] : vector<256x640xf32> to vector<256xf32>
    %broadcast_in_dim3A_373 = vector.shape_cast %reduce_max3A_372 : vector<256xf32> to vector<256x1xf32>
    %eq3A_374 = vector.broadcast %broadcast_in_dim3A_373 : vector<256x1xf32> to vector<256x640xf32>
    %eq3A_375 = arith.cmpf oeq, %select_n3A_364, %eq3A_374 : vector<256x640xf32>
    %jit3A_376 = arith.constant 640 : i32
    %broadcast_in_dim3A_377 = vector.broadcast %jit3A_376 : i32 to vector<256x640xi32>
    %select_n3A_378 = arith.select %eq3A_375, %iota3A, %broadcast_in_dim3A_377 : vector<256x640xi1>, vector<256x640xi32>
    %reduce_min3A_379 = arith.constant dense<2147483647> : vector<256xi32>
    %reduce_min3A_380 = vector.multi_reduction <minsi>, %select_n3A_378, %reduce_min3A_379 [1] : vector<256x640xi32> to vector<256xi32>
    %broadcast_in_dim3A_381 = vector.shape_cast %reduce_min3A_380 : vector<256xi32> to vector<256x1xi32>
    %eq3A_382 = vector.broadcast %broadcast_in_dim3A_381 : vector<256x1xi32> to vector<256x640xi32>
    %eq3A_383 = arith.cmpi eq, %iota3A, %eq3A_382 : vector<256x640xi32>
    %jit3A_384 = arith.constant -1 : i32
    %broadcast_in_dim3A_385 = vector.broadcast %jit3A_384 : i32 to vector<256x640xi32>
    %select_n3A_386 = arith.select %eq3A_383, %select_n3A_365, %broadcast_in_dim3A_385 : vector<256x640xi1>, vector<256x640xi32>
    %reduce_max3A_387 = arith.constant dense<-2147483648> : vector<256xi32>
    %reduce_max3A_388 = vector.multi_reduction <maxsi>, %select_n3A_386, %reduce_max3A_387 [1] : vector<256x640xi32> to vector<256xi32>
    %broadcast_in_dim3A_389 = vector.shape_cast %reduce_max3A_388 : vector<256xi32> to vector<256x1xi32>
    %select_n3A_390 = arith.select %eq3A_383, %select_n3A_366, %select_n3A_364 : vector<256x640xi1>, vector<256x640xf32>
    %select_n3A_391 = arith.select %eq3A_383, %select_n3A_367, %select_n3A_365 : vector<256x640xi1>, vector<256x640xi32>
    %select_n3A_392 = arith.select %eq3A_383, %select_n3A_370, %select_n3A_366 : vector<256x640xi1>, vector<256x640xf32>
    %select_n3A_393 = arith.select %eq3A_383, %select_n3A_244, %select_n3A_367 : vector<256x640xi1>, vector<256x640xi32>
    %jit3A_394 = arith.constant -9.99999961E+35 : f32
    %broadcast_in_dim3A_395 = vector.broadcast %jit3A_394 : f32 to vector<256x640xf32>
    %select_n3A_396 = arith.select %eq3A_383, %broadcast_in_dim3A_395, %select_n3A_370 : vector<256x640xi1>, vector<256x640xf32>
    %reduce_max3A_397 = arith.constant dense<0xFF800000> : vector<256xf32>
    %reduce_max3A_398 = vector.multi_reduction <maximumf>, %select_n3A_390, %reduce_max3A_397 [1] : vector<256x640xf32> to vector<256xf32>
    %broadcast_in_dim3A_399 = vector.shape_cast %reduce_max3A_398 : vector<256xf32> to vector<256x1xf32>
    %eq3A_400 = vector.broadcast %broadcast_in_dim3A_399 : vector<256x1xf32> to vector<256x640xf32>
    %eq3A_401 = arith.cmpf oeq, %select_n3A_390, %eq3A_400 : vector<256x640xf32>
    %jit3A_402 = arith.constant 640 : i32
    %broadcast_in_dim3A_403 = vector.broadcast %jit3A_402 : i32 to vector<256x640xi32>
    %select_n3A_404 = arith.select %eq3A_401, %iota3A, %broadcast_in_dim3A_403 : vector<256x640xi1>, vector<256x640xi32>
    %reduce_min3A_405 = arith.constant dense<2147483647> : vector<256xi32>
    %reduce_min3A_406 = vector.multi_reduction <minsi>, %select_n3A_404, %reduce_min3A_405 [1] : vector<256x640xi32> to vector<256xi32>
    %broadcast_in_dim3A_407 = vector.shape_cast %reduce_min3A_406 : vector<256xi32> to vector<256x1xi32>
    %eq3A_408 = vector.broadcast %broadcast_in_dim3A_407 : vector<256x1xi32> to vector<256x640xi32>
    %eq3A_409 = arith.cmpi eq, %iota3A, %eq3A_408 : vector<256x640xi32>
    %jit3A_410 = arith.constant -1 : i32
    %broadcast_in_dim3A_411 = vector.broadcast %jit3A_410 : i32 to vector<256x640xi32>
    %select_n3A_412 = arith.select %eq3A_409, %select_n3A_391, %broadcast_in_dim3A_411 : vector<256x640xi1>, vector<256x640xi32>
    %reduce_max3A_413 = arith.constant dense<-2147483648> : vector<256xi32>
    %reduce_max3A_414 = vector.multi_reduction <maxsi>, %select_n3A_412, %reduce_max3A_413 [1] : vector<256x640xi32> to vector<256xi32>
    %broadcast_in_dim3A_415 = vector.shape_cast %reduce_max3A_414 : vector<256xi32> to vector<256x1xi32>
    %select_n3A_416 = arith.select %eq3A_409, %select_n3A_392, %select_n3A_390 : vector<256x640xi1>, vector<256x640xf32>
    %select_n3A_417 = arith.select %eq3A_409, %select_n3A_393, %select_n3A_391 : vector<256x640xi1>, vector<256x640xi32>
    %select_n3A_418 = arith.select %eq3A_409, %select_n3A_396, %select_n3A_392 : vector<256x640xi1>, vector<256x640xf32>
    %select_n3A_419 = arith.select %eq3A_409, %select_n3A_244, %select_n3A_393 : vector<256x640xi1>, vector<256x640xi32>
    %jit3A_420 = arith.constant -9.99999961E+35 : f32
    %broadcast_in_dim3A_421 = vector.broadcast %jit3A_420 : f32 to vector<256x640xf32>
    %select_n3A_422 = arith.select %eq3A_409, %broadcast_in_dim3A_421, %select_n3A_396 : vector<256x640xi1>, vector<256x640xf32>
    %reduce_max3A_423 = arith.constant dense<0xFF800000> : vector<256xf32>
    %reduce_max3A_424 = vector.multi_reduction <maximumf>, %select_n3A_416, %reduce_max3A_423 [1] : vector<256x640xf32> to vector<256xf32>
    %broadcast_in_dim3A_425 = vector.shape_cast %reduce_max3A_424 : vector<256xf32> to vector<256x1xf32>
    %eq3A_426 = vector.broadcast %broadcast_in_dim3A_425 : vector<256x1xf32> to vector<256x640xf32>
    %eq3A_427 = arith.cmpf oeq, %select_n3A_416, %eq3A_426 : vector<256x640xf32>
    %jit3A_428 = arith.constant 640 : i32
    %broadcast_in_dim3A_429 = vector.broadcast %jit3A_428 : i32 to vector<256x640xi32>
    %select_n3A_430 = arith.select %eq3A_427, %iota3A, %broadcast_in_dim3A_429 : vector<256x640xi1>, vector<256x640xi32>
    %reduce_min3A_431 = arith.constant dense<2147483647> : vector<256xi32>
    %reduce_min3A_432 = vector.multi_reduction <minsi>, %select_n3A_430, %reduce_min3A_431 [1] : vector<256x640xi32> to vector<256xi32>
    %broadcast_in_dim3A_433 = vector.shape_cast %reduce_min3A_432 : vector<256xi32> to vector<256x1xi32>
    %eq3A_434 = vector.broadcast %broadcast_in_dim3A_433 : vector<256x1xi32> to vector<256x640xi32>
    %eq3A_435 = arith.cmpi eq, %iota3A, %eq3A_434 : vector<256x640xi32>
    %jit3A_436 = arith.constant -1 : i32
    %broadcast_in_dim3A_437 = vector.broadcast %jit3A_436 : i32 to vector<256x640xi32>
    %select_n3A_438 = arith.select %eq3A_435, %select_n3A_417, %broadcast_in_dim3A_437 : vector<256x640xi1>, vector<256x640xi32>
    %reduce_max3A_439 = arith.constant dense<-2147483648> : vector<256xi32>
    %reduce_max3A_440 = vector.multi_reduction <maxsi>, %select_n3A_438, %reduce_max3A_439 [1] : vector<256x640xi32> to vector<256xi32>
    %broadcast_in_dim3A_441 = vector.shape_cast %reduce_max3A_440 : vector<256xi32> to vector<256x1xi32>
    %select_n3A_442 = arith.select %eq3A_435, %select_n3A_418, %select_n3A_416 : vector<256x640xi1>, vector<256x640xf32>
    %select_n3A_443 = arith.select %eq3A_435, %select_n3A_419, %select_n3A_417 : vector<256x640xi1>, vector<256x640xi32>
    %select_n3A_444 = arith.select %eq3A_435, %select_n3A_422, %select_n3A_418 : vector<256x640xi1>, vector<256x640xf32>
    %select_n3A_445 = arith.select %eq3A_435, %select_n3A_244, %select_n3A_419 : vector<256x640xi1>, vector<256x640xi32>
    %jit3A_446 = arith.constant -9.99999961E+35 : f32
    %broadcast_in_dim3A_447 = vector.broadcast %jit3A_446 : f32 to vector<256x640xf32>
    %select_n3A_448 = arith.select %eq3A_435, %broadcast_in_dim3A_447, %select_n3A_422 : vector<256x640xi1>, vector<256x640xf32>
    %reduce_max3A_449 = arith.constant dense<0xFF800000> : vector<256xf32>
    %reduce_max3A_450 = vector.multi_reduction <maximumf>, %select_n3A_442, %reduce_max3A_449 [1] : vector<256x640xf32> to vector<256xf32>
    %broadcast_in_dim3A_451 = vector.shape_cast %reduce_max3A_450 : vector<256xf32> to vector<256x1xf32>
    %eq3A_452 = vector.broadcast %broadcast_in_dim3A_451 : vector<256x1xf32> to vector<256x640xf32>
    %eq3A_453 = arith.cmpf oeq, %select_n3A_442, %eq3A_452 : vector<256x640xf32>
    %jit3A_454 = arith.constant 640 : i32
    %broadcast_in_dim3A_455 = vector.broadcast %jit3A_454 : i32 to vector<256x640xi32>
    %select_n3A_456 = arith.select %eq3A_453, %iota3A, %broadcast_in_dim3A_455 : vector<256x640xi1>, vector<256x640xi32>
    %reduce_min3A_457 = arith.constant dense<2147483647> : vector<256xi32>
    %reduce_min3A_458 = vector.multi_reduction <minsi>, %select_n3A_456, %reduce_min3A_457 [1] : vector<256x640xi32> to vector<256xi32>
    %broadcast_in_dim3A_459 = vector.shape_cast %reduce_min3A_458 : vector<256xi32> to vector<256x1xi32>
    %eq3A_460 = vector.broadcast %broadcast_in_dim3A_459 : vector<256x1xi32> to vector<256x640xi32>
    %eq3A_461 = arith.cmpi eq, %iota3A, %eq3A_460 : vector<256x640xi32>
    %jit3A_462 = arith.constant -1 : i32
    %broadcast_in_dim3A_463 = vector.broadcast %jit3A_462 : i32 to vector<256x640xi32>
    %select_n3A_464 = arith.select %eq3A_461, %select_n3A_443, %broadcast_in_dim3A_463 : vector<256x640xi1>, vector<256x640xi32>
    %reduce_max3A_465 = arith.constant dense<-2147483648> : vector<256xi32>
    %reduce_max3A_466 = vector.multi_reduction <maxsi>, %select_n3A_464, %reduce_max3A_465 [1] : vector<256x640xi32> to vector<256xi32>
    %broadcast_in_dim3A_467 = vector.shape_cast %reduce_max3A_466 : vector<256xi32> to vector<256x1xi32>
    %select_n3A_468 = arith.select %eq3A_461, %select_n3A_444, %select_n3A_442 : vector<256x640xi1>, vector<256x640xf32>
    %select_n3A_469 = arith.select %eq3A_461, %select_n3A_445, %select_n3A_443 : vector<256x640xi1>, vector<256x640xi32>
    %select_n3A_470 = arith.select %eq3A_461, %select_n3A_448, %select_n3A_444 : vector<256x640xi1>, vector<256x640xf32>
    %select_n3A_471 = arith.select %eq3A_461, %select_n3A_244, %select_n3A_445 : vector<256x640xi1>, vector<256x640xi32>
    %jit3A_472 = arith.constant -9.99999961E+35 : f32
    %broadcast_in_dim3A_473 = vector.broadcast %jit3A_472 : f32 to vector<256x640xf32>
    %select_n3A_474 = arith.select %eq3A_461, %broadcast_in_dim3A_473, %select_n3A_448 : vector<256x640xi1>, vector<256x640xf32>
    %reduce_max3A_475 = arith.constant dense<0xFF800000> : vector<256xf32>
    %reduce_max3A_476 = vector.multi_reduction <maximumf>, %select_n3A_468, %reduce_max3A_475 [1] : vector<256x640xf32> to vector<256xf32>
    %broadcast_in_dim3A_477 = vector.shape_cast %reduce_max3A_476 : vector<256xf32> to vector<256x1xf32>
    %eq3A_478 = vector.broadcast %broadcast_in_dim3A_477 : vector<256x1xf32> to vector<256x640xf32>
    %eq3A_479 = arith.cmpf oeq, %select_n3A_468, %eq3A_478 : vector<256x640xf32>
    %jit3A_480 = arith.constant 640 : i32
    %broadcast_in_dim3A_481 = vector.broadcast %jit3A_480 : i32 to vector<256x640xi32>
    %select_n3A_482 = arith.select %eq3A_479, %iota3A, %broadcast_in_dim3A_481 : vector<256x640xi1>, vector<256x640xi32>
    %reduce_min3A_483 = arith.constant dense<2147483647> : vector<256xi32>
    %reduce_min3A_484 = vector.multi_reduction <minsi>, %select_n3A_482, %reduce_min3A_483 [1] : vector<256x640xi32> to vector<256xi32>
    %broadcast_in_dim3A_485 = vector.shape_cast %reduce_min3A_484 : vector<256xi32> to vector<256x1xi32>
    %eq3A_486 = vector.broadcast %broadcast_in_dim3A_485 : vector<256x1xi32> to vector<256x640xi32>
    %eq3A_487 = arith.cmpi eq, %iota3A, %eq3A_486 : vector<256x640xi32>
    %jit3A_488 = arith.constant -1 : i32
    %broadcast_in_dim3A_489 = vector.broadcast %jit3A_488 : i32 to vector<256x640xi32>
    %select_n3A_490 = arith.select %eq3A_487, %select_n3A_469, %broadcast_in_dim3A_489 : vector<256x640xi1>, vector<256x640xi32>
    %reduce_max3A_491 = arith.constant dense<-2147483648> : vector<256xi32>
    %reduce_max3A_492 = vector.multi_reduction <maxsi>, %select_n3A_490, %reduce_max3A_491 [1] : vector<256x640xi32> to vector<256xi32>
    %broadcast_in_dim3A_493 = vector.shape_cast %reduce_max3A_492 : vector<256xi32> to vector<256x1xi32>
    %select_n3A_494 = arith.select %eq3A_487, %select_n3A_470, %select_n3A_468 : vector<256x640xi1>, vector<256x640xf32>
    %select_n3A_495 = arith.select %eq3A_487, %select_n3A_471, %select_n3A_469 : vector<256x640xi1>, vector<256x640xi32>
    %select_n3A_496 = arith.select %eq3A_487, %select_n3A_474, %select_n3A_470 : vector<256x640xi1>, vector<256x640xf32>
    %select_n3A_497 = arith.select %eq3A_487, %select_n3A_244, %select_n3A_471 : vector<256x640xi1>, vector<256x640xi32>
    %jit3A_498 = arith.constant -9.99999961E+35 : f32
    %broadcast_in_dim3A_499 = vector.broadcast %jit3A_498 : f32 to vector<256x640xf32>
    %select_n3A_500 = arith.select %eq3A_487, %broadcast_in_dim3A_499, %select_n3A_474 : vector<256x640xi1>, vector<256x640xf32>
    %reduce_max3A_501 = arith.constant dense<0xFF800000> : vector<256xf32>
    %reduce_max3A_502 = vector.multi_reduction <maximumf>, %select_n3A_494, %reduce_max3A_501 [1] : vector<256x640xf32> to vector<256xf32>
    %broadcast_in_dim3A_503 = vector.shape_cast %reduce_max3A_502 : vector<256xf32> to vector<256x1xf32>
    %eq3A_504 = vector.broadcast %broadcast_in_dim3A_503 : vector<256x1xf32> to vector<256x640xf32>
    %eq3A_505 = arith.cmpf oeq, %select_n3A_494, %eq3A_504 : vector<256x640xf32>
    %jit3A_506 = arith.constant 640 : i32
    %broadcast_in_dim3A_507 = vector.broadcast %jit3A_506 : i32 to vector<256x640xi32>
    %select_n3A_508 = arith.select %eq3A_505, %iota3A, %broadcast_in_dim3A_507 : vector<256x640xi1>, vector<256x640xi32>
    %reduce_min3A_509 = arith.constant dense<2147483647> : vector<256xi32>
    %reduce_min3A_510 = vector.multi_reduction <minsi>, %select_n3A_508, %reduce_min3A_509 [1] : vector<256x640xi32> to vector<256xi32>
    %broadcast_in_dim3A_511 = vector.shape_cast %reduce_min3A_510 : vector<256xi32> to vector<256x1xi32>
    %eq3A_512 = vector.broadcast %broadcast_in_dim3A_511 : vector<256x1xi32> to vector<256x640xi32>
    %eq3A_513 = arith.cmpi eq, %iota3A, %eq3A_512 : vector<256x640xi32>
    %jit3A_514 = arith.constant -1 : i32
    %broadcast_in_dim3A_515 = vector.broadcast %jit3A_514 : i32 to vector<256x640xi32>
    %select_n3A_516 = arith.select %eq3A_513, %select_n3A_495, %broadcast_in_dim3A_515 : vector<256x640xi1>, vector<256x640xi32>
    %reduce_max3A_517 = arith.constant dense<-2147483648> : vector<256xi32>
    %reduce_max3A_518 = vector.multi_reduction <maxsi>, %select_n3A_516, %reduce_max3A_517 [1] : vector<256x640xi32> to vector<256xi32>
    %broadcast_in_dim3A_519 = vector.shape_cast %reduce_max3A_518 : vector<256xi32> to vector<256x1xi32>
    %select_n3A_520 = arith.select %eq3A_513, %select_n3A_496, %select_n3A_494 : vector<256x640xi1>, vector<256x640xf32>
    %select_n3A_521 = arith.select %eq3A_513, %select_n3A_497, %select_n3A_495 : vector<256x640xi1>, vector<256x640xi32>
    %select_n3A_522 = arith.select %eq3A_513, %select_n3A_500, %select_n3A_496 : vector<256x640xi1>, vector<256x640xf32>
    %select_n3A_523 = arith.select %eq3A_513, %select_n3A_244, %select_n3A_497 : vector<256x640xi1>, vector<256x640xi32>
    %jit3A_524 = arith.constant -9.99999961E+35 : f32
    %broadcast_in_dim3A_525 = vector.broadcast %jit3A_524 : f32 to vector<256x640xf32>
    %select_n3A_526 = arith.select %eq3A_513, %broadcast_in_dim3A_525, %select_n3A_500 : vector<256x640xi1>, vector<256x640xf32>
    %reduce_max3A_527 = arith.constant dense<0xFF800000> : vector<256xf32>
    %reduce_max3A_528 = vector.multi_reduction <maximumf>, %select_n3A_520, %reduce_max3A_527 [1] : vector<256x640xf32> to vector<256xf32>
    %broadcast_in_dim3A_529 = vector.shape_cast %reduce_max3A_528 : vector<256xf32> to vector<256x1xf32>
    %eq3A_530 = vector.broadcast %broadcast_in_dim3A_529 : vector<256x1xf32> to vector<256x640xf32>
    %eq3A_531 = arith.cmpf oeq, %select_n3A_520, %eq3A_530 : vector<256x640xf32>
    %jit3A_532 = arith.constant 640 : i32
    %broadcast_in_dim3A_533 = vector.broadcast %jit3A_532 : i32 to vector<256x640xi32>
    %select_n3A_534 = arith.select %eq3A_531, %iota3A, %broadcast_in_dim3A_533 : vector<256x640xi1>, vector<256x640xi32>
    %reduce_min3A_535 = arith.constant dense<2147483647> : vector<256xi32>
    %reduce_min3A_536 = vector.multi_reduction <minsi>, %select_n3A_534, %reduce_min3A_535 [1] : vector<256x640xi32> to vector<256xi32>
    %broadcast_in_dim3A_537 = vector.shape_cast %reduce_min3A_536 : vector<256xi32> to vector<256x1xi32>
    %eq3A_538 = vector.broadcast %broadcast_in_dim3A_537 : vector<256x1xi32> to vector<256x640xi32>
    %eq3A_539 = arith.cmpi eq, %iota3A, %eq3A_538 : vector<256x640xi32>
    %jit3A_540 = arith.constant -1 : i32
    %broadcast_in_dim3A_541 = vector.broadcast %jit3A_540 : i32 to vector<256x640xi32>
    %select_n3A_542 = arith.select %eq3A_539, %select_n3A_521, %broadcast_in_dim3A_541 : vector<256x640xi1>, vector<256x640xi32>
    %reduce_max3A_543 = arith.constant dense<-2147483648> : vector<256xi32>
    %reduce_max3A_544 = vector.multi_reduction <maxsi>, %select_n3A_542, %reduce_max3A_543 [1] : vector<256x640xi32> to vector<256xi32>
    %broadcast_in_dim3A_545 = vector.shape_cast %reduce_max3A_544 : vector<256xi32> to vector<256x1xi32>
    %select_n3A_546 = arith.select %eq3A_539, %select_n3A_522, %select_n3A_520 : vector<256x640xi1>, vector<256x640xf32>
    %select_n3A_547 = arith.select %eq3A_539, %select_n3A_523, %select_n3A_521 : vector<256x640xi1>, vector<256x640xi32>
    %select_n3A_548 = arith.select %eq3A_539, %select_n3A_526, %select_n3A_522 : vector<256x640xi1>, vector<256x640xf32>
    %select_n3A_549 = arith.select %eq3A_539, %select_n3A_244, %select_n3A_523 : vector<256x640xi1>, vector<256x640xi32>
    %jit3A_550 = arith.constant -9.99999961E+35 : f32
    %broadcast_in_dim3A_551 = vector.broadcast %jit3A_550 : f32 to vector<256x640xf32>
    %select_n3A_552 = arith.select %eq3A_539, %broadcast_in_dim3A_551, %select_n3A_526 : vector<256x640xi1>, vector<256x640xf32>
    %reduce_max3A_553 = arith.constant dense<0xFF800000> : vector<256xf32>
    %reduce_max3A_554 = vector.multi_reduction <maximumf>, %select_n3A_546, %reduce_max3A_553 [1] : vector<256x640xf32> to vector<256xf32>
    %broadcast_in_dim3A_555 = vector.shape_cast %reduce_max3A_554 : vector<256xf32> to vector<256x1xf32>
    %eq3A_556 = vector.broadcast %broadcast_in_dim3A_555 : vector<256x1xf32> to vector<256x640xf32>
    %eq3A_557 = arith.cmpf oeq, %select_n3A_546, %eq3A_556 : vector<256x640xf32>
    %jit3A_558 = arith.constant 640 : i32
    %broadcast_in_dim3A_559 = vector.broadcast %jit3A_558 : i32 to vector<256x640xi32>
    %select_n3A_560 = arith.select %eq3A_557, %iota3A, %broadcast_in_dim3A_559 : vector<256x640xi1>, vector<256x640xi32>
    %reduce_min3A_561 = arith.constant dense<2147483647> : vector<256xi32>
    %reduce_min3A_562 = vector.multi_reduction <minsi>, %select_n3A_560, %reduce_min3A_561 [1] : vector<256x640xi32> to vector<256xi32>
    %broadcast_in_dim3A_563 = vector.shape_cast %reduce_min3A_562 : vector<256xi32> to vector<256x1xi32>
    %eq3A_564 = vector.broadcast %broadcast_in_dim3A_563 : vector<256x1xi32> to vector<256x640xi32>
    %eq3A_565 = arith.cmpi eq, %iota3A, %eq3A_564 : vector<256x640xi32>
    %jit3A_566 = arith.constant -1 : i32
    %broadcast_in_dim3A_567 = vector.broadcast %jit3A_566 : i32 to vector<256x640xi32>
    %select_n3A_568 = arith.select %eq3A_565, %select_n3A_547, %broadcast_in_dim3A_567 : vector<256x640xi1>, vector<256x640xi32>
    %reduce_max3A_569 = arith.constant dense<-2147483648> : vector<256xi32>
    %reduce_max3A_570 = vector.multi_reduction <maxsi>, %select_n3A_568, %reduce_max3A_569 [1] : vector<256x640xi32> to vector<256xi32>
    %broadcast_in_dim3A_571 = vector.shape_cast %reduce_max3A_570 : vector<256xi32> to vector<256x1xi32>
    %select_n3A_572 = arith.select %eq3A_565, %select_n3A_548, %select_n3A_546 : vector<256x640xi1>, vector<256x640xf32>
    %select_n3A_573 = arith.select %eq3A_565, %select_n3A_549, %select_n3A_547 : vector<256x640xi1>, vector<256x640xi32>
    %select_n3A_574 = arith.select %eq3A_565, %select_n3A_552, %select_n3A_548 : vector<256x640xi1>, vector<256x640xf32>
    %select_n3A_575 = arith.select %eq3A_565, %select_n3A_244, %select_n3A_549 : vector<256x640xi1>, vector<256x640xi32>
    %jit3A_576 = arith.constant -9.99999961E+35 : f32
    %broadcast_in_dim3A_577 = vector.broadcast %jit3A_576 : f32 to vector<256x640xf32>
    %select_n3A_578 = arith.select %eq3A_565, %broadcast_in_dim3A_577, %select_n3A_552 : vector<256x640xi1>, vector<256x640xf32>
    %reduce_max3A_579 = arith.constant dense<0xFF800000> : vector<256xf32>
    %reduce_max3A_580 = vector.multi_reduction <maximumf>, %select_n3A_572, %reduce_max3A_579 [1] : vector<256x640xf32> to vector<256xf32>
    %broadcast_in_dim3A_581 = vector.shape_cast %reduce_max3A_580 : vector<256xf32> to vector<256x1xf32>
    %eq3A_582 = vector.broadcast %broadcast_in_dim3A_581 : vector<256x1xf32> to vector<256x640xf32>
    %eq3A_583 = arith.cmpf oeq, %select_n3A_572, %eq3A_582 : vector<256x640xf32>
    %jit3A_584 = arith.constant 640 : i32
    %broadcast_in_dim3A_585 = vector.broadcast %jit3A_584 : i32 to vector<256x640xi32>
    %select_n3A_586 = arith.select %eq3A_583, %iota3A, %broadcast_in_dim3A_585 : vector<256x640xi1>, vector<256x640xi32>
    %reduce_min3A_587 = arith.constant dense<2147483647> : vector<256xi32>
    %reduce_min3A_588 = vector.multi_reduction <minsi>, %select_n3A_586, %reduce_min3A_587 [1] : vector<256x640xi32> to vector<256xi32>
    %broadcast_in_dim3A_589 = vector.shape_cast %reduce_min3A_588 : vector<256xi32> to vector<256x1xi32>
    %eq3A_590 = vector.broadcast %broadcast_in_dim3A_589 : vector<256x1xi32> to vector<256x640xi32>
    %eq3A_591 = arith.cmpi eq, %iota3A, %eq3A_590 : vector<256x640xi32>
    %jit3A_592 = arith.constant -1 : i32
    %broadcast_in_dim3A_593 = vector.broadcast %jit3A_592 : i32 to vector<256x640xi32>
    %select_n3A_594 = arith.select %eq3A_591, %select_n3A_573, %broadcast_in_dim3A_593 : vector<256x640xi1>, vector<256x640xi32>
    %reduce_max3A_595 = arith.constant dense<-2147483648> : vector<256xi32>
    %reduce_max3A_596 = vector.multi_reduction <maxsi>, %select_n3A_594, %reduce_max3A_595 [1] : vector<256x640xi32> to vector<256xi32>
    %broadcast_in_dim3A_597 = vector.shape_cast %reduce_max3A_596 : vector<256xi32> to vector<256x1xi32>
    %select_n3A_598 = arith.select %eq3A_591, %select_n3A_574, %select_n3A_572 : vector<256x640xi1>, vector<256x640xf32>
    %select_n3A_599 = arith.select %eq3A_591, %select_n3A_575, %select_n3A_573 : vector<256x640xi1>, vector<256x640xi32>
    %select_n3A_600 = arith.select %eq3A_591, %select_n3A_578, %select_n3A_574 : vector<256x640xi1>, vector<256x640xf32>
    %select_n3A_601 = arith.select %eq3A_591, %select_n3A_244, %select_n3A_575 : vector<256x640xi1>, vector<256x640xi32>
    %reduce_max3A_602 = arith.constant dense<0xFF800000> : vector<256xf32>
    %reduce_max3A_603 = vector.multi_reduction <maximumf>, %select_n3A_598, %reduce_max3A_602 [1] : vector<256x640xf32> to vector<256xf32>
    %broadcast_in_dim3A_604 = vector.shape_cast %reduce_max3A_603 : vector<256xf32> to vector<256x1xf32>
    %eq3A_605 = vector.broadcast %broadcast_in_dim3A_604 : vector<256x1xf32> to vector<256x640xf32>
    %eq3A_606 = arith.cmpf oeq, %select_n3A_598, %eq3A_605 : vector<256x640xf32>
    %jit3A_607 = arith.constant 640 : i32
    %broadcast_in_dim3A_608 = vector.broadcast %jit3A_607 : i32 to vector<256x640xi32>
    %select_n3A_609 = arith.select %eq3A_606, %iota3A, %broadcast_in_dim3A_608 : vector<256x640xi1>, vector<256x640xi32>
    %reduce_min3A_610 = arith.constant dense<2147483647> : vector<256xi32>
    %reduce_min3A_611 = vector.multi_reduction <minsi>, %select_n3A_609, %reduce_min3A_610 [1] : vector<256x640xi32> to vector<256xi32>
    %broadcast_in_dim3A_612 = vector.shape_cast %reduce_min3A_611 : vector<256xi32> to vector<256x1xi32>
    %eq3A_613 = vector.broadcast %broadcast_in_dim3A_612 : vector<256x1xi32> to vector<256x640xi32>
    %eq3A_614 = arith.cmpi eq, %iota3A, %eq3A_613 : vector<256x640xi32>
    %jit3A_615 = arith.constant -1 : i32
    %broadcast_in_dim3A_616 = vector.broadcast %jit3A_615 : i32 to vector<256x640xi32>
    %select_n3A_617 = arith.select %eq3A_614, %select_n3A_599, %broadcast_in_dim3A_616 : vector<256x640xi1>, vector<256x640xi32>
    %reduce_max3A_618 = arith.constant dense<-2147483648> : vector<256xi32>
    %reduce_max3A_619 = vector.multi_reduction <maxsi>, %select_n3A_617, %reduce_max3A_618 [1] : vector<256x640xi32> to vector<256xi32>
    %broadcast_in_dim3A_620 = vector.shape_cast %reduce_max3A_619 : vector<256xi32> to vector<256x1xi32>
    %select_n3A_621 = arith.select %eq3A_614, %select_n3A_600, %select_n3A_598 : vector<256x640xi1>, vector<256x640xf32>
    %select_n3A_622 = arith.select %eq3A_614, %select_n3A_601, %select_n3A_599 : vector<256x640xi1>, vector<256x640xi32>
    %reduce_max3A_623 = arith.constant dense<0xFF800000> : vector<256xf32>
    %reduce_max3A_624 = vector.multi_reduction <maximumf>, %select_n3A_621, %reduce_max3A_623 [1] : vector<256x640xf32> to vector<256xf32>
    %broadcast_in_dim3A_625 = vector.shape_cast %reduce_max3A_624 : vector<256xf32> to vector<256x1xf32>
    %eq3A_626 = vector.broadcast %broadcast_in_dim3A_625 : vector<256x1xf32> to vector<256x640xf32>
    %eq3A_627 = arith.cmpf oeq, %select_n3A_621, %eq3A_626 : vector<256x640xf32>
    %jit3A_628 = arith.constant 640 : i32
    %broadcast_in_dim3A_629 = vector.broadcast %jit3A_628 : i32 to vector<256x640xi32>
    %select_n3A_630 = arith.select %eq3A_627, %iota3A, %broadcast_in_dim3A_629 : vector<256x640xi1>, vector<256x640xi32>
    %reduce_min3A_631 = arith.constant dense<2147483647> : vector<256xi32>
    %reduce_min3A_632 = vector.multi_reduction <minsi>, %select_n3A_630, %reduce_min3A_631 [1] : vector<256x640xi32> to vector<256xi32>
    %broadcast_in_dim3A_633 = vector.shape_cast %reduce_min3A_632 : vector<256xi32> to vector<256x1xi32>
    %eq3A_634 = vector.broadcast %broadcast_in_dim3A_633 : vector<256x1xi32> to vector<256x640xi32>
    %eq3A_635 = arith.cmpi eq, %iota3A, %eq3A_634 : vector<256x640xi32>
    %jit3A_636 = arith.constant -1 : i32
    %broadcast_in_dim3A_637 = vector.broadcast %jit3A_636 : i32 to vector<256x640xi32>
    %select_n3A_638 = arith.select %eq3A_635, %select_n3A_622, %broadcast_in_dim3A_637 : vector<256x640xi1>, vector<256x640xi32>
    %reduce_max3A_639 = arith.constant dense<-2147483648> : vector<256xi32>
    %reduce_max3A_640 = vector.multi_reduction <maxsi>, %select_n3A_638, %reduce_max3A_639 [1] : vector<256x640xi32> to vector<256xi32>
    %broadcast_in_dim3A_641 = vector.shape_cast %reduce_max3A_640 : vector<256xi32> to vector<256x1xi32>
    %concatenate3A = tpu.concatenate %broadcast_in_dim3A_259, %broadcast_in_dim3A_285, %broadcast_in_dim3A_311, %broadcast_in_dim3A_337, %broadcast_in_dim3A_363, %broadcast_in_dim3A_389, %broadcast_in_dim3A_415, %broadcast_in_dim3A_441, %broadcast_in_dim3A_467, %broadcast_in_dim3A_493, %broadcast_in_dim3A_519, %broadcast_in_dim3A_545, %broadcast_in_dim3A_571, %broadcast_in_dim3A_597, %broadcast_in_dim3A_620, %broadcast_in_dim3A_641 in 1 : vector<256x1xi32>, vector<256x1xi32>, vector<256x1xi32>, vector<256x1xi32>, vector<256x1xi32>, vector<256x1xi32>, vector<256x1xi32>, vector<256x1xi32>, vector<256x1xi32>, vector<256x1xi32>, vector<256x1xi32>, vector<256x1xi32>, vector<256x1xi32>, vector<256x1xi32>, vector<256x1xi32>, vector<256x1xi32> -> vector<256x16xi32>
    %swap3A = arith.constant 0 : index
    %swap3A_642 = arith.constant 0 : index
    %swap3A_643 = vector.load %arg3[%swap3A, %swap3A_642] : memref<256x16xi32, #tpu.memory_space<vmem>>, vector<256x16xi32>
    tpu.vector_store %arg3[%swap3A, %swap3A_642], %concatenate3A {strides = array<i32>} : memref<256x16xi32, #tpu.memory_space<vmem>>, vector<256x16xi32>,
    return
  }
  func.func @transform_0(%arg0: i32) -> (i32, i32) {
    %c0_i32 = arith.constant 0 : i32
    %c0_i32_0 = arith.constant 0 : i32
    return %arg0, %c0_i32 : i32, i32
  }
  func.func @transform_1(%arg0: i32) -> (i32, i32) {
    %c0_i32 = arith.constant 0 : i32
    %c0_i32_0 = arith.constant 0 : i32
    %c0_i32_1 = arith.constant 0 : i32
    return %c0_i32, %c0_i32_0 : i32, i32
  }
  func.func @transform_2(%arg0: i32) -> (i32, i32) {
    %c0_i32 = arith.constant 0 : i32
    %c0_i32_0 = arith.constant 0 : i32
    return %arg0, %c0_i32 : i32, i32
  }
}

module attributes {stable_mosaic.version = 14 : i64} {
  func.func @_k1(%arg0: i32, %arg1: memref<1000x128xf32, #tpu.memory_space<vmem>>, %arg2: memref<128x128xf32, #tpu.memory_space<vmem>>, %arg3: memref<1000x128xf32, #tpu.memory_space<vmem>>, %arg4: memref<8x128xf32, #tpu.memory_space<vmem>>) attributes {dimension_semantics = [#tpu.dimension_semantics<arbitrary>], iteration_bounds = array<i64: 10>, scalar_prefetch = 0 : i64, scratch_operands = 0 : i64, tpu.core_type = #tpu.core_type<tc>, window_params = [{transform_indices = @transform_0, window_bounds = array<i64: 1000, 128>}, {pipeline_mode = #tpu.pipeline_mode<synchronous>, transform_indices = @transform_1, window_bounds = array<i64: 128, 128>}, {transform_indices = @transform_2, window_bounds = array<i64: 1000, 128>}, {pipeline_mode = #tpu.pipeline_mode<synchronous>, transform_indices = @transform_3, window_bounds = array<i64: 8, 128>}]} {
    %get3A = arith.constant 0 : index
    %get3A_0 = arith.constant 0 : index
    %get3A_1 = vector.load %arg1[%get3A, %get3A_0] : memref<1000x128xf32, #tpu.memory_space<vmem>>, vector<1000x128xf32>
    %get3A_2 = arith.constant 0 : index
    %get3A_3 = arith.constant 0 : index
    %get3A_4 = vector.load %arg2[%get3A_2, %get3A_3] : memref<128x128xf32, #tpu.memory_space<vmem>>, vector<128x128xf32>
    %dot_general3A = arith.constant dense<0.000000e+00> : vector<1000x128xf32>
    %dot_general3A_5 = tpu.matmul %get3A_1, %get3A_4, %dot_general3A {dimension_numbers = #tpu.dot_dimension_numbers<[1], [0], [0], [1], [0, 0, 1, 1], [], []>, transpose_lhs_hint = false} : vector<1000x128xf32>, vector<128x128xf32>, vector<1000x128xf32> -> vector<1000x128xf32>
    %swap3A = arith.constant 0 : index
    %swap3A_6 = arith.constant 0 : index
    %swap3A_7 = vector.load %arg3[%swap3A, %swap3A_6] : memref<1000x128xf32, #tpu.memory_space<vmem>>, vector<1000x128xf32>
    tpu.vector_store %arg3[%swap3A, %swap3A_6], %dot_general3A_5 {strides = array<i32>} : memref<1000x128xf32, #tpu.memory_space<vmem>>, vector<1000x128xf32>,
    %eq3A = arith.constant 0 : i32
    %eq3A_8 = arith.cmpi eq, %arg0, %eq3A : i32
    %convert_element_type3A = arith.extui %eq3A_8 : i1 to i32
    %cond3A = arith.constant 0 : i32
    %cond3A_9 = arith.cmpi ne, %convert_element_type3A, %cond3A : i32
    scf.if %cond3A_9 {
      %broadcast_in_dim3A_27 = arith.constant 0.000000e+00 : f32
      %broadcast_in_dim3A_28 = vector.broadcast %broadcast_in_dim3A_27 : f32 to vector<8x128xf32>
      %swap3A_29 = arith.constant 0 : index
      %swap3A_30 = arith.constant 0 : index
      %swap3A_31 = vector.load %arg4[%swap3A_29, %swap3A_30] : memref<8x128xf32, #tpu.memory_space<vmem>>, vector<8x128xf32>
      tpu.vector_store %arg4[%swap3A_29, %swap3A_30], %broadcast_in_dim3A_28 {strides = array<i32>} : memref<8x128xf32, #tpu.memory_space<vmem>>, vector<8x128xf32>,
    } else {
    }
    %get3A_10 = arith.constant 0 : index
    %get3A_11 = arith.constant 0 : index
    %get3A_12 = vector.load %arg4[%get3A_10, %get3A_11] : memref<8x128xf32, #tpu.memory_space<vmem>>, vector<1x128xf32>
    %reduce_sum3A = arith.constant dense<0.000000e+00> : vector<128xf32>
    %reduce_sum3A_13 = vector.multi_reduction <add>, %dot_general3A_5, %reduce_sum3A [0] : vector<1000x128xf32> to vector<128xf32>
    %broadcast_in_dim3A = vector.shape_cast %reduce_sum3A_13 : vector<128xf32> to vector<1x128xf32>
    %add3A = arith.addf %get3A_12, %broadcast_in_dim3A : vector<1x128xf32>
    %swap3A_14 = arith.constant 0 : index
    %swap3A_15 = arith.constant 0 : index
    %swap3A_16 = vector.load %arg4[%swap3A_14, %swap3A_15] : memref<8x128xf32, #tpu.memory_space<vmem>>, vector<1x128xf32>
    tpu.vector_store %arg4[%swap3A_14, %swap3A_15], %add3A {strides = array<i32>} : memref<8x128xf32, #tpu.memory_space<vmem>>, vector<1x128xf32>,
    %get3A_17 = arith.constant 1 : index
    %get3A_18 = arith.constant 0 : index
    %get3A_19 = vector.load %arg4[%get3A_17, %get3A_18] : memref<8x128xf32, #tpu.memory_space<vmem>>, vector<1x128xf32>
    %mul3A = arith.mulf %dot_general3A_5, %dot_general3A_5 : vector<1000x128xf32>
    %reduce_sum3A_20 = arith.constant dense<0.000000e+00> : vector<128xf32>
    %reduce_sum3A_21 = vector.multi_reduction <add>, %mul3A, %reduce_sum3A_20 [0] : vector<1000x128xf32> to vector<128xf32>
    %broadcast_in_dim3A_22 = vector.shape_cast %reduce_sum3A_21 : vector<128xf32> to vector<1x128xf32>
    %add3A_23 = arith.addf %get3A_19, %broadcast_in_dim3A_22 : vector<1x128xf32>
    %swap3A_24 = arith.constant 1 : index
    %swap3A_25 = arith.constant 0 : index
    %swap3A_26 = vector.load %arg4[%swap3A_24, %swap3A_25] : memref<8x128xf32, #tpu.memory_space<vmem>>, vector<1x128xf32>
    tpu.vector_store %arg4[%swap3A_24, %swap3A_25], %add3A_23 {strides = array<i32>} : memref<8x128xf32, #tpu.memory_space<vmem>>, vector<1x128xf32>,
    return
  }
  func.func @transform_0(%arg0: i32) -> (i32, i32) {
    %c0_i32 = arith.constant 0 : i32
    %c0_i32_0 = arith.constant 0 : i32
    return %arg0, %c0_i32 : i32, i32
  }
  func.func @transform_1(%arg0: i32) -> (i32, i32) {
    %c0_i32 = arith.constant 0 : i32
    %c0_i32_0 = arith.constant 0 : i32
    %c0_i32_1 = arith.constant 0 : i32
    return %c0_i32, %c0_i32_0 : i32, i32
  }
  func.func @transform_2(%arg0: i32) -> (i32, i32) {
    %c0_i32 = arith.constant 0 : i32
    %c0_i32_0 = arith.constant 0 : i32
    return %arg0, %c0_i32 : i32, i32
  }
  func.func @transform_3(%arg0: i32) -> (i32, i32) {
    %c0_i32 = arith.constant 0 : i32
    %c0_i32_0 = arith.constant 0 : i32
    %c0_i32_1 = arith.constant 0 : i32
    return %c0_i32, %c0_i32_0 : i32, i32
  }
}

module attributes {stable_mosaic.version = 14 : i64} {
  func.func @_k2(%arg0: i32, %arg1: memref<1000x128xf32, #tpu.memory_space<vmem>>, %arg2: memref<1000x128xf32, #tpu.memory_space<vmem>>, %arg3: memref<128x128xf32, #tpu.memory_space<vmem>>, %arg4: memref<128x128xf32, #tpu.memory_space<vmem>>, %arg5: memref<8x128xf32, #tpu.memory_space<vmem>>, %arg6: memref<1x128xf32, #tpu.memory_space<vmem>>, %arg7: memref<1x128xf32, #tpu.memory_space<vmem>>, %arg8: memref<1000x128xf32, #tpu.memory_space<vmem>>, %arg9: memref<1000x128xf32, #tpu.memory_space<vmem>>) attributes {dimension_semantics = [#tpu.dimension_semantics<arbitrary>], iteration_bounds = array<i64: 10>, scalar_prefetch = 0 : i64, scratch_operands = 0 : i64, tpu.core_type = #tpu.core_type<tc>, window_params = [{transform_indices = @transform_0, window_bounds = array<i64: 1000, 128>}, {transform_indices = @transform_1, window_bounds = array<i64: 1000, 128>}, {pipeline_mode = #tpu.pipeline_mode<synchronous>, transform_indices = @transform_2, window_bounds = array<i64: 128, 128>}, {pipeline_mode = #tpu.pipeline_mode<synchronous>, transform_indices = @transform_3, window_bounds = array<i64: 128, 128>}, {pipeline_mode = #tpu.pipeline_mode<synchronous>, transform_indices = @transform_4, window_bounds = array<i64: 8, 128>}, {pipeline_mode = #tpu.pipeline_mode<synchronous>, transform_indices = @transform_5, window_bounds = array<i64: 1, 128>}, {pipeline_mode = #tpu.pipeline_mode<synchronous>, transform_indices = @transform_6, window_bounds = array<i64: 1, 128>}, {transform_indices = @transform_7, window_bounds = array<i64: 1000, 128>}, {transform_indices = @transform_8, window_bounds = array<i64: 1000, 128>}]} {
    %get3A = arith.constant 0 : index
    %get3A_0 = arith.constant 0 : index
    %get3A_1 = vector.load %arg5[%get3A, %get3A_0] : memref<8x128xf32, #tpu.memory_space<vmem>>, vector<1x128xf32>
    %div3A = arith.constant 1.000000e+04 : f32
    %div3A_2 = vector.broadcast %div3A : f32 to vector<1x128xf32>
    %div3A_3 = arith.divf %get3A_1, %div3A_2 : vector<1x128xf32>
    %get3A_4 = arith.constant 1 : index
    %get3A_5 = arith.constant 0 : index
    %get3A_6 = vector.load %arg5[%get3A_4, %get3A_5] : memref<8x128xf32, #tpu.memory_space<vmem>>, vector<1x128xf32>
    %div3A_7 = arith.constant 1.000000e+04 : f32
    %div3A_8 = vector.broadcast %div3A_7 : f32 to vector<1x128xf32>
    %div3A_9 = arith.divf %get3A_6, %div3A_8 : vector<1x128xf32>
    %mul3A = arith.mulf %div3A_3, %div3A_3 : vector<1x128xf32>
    %sub3A = arith.subf %div3A_9, %mul3A : vector<1x128xf32>
    %add3A = arith.constant 9.99999974E-6 : f32
    %add3A_10 = vector.broadcast %add3A : f32 to vector<1x128xf32>
    %add3A_11 = arith.addf %sub3A, %add3A_10 : vector<1x128xf32>
    %rsqrt3A = math.rsqrt %add3A_11 : vector<1x128xf32>
    %get3A_12 = arith.constant 0 : index
    %get3A_13 = arith.constant 0 : index
    %get3A_14 = vector.load %arg6[%get3A_12, %get3A_13] : memref<1x128xf32, #tpu.memory_space<vmem>>, vector<1x128xf32>
    %mul3A_15 = arith.mulf %rsqrt3A, %get3A_14 : vector<1x128xf32>
    %get3A_16 = arith.constant 0 : index
    %get3A_17 = arith.constant 0 : index
    %get3A_18 = vector.load %arg1[%get3A_16, %get3A_17] : memref<1000x128xf32, #tpu.memory_space<vmem>>, vector<1000x128xf32>
    %sub3A_19 = vector.broadcast %div3A_3 : vector<1x128xf32> to vector<1000x128xf32>
    %sub3A_20 = arith.subf %get3A_18, %sub3A_19 : vector<1000x128xf32>
    %mul3A_21 = vector.broadcast %mul3A_15 : vector<1x128xf32> to vector<1000x128xf32>
    %mul3A_22 = arith.mulf %sub3A_20, %mul3A_21 : vector<1000x128xf32>
    %get3A_23 = arith.constant 0 : index
    %get3A_24 = arith.constant 0 : index
    %get3A_25 = vector.load %arg7[%get3A_23, %get3A_24] : memref<1x128xf32, #tpu.memory_space<vmem>>, vector<1x128xf32>
    %add3A_26 = vector.broadcast %get3A_25 : vector<1x128xf32> to vector<1000x128xf32>
    %add3A_27 = arith.addf %mul3A_22, %add3A_26 : vector<1000x128xf32>
    %max3A = arith.constant 0.000000e+00 : f32
    %max3A_28 = vector.broadcast %max3A : f32 to vector<1000x128xf32>
    %max3A_29 = arith.maximumf %add3A_27, %max3A_28 : vector<1000x128xf32>
    %get3A_30 = arith.constant 0 : index
    %get3A_31 = arith.constant 0 : index
    %get3A_32 = vector.load %arg2[%get3A_30, %get3A_31] : memref<1000x128xf32, #tpu.memory_space<vmem>>, vector<1000x128xf32>
    %get3A_33 = arith.constant 0 : index
    %get3A_34 = arith.constant 0 : index
    %get3A_35 = vector.load %arg4[%get3A_33, %get3A_34] : memref<128x128xf32, #tpu.memory_space<vmem>>, vector<128x128xf32>
    %dot_general3A = arith.constant dense<0.000000e+00> : vector<1000x128xf32>
    %dot_general3A_36 = tpu.matmul %get3A_32, %get3A_35, %dot_general3A {dimension_numbers = #tpu.dot_dimension_numbers<[1], [0], [0], [1], [0, 0, 1, 1], [], []>, transpose_lhs_hint = false} : vector<1000x128xf32>, vector<128x128xf32>, vector<1000x128xf32> -> vector<1000x128xf32>
    %get3A_37 = arith.constant 0 : index
    %get3A_38 = arith.constant 0 : index
    %get3A_39 = vector.load %arg3[%get3A_37, %get3A_38] : memref<128x128xf32, #tpu.memory_space<vmem>>, vector<128x128xf32>
    %dot_general3A_40 = arith.constant dense<0.000000e+00> : vector<1000x128xf32>
    %dot_general3A_41 = tpu.matmul %max3A_29, %get3A_39, %dot_general3A_40 {dimension_numbers = #tpu.dot_dimension_numbers<[1], [0], [0], [1], [0, 0, 1, 1], [], []>, transpose_lhs_hint = false} : vector<1000x128xf32>, vector<128x128xf32>, vector<1000x128xf32> -> vector<1000x128xf32>
    %add3A_42 = arith.addf %dot_general3A_41, %dot_general3A_36 : vector<1000x128xf32>
    %swap3A = arith.constant 0 : index
    %swap3A_43 = arith.constant 0 : index
    %swap3A_44 = vector.load %arg8[%swap3A, %swap3A_43] : memref<1000x128xf32, #tpu.memory_space<vmem>>, vector<1000x128xf32>
    tpu.vector_store %arg8[%swap3A, %swap3A_43], %add3A_42 {strides = array<i32>} : memref<1000x128xf32, #tpu.memory_space<vmem>>, vector<1000x128xf32>,
    %swap3A_45 = arith.constant 0 : index
    %swap3A_46 = arith.constant 0 : index
    %swap3A_47 = vector.load %arg9[%swap3A_45, %swap3A_46] : memref<1000x128xf32, #tpu.memory_space<vmem>>, vector<1000x128xf32>
    tpu.vector_store %arg9[%swap3A_45, %swap3A_46], %dot_general3A_36 {strides = array<i32>} : memref<1000x128xf32, #tpu.memory_space<vmem>>, vector<1000x128xf32>,
    return
  }
  func.func @transform_0(%arg0: i32) -> (i32, i32) {
    %c0_i32 = arith.constant 0 : i32
    %c0_i32_0 = arith.constant 0 : i32
    return %arg0, %c0_i32 : i32, i32
  }
  func.func @transform_1(%arg0: i32) -> (i32, i32) {
    %c0_i32 = arith.constant 0 : i32
    %c0_i32_0 = arith.constant 0 : i32
    return %arg0, %c0_i32 : i32, i32
  }
  func.func @transform_2(%arg0: i32) -> (i32, i32) {
    %c0_i32 = arith.constant 0 : i32
    %c0_i32_0 = arith.constant 0 : i32
    %c0_i32_1 = arith.constant 0 : i32
    return %c0_i32, %c0_i32_0 : i32, i32
  }
  func.func @transform_3(%arg0: i32) -> (i32, i32) {
    %c0_i32 = arith.constant 0 : i32
    %c0_i32_0 = arith.constant 0 : i32
    %c0_i32_1 = arith.constant 0 : i32
    return %c0_i32, %c0_i32_0 : i32, i32
  }
  func.func @transform_4(%arg0: i32) -> (i32, i32) {
    %c0_i32 = arith.constant 0 : i32
    %c0_i32_0 = arith.constant 0 : i32
    %c0_i32_1 = arith.constant 0 : i32
    return %c0_i32, %c0_i32_0 : i32, i32
  }
  func.func @transform_5(%arg0: i32) -> (i32, i32) {
    %c0_i32 = arith.constant 0 : i32
    %c0_i32_0 = arith.constant 0 : i32
    %c0_i32_1 = arith.constant 0 : i32
    return %c0_i32, %c0_i32_0 : i32, i32
  }
  func.func @transform_6(%arg0: i32) -> (i32, i32) {
    %c0_i32 = arith.constant 0 : i32
    %c0_i32_0 = arith.constant 0 : i32
    %c0_i32_1 = arith.constant 0 : i32
    return %c0_i32, %c0_i32_0 : i32, i32
  }
  func.func @transform_7(%arg0: i32) -> (i32, i32) {
    %c0_i32 = arith.constant 0 : i32
    %c0_i32_0 = arith.constant 0 : i32
    return %arg0, %c0_i32 : i32, i32
  }
  func.func @transform_8(%arg0: i32) -> (i32, i32) {
    %c0_i32 = arith.constant 0 : i32
    %c0_i32_0 = arith.constant 0 : i32
    return %arg0, %c0_i32 : i32, i32
  }
}

module attributes {stable_mosaic.version = 14 : i64} {
  func.func @_k5(%arg0: i32, %arg1: memref<1000x128xf32, #tpu.memory_space<vmem>>, %arg2: memref<1000x128xf32, #tpu.memory_space<vmem>>, %arg3: memref<1000x128xf32, #tpu.memory_space<vmem>>, %arg4: memref<8x128xf32, #tpu.memory_space<vmem>>) attributes {dimension_semantics = [#tpu.dimension_semantics<arbitrary>], iteration_bounds = array<i64: 10>, scalar_prefetch = 0 : i64, scratch_operands = 0 : i64, tpu.core_type = #tpu.core_type<tc>, window_params = [{transform_indices = @transform_0, window_bounds = array<i64: 1000, 128>}, {transform_indices = @transform_1, window_bounds = array<i64: 1000, 128>}, {transform_indices = @transform_2, window_bounds = array<i64: 1000, 128>}, {pipeline_mode = #tpu.pipeline_mode<synchronous>, transform_indices = @transform_3, window_bounds = array<i64: 8, 128>}]} {
    %eq3A = arith.constant 0 : i32
    %eq3A_0 = arith.cmpi eq, %arg0, %eq3A : i32
    %convert_element_type3A = arith.extui %eq3A_0 : i1 to i32
    %cond3A = arith.constant 0 : i32
    %cond3A_1 = arith.cmpi ne, %convert_element_type3A, %cond3A : i32
    scf.if %cond3A_1 {
      %broadcast_in_dim3A_57 = arith.constant 0.000000e+00 : f32
      %broadcast_in_dim3A_58 = vector.broadcast %broadcast_in_dim3A_57 : f32 to vector<8x128xf32>
      %swap3A_59 = arith.constant 0 : index
      %swap3A_60 = arith.constant 0 : index
      %swap3A_61 = vector.load %arg4[%swap3A_59, %swap3A_60] : memref<8x128xf32, #tpu.memory_space<vmem>>, vector<8x128xf32>
      tpu.vector_store %arg4[%swap3A_59, %swap3A_60], %broadcast_in_dim3A_58 {strides = array<i32>} : memref<8x128xf32, #tpu.memory_space<vmem>>, vector<8x128xf32>,
    } else {
    }
    %get3A = arith.constant 0 : index
    %get3A_2 = arith.constant 0 : index
    %get3A_3 = vector.load %arg1[%get3A, %get3A_2] : memref<1000x128xf32, #tpu.memory_space<vmem>>, vector<1000x128xf32>
    %get3A_4 = arith.constant 0 : index
    %get3A_5 = arith.constant 0 : index
    %get3A_6 = vector.load %arg3[%get3A_4, %get3A_5] : memref<1000x128xf32, #tpu.memory_space<vmem>>, vector<1000x128xf32>
    %get3A_7 = arith.constant 0 : index
    %get3A_8 = arith.constant 0 : index
    %get3A_9 = vector.load %arg4[%get3A_7, %get3A_8] : memref<8x128xf32, #tpu.memory_space<vmem>>, vector<1x128xf32>
    %reduce_sum3A = arith.constant dense<0.000000e+00> : vector<128xf32>
    %reduce_sum3A_10 = vector.multi_reduction <add>, %get3A_3, %reduce_sum3A [0] : vector<1000x128xf32> to vector<128xf32>
    %broadcast_in_dim3A = vector.shape_cast %reduce_sum3A_10 : vector<128xf32> to vector<1x128xf32>
    %add3A = arith.addf %get3A_9, %broadcast_in_dim3A : vector<1x128xf32>
    %swap3A = arith.constant 0 : index
    %swap3A_11 = arith.constant 0 : index
    %swap3A_12 = vector.load %arg4[%swap3A, %swap3A_11] : memref<8x128xf32, #tpu.memory_space<vmem>>, vector<1x128xf32>
    tpu.vector_store %arg4[%swap3A, %swap3A_11], %add3A {strides = array<i32>} : memref<8x128xf32, #tpu.memory_space<vmem>>, vector<1x128xf32>,
    %get3A_13 = arith.constant 1 : index
    %get3A_14 = arith.constant 0 : index
    %get3A_15 = vector.load %arg4[%get3A_13, %get3A_14] : memref<8x128xf32, #tpu.memory_space<vmem>>, vector<1x128xf32>
    %get3A_16 = arith.constant 0 : index
    %get3A_17 = arith.constant 0 : index
    %get3A_18 = vector.load %arg2[%get3A_16, %get3A_17] : memref<1000x128xf32, #tpu.memory_space<vmem>>, vector<1000x128xf32>
    %reduce_sum3A_19 = arith.constant dense<0.000000e+00> : vector<128xf32>
    %reduce_sum3A_20 = vector.multi_reduction <add>, %get3A_18, %reduce_sum3A_19 [0] : vector<1000x128xf32> to vector<128xf32>
    %broadcast_in_dim3A_21 = vector.shape_cast %reduce_sum3A_20 : vector<128xf32> to vector<1x128xf32>
    %add3A_22 = arith.addf %get3A_15, %broadcast_in_dim3A_21 : vector<1x128xf32>
    %swap3A_23 = arith.constant 1 : index
    %swap3A_24 = arith.constant 0 : index
    %swap3A_25 = vector.load %arg4[%swap3A_23, %swap3A_24] : memref<8x128xf32, #tpu.memory_space<vmem>>, vector<1x128xf32>
    tpu.vector_store %arg4[%swap3A_23, %swap3A_24], %add3A_22 {strides = array<i32>} : memref<8x128xf32, #tpu.memory_space<vmem>>, vector<1x128xf32>,
    %get3A_26 = arith.constant 2 : index
    %get3A_27 = arith.constant 0 : index
    %get3A_28 = vector.load %arg4[%get3A_26, %get3A_27] : memref<8x128xf32, #tpu.memory_space<vmem>>, vector<1x128xf32>
    %reduce_sum3A_29 = arith.constant dense<0.000000e+00> : vector<128xf32>
    %reduce_sum3A_30 = vector.multi_reduction <add>, %get3A_6, %reduce_sum3A_29 [0] : vector<1000x128xf32> to vector<128xf32>
    %broadcast_in_dim3A_31 = vector.shape_cast %reduce_sum3A_30 : vector<128xf32> to vector<1x128xf32>
    %add3A_32 = arith.addf %get3A_28, %broadcast_in_dim3A_31 : vector<1x128xf32>
    %swap3A_33 = arith.constant 2 : index
    %swap3A_34 = arith.constant 0 : index
    %swap3A_35 = vector.load %arg4[%swap3A_33, %swap3A_34] : memref<8x128xf32, #tpu.memory_space<vmem>>, vector<1x128xf32>
    tpu.vector_store %arg4[%swap3A_33, %swap3A_34], %add3A_32 {strides = array<i32>} : memref<8x128xf32, #tpu.memory_space<vmem>>, vector<1x128xf32>,
    %get3A_36 = arith.constant 3 : index
    %get3A_37 = arith.constant 0 : index
    %get3A_38 = vector.load %arg4[%get3A_36, %get3A_37] : memref<8x128xf32, #tpu.memory_space<vmem>>, vector<1x128xf32>
    %mul3A = arith.mulf %get3A_6, %get3A_6 : vector<1000x128xf32>
    %reduce_sum3A_39 = arith.constant dense<0.000000e+00> : vector<128xf32>
    %reduce_sum3A_40 = vector.multi_reduction <add>, %mul3A, %reduce_sum3A_39 [0] : vector<1000x128xf32> to vector<128xf32>
    %broadcast_in_dim3A_41 = vector.shape_cast %reduce_sum3A_40 : vector<128xf32> to vector<1x128xf32>
    %add3A_42 = arith.addf %get3A_38, %broadcast_in_dim3A_41 : vector<1x128xf32>
    %swap3A_43 = arith.constant 3 : index
    %swap3A_44 = arith.constant 0 : index
    %swap3A_45 = vector.load %arg4[%swap3A_43, %swap3A_44] : memref<8x128xf32, #tpu.memory_space<vmem>>, vector<1x128xf32>
    tpu.vector_store %arg4[%swap3A_43, %swap3A_44], %add3A_42 {strides = array<i32>} : memref<8x128xf32, #tpu.memory_space<vmem>>, vector<1x128xf32>,
    %get3A_46 = arith.constant 4 : index
    %get3A_47 = arith.constant 0 : index
    %get3A_48 = vector.load %arg4[%get3A_46, %get3A_47] : memref<8x128xf32, #tpu.memory_space<vmem>>, vector<1x128xf32>
    %mul3A_49 = arith.mulf %get3A_6, %get3A_3 : vector<1000x128xf32>
    %reduce_sum3A_50 = arith.constant dense<0.000000e+00> : vector<128xf32>
    %reduce_sum3A_51 = vector.multi_reduction <add>, %mul3A_49, %reduce_sum3A_50 [0] : vector<1000x128xf32> to vector<128xf32>
    %broadcast_in_dim3A_52 = vector.shape_cast %reduce_sum3A_51 : vector<128xf32> to vector<1x128xf32>
    %add3A_53 = arith.addf %get3A_48, %broadcast_in_dim3A_52 : vector<1x128xf32>
    %swap3A_54 = arith.constant 4 : index
    %swap3A_55 = arith.constant 0 : index
    %swap3A_56 = vector.load %arg4[%swap3A_54, %swap3A_55] : memref<8x128xf32, #tpu.memory_space<vmem>>, vector<1x128xf32>
    tpu.vector_store %arg4[%swap3A_54, %swap3A_55], %add3A_53 {strides = array<i32>} : memref<8x128xf32, #tpu.memory_space<vmem>>, vector<1x128xf32>,
    return
  }
  func.func @transform_0(%arg0: i32) -> (i32, i32) {
    %c0_i32 = arith.constant 0 : i32
    %c0_i32_0 = arith.constant 0 : i32
    return %arg0, %c0_i32 : i32, i32
  }
  func.func @transform_1(%arg0: i32) -> (i32, i32) {
    %c0_i32 = arith.constant 0 : i32
    %c0_i32_0 = arith.constant 0 : i32
    return %arg0, %c0_i32 : i32, i32
  }
  func.func @transform_2(%arg0: i32) -> (i32, i32) {
    %c0_i32 = arith.constant 0 : i32
    %c0_i32_0 = arith.constant 0 : i32
    return %arg0, %c0_i32 : i32, i32
  }
  func.func @transform_3(%arg0: i32) -> (i32, i32) {
    %c0_i32 = arith.constant 0 : i32
    %c0_i32_0 = arith.constant 0 : i32
    %c0_i32_1 = arith.constant 0 : i32
    return %c0_i32, %c0_i32_0 : i32, i32
  }
}

module attributes {stable_mosaic.version = 14 : i64} {
  func.func @_k6(%arg0: i32, %arg1: memref<1000x128xf32, #tpu.memory_space<vmem>>, %arg2: memref<1000x128xf32, #tpu.memory_space<vmem>>, %arg3: memref<1000x128xf32, #tpu.memory_space<vmem>>, %arg4: memref<128x128xf32, #tpu.memory_space<vmem>>, %arg5: memref<8x128xf32, #tpu.memory_space<vmem>>, %arg6: memref<1x128xf32, #tpu.memory_space<vmem>>, %arg7: memref<1x128xf32, #tpu.memory_space<vmem>>, %arg8: memref<1000x128xf32, #tpu.memory_space<vmem>>, %arg9: memref<8x128xf32, #tpu.memory_space<vmem>>) attributes {dimension_semantics = [#tpu.dimension_semantics<arbitrary>], iteration_bounds = array<i64: 10>, scalar_prefetch = 0 : i64, scratch_operands = 0 : i64, tpu.core_type = #tpu.core_type<tc>, window_params = [{transform_indices = @transform_0, window_bounds = array<i64: 1000, 128>}, {transform_indices = @transform_1, window_bounds = array<i64: 1000, 128>}, {transform_indices = @transform_2, window_bounds = array<i64: 1000, 128>}, {pipeline_mode = #tpu.pipeline_mode<synchronous>, transform_indices = @transform_3, window_bounds = array<i64: 128, 128>}, {pipeline_mode = #tpu.pipeline_mode<synchronous>, transform_indices = @transform_4, window_bounds = array<i64: 8, 128>}, {pipeline_mode = #tpu.pipeline_mode<synchronous>, transform_indices = @transform_5, window_bounds = array<i64: 1, 128>}, {pipeline_mode = #tpu.pipeline_mode<synchronous>, transform_indices = @transform_6, window_bounds = array<i64: 1, 128>}, {transform_indices = @transform_7, window_bounds = array<i64: 1000, 128>}, {pipeline_mode = #tpu.pipeline_mode<synchronous>, transform_indices = @transform_8, window_bounds = array<i64: 8, 128>}]} {
    %get3A = arith.constant 0 : index
    %get3A_0 = arith.constant 0 : index
    %get3A_1 = vector.load %arg5[%get3A, %get3A_0] : memref<8x128xf32, #tpu.memory_space<vmem>>, vector<1x128xf32>
    %get3A_2 = arith.constant 1 : index
    %get3A_3 = arith.constant 0 : index
    %get3A_4 = vector.load %arg5[%get3A_2, %get3A_3] : memref<8x128xf32, #tpu.memory_space<vmem>>, vector<1x128xf32>
    %get3A_5 = arith.constant 2 : index
    %get3A_6 = arith.constant 0 : index
    %get3A_7 = vector.load %arg5[%get3A_5, %get3A_6] : memref<8x128xf32, #tpu.memory_space<vmem>>, vector<1x128xf32>
    %get3A_8 = arith.constant 3 : index
    %get3A_9 = arith.constant 0 : index
    %get3A_10 = vector.load %arg5[%get3A_8, %get3A_9] : memref<8x128xf32, #tpu.memory_space<vmem>>, vector<1x128xf32>
    %get3A_11 = arith.constant 4 : index
    %get3A_12 = arith.constant 0 : index
    %get3A_13 = vector.load %arg5[%get3A_11, %get3A_12] : memref<8x128xf32, #tpu.memory_space<vmem>>, vector<1x128xf32>
    %mul3A = arith.constant 1.600000e+01 : f32
    %mul3A_14 = vector.broadcast %mul3A : f32 to vector<1x128xf32>
    %mul3A_15 = arith.mulf %mul3A_14, %get3A_7 : vector<1x128xf32>
    %sub3A = arith.subf %get3A_1, %mul3A_15 : vector<1x128xf32>
    %div3A = arith.constant 1.600000e+05 : f32
    %div3A_16 = vector.broadcast %div3A : f32 to vector<1x128xf32>
    %div3A_17 = arith.divf %sub3A, %div3A_16 : vector<1x128xf32>
    %mul3A_18 = arith.constant 2.000000e+00 : f32
    %mul3A_19 = vector.broadcast %mul3A_18 : f32 to vector<1x128xf32>
    %mul3A_20 = arith.mulf %mul3A_19, %get3A_13 : vector<1x128xf32>
    %sub3A_21 = arith.subf %get3A_4, %mul3A_20 : vector<1x128xf32>
    %mul3A_22 = arith.constant 1.600000e+01 : f32
    %mul3A_23 = vector.broadcast %mul3A_22 : f32 to vector<1x128xf32>
    %mul3A_24 = arith.mulf %mul3A_23, %get3A_10 : vector<1x128xf32>
    %add3A = arith.addf %sub3A_21, %mul3A_24 : vector<1x128xf32>
    %div3A_25 = arith.constant 1.600000e+05 : f32
    %div3A_26 = vector.broadcast %div3A_25 : f32 to vector<1x128xf32>
    %div3A_27 = arith.divf %add3A, %div3A_26 : vector<1x128xf32>
    %mul3A_28 = arith.mulf %div3A_17, %div3A_17 : vector<1x128xf32>
    %sub3A_29 = arith.subf %div3A_27, %mul3A_28 : vector<1x128xf32>
    %add3A_30 = arith.constant 9.99999974E-6 : f32
    %add3A_31 = vector.broadcast %add3A_30 : f32 to vector<1x128xf32>
    %add3A_32 = arith.addf %sub3A_29, %add3A_31 : vector<1x128xf32>
    %rsqrt3A = math.rsqrt %add3A_32 : vector<1x128xf32>
    %get3A_33 = arith.constant 0 : index
    %get3A_34 = arith.constant 0 : index
    %get3A_35 = vector.load %arg6[%get3A_33, %get3A_34] : memref<1x128xf32, #tpu.memory_space<vmem>>, vector<1x128xf32>
    %mul3A_36 = arith.mulf %rsqrt3A, %get3A_35 : vector<1x128xf32>
    %get3A_37 = arith.constant 0 : index
    %get3A_38 = arith.constant 0 : index
    %get3A_39 = vector.load %arg3[%get3A_37, %get3A_38] : memref<1000x128xf32, #tpu.memory_space<vmem>>, vector<1000x128xf32>
    %get3A_40 = arith.constant 0 : index
    %get3A_41 = arith.constant 0 : index
    %get3A_42 = vector.load %arg1[%get3A_40, %get3A_41] : memref<1000x128xf32, #tpu.memory_space<vmem>>, vector<1000x128xf32>
    %sub3A_43 = arith.subf %get3A_42, %get3A_39 : vector<1000x128xf32>
    %sub3A_44 = vector.broadcast %div3A_17 : vector<1x128xf32> to vector<1000x128xf32>
    %sub3A_45 = arith.subf %sub3A_43, %sub3A_44 : vector<1000x128xf32>
    %mul3A_46 = vector.broadcast %mul3A_36 : vector<1x128xf32> to vector<1000x128xf32>
    %mul3A_47 = arith.mulf %mul3A_46, %sub3A_45 : vector<1000x128xf32>
    %get3A_48 = arith.constant 0 : index
    %get3A_49 = arith.constant 0 : index
    %get3A_50 = vector.load %arg2[%get3A_48, %get3A_49] : memref<1000x128xf32, #tpu.memory_space<vmem>>, vector<1000x128xf32>
    %sub3A_51 = arith.subf %get3A_50, %get3A_39 : vector<1000x128xf32>
    %sub3A_52 = vector.broadcast %div3A_17 : vector<1x128xf32> to vector<1000x128xf32>
    %sub3A_53 = arith.subf %sub3A_51, %sub3A_52 : vector<1000x128xf32>
    %mul3A_54 = vector.broadcast %mul3A_36 : vector<1x128xf32> to vector<1000x128xf32>
    %mul3A_55 = arith.mulf %mul3A_54, %sub3A_53 : vector<1000x128xf32>
    %max3A = arith.maximumf %mul3A_47, %mul3A_55 : vector<1000x128xf32>
    %get3A_56 = arith.constant 0 : index
    %get3A_57 = arith.constant 0 : index
    %get3A_58 = vector.load %arg7[%get3A_56, %get3A_57] : memref<1x128xf32, #tpu.memory_space<vmem>>, vector<1x128xf32>
    %add3A_59 = vector.broadcast %get3A_58 : vector<1x128xf32> to vector<1000x128xf32>
    %add3A_60 = arith.addf %max3A, %add3A_59 : vector<1000x128xf32>
    %max3A_61 = arith.constant 0.000000e+00 : f32
    %max3A_62 = vector.broadcast %max3A_61 : f32 to vector<1000x128xf32>
    %max3A_63 = arith.maximumf %add3A_60, %max3A_62 : vector<1000x128xf32>
    %get3A_64 = arith.constant 0 : index
    %get3A_65 = arith.constant 0 : index
    %get3A_66 = vector.load %arg4[%get3A_64, %get3A_65] : memref<128x128xf32, #tpu.memory_space<vmem>>, vector<128x128xf32>
    %dot_general3A = arith.constant dense<0.000000e+00> : vector<1000x128xf32>
    %dot_general3A_67 = tpu.matmul %max3A_63, %get3A_66, %dot_general3A {dimension_numbers = #tpu.dot_dimension_numbers<[1], [0], [0], [1], [0, 0, 1, 1], [], []>, transpose_lhs_hint = false} : vector<1000x128xf32>, vector<128x128xf32>, vector<1000x128xf32> -> vector<1000x128xf32>
    %swap3A = arith.constant 0 : index
    %swap3A_68 = arith.constant 0 : index
    %swap3A_69 = vector.load %arg8[%swap3A, %swap3A_68] : memref<1000x128xf32, #tpu.memory_space<vmem>>, vector<1000x128xf32>
    tpu.vector_store %arg8[%swap3A, %swap3A_68], %dot_general3A_67 {strides = array<i32>} : memref<1000x128xf32, #tpu.memory_space<vmem>>, vector<1000x128xf32>,
    %eq3A = arith.constant 0 : i32
    %eq3A_70 = arith.cmpi eq, %arg0, %eq3A : i32
    %convert_element_type3A = arith.extui %eq3A_70 : i1 to i32
    %cond3A = arith.constant 0 : i32
    %cond3A_71 = arith.cmpi ne, %convert_element_type3A, %cond3A : i32
    scf.if %cond3A_71 {
      %broadcast_in_dim3A_91 = arith.constant 0.000000e+00 : f32
      %broadcast_in_dim3A_92 = vector.broadcast %broadcast_in_dim3A_91 : f32 to vector<8x128xf32>
      %swap3A_93 = arith.constant 0 : index
      %swap3A_94 = arith.constant 0 : index
      %swap3A_95 = vector.load %arg9[%swap3A_93, %swap3A_94] : memref<8x128xf32, #tpu.memory_space<vmem>>, vector<8x128xf32>
      tpu.vector_store %arg9[%swap3A_93, %swap3A_94], %broadcast_in_dim3A_92 {strides = array<i32>} : memref<8x128xf32, #tpu.memory_space<vmem>>, vector<8x128xf32>,
    } else {
    }
    %get3A_72 = arith.constant 0 : index
    %get3A_73 = arith.constant 0 : index
    %get3A_74 = vector.load %arg9[%get3A_72, %get3A_73] : memref<8x128xf32, #tpu.memory_space<vmem>>, vector<1x128xf32>
    %reduce_sum3A = arith.constant dense<0.000000e+00> : vector<128xf32>
    %reduce_sum3A_75 = vector.multi_reduction <add>, %dot_general3A_67, %reduce_sum3A [0] : vector<1000x128xf32> to vector<128xf32>
    %broadcast_in_dim3A = vector.shape_cast %reduce_sum3A_75 : vector<128xf32> to vector<1x128xf32>
    %add3A_76 = arith.addf %get3A_74, %broadcast_in_dim3A : vector<1x128xf32>
    %swap3A_77 = arith.constant 0 : index
    %swap3A_78 = arith.constant 0 : index
    %swap3A_79 = vector.load %arg9[%swap3A_77, %swap3A_78] : memref<8x128xf32, #tpu.memory_space<vmem>>, vector<1x128xf32>
    tpu.vector_store %arg9[%swap3A_77, %swap3A_78], %add3A_76 {strides = array<i32>} : memref<8x128xf32, #tpu.memory_space<vmem>>, vector<1x128xf32>,
    %get3A_80 = arith.constant 1 : index
    %get3A_81 = arith.constant 0 : index
    %get3A_82 = vector.load %arg9[%get3A_80, %get3A_81] : memref<8x128xf32, #tpu.memory_space<vmem>>, vector<1x128xf32>
    %mul3A_83 = arith.mulf %dot_general3A_67, %dot_general3A_67 : vector<1000x128xf32>
    %reduce_sum3A_84 = arith.constant dense<0.000000e+00> : vector<128xf32>
    %reduce_sum3A_85 = vector.multi_reduction <add>, %mul3A_83, %reduce_sum3A_84 [0] : vector<1000x128xf32> to vector<128xf32>
    %broadcast_in_dim3A_86 = vector.shape_cast %reduce_sum3A_85 : vector<128xf32> to vector<1x128xf32>
    %add3A_87 = arith.addf %get3A_82, %broadcast_in_dim3A_86 : vector<1x128xf32>
    %swap3A_88 = arith.constant 1 : index
    %swap3A_89 = arith.constant 0 : index
    %swap3A_90 = vector.load %arg9[%swap3A_88, %swap3A_89] : memref<8x128xf32, #tpu.memory_space<vmem>>, vector<1x128xf32>
    tpu.vector_store %arg9[%swap3A_88, %swap3A_89], %add3A_87 {strides = array<i32>} : memref<8x128xf32, #tpu.memory_space<vmem>>, vector<1x128xf32>,
    return
  }
  func.func @transform_0(%arg0: i32) -> (i32, i32) {
    %c0_i32 = arith.constant 0 : i32
    %c0_i32_0 = arith.constant 0 : i32
    return %arg0, %c0_i32 : i32, i32
  }
  func.func @transform_1(%arg0: i32) -> (i32, i32) {
    %c0_i32 = arith.constant 0 : i32
    %c0_i32_0 = arith.constant 0 : i32
    return %arg0, %c0_i32 : i32, i32
  }
  func.func @transform_2(%arg0: i32) -> (i32, i32) {
    %c0_i32 = arith.constant 0 : i32
    %c0_i32_0 = arith.constant 0 : i32
    return %arg0, %c0_i32 : i32, i32
  }
  func.func @transform_3(%arg0: i32) -> (i32, i32) {
    %c0_i32 = arith.constant 0 : i32
    %c0_i32_0 = arith.constant 0 : i32
    %c0_i32_1 = arith.constant 0 : i32
    return %c0_i32, %c0_i32_0 : i32, i32
  }
  func.func @transform_4(%arg0: i32) -> (i32, i32) {
    %c0_i32 = arith.constant 0 : i32
    %c0_i32_0 = arith.constant 0 : i32
    %c0_i32_1 = arith.constant 0 : i32
    return %c0_i32, %c0_i32_0 : i32, i32
  }
  func.func @transform_5(%arg0: i32) -> (i32, i32) {
    %c0_i32 = arith.constant 0 : i32
    %c0_i32_0 = arith.constant 0 : i32
    %c0_i32_1 = arith.constant 0 : i32
    return %c0_i32, %c0_i32_0 : i32, i32
  }
  func.func @transform_6(%arg0: i32) -> (i32, i32) {
    %c0_i32 = arith.constant 0 : i32
    %c0_i32_0 = arith.constant 0 : i32
    %c0_i32_1 = arith.constant 0 : i32
    return %c0_i32, %c0_i32_0 : i32, i32
  }
  func.func @transform_7(%arg0: i32) -> (i32, i32) {
    %c0_i32 = arith.constant 0 : i32
    %c0_i32_0 = arith.constant 0 : i32
    return %arg0, %c0_i32 : i32, i32
  }
  func.func @transform_8(%arg0: i32) -> (i32, i32) {
    %c0_i32 = arith.constant 0 : i32
    %c0_i32_0 = arith.constant 0 : i32
    %c0_i32_1 = arith.constant 0 : i32
    return %c0_i32, %c0_i32_0 : i32, i32
  }
}

module attributes {stable_mosaic.version = 14 : i64} {
  func.func @_k7(%arg0: i32, %arg1: memref<1000x128xf32, #tpu.memory_space<vmem>>, %arg2: memref<1000x128xf32, #tpu.memory_space<vmem>>, %arg3: memref<8x128xf32, #tpu.memory_space<vmem>>, %arg4: memref<1x128xf32, #tpu.memory_space<vmem>>, %arg5: memref<1x128xf32, #tpu.memory_space<vmem>>, %arg6: memref<1000x128xf32, #tpu.memory_space<vmem>>) attributes {dimension_semantics = [#tpu.dimension_semantics<arbitrary>], iteration_bounds = array<i64: 10>, scalar_prefetch = 0 : i64, scratch_operands = 0 : i64, tpu.core_type = #tpu.core_type<tc>, window_params = [{transform_indices = @transform_0, window_bounds = array<i64: 1000, 128>}, {transform_indices = @transform_1, window_bounds = array<i64: 1000, 128>}, {pipeline_mode = #tpu.pipeline_mode<synchronous>, transform_indices = @transform_2, window_bounds = array<i64: 8, 128>}, {pipeline_mode = #tpu.pipeline_mode<synchronous>, transform_indices = @transform_3, window_bounds = array<i64: 1, 128>}, {pipeline_mode = #tpu.pipeline_mode<synchronous>, transform_indices = @transform_4, window_bounds = array<i64: 1, 128>}, {transform_indices = @transform_5, window_bounds = array<i64: 1000, 128>}]} {
    %get3A = arith.constant 0 : index
    %get3A_0 = arith.constant 0 : index
    %get3A_1 = vector.load %arg3[%get3A, %get3A_0] : memref<8x128xf32, #tpu.memory_space<vmem>>, vector<1x128xf32>
    %div3A = arith.constant 1.000000e+04 : f32
    %div3A_2 = vector.broadcast %div3A : f32 to vector<1x128xf32>
    %div3A_3 = arith.divf %get3A_1, %div3A_2 : vector<1x128xf32>
    %get3A_4 = arith.constant 1 : index
    %get3A_5 = arith.constant 0 : index
    %get3A_6 = vector.load %arg3[%get3A_4, %get3A_5] : memref<8x128xf32, #tpu.memory_space<vmem>>, vector<1x128xf32>
    %div3A_7 = arith.constant 1.000000e+04 : f32
    %div3A_8 = vector.broadcast %div3A_7 : f32 to vector<1x128xf32>
    %div3A_9 = arith.divf %get3A_6, %div3A_8 : vector<1x128xf32>
    %mul3A = arith.mulf %div3A_3, %div3A_3 : vector<1x128xf32>
    %sub3A = arith.subf %div3A_9, %mul3A : vector<1x128xf32>
    %add3A = arith.constant 9.99999974E-6 : f32
    %add3A_10 = vector.broadcast %add3A : f32 to vector<1x128xf32>
    %add3A_11 = arith.addf %sub3A, %add3A_10 : vector<1x128xf32>
    %rsqrt3A = math.rsqrt %add3A_11 : vector<1x128xf32>
    %get3A_12 = arith.constant 0 : index
    %get3A_13 = arith.constant 0 : index
    %get3A_14 = vector.load %arg4[%get3A_12, %get3A_13] : memref<1x128xf32, #tpu.memory_space<vmem>>, vector<1x128xf32>
    %mul3A_15 = arith.mulf %rsqrt3A, %get3A_14 : vector<1x128xf32>
    %get3A_16 = arith.constant 0 : index
    %get3A_17 = arith.constant 0 : index
    %get3A_18 = vector.load %arg1[%get3A_16, %get3A_17] : memref<1000x128xf32, #tpu.memory_space<vmem>>, vector<1000x128xf32>
    %sub3A_19 = vector.broadcast %div3A_3 : vector<1x128xf32> to vector<1000x128xf32>
    %sub3A_20 = arith.subf %get3A_18, %sub3A_19 : vector<1000x128xf32>
    %mul3A_21 = vector.broadcast %mul3A_15 : vector<1x128xf32> to vector<1000x128xf32>
    %mul3A_22 = arith.mulf %sub3A_20, %mul3A_21 : vector<1000x128xf32>
    %get3A_23 = arith.constant 0 : index
    %get3A_24 = arith.constant 0 : index
    %get3A_25 = vector.load %arg5[%get3A_23, %get3A_24] : memref<1x128xf32, #tpu.memory_space<vmem>>, vector<1x128xf32>
    %add3A_26 = vector.broadcast %get3A_25 : vector<1x128xf32> to vector<1000x128xf32>
    %add3A_27 = arith.addf %mul3A_22, %add3A_26 : vector<1000x128xf32>
    %get3A_28 = arith.constant 0 : index
    %get3A_29 = arith.constant 0 : index
    %get3A_30 = vector.load %arg2[%get3A_28, %get3A_29] : memref<1000x128xf32, #tpu.memory_space<vmem>>, vector<1000x128xf32>
    %add3A_31 = arith.addf %add3A_27, %get3A_30 : vector<1000x128xf32>
    %max3A = arith.constant 0.000000e+00 : f32
    %max3A_32 = vector.broadcast %max3A : f32 to vector<1000x128xf32>
    %max3A_33 = arith.maximumf %add3A_31, %max3A_32 : vector<1000x128xf32>
    %swap3A = arith.constant 0 : index
    %swap3A_34 = arith.constant 0 : index
    %swap3A_35 = vector.load %arg6[%swap3A, %swap3A_34] : memref<1000x128xf32, #tpu.memory_space<vmem>>, vector<1000x128xf32>
    tpu.vector_store %arg6[%swap3A, %swap3A_34], %max3A_33 {strides = array<i32>} : memref<1000x128xf32, #tpu.memory_space<vmem>>, vector<1000x128xf32>,
    return
  }
  func.func @transform_0(%arg0: i32) -> (i32, i32) {
    %c0_i32 = arith.constant 0 : i32
    %c0_i32_0 = arith.constant 0 : i32
    return %arg0, %c0_i32 : i32, i32
  }
  func.func @transform_1(%arg0: i32) -> (i32, i32) {
    %c0_i32 = arith.constant 0 : i32
    %c0_i32_0 = arith.constant 0 : i32
    return %arg0, %c0_i32 : i32, i32
  }
  func.func @transform_2(%arg0: i32) -> (i32, i32) {
    %c0_i32 = arith.constant 0 : i32
    %c0_i32_0 = arith.constant 0 : i32
    %c0_i32_1 = arith.constant 0 : i32
    return %c0_i32, %c0_i32_0 : i32, i32
  }
  func.func @transform_3(%arg0: i32) -> (i32, i32) {
    %c0_i32 = arith.constant 0 : i32
    %c0_i32_0 = arith.constant 0 : i32
    %c0_i32_1 = arith.constant 0 : i32
    return %c0_i32, %c0_i32_0 : i32, i32
  }
  func.func @transform_4(%arg0: i32) -> (i32, i32) {
    %c0_i32 = arith.constant 0 : i32
    %c0_i32_0 = arith.constant 0 : i32
    %c0_i32_1 = arith.constant 0 : i32
    return %c0_i32, %c0_i32_0 : i32, i32
  }
  func.func @transform_5(%arg0: i32) -> (i32, i32) {
    %c0_i32 = arith.constant 0 : i32
    %c0_i32_0 = arith.constant 0 : i32
    return %arg0, %c0_i32 : i32, i32
  }
}

</mosaic_0001>

<sc_bundles>
// kernel: kernel.9.cloned.1.call-start
scs
__scs_entry_jumppad:
0x0: {  	(pc) =	sbr.rel $0x88, $3  }
0x1: {  	(tag) =	ssettag $0x0;
	lr =	simm.s32 $0x1  }
0x2: {  	[smem:$0x3F95] =	sst lr;
	_ =	strace $0xD0000000  }
0x3: {  	_ = 	snop  }
0x4: {  	_ = 	snop  }
0x5: {  	_ = 	snop  }
0x6: {  	_ = 	snop  }
0x7: {  	_ = 	snop  }
__scs_overlays_trampoline_lowered:
0x8: {  	[smem:$0x3FA4] =	sst s0  }
0x9: {  	[smem:$0x3FA5] =	sst s1  }
0xa: {  	[smem:$0x3FA6] =	sst s2  }
0xb: {  	[smem:$0x3FA7] =	sst s3  }
0xc: {  	[smem:$0x3FA8] =	sst s4  }
0xd: {  	[smem:$0x3FA9] =	sst s5  }
0xe: {  	[smem:$0x3FAA] =	sst s6  }
0xf: {  	[smem:$0x3FAB] =	sst s7  }
0x10: {  	[smem:$0x3FAC] =	sst s8  }
0x11: {  	[smem:$0x3FAD] =	sst s9;
	s0 =	simm.s32 @!p0 $0x0  }
0x12: {  	s1 =	sld [smem:$0x3F93];
	s0 =	simm.s32 @p0 $0x1  }
0x13: {  	[smem:$0x3FAE] =	sst s0;
	s0 =	simm.s32 @!p1 $0x0  }
0x14: {  	s2 =	sld [smem:$0x3F92];
	s0 =	simm.s32 @p1 $0x1  }
0x15: {  	[smem:$0x3FAF] =	sst s0;
	s0 =	simm.s32 @!p2 $0x0  }
0x16: {  	s3 =	sld [smem:$0x3FDB];
	s0 =	simm.s32 @p2 $0x1  }
0x17: {  	s4 =	simm.s32 $0x1BF5;
	[smem:$0x3FB1] =	sst s0  }
0x18: {  	s0 =	sld [smem:$0x3F94];
	_ =	swait.ge [sflag:s4], $0x0  }
0x19: {  	s7 =	sld [smem:$0x3F95]  }
0x1a: {  	s8 =	sadd.s32 $0xFFFFE003, lr  }
0x1b: {  	s9 =	sadd.s32 $0xFFFFFEF7, lr;
	s5 =	simm.s32 $0xFFFFFFFF;
	p2 =	slt.u32 s8, $0xFFFFF086  }
0x1c: {  	p1 =	slt.u32 s9, $0xF7A;
	s5 =	simm.s32 @!p2 $0x0  }
0x1d: {  	s5 =	simm.s32 @p1 $0x1;
	p0 =	seq.s32 s7, s2  }
0x1e: {  	s7 =	smul.u32 @!p0 $0xF7A, s2;
	p2 =	seq.s32 @!p0 s5, $0x0  }
0x1f: {  	s9 =	smul.u32 $0xF7A, s1;
	s8 =	simm.s32 @!p0 $0x1BF5;
	p2 =	por !p2, p0  }
0x20: {  	[sflag:s8] =	ssyncset.s32 @!p0 $0xFFFFF086;
	s6 =	sadd.s32 @!p0 s3, s7;
	s7 =	simm.s32 @!p0 $0x108  }
0x21: {  	s3 =	sadd.s32 s3, s9;
	s6 =	sadd.s32 @!p0 $0x88, s6;
	s7 =	simm.s32 @p2 $0x1082  }
0x22: {  	[simem:s7], [sflag:s8] =	dma.local @!p0 [hbm:s6], $0xF7A  }
0x23: {  	s9 =	sor.u32 $0xD0000000, s2;
	s6 =	simm.s32 $0x108;
	_ =	swait.ge @!p0 [sflag:s8], $0x0  }
0x24: {  	s3 =	sadd.s32 $0x88, s3;
	s6 =	simm.s32 @!p1 $0x1082;
	[sflag:s4] =	ssyncset.s32 $0xFFFFF086  }
0x25: {  	[simem:s6], [sflag:s4] =	dma.local [hbm:s3], $0xF7A  }
0x26: {  	[smem:$0x3F95] =	sst s1;
	(tag) =	ssettag s2;
	_ =	strace s9  }
0x27: {  	s1 =	sld [smem:$0x3FA5]  }
0x28: {  	s2 =	sld [smem:$0x3FA6]  }
0x29: {  	s4 =	sld [smem:$0x3FA8]  }
0x2a: {  	p0 =	seq.s32 s5, $0x0;
	s5 =	sld [smem:$0x3FA9]  }
0x2b: {  	s6 =	sld [smem:$0x3FAA]  }
0x2c: {  	s7 =	sld [smem:$0x3FAB]  }
0x2d: {  	s3 =	simm.s32 $0x108;
	s8 =	sld [smem:$0x3FAC]  }
0x2e: {  	s3 =	simm.s32 @!p0 $0x1082;
	s9 =	sld [smem:$0x3FAD]  }
0x2f: {  	lr =	sadd.s32 s0, s3;
	s0 =	sld [smem:$0x3FA4]  }
0x30: {  	s3 =	sld [smem:$0x3FA7]  }
0x31: {  	[smem:$0x3FB0] =	sst s10  }
0x32: {  	s10 =	sld [smem:$0x3FAE];
	_ =	sdelay $0x3  }
0x33: {  	p0 =	seq.s32 s10, $0x1;
	s10 =	sld [smem:$0x3FB0];
	_ =	sdelay $0x3  }
0x34: {  	[smem:$0x3FB0] =	sst s10  }
0x35: {  	s10 =	sld [smem:$0x3FAF];
	_ =	sdelay $0x3  }
0x36: {  	p1 =	seq.s32 s10, $0x1;
	s10 =	sld [smem:$0x3FB0];
	_ =	sdelay $0x3  }
0x37: {  	[smem:$0x3FB0] =	sst s10  }
0x38: {  	s10 =	sld [smem:$0x3FB1]  }
0x39: {  	_ = 	snop;
	(pc) =	sbr.ind lr, $3  }
0x3a: {  	_ = 	snop  }
0x3b: {  	_ = 	snop  }
0x3c: {  	p2 =	seq.s32 s10, $0x1;
	s10 =	sld [smem:$0x3FB0]  }
0x3d: {  	_ =	shalt  }
0x3e: {  	_ =	shalt  }
0x3f: {  	_ =	shalt  }
0x40: {  	_ =	shalt  }
0x41: {  	_ =	shalt  }
0x42: {  	_ =	shalt  }
0x43: {  	_ =	shalt  }
0x44: {  	_ =	shalt  }
0x45: {  	_ =	shalt  }
0x46: {  	_ =	shalt  }
0x47: {  	_ =	shalt  }
0x48: {  	_ =	shalt  }
0x49: {  	_ =	shalt  }
0x4a: {  	_ =	shalt  }
0x4b: {  	_ =	shalt  }
0x4c: {  	_ =	shalt  }
0x4d: {  	_ =	shalt  }
0x4e: {  	_ =	shalt  }
0x4f: {  	_ =	shalt  }
0x50: {  	_ =	shalt  }
0x51: {  	_ =	shalt  }
0x52: {  	_ =	shalt  }
0x53: {  	_ =	shalt  }
0x54: {  	_ =	shalt  }
0x55: {  	_ =	shalt  }
0x56: {  	_ =	shalt  }
0x57: {  	_ =	shalt  }
0x58: {  	_ =	shalt  }
0x59: {  	_ =	shalt  }
0x5a: {  	_ =	shalt  }
0x5b: {  	_ =	shalt  }
0x5c: {  	_ =	shalt  }
0x5d: {  	_ =	shalt  }
0x5e: {  	_ =	shalt  }
0x5f: {  	_ =	shalt  }
0x60: {  	_ =	shalt  }
0x61: {  	_ =	shalt  }
0x62: {  	_ =	shalt  }
0x63: {  	_ =	shalt  }
0x64: {  	_ =	shalt  }
0x65: {  	_ =	shalt  }
0x66: {  	_ =	shalt  }
0x67: {  	_ =	shalt  }
0x68: {  	_ =	shalt  }
0x69: {  	_ =	shalt  }
0x6a: {  	_ =	shalt  }
0x6b: {  	_ =	shalt  }
0x6c: {  	_ =	shalt  }
0x6d: {  	_ =	shalt  }
0x6e: {  	_ =	shalt  }
0x6f: {  	_ =	shalt  }
0x70: {  	_ =	shalt  }
0x71: {  	_ =	shalt  }
0x72: {  	_ =	shalt  }
0x73: {  	_ =	shalt  }
0x74: {  	_ =	shalt  }
0x75: {  	_ =	shalt  }
0x76: {  	_ =	shalt  }
0x77: {  	_ =	shalt  }
0x78: {  	_ =	shalt  }
0x79: {  	_ =	shalt  }
0x7a: {  	_ =	shalt  }
0x7b: {  	_ =	shalt  }
0x7c: {  	_ =	shalt  }
0x7d: {  	_ =	shalt  }
0x7e: {  	_ =	shalt  }
0x7f: {  	_ =	shalt  }
0x80: {  	_ =	shalt  }
0x81: {  	_ =	shalt  }
0x82: {  	_ =	shalt  }
0x83: {  	_ =	shalt  }
0x84: {  	_ =	shalt  }
0x85: {  	_ =	shalt  }
0x86: {  	_ =	shalt  }
0x87: {  	_ =	shalt  }
.Lfunc_end0:
.L_simem_size_0:
called_computation_lowered:
.L_overlay_start_0:
0x88: {  	s2 =	sld [smem:$0x3FD9]  }
0x89: {  	s3 =	sld [smem:$0x3FFE];
	_ =	sdelay $0x1  }
0x8a: {  	s1 =	srdreg.scid  }
0x8b: {  	s0 =	sand.u32 $0x1, s1  }
0x8c: {  	s14 =	sshll.u32 s0, $0xA;
	s2 =	sadd.s32 s3, s2  }
0x8d: {  	s2 =	sadd.s32 s2, s14  }
0x8e: {  	[smem:$0x3FBC] =	sst s2  }
0x8f: {  	_ = 	snop  }
0x90: {  	s2 =	sld [smem:$0x3FD0];
	_ =	sdelay $0x2  }
0x91: {  	s15 =	simm.s32 $0xA;
	s4 =	simm.s32 $0x10  }
0x92: {  	[smem:s4], [sflag:s15] =	dma.local [hbm:s2], $0x1  }
0x93: {  	_ =	swait.eq [sflag:s15], $0x1  }
0x94: {  	[sflag:s15] =	ssyncset.done $0x0  }
0x95: {  	[sflag:s15] =	ssyncadd.s32 $0xFFFFFFFF  }
0x96: {  	s16 =	sld [smem:$0x11];
	(tm) =	ssettm $0x1  }
0x97: {  	s17 =	sld [smem:$0x3FFB];
	_ =	sdelay $0x3  }
0x98: {  	_ =	strace s17  }
0x99: {  	s3 =	sld [smem:$0x3FFC];
	_ =	sdelay $0x3  }
0x9a: {  	_ =	strace s3  }
0x9b: {  	s3 =	sld [smem:$0x3FFD];
	_ =	sdelay $0x3  }
0x9c: {  	_ =	strace s3  }
0x9d: {  	_ =	strace $0x8FFFFFFF  }
0x9e: {  	s18 =	sld [smem:$0x3FDB];
	_ =	sdelay $0x1  }
0x9f: {  	s19 =	simm.s32 $_scs_section_size  }
0xa0: {  	s5 =	simm.s32 $_size__tile_overlayer_lowered;
	s6 =	simm.s32 $_tile_overlayer_lowered  }
0xa1: {  	s22 =	simm.s32 $0x1BFF;
	s21 =	sshll.u32 s6, $0x1;
	s3 =	sadd.s32 s19, s18  }
0xa2: {  	s7 =	simm.s32 $0x0;
	s20 =	sshll.u32 s5, $0x1;
	s5 =	sadd.s32 s21, s3  }
0xa3: {  	[timem:s7], [sflag:s22] =	dma.local [hbm:s5], s20  }
0xa4: {  	_ =	swait.ge [sflag:s22], s20  }
0xa5: {  	s4 =	ssub.s32 $0x0, s20;
	[sflag:s22] =	ssyncset.done $0x0  }
0xa6: {  	[sflag:s22] =	ssyncadd.s32 s4;
	_ =	sdelay $0x1  }
0xa7: {  	s23 =	simm.s32 $0x1B8B  }
0xa8: {  	_ =	swait.ge [sflag:s23], $0x1  }
0xa9: {  	[sflag:s23] =	ssyncset.done $0x0  }
0xaa: {  	s25 =	simm.s32 $0x1B8E;
	s24 =	sld [smem:$0x3FFE];
	[sflag:s23] =	ssyncadd.s32 $0xFFFFFFFF  }
0xab: {  	s26 =	simm.s32 $execute0_lowered;
	[smem:$0x3FD2] =	sst s25  }
0xac: {  	s5 =	sshll.u32 s26, $0x1;
	_ =	strace $0x80000046;
	[dreg:$0x1] =	wrdreg $0xFFFFFFFF  }
0xad: {  	s28 =	simm.s32 $_size_execute0_lowered;
	s3 =	sadd.s32 s3, s5;
	[dreg:$0x0] =	wrdreg $0x0  }
0xae: {  	s5 =	sshll.u32 s28, $0x1;
	[dreg:$0x2] =	wrdreg s3  }
0xaf: {  	[dreg:$0x3] =	wrdreg s5  }
0xb0: {  	[dreg:$0x4] =	wrdreg $0xC0  }
0xb1: {  	_ =	task [dreg:s7], $0x5FFFF  }
0xb2: {  	[dreg:$0x1] =	wrdreg $0xFFFFFFFF  }
0xb3: {  	[dreg:$0x0] =	wrdreg $0x60  }
0xb4: {  	[dreg:$0x2] =	wrdreg s16  }
0xb5: {  	[dreg:$0x3] =	wrdreg s24  }
0xb6: {  	[dreg:$0x4] =	wrdreg $0x9  }
0xb7: {  	_ =	task.clear_ibuf [dreg:s7], $0x5FFFF;
	_ =	strace $0x90000046  }
0xb8: {  	s29 =	simm.s32 $0x9;
	_ =	strace $0x80000048  }
0xb9: {  	_ =	swait.ge [sflag:s29], $0x1  }
0xba: {  	[sflag:s29] =	ssyncadd.s32 $0xFFFFFFFF  }
0xbb: {  	_ =	strace $0x90000048  }
0xbc: {  	_ =	sfence  }
0xbd: {  	s30 =	sld [smem:$0x0];
	_ =	sdelay $0x2  }
0xbe: {  	s31 =	sshll.u32 s1, $0xD;
	s1 =	sshrl.u32 s1, $0x2  }
0xbf: {  	s3 =	sand.u32 $0x4000, s31;
	s1 =	sadd.s32 s1, s30  }
0xc0: {  	s0 =	sor.u32 s3, s0;
	s1 =	sshll.u32 s1, $0x11  }
0xc1: {  	s0 =	sor.u32 s1, s0  }
0xc2: {  	s0 =	sadd.s32 $0x8F2B, s0  }
0xc3: {  	[sflag:s0] =	ssyncadd.remote.s32 $0x1  }
0xc4: {  	_ =	sfence.sel $0xFFFF  }
0xc5: {  	[dreg:$0x0] =	wrdreg $0xFFFFFFFF;
	(pc) =	sbr.abs _section_cstart, $3  }
0xc6: {  	[dreg:$0x1] =	wrdreg $0xFFFFFFFF  }
0xc7: {  	_ =	task.clear_ibuf [dreg:s7], $0x2FFFF;
	_ =	strace $0x9FFFFFFF  }
0xc8: {  	(tm) =	ssettm $0x7FFFFFFF  }
0xc9: {  	_ =	shalt  }
tec
execute0_lowered:
.L_overlay_start_1:
0x0: {  	(tag) =	ssettag $0x1  }
0x1: {  	s1 =	rddreg [dreg:$0x0]  }
0x2: {  	s9 =	rddreg [dreg:$0x1]  }
0x3: {  	s0 =	rddreg [dreg:$0x2]  }
0x4: {  	s3 =	simm.s32 $0x0;
	s4 =	srdreg.scid;
	s2 =	stileid.u32  }
0x5: {  	s14 =	simm.s32 $0x3;
	s15 =	simm.s32 $0x80;
	s16 =	simm.s32 $0x4080  }
0x6: {  	s17 =	simm.s32 $0x4100;
	s18 =	simm.s32 $0x1;
	s19 =	simm.s32 $0x8100  }
0x7: {  	s20 =	simm.s32 $0x8500;
	s21 =	simm.s32 $0x8900;
	s22 =	simm.s32 $0x8D00  }
0x8: {  	s23 =	simm.s32 $0x2;
	s24 =	simm.s32 $0x0;
	[smem:$0x7FF] =	sst s3  }
0x9: {  	s6 =	sand.u32 $0x1, s4;
	s5 =	sshll.u32 s2, $0x1;
	s4 =	sadd.s32 $0x3800, s9  }
0xa: {  	s8 =	sadd.s32 $0x8800, s9;
	_ =	strace $0x80000047;
	s11 =	sor.u32 s6, s5  }
0xb: {  	s5 =	sadd.s32 $0x58800, s9;
	s10 =	ssub.s32 $0x2, s6;
	s12 =	smul.u32 $0x280, s11  }
0xc: {  	s6 =	sadd.s32 $0x80800, s9;
	s13 =	sshrl.u32 s10, $0x1;
	s7 =	smul.u32 $0x28, s11  }
0xd: {  	s9 =	sadd.s32 $0x30800, s9;
	s11 =	smul.u32 $0xA000, s11;
	s13 =	ssub.s32 s10, s13  }
0xe: {  	s10 =	sadd.s32 s4, s12;
	s12 =	sor.u32 $0x2, s7;
	s13 =	smax.u32 s13, $0x1  }
.LBB2_1:
0xf: {  	[tilespmem:s3], [sflag:$0x3] =	stream.linear.gather [hbm4b:s10+s3], $0x80, $0x38;
	[tilespmem:$0x9100] =	vst v63  }
0x10: {  	_ =	swait.ge [sflag:s14], $0x80  }
0x11: {  	[sflag:s14] =	ssyncset.done $0x0  }
0x12: {  	s25 =	simm.s32 $0x0;
	[sflag:s14] =	ssyncadd.s32 $0xFFFFFF80  }
0x13: {  	[tilespmem:s15], [sflag:$0x1] =	stream.indirect.gather [hbm4b:s1+s15], $0x80, s3, s15, $0xb8;
	[tilespmem:$0x9100] =	vst v63  }
.LBB2_2:
0x14: {  	s28 =	sshll.u32 s25, $0x1  }
0x15: {  	s26 =	sadd.s32 s28, s7  }
0x16: {  	s26 =	sadd.s32 $0x1, s26  }
0x17: {  	s29 =	sshll.u32 s26, $0x4  }
0x18: {  	s29 =	sand.u32 $0x1FFFFFF0, s29  }
0x19: {  	s30 =	sadd.s32 s4, s29;
	s29 =	simm.s32 $0x0  }
0x1a: {  	[tilespmem:s16], [sflag:$0x3] =	stream.linear.gather [hbm4b:s30+s29], $0x80, $0x38;
	[tilespmem:$0x9100] =	vst v63  }
0x1b: {  	_ =	swait.ge [sflag:s14], $0x80  }
0x1c: {  	[sflag:s14] =	ssyncset.done $0x0  }
0x1d: {  	[sflag:s14] =	ssyncadd.s32 $0xFFFFFF80  }
0x1e: {  	[tilespmem:s17], [sflag:$0x2] =	stream.indirect.gather [hbm4b:s1+s15], $0x80, s16, s15, $0xb8;
	[tilespmem:$0x9100] =	vst v63  }
0x1f: {  	_ =	swait.ge [sflag:s18], $0x4000  }
0x20: {  	[sflag:s18] =	ssyncset.done $0x0  }
0x21: {  	s30 =	simm.s32 $0x480;
	[sflag:s18] =	ssyncadd.s32 $0xFFFFC000  }
.LBB2_3:
0x22: {  	v0 =	vld [tilespmem:s30+$0xFFFFFC00]  }
0x23: {  	v1 =	vld [tilespmem:s30+$0xFFFFFC80];
	_ =	sdelay $0x1  }
0x24: {  	v2 =	vld [tilespmem:s30+$0xFFFFFD00];
	_ =	sdelay $0x1  }
0x25: {  	v3 =	vld [tilespmem:s30+$0xFFFFFD80]  }
0x26: {  	v7 =	vld [tilespmem:s30+$0xFFFFFE00];
	v4 =	vmul.f32 v0, v0;
	v5 =	vmul.f32 v1, v1  }
0x27: {  	v8 =	vld [tilespmem:s30+$0xFFFFFE80];
	v6 =	vadd.f32 v1, v0  }
0x28: {  	v9 =	vld [tilespmem:s30+$0xFFFFFF00];
	v60 =	vmul.f32 v2, v2;
	v4 =	vadd.f32 v5, v4  }
0x29: {  	v10 =	vld [tilespmem:s30+$0xFFFFFF80];
	v6 =	vadd.f32 v2, v6  }
0x2a: {  	v12 =	vld [tilespmem:s30+$0x0];
	v61 =	vmul.f32 v3, v3;
	v4 =	vadd.f32 v60, v4  }
0x2b: {  	v20 =	vld [tilespmem:s30+$0x80];
	v6 =	vadd.f32 v3, v6  }
0x2c: {  	v23 =	vld [tilespmem:s30+$0x100];
	v62 =	vmul.f32 v7, v7;
	v4 =	vadd.f32 v61, v4  }
0x2d: {  	v25 =	vld [tilespmem:s30+$0x180];
	v6 =	vadd.f32 v7, v6  }
0x2e: {  	v27 =	vld [tilespmem:s30+$0x200];
	v63 =	vmul.f32 v8, v8;
	v4 =	vadd.f32 v62, v4  }
0x2f: {  	v29 =	vld [tilespmem:s30+$0x280];
	v11 =	vmax.f32 v0, v1;
	v6 =	vadd.f32 v8, v6  }
0x30: {  	v31 =	vld [tilespmem:s30+$0x300];
	v0 =	vmin.f32 v0, v1;
	v17 =	vmul.f32 v9, v9;
	v16 =	vadd.f32 v63, v4  }
0x31: {  	v33 =	vld [tilespmem:s30+$0x380];
	v21 =	vmul.f32 v10, v10;
	v24 =	vmul.f32 v12, v12;
	v19 =	vadd.f32 v9, v6  }
0x32: {  	v26 =	vmul.f32 v20, v20;
	v28 =	vmul.f32 v23, v23;
	v1 =	vadd.f32 v17, v16  }
0x33: {  	v18 =	vmax.f32 v11, v2;
	v0 =	vmin.f32 v0, v2;
	v2 =	vadd.f32 v10, v19  }
0x34: {  	v30 =	vmul.f32 v25, v25;
	v32 =	vmul.f32 v27, v27;
	v1 =	vadd.f32 v21, v1  }
0x35: {  	v34 =	vmul.f32 v29, v29;
	v35 =	vmul.f32 v31, v31;
	v2 =	vadd.f32 v12, v2  }
0x36: {  	v36 =	vmul.f32 v33, v33;
	v5 =	vmax.f32 v18, v3;
	v1 =	vadd.f32 v24, v1  }
0x37: {  	v0 =	vmin.f32 v0, v3;
	v22 =	vmax.f32 v5, v7;
	v2 =	vadd.f32 v20, v2  }
0x38: {  	v0 =	vmin.f32 v0, v7;
	v3 =	vmax.f32 v22, v8;
	v1 =	vadd.f32 v26, v1  }
0x39: {  	v0 =	vmin.f32 v0, v8;
	v3 =	vmax.f32 v3, v9;
	v2 =	vadd.f32 v23, v2  }
0x3a: {  	v0 =	vmin.f32 v0, v9;
	v3 =	vmax.f32 v3, v10;
	v1 =	vadd.f32 v28, v1  }
0x3b: {  	v0 =	vmin.f32 v0, v10;
	v3 =	vmax.f32 v3, v12;
	v2 =	vadd.f32 v25, v2  }
0x3c: {  	v0 =	vmin.f32 v0, v12;
	v3 =	vmax.f32 v3, v20;
	v1 =	vadd.f32 v30, v1  }
0x3d: {  	v0 =	vmin.f32 v0, v20;
	v3 =	vmax.f32 v3, v23;
	v2 =	vadd.f32 v27, v2  }
0x3e: {  	v0 =	vmin.f32 v0, v23;
	v3 =	vmax.f32 v3, v25;
	v1 =	vadd.f32 v32, v1  }
0x3f: {  	v0 =	vmin.f32 v0, v25;
	v3 =	vmax.f32 v3, v27;
	v2 =	vadd.f32 v29, v2  }
0x40: {  	v0 =	vmin.f32 v0, v27;
	v3 =	vmax.f32 v3, v29;
	v1 =	vadd.f32 v34, v1  }
0x41: {  	v0 =	vmin.f32 v0, v29;
	v3 =	vmax.f32 v3, v31;
	v2 =	vadd.f32 v31, v2  }
0x42: {  	s31 =	sshra.s32 s29, $0x2;
	v0 =	vmin.f32 v0, v31;
	v3 =	vmax.f32 v3, v33;
	v1 =	vadd.f32 v35, v1  }
0x43: {  	v0 =	vmin.f32 v0, v33;
	[tilespmem:s31+$0x8100] =	vst v3;
	v2 =	vadd.f32 v33, v2  }
0x44: {  	[tilespmem:s31+$0x8500] =	vst v0;
	v1 =	vadd.f32 v36, v1  }
0x45: {  	[tilespmem:s31+$0x8900] =	vst v2  }
0x46: {  	[tilespmem:s31+$0x8D00] =	vst v1  }
0x47: {  	v0 =	vld [tilespmem:s30+$0xFFFFFC10]  }
0x48: {  	v1 =	vld [tilespmem:s30+$0xFFFFFC90];
	_ =	sdelay $0x1  }
0x49: {  	v2 =	vld [tilespmem:s30+$0xFFFFFD10];
	_ =	sdelay $0x1  }
0x4a: {  	v3 =	vld [tilespmem:s30+$0xFFFFFD90]  }
0x4b: {  	v40 =	vld [tilespmem:s30+$0xFFFFFE10];
	v37 =	vmul.f32 v0, v0;
	v38 =	vmul.f32 v1, v1  }
0x4c: {  	v42 =	vld [tilespmem:s30+$0xFFFFFE90];
	v39 =	vadd.f32 v1, v0  }
0x4d: {  	v44 =	vld [tilespmem:s30+$0xFFFFFF10];
	v41 =	vmul.f32 v2, v2;
	v4 =	vadd.f32 v38, v37  }
0x4e: {  	v46 =	vld [tilespmem:s30+$0xFFFFFF90];
	v6 =	vadd.f32 v2, v39  }
0x4f: {  	v49 =	vld [tilespmem:s30+$0x10];
	v43 =	vmul.f32 v3, v3;
	v4 =	vadd.f32 v41, v4  }
0x50: {  	v54 =	vld [tilespmem:s30+$0x90];
	v6 =	vadd.f32 v3, v6  }
0x51: {  	v57 =	vld [tilespmem:s30+$0x110];
	v45 =	vmul.f32 v40, v40;
	v4 =	vadd.f32 v43, v4  }
0x52: {  	v59 =	vld [tilespmem:s30+$0x190];
	v6 =	vadd.f32 v40, v6  }
0x53: {  	v61 =	vld [tilespmem:s30+$0x210];
	v47 =	vmul.f32 v42, v42;
	v4 =	vadd.f32 v45, v4  }
0x54: {  	v63 =	vld [tilespmem:s30+$0x290];
	v48 =	vmax.f32 v0, v1;
	v6 =	vadd.f32 v42, v6  }
0x55: {  	v11 =	vld [tilespmem:s30+$0x310];
	v0 =	vmin.f32 v0, v1;
	v51 =	vmul.f32 v44, v44;
	v50 =	vadd.f32 v47, v4  }
0x56: {  	v13 =	vld [tilespmem:s30+$0x390];
	v55 =	vmul.f32 v46, v46;
	v58 =	vmul.f32 v49, v49;
	v53 =	vadd.f32 v44, v6  }
0x57: {  	v60 =	vmul.f32 v54, v54;
	v62 =	vmul.f32 v57, v57;
	v1 =	vadd.f32 v51, v50  }
0x58: {  	v52 =	vmax.f32 v48, v2;
	v0 =	vmin.f32 v0, v2;
	v2 =	vadd.f32 v46, v53  }
0x59: {  	v10 =	vmul.f32 v59, v59;
	v12 =	vmul.f32 v61, v61;
	v1 =	vadd.f32 v55, v1  }
0x5a: {  	v14 =	vmul.f32 v63, v63;
	v15 =	vmul.f32 v11, v11;
	v2 =	vadd.f32 v49, v2  }
0x5b: {  	v16 =	vmul.f32 v13, v13;
	v5 =	vmax.f32 v52, v3;
	v1 =	vadd.f32 v58, v1  }
0x5c: {  	v0 =	vmin.f32 v0, v3;
	v56 =	vmax.f32 v5, v40;
	v2 =	vadd.f32 v54, v2  }
0x5d: {  	v0 =	vmin.f32 v0, v40;
	v3 =	vmax.f32 v56, v42;
	v1 =	vadd.f32 v60, v1  }
0x5e: {  	v0 =	vmin.f32 v0, v42;
	v3 =	vmax.f32 v3, v44;
	v2 =	vadd.f32 v57, v2  }
0x5f: {  	v0 =	vmin.f32 v0, v44;
	v3 =	vmax.f32 v3, v46;
	v1 =	vadd.f32 v62, v1  }
0x60: {  	v0 =	vmin.f32 v0, v46;
	v3 =	vmax.f32 v3, v49;
	v2 =	vadd.f32 v59, v2  }
0x61: {  	v0 =	vmin.f32 v0, v49;
	v3 =	vmax.f32 v3, v54;
	v1 =	vadd.f32 v10, v1  }
0x62: {  	v0 =	vmin.f32 v0, v54;
	v3 =	vmax.f32 v3, v57;
	v2 =	vadd.f32 v61, v2  }
0x63: {  	v0 =	vmin.f32 v0, v57;
	v3 =	vmax.f32 v3, v59;
	v1 =	vadd.f32 v12, v1  }
0x64: {  	v0 =	vmin.f32 v0, v59;
	v3 =	vmax.f32 v3, v61;
	v2 =	vadd.f32 v63, v2  }
0x65: {  	v0 =	vmin.f32 v0, v61;
	v3 =	vmax.f32 v3, v63;
	v1 =	vadd.f32 v14, v1  }
0x66: {  	v0 =	vmin.f32 v0, v63;
	v3 =	vmax.f32 v3, v11;
	v2 =	vadd.f32 v11, v2  }
0x67: {  	v0 =	vmin.f32 v0, v11;
	v3 =	vmax.f32 v3, v13;
	v1 =	vadd.f32 v15, v1  }
0x68: {  	v0 =	vmin.f32 v0, v13;
	[tilespmem:s31+$0x8110] =	vst v3;
	v2 =	vadd.f32 v13, v2  }
0x69: {  	[tilespmem:s31+$0x8510] =	vst v0;
	v1 =	vadd.f32 v16, v1  }
0x6a: {  	[tilespmem:s31+$0x8910] =	vst v2  }
0x6b: {  	[tilespmem:s31+$0x8D10] =	vst v1  }
0x6c: {  	v0 =	vld [tilespmem:s30+$0xFFFFFC20]  }
0x6d: {  	v1 =	vld [tilespmem:s30+$0xFFFFFCA0];
	_ =	sdelay $0x1  }
0x6e: {  	v2 =	vld [tilespmem:s30+$0xFFFFFD20];
	_ =	sdelay $0x1  }
0x6f: {  	v3 =	vld [tilespmem:s30+$0xFFFFFDA0]  }
0x70: {  	v20 =	vld [tilespmem:s30+$0xFFFFFE20];
	v17 =	vmul.f32 v0, v0;
	v18 =	vmul.f32 v1, v1  }
0x71: {  	v22 =	vld [tilespmem:s30+$0xFFFFFEA0];
	v19 =	vadd.f32 v1, v0  }
0x72: {  	v24 =	vld [tilespmem:s30+$0xFFFFFF20];
	v21 =	vmul.f32 v2, v2;
	v4 =	vadd.f32 v18, v17  }
0x73: {  	v26 =	vld [tilespmem:s30+$0xFFFFFFA0];
	v6 =	vadd.f32 v2, v19  }
0x74: {  	v29 =	vld [tilespmem:s30+$0x20];
	v23 =	vmul.f32 v3, v3;
	v4 =	vadd.f32 v21, v4  }
0x75: {  	v34 =	vld [tilespmem:s30+$0xA0];
	v6 =	vadd.f32 v3, v6  }
0x76: {  	v37 =	vld [tilespmem:s30+$0x120];
	v25 =	vmul.f32 v20, v20;
	v4 =	vadd.f32 v23, v4  }
0x77: {  	v39 =	vld [tilespmem:s30+$0x1A0];
	v6 =	vadd.f32 v20, v6  }
0x78: {  	v41 =	vld [tilespmem:s30+$0x220];
	v27 =	vmul.f32 v22, v22;
	v4 =	vadd.f32 v25, v4  }
0x79: {  	v43 =	vld [tilespmem:s30+$0x2A0];
	v28 =	vmax.f32 v0, v1;
	v6 =	vadd.f32 v22, v6  }
0x7a: {  	v45 =	vld [tilespmem:s30+$0x320];
	v0 =	vmin.f32 v0, v1;
	v31 =	vmul.f32 v24, v24;
	v30 =	vadd.f32 v27, v4  }
0x7b: {  	v47 =	vld [tilespmem:s30+$0x3A0];
	v35 =	vmul.f32 v26, v26;
	v38 =	vmul.f32 v29, v29;
	v33 =	vadd.f32 v24, v6  }
0x7c: {  	v40 =	vmul.f32 v34, v34;
	v42 =	vmul.f32 v37, v37;
	v1 =	vadd.f32 v31, v30  }
0x7d: {  	v32 =	vmax.f32 v28, v2;
	v0 =	vmin.f32 v0, v2;
	v2 =	vadd.f32 v26, v33  }
0x7e: {  	v44 =	vmul.f32 v39, v39;
	v46 =	vmul.f32 v41, v41;
	v1 =	vadd.f32 v35, v1  }
0x7f: {  	v48 =	vmul.f32 v43, v43;
	v49 =	vmul.f32 v45, v45;
	v2 =	vadd.f32 v29, v2  }
0x80: {  	v50 =	vmul.f32 v47, v47;
	v5 =	vmax.f32 v32, v3;
	v1 =	vadd.f32 v38, v1  }
0x81: {  	v0 =	vmin.f32 v0, v3;
	v36 =	vmax.f32 v5, v20;
	v2 =	vadd.f32 v34, v2  }
0x82: {  	v0 =	vmin.f32 v0, v20;
	v3 =	vmax.f32 v36, v22;
	v1 =	vadd.f32 v40, v1  }
0x83: {  	v0 =	vmin.f32 v0, v22;
	v3 =	vmax.f32 v3, v24;
	v2 =	vadd.f32 v37, v2  }
0x84: {  	v0 =	vmin.f32 v0, v24;
	v3 =	vmax.f32 v3, v26;
	v1 =	vadd.f32 v42, v1  }
0x85: {  	v0 =	vmin.f32 v0, v26;
	v3 =	vmax.f32 v3, v29;
	v2 =	vadd.f32 v39, v2  }
0x86: {  	v0 =	vmin.f32 v0, v29;
	v3 =	vmax.f32 v3, v34;
	v1 =	vadd.f32 v44, v1  }
0x87: {  	v0 =	vmin.f32 v0, v34;
	v3 =	vmax.f32 v3, v37;
	v2 =	vadd.f32 v41, v2  }
0x88: {  	v0 =	vmin.f32 v0, v37;
	v3 =	vmax.f32 v3, v39;
	v1 =	vadd.f32 v46, v1  }
0x89: {  	v0 =	vmin.f32 v0, v39;
	v3 =	vmax.f32 v3, v41;
	v2 =	vadd.f32 v43, v2  }
0x8a: {  	v0 =	vmin.f32 v0, v41;
	v3 =	vmax.f32 v3, v43;
	v1 =	vadd.f32 v48, v1  }
0x8b: {  	v0 =	vmin.f32 v0, v43;
	v3 =	vmax.f32 v3, v45;
	v2 =	vadd.f32 v45, v2  }
0x8c: {  	v0 =	vmin.f32 v0, v45;
	v3 =	vmax.f32 v3, v47;
	v1 =	vadd.f32 v49, v1  }
0x8d: {  	v0 =	vmin.f32 v0, v47;
	[tilespmem:s31+$0x8120] =	vst v3;
	v2 =	vadd.f32 v47, v2  }
0x8e: {  	[tilespmem:s31+$0x8520] =	vst v0;
	v1 =	vadd.f32 v50, v1  }
0x8f: {  	[tilespmem:s31+$0x8920] =	vst v2  }
0x90: {  	[tilespmem:s31+$0x8D20] =	vst v1  }
0x91: {  	v0 =	vld [tilespmem:s30+$0xFFFFFC30]  }
0x92: {  	v1 =	vld [tilespmem:s30+$0xFFFFFCB0];
	_ =	sdelay $0x1  }
0x93: {  	v2 =	vld [tilespmem:s30+$0xFFFFFD30];
	_ =	sdelay $0x1  }
0x94: {  	v3 =	vld [tilespmem:s30+$0xFFFFFDB0]  }
0x95: {  	v54 =	vld [tilespmem:s30+$0xFFFFFE30];
	v51 =	vmul.f32 v0, v0;
	v52 =	vmul.f32 v1, v1  }
0x96: {  	v56 =	vld [tilespmem:s30+$0xFFFFFEB0];
	v53 =	vadd.f32 v1, v0  }
0x97: {  	v58 =	vld [tilespmem:s30+$0xFFFFFF30];
	v55 =	vmul.f32 v2, v2;
	v4 =	vadd.f32 v52, v51  }
0x98: {  	v60 =	vld [tilespmem:s30+$0xFFFFFFB0];
	v6 =	vadd.f32 v2, v53  }
0x99: {  	v63 =	vld [tilespmem:s30+$0x30];
	v57 =	vmul.f32 v3, v3;
	v4 =	vadd.f32 v55, v4  }
0x9a: {  	v17 =	vld [tilespmem:s30+$0xB0];
	v6 =	vadd.f32 v3, v6  }
0x9b: {  	v20 =	vld [tilespmem:s30+$0x130];
	v59 =	vmul.f32 v54, v54;
	v4 =	vadd.f32 v57, v4  }
0x9c: {  	v22 =	vld [tilespmem:s30+$0x1B0];
	v6 =	vadd.f32 v54, v6  }
0x9d: {  	v24 =	vld [tilespmem:s30+$0x230];
	v61 =	vmul.f32 v56, v56;
	v4 =	vadd.f32 v59, v4  }
0x9e: {  	v26 =	vld [tilespmem:s30+$0x2B0];
	v62 =	vmax.f32 v0, v1;
	v6 =	vadd.f32 v56, v6  }
0x9f: {  	v28 =	vld [tilespmem:s30+$0x330];
	v0 =	vmin.f32 v0, v1;
	v14 =	vmul.f32 v58, v58;
	v13 =	vadd.f32 v61, v4  }
0xa0: {  	v30 =	vld [tilespmem:s30+$0x3B0];
	v18 =	vmul.f32 v60, v60;
	v21 =	vmul.f32 v63, v63;
	v16 =	vadd.f32 v58, v6  }
0xa1: {  	v23 =	vmul.f32 v17, v17;
	v25 =	vmul.f32 v20, v20;
	v1 =	vadd.f32 v14, v13  }
0xa2: {  	v15 =	vmax.f32 v62, v2;
	v0 =	vmin.f32 v0, v2;
	v2 =	vadd.f32 v60, v16  }
0xa3: {  	v27 =	vmul.f32 v22, v22;
	v29 =	vmul.f32 v24, v24;
	v1 =	vadd.f32 v18, v1  }
0xa4: {  	v31 =	vmul.f32 v26, v26;
	v32 =	vmul.f32 v28, v28;
	v2 =	vadd.f32 v63, v2  }
0xa5: {  	v33 =	vmul.f32 v30, v30;
	v5 =	vmax.f32 v15, v3;
	v1 =	vadd.f32 v21, v1  }
0xa6: {  	v0 =	vmin.f32 v0, v3;
	v19 =	vmax.f32 v5, v54;
	v2 =	vadd.f32 v17, v2  }
0xa7: {  	v0 =	vmin.f32 v0, v54;
	v3 =	vmax.f32 v19, v56;
	v1 =	vadd.f32 v23, v1  }
0xa8: {  	v0 =	vmin.f32 v0, v56;
	v3 =	vmax.f32 v3, v58;
	v2 =	vadd.f32 v20, v2  }
0xa9: {  	v0 =	vmin.f32 v0, v58;
	v3 =	vmax.f32 v3, v60;
	v1 =	vadd.f32 v25, v1  }
0xaa: {  	v0 =	vmin.f32 v0, v60;
	v3 =	vmax.f32 v3, v63;
	v2 =	vadd.f32 v22, v2  }
0xab: {  	v0 =	vmin.f32 v0, v63;
	v3 =	vmax.f32 v3, v17;
	v1 =	vadd.f32 v27, v1  }
0xac: {  	v0 =	vmin.f32 v0, v17;
	v3 =	vmax.f32 v3, v20;
	v2 =	vadd.f32 v24, v2  }
0xad: {  	v0 =	vmin.f32 v0, v20;
	v3 =	vmax.f32 v3, v22;
	v1 =	vadd.f32 v29, v1  }
0xae: {  	v0 =	vmin.f32 v0, v22;
	v3 =	vmax.f32 v3, v24;
	v2 =	vadd.f32 v26, v2  }
0xaf: {  	v0 =	vmin.f32 v0, v24;
	v3 =	vmax.f32 v3, v26;
	v1 =	vadd.f32 v31, v1  }
0xb0: {  	v0 =	vmin.f32 v0, v26;
	v3 =	vmax.f32 v3, v28;
	v2 =	vadd.f32 v28, v2  }
0xb1: {  	v0 =	vmin.f32 v0, v28;
	v3 =	vmax.f32 v3, v30;
	v1 =	vadd.f32 v32, v1  }
0xb2: {  	v0 =	vmin.f32 v0, v30;
	[tilespmem:s31+$0x8130] =	vst v3;
	v2 =	vadd.f32 v30, v2  }
0xb3: {  	[tilespmem:s31+$0x8530] =	vst v0;
	v1 =	vadd.f32 v33, v1  }
0xb4: {  	[tilespmem:s31+$0x8930] =	vst v2  }
0xb5: {  	[tilespmem:s31+$0x8D30] =	vst v1  }
0xb6: {  	v0 =	vld [tilespmem:s30+$0xFFFFFC40]  }
0xb7: {  	v1 =	vld [tilespmem:s30+$0xFFFFFCC0];
	_ =	sdelay $0x1  }
0xb8: {  	v2 =	vld [tilespmem:s30+$0xFFFFFD40];
	_ =	sdelay $0x1  }
0xb9: {  	v3 =	vld [tilespmem:s30+$0xFFFFFDC0]  }
0xba: {  	v37 =	vld [tilespmem:s30+$0xFFFFFE40];
	v34 =	vmul.f32 v0, v0;
	v35 =	vmul.f32 v1, v1  }
0xbb: {  	v39 =	vld [tilespmem:s30+$0xFFFFFEC0];
	v36 =	vadd.f32 v1, v0  }
0xbc: {  	v41 =	vld [tilespmem:s30+$0xFFFFFF40];
	v38 =	vmul.f32 v2, v2;
	v4 =	vadd.f32 v35, v34  }
0xbd: {  	v43 =	vld [tilespmem:s30+$0xFFFFFFC0];
	v6 =	vadd.f32 v2, v36  }
0xbe: {  	v46 =	vld [tilespmem:s30+$0x40];
	v40 =	vmul.f32 v3, v3;
	v4 =	vadd.f32 v38, v4  }
0xbf: {  	v51 =	vld [tilespmem:s30+$0xC0];
	v6 =	vadd.f32 v3, v6  }
0xc0: {  	v54 =	vld [tilespmem:s30+$0x140];
	v42 =	vmul.f32 v37, v37;
	v4 =	vadd.f32 v40, v4  }
0xc1: {  	v56 =	vld [tilespmem:s30+$0x1C0];
	v6 =	vadd.f32 v37, v6  }
0xc2: {  	v58 =	vld [tilespmem:s30+$0x240];
	v44 =	vmul.f32 v39, v39;
	v4 =	vadd.f32 v42, v4  }
0xc3: {  	v60 =	vld [tilespmem:s30+$0x2C0];
	v45 =	vmax.f32 v0, v1;
	v6 =	vadd.f32 v39, v6  }
0xc4: {  	v62 =	vld [tilespmem:s30+$0x340];
	v0 =	vmin.f32 v0, v1;
	v48 =	vmul.f32 v41, v41;
	v47 =	vadd.f32 v44, v4  }
0xc5: {  	v10 =	vld [tilespmem:s30+$0x3C0];
	v52 =	vmul.f32 v43, v43;
	v55 =	vmul.f32 v46, v46;
	v50 =	vadd.f32 v41, v6  }
0xc6: {  	v57 =	vmul.f32 v51, v51;
	v59 =	vmul.f32 v54, v54;
	v1 =	vadd.f32 v48, v47  }
0xc7: {  	v49 =	vmax.f32 v45, v2;
	v0 =	vmin.f32 v0, v2;
	v2 =	vadd.f32 v43, v50  }
0xc8: {  	v61 =	vmul.f32 v56, v56;
	v63 =	vmul.f32 v58, v58;
	v1 =	vadd.f32 v52, v1  }
0xc9: {  	v11 =	vmul.f32 v60, v60;
	v12 =	vmul.f32 v62, v62;
	v2 =	vadd.f32 v46, v2  }
0xca: {  	v13 =	vmul.f32 v10, v10;
	v5 =	vmax.f32 v49, v3;
	v1 =	vadd.f32 v55, v1  }
0xcb: {  	v0 =	vmin.f32 v0, v3;
	v53 =	vmax.f32 v5, v37;
	v2 =	vadd.f32 v51, v2  }
0xcc: {  	v0 =	vmin.f32 v0, v37;
	v3 =	vmax.f32 v53, v39;
	v1 =	vadd.f32 v57, v1  }
0xcd: {  	v0 =	vmin.f32 v0, v39;
	v3 =	vmax.f32 v3, v41;
	v2 =	vadd.f32 v54, v2  }
0xce: {  	v0 =	vmin.f32 v0, v41;
	v3 =	vmax.f32 v3, v43;
	v1 =	vadd.f32 v59, v1  }
0xcf: {  	v0 =	vmin.f32 v0, v43;
	v3 =	vmax.f32 v3, v46;
	v2 =	vadd.f32 v56, v2  }
0xd0: {  	v0 =	vmin.f32 v0, v46;
	v3 =	vmax.f32 v3, v51;
	v1 =	vadd.f32 v61, v1  }
0xd1: {  	v0 =	vmin.f32 v0, v51;
	v3 =	vmax.f32 v3, v54;
	v2 =	vadd.f32 v58, v2  }
0xd2: {  	v0 =	vmin.f32 v0, v54;
	v3 =	vmax.f32 v3, v56;
	v1 =	vadd.f32 v63, v1  }
0xd3: {  	v0 =	vmin.f32 v0, v56;
	v3 =	vmax.f32 v3, v58;
	v2 =	vadd.f32 v60, v2  }
0xd4: {  	v0 =	vmin.f32 v0, v58;
	v3 =	vmax.f32 v3, v60;
	v1 =	vadd.f32 v11, v1  }
0xd5: {  	v0 =	vmin.f32 v0, v60;
	v3 =	vmax.f32 v3, v62;
	v2 =	vadd.f32 v62, v2  }
0xd6: {  	v0 =	vmin.f32 v0, v62;
	v3 =	vmax.f32 v3, v10;
	v1 =	vadd.f32 v12, v1  }
0xd7: {  	v0 =	vmin.f32 v0, v10;
	[tilespmem:s31+$0x8140] =	vst v3;
	v2 =	vadd.f32 v10, v2  }
0xd8: {  	[tilespmem:s31+$0x8540] =	vst v0;
	v1 =	vadd.f32 v13, v1  }
0xd9: {  	[tilespmem:s31+$0x8940] =	vst v2  }
0xda: {  	[tilespmem:s31+$0x8D40] =	vst v1  }
0xdb: {  	v0 =	vld [tilespmem:s30+$0xFFFFFC50]  }
0xdc: {  	v1 =	vld [tilespmem:s30+$0xFFFFFCD0];
	_ =	sdelay $0x1  }
0xdd: {  	v2 =	vld [tilespmem:s30+$0xFFFFFD50];
	_ =	sdelay $0x1  }
0xde: {  	v3 =	vld [tilespmem:s30+$0xFFFFFDD0]  }
0xdf: {  	v17 =	vld [tilespmem:s30+$0xFFFFFE50];
	v14 =	vmul.f32 v0, v0;
	v15 =	vmul.f32 v1, v1  }
0xe0: {  	v19 =	vld [tilespmem:s30+$0xFFFFFED0];
	v16 =	vadd.f32 v1, v0  }
0xe1: {  	v21 =	vld [tilespmem:s30+$0xFFFFFF50];
	v18 =	vmul.f32 v2, v2;
	v4 =	vadd.f32 v15, v14  }
0xe2: {  	v23 =	vld [tilespmem:s30+$0xFFFFFFD0];
	v6 =	vadd.f32 v2, v16  }
0xe3: {  	v26 =	vld [tilespmem:s30+$0x50];
	v20 =	vmul.f32 v3, v3;
	v4 =	vadd.f32 v18, v4  }
0xe4: {  	v31 =	vld [tilespmem:s30+$0xD0];
	v6 =	vadd.f32 v3, v6  }
0xe5: {  	v34 =	vld [tilespmem:s30+$0x150];
	v22 =	vmul.f32 v17, v17;
	v4 =	vadd.f32 v20, v4  }
0xe6: {  	v36 =	vld [tilespmem:s30+$0x1D0];
	v6 =	vadd.f32 v17, v6  }
0xe7: {  	v38 =	vld [tilespmem:s30+$0x250];
	v24 =	vmul.f32 v19, v19;
	v4 =	vadd.f32 v22, v4  }
0xe8: {  	v40 =	vld [tilespmem:s30+$0x2D0];
	v25 =	vmax.f32 v0, v1;
	v6 =	vadd.f32 v19, v6  }
0xe9: {  	v42 =	vld [tilespmem:s30+$0x350];
	v0 =	vmin.f32 v0, v1;
	v28 =	vmul.f32 v21, v21;
	v27 =	vadd.f32 v24, v4  }
0xea: {  	v44 =	vld [tilespmem:s30+$0x3D0];
	v32 =	vmul.f32 v23, v23;
	v35 =	vmul.f32 v26, v26;
	v30 =	vadd.f32 v21, v6  }
0xeb: {  	v37 =	vmul.f32 v31, v31;
	v39 =	vmul.f32 v34, v34;
	v1 =	vadd.f32 v28, v27  }
0xec: {  	v29 =	vmax.f32 v25, v2;
	v0 =	vmin.f32 v0, v2;
	v2 =	vadd.f32 v23, v30  }
0xed: {  	v41 =	vmul.f32 v36, v36;
	v43 =	vmul.f32 v38, v38;
	v1 =	vadd.f32 v32, v1  }
0xee: {  	v45 =	vmul.f32 v40, v40;
	v46 =	vmul.f32 v42, v42;
	v2 =	vadd.f32 v26, v2  }
0xef: {  	v47 =	vmul.f32 v44, v44;
	v5 =	vmax.f32 v29, v3;
	v1 =	vadd.f32 v35, v1  }
0xf0: {  	v0 =	vmin.f32 v0, v3;
	v33 =	vmax.f32 v5, v17;
	v2 =	vadd.f32 v31, v2  }
0xf1: {  	v0 =	vmin.f32 v0, v17;
	v3 =	vmax.f32 v33, v19;
	v1 =	vadd.f32 v37, v1  }
0xf2: {  	v0 =	vmin.f32 v0, v19;
	v3 =	vmax.f32 v3, v21;
	v2 =	vadd.f32 v34, v2  }
0xf3: {  	v0 =	vmin.f32 v0, v21;
	v3 =	vmax.f32 v3, v23;
	v1 =	vadd.f32 v39, v1  }
0xf4: {  	v0 =	vmin.f32 v0, v23;
	v3 =	vmax.f32 v3, v26;
	v2 =	vadd.f32 v36, v2  }
0xf5: {  	v0 =	vmin.f32 v0, v26;
	v3 =	vmax.f32 v3, v31;
	v1 =	vadd.f32 v41, v1  }
0xf6: {  	v0 =	vmin.f32 v0, v31;
	v3 =	vmax.f32 v3, v34;
	v2 =	vadd.f32 v38, v2  }
0xf7: {  	v0 =	vmin.f32 v0, v34;
	v3 =	vmax.f32 v3, v36;
	v1 =	vadd.f32 v43, v1  }
0xf8: {  	v0 =	vmin.f32 v0, v36;
	v3 =	vmax.f32 v3, v38;
	v2 =	vadd.f32 v40, v2  }
0xf9: {  	v0 =	vmin.f32 v0, v38;
	v3 =	vmax.f32 v3, v40;
	v1 =	vadd.f32 v45, v1  }
0xfa: {  	v0 =	vmin.f32 v0, v40;
	v3 =	vmax.f32 v3, v42;
	v2 =	vadd.f32 v42, v2  }
0xfb: {  	v0 =	vmin.f32 v0, v42;
	v3 =	vmax.f32 v3, v44;
	v1 =	vadd.f32 v46, v1  }
0xfc: {  	v0 =	vmin.f32 v0, v44;
	[tilespmem:s31+$0x8150] =	vst v3;
	v2 =	vadd.f32 v44, v2  }
0xfd: {  	[tilespmem:s31+$0x8550] =	vst v0;
	v1 =	vadd.f32 v47, v1  }
0xfe: {  	[tilespmem:s31+$0x8950] =	vst v2  }
0xff: {  	[tilespmem:s31+$0x8D50] =	vst v1  }
0x100: {  	v0 =	vld [tilespmem:s30+$0xFFFFFC60]  }
0x101: {  	v1 =	vld [tilespmem:s30+$0xFFFFFCE0];
	_ =	sdelay $0x1  }
0x102: {  	v2 =	vld [tilespmem:s30+$0xFFFFFD60];
	_ =	sdelay $0x1  }
0x103: {  	v3 =	vld [tilespmem:s30+$0xFFFFFDE0]  }
0x104: {  	v51 =	vld [tilespmem:s30+$0xFFFFFE60];
	v48 =	vmul.f32 v0, v0;
	v49 =	vmul.f32 v1, v1  }
0x105: {  	v53 =	vld [tilespmem:s30+$0xFFFFFEE0];
	v50 =	vadd.f32 v1, v0  }
0x106: {  	v55 =	vld [tilespmem:s30+$0xFFFFFF60];
	v52 =	vmul.f32 v2, v2;
	v4 =	vadd.f32 v49, v48  }
0x107: {  	v57 =	vld [tilespmem:s30+$0xFFFFFFE0];
	v6 =	vadd.f32 v2, v50  }
0x108: {  	v60 =	vld [tilespmem:s30+$0x60];
	v54 =	vmul.f32 v3, v3;
	v4 =	vadd.f32 v52, v4  }
0x109: {  	v13 =	vld [tilespmem:s30+$0xE0];
	v6 =	vadd.f32 v3, v6  }
0x10a: {  	v16 =	vld [tilespmem:s30+$0x160];
	v56 =	vmul.f32 v51, v51;
	v4 =	vadd.f32 v54, v4  }
0x10b: {  	v18 =	vld [tilespmem:s30+$0x1E0];
	v6 =	vadd.f32 v51, v6  }
0x10c: {  	v20 =	vld [tilespmem:s30+$0x260];
	v58 =	vmul.f32 v53, v53;
	v4 =	vadd.f32 v56, v4  }
0x10d: {  	v22 =	vld [tilespmem:s30+$0x2E0];
	v59 =	vmax.f32 v0, v1;
	v6 =	vadd.f32 v53, v6  }
0x10e: {  	v24 =	vld [tilespmem:s30+$0x360];
	v0 =	vmin.f32 v0, v1;
	v62 =	vmul.f32 v55, v55;
	v61 =	vadd.f32 v58, v4  }
0x10f: {  	v26 =	vld [tilespmem:s30+$0x3E0];
	v14 =	vmul.f32 v57, v57;
	v17 =	vmul.f32 v60, v60;
	v11 =	vadd.f32 v55, v6  }
0x110: {  	v19 =	vmul.f32 v13, v13;
	v21 =	vmul.f32 v16, v16;
	v1 =	vadd.f32 v62, v61  }
0x111: {  	v63 =	vmax.f32 v59, v2;
	v0 =	vmin.f32 v0, v2;
	v2 =	vadd.f32 v57, v11  }
0x112: {  	v23 =	vmul.f32 v18, v18;
	v25 =	vmul.f32 v20, v20;
	v1 =	vadd.f32 v14, v1  }
0x113: {  	v27 =	vmul.f32 v22, v22;
	v28 =	vmul.f32 v24, v24;
	v2 =	vadd.f32 v60, v2  }
0x114: {  	v29 =	vmul.f32 v26, v26;
	v5 =	vmax.f32 v63, v3;
	v1 =	vadd.f32 v17, v1  }
0x115: {  	v0 =	vmin.f32 v0, v3;
	v15 =	vmax.f32 v5, v51;
	v2 =	vadd.f32 v13, v2  }
0x116: {  	v0 =	vmin.f32 v0, v51;
	v3 =	vmax.f32 v15, v53;
	v1 =	vadd.f32 v19, v1  }
0x117: {  	v0 =	vmin.f32 v0, v53;
	v3 =	vmax.f32 v3, v55;
	v2 =	vadd.f32 v16, v2  }
0x118: {  	v0 =	vmin.f32 v0, v55;
	v3 =	vmax.f32 v3, v57;
	v1 =	vadd.f32 v21, v1  }
0x119: {  	v0 =	vmin.f32 v0, v57;
	v3 =	vmax.f32 v3, v60;
	v2 =	vadd.f32 v18, v2  }
0x11a: {  	v0 =	vmin.f32 v0, v60;
	v3 =	vmax.f32 v3, v13;
	v1 =	vadd.f32 v23, v1  }
0x11b: {  	v0 =	vmin.f32 v0, v13;
	v3 =	vmax.f32 v3, v16;
	v2 =	vadd.f32 v20, v2  }
0x11c: {  	v0 =	vmin.f32 v0, v16;
	v3 =	vmax.f32 v3, v18;
	v1 =	vadd.f32 v25, v1  }
0x11d: {  	v0 =	vmin.f32 v0, v18;
	v3 =	vmax.f32 v3, v20;
	v2 =	vadd.f32 v22, v2  }
0x11e: {  	v0 =	vmin.f32 v0, v20;
	v3 =	vmax.f32 v3, v22;
	v1 =	vadd.f32 v27, v1  }
0x11f: {  	v0 =	vmin.f32 v0, v22;
	v3 =	vmax.f32 v3, v24;
	v2 =	vadd.f32 v24, v2  }
0x120: {  	v0 =	vmin.f32 v0, v24;
	v3 =	vmax.f32 v3, v26;
	v1 =	vadd.f32 v28, v1  }
0x121: {  	v0 =	vmin.f32 v0, v26;
	[tilespmem:s31+$0x8160] =	vst v3;
	v2 =	vadd.f32 v26, v2  }
0x122: {  	[tilespmem:s31+$0x8560] =	vst v0;
	v1 =	vadd.f32 v29, v1  }
0x123: {  	[tilespmem:s31+$0x8960] =	vst v2  }
0x124: {  	[tilespmem:s31+$0x8D60] =	vst v1  }
0x125: {  	v0 =	vld [tilespmem:s30+$0xFFFFFC70]  }
0x126: {  	v1 =	vld [tilespmem:s30+$0xFFFFFCF0];
	_ =	sdelay $0x1  }
0x127: {  	v2 =	vld [tilespmem:s30+$0xFFFFFD70];
	_ =	sdelay $0x1  }
0x128: {  	v3 =	vld [tilespmem:s30+$0xFFFFFDF0]  }
0x129: {  	v33 =	vld [tilespmem:s30+$0xFFFFFE70];
	v30 =	vmul.f32 v0, v0;
	v31 =	vmul.f32 v1, v1  }
0x12a: {  	v35 =	vld [tilespmem:s30+$0xFFFFFEF0];
	v32 =	vadd.f32 v1, v0  }
0x12b: {  	v37 =	vld [tilespmem:s30+$0xFFFFFF70];
	v34 =	vmul.f32 v2, v2;
	v4 =	vadd.f32 v31, v30  }
0x12c: {  	v39 =	vld [tilespmem:s30+$0xFFFFFFF0];
	v6 =	vadd.f32 v2, v32  }
0x12d: {  	v42 =	vld [tilespmem:s30+$0x70];
	v36 =	vmul.f32 v3, v3;
	v4 =	vadd.f32 v34, v4  }
0x12e: {  	v47 =	vld [tilespmem:s30+$0xF0];
	v6 =	vadd.f32 v3, v6  }
0x12f: {  	v50 =	vld [tilespmem:s30+$0x170];
	v38 =	vmul.f32 v33, v33;
	v4 =	vadd.f32 v36, v4  }
0x130: {  	v52 =	vld [tilespmem:s30+$0x1F0];
	v6 =	vadd.f32 v33, v6  }
0x131: {  	v54 =	vld [tilespmem:s30+$0x270];
	v40 =	vmul.f32 v35, v35;
	v4 =	vadd.f32 v38, v4  }
0x132: {  	v56 =	vld [tilespmem:s30+$0x2F0];
	v41 =	vmax.f32 v0, v1;
	v6 =	vadd.f32 v35, v6  }
0x133: {  	v58 =	vld [tilespmem:s30+$0x370];
	v0 =	vmin.f32 v0, v1;
	v44 =	vmul.f32 v37, v37;
	v43 =	vadd.f32 v40, v4  }
0x134: {  	v60 =	vld [tilespmem:s30+$0x3F0];
	v48 =	vmul.f32 v39, v39;
	v51 =	vmul.f32 v42, v42;
	v46 =	vadd.f32 v37, v6  }
0x135: {  	v53 =	vmul.f32 v47, v47;
	v55 =	vmul.f32 v50, v50;
	v1 =	vadd.f32 v44, v43  }
0x136: {  	v45 =	vmax.f32 v41, v2;
	v0 =	vmin.f32 v0, v2;
	v2 =	vadd.f32 v39, v46  }
0x137: {  	v57 =	vmul.f32 v52, v52;
	v59 =	vmul.f32 v54, v54;
	v1 =	vadd.f32 v48, v1  }
0x138: {  	v61 =	vmul.f32 v56, v56;
	v62 =	vmul.f32 v58, v58;
	v2 =	vadd.f32 v42, v2  }
0x139: {  	v63 =	vmul.f32 v60, v60;
	v5 =	vmax.f32 v45, v3;
	v1 =	vadd.f32 v51, v1  }
0x13a: {  	v0 =	vmin.f32 v0, v3;
	v49 =	vmax.f32 v5, v33;
	v2 =	vadd.f32 v47, v2  }
0x13b: {  	v0 =	vmin.f32 v0, v33;
	v3 =	vmax.f32 v49, v35;
	v1 =	vadd.f32 v53, v1  }
0x13c: {  	v0 =	vmin.f32 v0, v35;
	v3 =	vmax.f32 v3, v37;
	v2 =	vadd.f32 v50, v2  }
0x13d: {  	v0 =	vmin.f32 v0, v37;
	v3 =	vmax.f32 v3, v39;
	v1 =	vadd.f32 v55, v1  }
0x13e: {  	v0 =	vmin.f32 v0, v39;
	v3 =	vmax.f32 v3, v42;
	v2 =	vadd.f32 v52, v2  }
0x13f: {  	v0 =	vmin.f32 v0, v42;
	v3 =	vmax.f32 v3, v47;
	v1 =	vadd.f32 v57, v1  }
0x140: {  	v0 =	vmin.f32 v0, v47;
	v3 =	vmax.f32 v3, v50;
	v2 =	vadd.f32 v54, v2  }
0x141: {  	v0 =	vmin.f32 v0, v50;
	v3 =	vmax.f32 v3, v52;
	v1 =	vadd.f32 v59, v1  }
0x142: {  	v0 =	vmin.f32 v0, v52;
	v3 =	vmax.f32 v3, v54;
	v2 =	vadd.f32 v56, v2  }
0x143: {  	v0 =	vmin.f32 v0, v54;
	v3 =	vmax.f32 v3, v56;
	v1 =	vadd.f32 v61, v1  }
0x144: {  	p0 =	sne.s32 s29, $0xE00;
	v0 =	vmin.f32 v0, v56;
	v3 =	vmax.f32 v3, v58;
	v2 =	vadd.f32 v58, v2  }
.Ltmp0:
0x145: {  	v0 =	vmin.f32 v0, v58;
	v3 =	vmax.f32 v3, v60;
	v1 =	vadd.f32 v62, v1;
	(pc) =	sbr.rel @p0 .LBB2_3-.Ltmp0, $4  }
0x146: {  	v0 =	vmin.f32 v0, v60;
	[tilespmem:s31+$0x8170] =	vst v3;
	v2 =	vadd.f32 v60, v2  }
0x147: {  	[tilespmem:s31+$0x8570] =	vst v0;
	v1 =	vadd.f32 v63, v1  }
0x148: {  	[tilespmem:s31+$0x8970] =	vst v2  }
0x149: {  	s29 =	sadd.s32 $0x200, s29;
	s30 =	sadd.s32 $0x800, s30;
	[tilespmem:s31+$0x8D70] =	vst v1  }
0x14a: {  	s29 =	sshll.u32 s25, $0xB  }
0x14b: {  	s29 =	sadd.s32 s11, s29  }
0x14c: {  	s29 =	sshrl.u32 s29, $0x3  }
0x14d: {  	s30 =	sadd.s32 s5, s29  }
0x14e: {  	[hbm4b:s30+s3] =	stream.linear.scatter [tilespmem:s19], [sflag:$0x3], $0x400, $0x38;
	[tilespmem:$0x9100] =	vst v63  }
0x14f: {  	_ =	swait.ge [sflag:s14], $0x400  }
0x150: {  	[sflag:s14] =	ssyncset.done $0x0  }
0x151: {  	s31 =	sadd.s32 s6, s29;
	[sflag:s14] =	ssyncadd.s32 $0xFFFFFC00  }
0x152: {  	[hbm4b:s31+s3] =	stream.linear.scatter [tilespmem:s20], [sflag:$0x3], $0x400, $0x38;
	[tilespmem:$0x9100] =	vst v63  }
0x153: {  	_ =	swait.ge [sflag:s14], $0x400  }
0x154: {  	[sflag:s14] =	ssyncset.done $0x0  }
0x155: {  	s31 =	sadd.s32 s8, s29;
	[sflag:s14] =	ssyncadd.s32 $0xFFFFFC00  }
0x156: {  	[hbm4b:s31+s3] =	stream.linear.scatter [tilespmem:s21], [sflag:$0x3], $0x400, $0x38;
	[tilespmem:$0x9100] =	vst v63  }
0x157: {  	_ =	swait.ge [sflag:s14], $0x400  }
0x158: {  	p0 =	seq.s32 s25, $0x13;
	[sflag:s14] =	ssyncset.done $0x0  }
0x159: {  	s28 =	sadd.s32 @!p0 s28, s12;
	s29 =	sadd.s32 s9, s29;
	[sflag:s14] =	ssyncadd.s32 $0xFFFFFC00  }
0x15a: {  	[hbm4b:s29+s3] =	stream.linear.scatter [tilespmem:s22], [sflag:$0x3], $0x400, $0x38;
	[tilespmem:$0x9100] =	vst v63  }
0x15b: {  	s28 =	sshll.u32 @!p0 s28, $0x4;
	_ =	swait.ge [sflag:s14], $0x400  }
0x15c: {  	s28 =	sand.u32 @!p0 $0x1FFFFFE0, s28;
	[sflag:s14] =	ssyncset.done $0x0  }
0x15d: {  	s28 =	sadd.s32 @!p0 s4, s28;
	s29 =	simm.s32 @!p0 $0x0;
	[sflag:s14] =	ssyncadd.s32 $0xFFFFFC00  }
0x15e: {  	[tilespmem:s29], [sflag:$0x3] =	stream.linear.gather @!p0 [hbm4b:s28+s29], $0x80, $0x38;
	[tilespmem:$0x9100] =	vst v63  }
0x15f: {  	s28 =	simm.s32 @!p0 $0x3  }
0x160: {  	_ =	swait.ge @!p0 [sflag:s28], $0x80  }
0x161: {  	[sflag:s28] =	ssyncset.done @!p0 $0x0  }
0x162: {  	[sflag:s28] =	ssyncadd.s32 @!p0 $0xFFFFFF80;
	s28 =	simm.s32 @!p0 $0x80  }
0x163: {  	[tilespmem:s28], [sflag:$0x1] =	stream.indirect.gather @!p0 [hbm4b:s1+s28], $0x80, s29, s28, $0xb8;
	[tilespmem:$0x9100] =	vst v63  }
0x164: {  	_ =	swait.ge [sflag:s23], $0x4000  }
0x165: {  	[sflag:s23] =	ssyncset.done $0x0  }
0x166: {  	s28 =	simm.s32 $0x0;
	s29 =	simm.s32 $0x4500;
	[sflag:s23] =	ssyncadd.s32 $0xFFFFC000  }
.LBB2_5:
0x167: {  	v0 =	vld [tilespmem:s29+$0xFFFFFC00]  }
0x168: {  	v1 =	vld [tilespmem:s29+$0xFFFFFC80];
	_ =	sdelay $0x1  }
0x169: {  	v2 =	vld [tilespmem:s29+$0xFFFFFD00];
	_ =	sdelay $0x1  }
0x16a: {  	v3 =	vld [tilespmem:s29+$0xFFFFFD80]  }
0x16b: {  	v7 =	vld [tilespmem:s29+$0xFFFFFE00];
	v4 =	vmul.f32 v0, v0;
	v5 =	vmul.f32 v1, v1  }
0x16c: {  	v8 =	vld [tilespmem:s29+$0xFFFFFE80];
	v6 =	vadd.f32 v1, v0  }
0x16d: {  	v9 =	vld [tilespmem:s29+$0xFFFFFF00];
	v60 =	vmul.f32 v2, v2;
	v4 =	vadd.f32 v5, v4  }
0x16e: {  	v10 =	vld [tilespmem:s29+$0xFFFFFF80];
	v6 =	vadd.f32 v2, v6  }
0x16f: {  	v12 =	vld [tilespmem:s29+$0x0];
	v61 =	vmul.f32 v3, v3;
	v4 =	vadd.f32 v60, v4  }
0x170: {  	v20 =	vld [tilespmem:s29+$0x80];
	v6 =	vadd.f32 v3, v6  }
0x171: {  	v23 =	vld [tilespmem:s29+$0x100];
	v62 =	vmul.f32 v7, v7;
	v4 =	vadd.f32 v61, v4  }
0x172: {  	v25 =	vld [tilespmem:s29+$0x180];
	v6 =	vadd.f32 v7, v6  }
0x173: {  	v27 =	vld [tilespmem:s29+$0x200];
	v63 =	vmul.f32 v8, v8;
	v4 =	vadd.f32 v62, v4  }
0x174: {  	v29 =	vld [tilespmem:s29+$0x280];
	v11 =	vmax.f32 v0, v1;
	v6 =	vadd.f32 v8, v6  }
0x175: {  	v31 =	vld [tilespmem:s29+$0x300];
	v0 =	vmin.f32 v0, v1;
	v17 =	vmul.f32 v9, v9;
	v16 =	vadd.f32 v63, v4  }
0x176: {  	v33 =	vld [tilespmem:s29+$0x380];
	v21 =	vmul.f32 v10, v10;
	v24 =	vmul.f32 v12, v12;
	v19 =	vadd.f32 v9, v6  }
0x177: {  	v26 =	vmul.f32 v20, v20;
	v28 =	vmul.f32 v23, v23;
	v1 =	vadd.f32 v17, v16  }
0x178: {  	v18 =	vmax.f32 v11, v2;
	v0 =	vmin.f32 v0, v2;
	v2 =	vadd.f32 v10, v19  }
0x179: {  	v30 =	vmul.f32 v25, v25;
	v32 =	vmul.f32 v27, v27;
	v1 =	vadd.f32 v21, v1  }
0x17a: {  	v34 =	vmul.f32 v29, v29;
	v35 =	vmul.f32 v31, v31;
	v2 =	vadd.f32 v12, v2  }
0x17b: {  	v36 =	vmul.f32 v33, v33;
	v5 =	vmax.f32 v18, v3;
	v1 =	vadd.f32 v24, v1  }
0x17c: {  	v0 =	vmin.f32 v0, v3;
	v22 =	vmax.f32 v5, v7;
	v2 =	vadd.f32 v20, v2  }
0x17d: {  	v0 =	vmin.f32 v0, v7;
	v3 =	vmax.f32 v22, v8;
	v1 =	vadd.f32 v26, v1  }
0x17e: {  	v0 =	vmin.f32 v0, v8;
	v3 =	vmax.f32 v3, v9;
	v2 =	vadd.f32 v23, v2  }
0x17f: {  	v0 =	vmin.f32 v0, v9;
	v3 =	vmax.f32 v3, v10;
	v1 =	vadd.f32 v28, v1  }
0x180: {  	v0 =	vmin.f32 v0, v10;
	v3 =	vmax.f32 v3, v12;
	v2 =	vadd.f32 v25, v2  }
0x181: {  	v0 =	vmin.f32 v0, v12;
	v3 =	vmax.f32 v3, v20;
	v1 =	vadd.f32 v30, v1  }
0x182: {  	v0 =	vmin.f32 v0, v20;
	v3 =	vmax.f32 v3, v23;
	v2 =	vadd.f32 v27, v2  }
0x183: {  	v0 =	vmin.f32 v0, v23;
	v3 =	vmax.f32 v3, v25;
	v1 =	vadd.f32 v32, v1  }
0x184: {  	v0 =	vmin.f32 v0, v25;
	v3 =	vmax.f32 v3, v27;
	v2 =	vadd.f32 v29, v2  }
0x185: {  	v0 =	vmin.f32 v0, v27;
	v3 =	vmax.f32 v3, v29;
	v1 =	vadd.f32 v34, v1  }
0x186: {  	v0 =	vmin.f32 v0, v29;
	v3 =	vmax.f32 v3, v31;
	v2 =	vadd.f32 v31, v2  }
0x187: {  	s30 =	sshra.s32 s28, $0x2;
	v0 =	vmin.f32 v0, v31;
	v3 =	vmax.f32 v3, v33;
	v1 =	vadd.f32 v35, v1  }
0x188: {  	v0 =	vmin.f32 v0, v33;
	[tilespmem:s30+$0x8100] =	vst v3;
	v2 =	vadd.f32 v33, v2  }
0x189: {  	[tilespmem:s30+$0x8500] =	vst v0;
	v1 =	vadd.f32 v36, v1  }
0x18a: {  	[tilespmem:s30+$0x8900] =	vst v2  }
0x18b: {  	[tilespmem:s30+$0x8D00] =	vst v1  }
0x18c: {  	v0 =	vld [tilespmem:s29+$0xFFFFFC10]  }
0x18d: {  	v1 =	vld [tilespmem:s29+$0xFFFFFC90];
	_ =	sdelay $0x1  }
0x18e: {  	v2 =	vld [tilespmem:s29+$0xFFFFFD10];
	_ =	sdelay $0x1  }
0x18f: {  	v3 =	vld [tilespmem:s29+$0xFFFFFD90]  }
0x190: {  	v40 =	vld [tilespmem:s29+$0xFFFFFE10];
	v37 =	vmul.f32 v0, v0;
	v38 =	vmul.f32 v1, v1  }
0x191: {  	v42 =	vld [tilespmem:s29+$0xFFFFFE90];
	v39 =	vadd.f32 v1, v0  }
0x192: {  	v44 =	vld [tilespmem:s29+$0xFFFFFF10];
	v41 =	vmul.f32 v2, v2;
	v4 =	vadd.f32 v38, v37  }
0x193: {  	v46 =	vld [tilespmem:s29+$0xFFFFFF90];
	v6 =	vadd.f32 v2, v39  }
0x194: {  	v49 =	vld [tilespmem:s29+$0x10];
	v43 =	vmul.f32 v3, v3;
	v4 =	vadd.f32 v41, v4  }
0x195: {  	v54 =	vld [tilespmem:s29+$0x90];
	v6 =	vadd.f32 v3, v6  }
0x196: {  	v57 =	vld [tilespmem:s29+$0x110];
	v45 =	vmul.f32 v40, v40;
	v4 =	vadd.f32 v43, v4  }
0x197: {  	v59 =	vld [tilespmem:s29+$0x190];
	v6 =	vadd.f32 v40, v6  }
0x198: {  	v61 =	vld [tilespmem:s29+$0x210];
	v47 =	vmul.f32 v42, v42;
	v4 =	vadd.f32 v45, v4  }
0x199: {  	v63 =	vld [tilespmem:s29+$0x290];
	v48 =	vmax.f32 v0, v1;
	v6 =	vadd.f32 v42, v6  }
0x19a: {  	v11 =	vld [tilespmem:s29+$0x310];
	v0 =	vmin.f32 v0, v1;
	v51 =	vmul.f32 v44, v44;
	v50 =	vadd.f32 v47, v4  }
0x19b: {  	v13 =	vld [tilespmem:s29+$0x390];
	v55 =	vmul.f32 v46, v46;
	v58 =	vmul.f32 v49, v49;
	v53 =	vadd.f32 v44, v6  }
0x19c: {  	v60 =	vmul.f32 v54, v54;
	v62 =	vmul.f32 v57, v57;
	v1 =	vadd.f32 v51, v50  }
0x19d: {  	v52 =	vmax.f32 v48, v2;
	v0 =	vmin.f32 v0, v2;
	v2 =	vadd.f32 v46, v53  }
0x19e: {  	v10 =	vmul.f32 v59, v59;
	v12 =	vmul.f32 v61, v61;
	v1 =	vadd.f32 v55, v1  }
0x19f: {  	v14 =	vmul.f32 v63, v63;
	v15 =	vmul.f32 v11, v11;
	v2 =	vadd.f32 v49, v2  }
0x1a0: {  	v16 =	vmul.f32 v13, v13;
	v5 =	vmax.f32 v52, v3;
	v1 =	vadd.f32 v58, v1  }
0x1a1: {  	v0 =	vmin.f32 v0, v3;
	v56 =	vmax.f32 v5, v40;
	v2 =	vadd.f32 v54, v2  }
0x1a2: {  	v0 =	vmin.f32 v0, v40;
	v3 =	vmax.f32 v56, v42;
	v1 =	vadd.f32 v60, v1  }
0x1a3: {  	v0 =	vmin.f32 v0, v42;
	v3 =	vmax.f32 v3, v44;
	v2 =	vadd.f32 v57, v2  }
0x1a4: {  	v0 =	vmin.f32 v0, v44;
	v3 =	vmax.f32 v3, v46;
	v1 =	vadd.f32 v62, v1  }
0x1a5: {  	v0 =	vmin.f32 v0, v46;
	v3 =	vmax.f32 v3, v49;
	v2 =	vadd.f32 v59, v2  }
0x1a6: {  	v0 =	vmin.f32 v0, v49;
	v3 =	vmax.f32 v3, v54;
	v1 =	vadd.f32 v10, v1  }
0x1a7: {  	v0 =	vmin.f32 v0, v54;
	v3 =	vmax.f32 v3, v57;
	v2 =	vadd.f32 v61, v2  }
0x1a8: {  	v0 =	vmin.f32 v0, v57;
	v3 =	vmax.f32 v3, v59;
	v1 =	vadd.f32 v12, v1  }
0x1a9: {  	v0 =	vmin.f32 v0, v59;
	v3 =	vmax.f32 v3, v61;
	v2 =	vadd.f32 v63, v2  }
0x1aa: {  	v0 =	vmin.f32 v0, v61;
	v3 =	vmax.f32 v3, v63;
	v1 =	vadd.f32 v14, v1  }
0x1ab: {  	v0 =	vmin.f32 v0, v63;
	v3 =	vmax.f32 v3, v11;
	v2 =	vadd.f32 v11, v2  }
0x1ac: {  	v0 =	vmin.f32 v0, v11;
	v3 =	vmax.f32 v3, v13;
	v1 =	vadd.f32 v15, v1  }
0x1ad: {  	v0 =	vmin.f32 v0, v13;
	[tilespmem:s30+$0x8110] =	vst v3;
	v2 =	vadd.f32 v13, v2  }
0x1ae: {  	[tilespmem:s30+$0x8510] =	vst v0;
	v1 =	vadd.f32 v16, v1  }
0x1af: {  	[tilespmem:s30+$0x8910] =	vst v2  }
0x1b0: {  	[tilespmem:s30+$0x8D10] =	vst v1  }
0x1b1: {  	v0 =	vld [tilespmem:s29+$0xFFFFFC20]  }
0x1b2: {  	v1 =	vld [tilespmem:s29+$0xFFFFFCA0];
	_ =	sdelay $0x1  }
0x1b3: {  	v2 =	vld [tilespmem:s29+$0xFFFFFD20];
	_ =	sdelay $0x1  }
0x1b4: {  	v3 =	vld [tilespmem:s29+$0xFFFFFDA0]  }
0x1b5: {  	v20 =	vld [tilespmem:s29+$0xFFFFFE20];
	v17 =	vmul.f32 v0, v0;
	v18 =	vmul.f32 v1, v1  }
0x1b6: {  	v22 =	vld [tilespmem:s29+$0xFFFFFEA0];
	v19 =	vadd.f32 v1, v0  }
0x1b7: {  	v24 =	vld [tilespmem:s29+$0xFFFFFF20];
	v21 =	vmul.f32 v2, v2;
	v4 =	vadd.f32 v18, v17  }
0x1b8: {  	v26 =	vld [tilespmem:s29+$0xFFFFFFA0];
	v6 =	vadd.f32 v2, v19  }
0x1b9: {  	v29 =	vld [tilespmem:s29+$0x20];
	v23 =	vmul.f32 v3, v3;
	v4 =	vadd.f32 v21, v4  }
0x1ba: {  	v34 =	vld [tilespmem:s29+$0xA0];
	v6 =	vadd.f32 v3, v6  }
0x1bb: {  	v37 =	vld [tilespmem:s29+$0x120];
	v25 =	vmul.f32 v20, v20;
	v4 =	vadd.f32 v23, v4  }
0x1bc: {  	v39 =	vld [tilespmem:s29+$0x1A0];
	v6 =	vadd.f32 v20, v6  }
0x1bd: {  	v41 =	vld [tilespmem:s29+$0x220];
	v27 =	vmul.f32 v22, v22;
	v4 =	vadd.f32 v25, v4  }
0x1be: {  	v43 =	vld [tilespmem:s29+$0x2A0];
	v28 =	vmax.f32 v0, v1;
	v6 =	vadd.f32 v22, v6  }
0x1bf: {  	v45 =	vld [tilespmem:s29+$0x320];
	v0 =	vmin.f32 v0, v1;
	v31 =	vmul.f32 v24, v24;
	v30 =	vadd.f32 v27, v4  }
0x1c0: {  	v47 =	vld [tilespmem:s29+$0x3A0];
	v35 =	vmul.f32 v26, v26;
	v38 =	vmul.f32 v29, v29;
	v33 =	vadd.f32 v24, v6  }
0x1c1: {  	v40 =	vmul.f32 v34, v34;
	v42 =	vmul.f32 v37, v37;
	v1 =	vadd.f32 v31, v30  }
0x1c2: {  	v32 =	vmax.f32 v28, v2;
	v0 =	vmin.f32 v0, v2;
	v2 =	vadd.f32 v26, v33  }
0x1c3: {  	v44 =	vmul.f32 v39, v39;
	v46 =	vmul.f32 v41, v41;
	v1 =	vadd.f32 v35, v1  }
0x1c4: {  	v48 =	vmul.f32 v43, v43;
	v49 =	vmul.f32 v45, v45;
	v2 =	vadd.f32 v29, v2  }
0x1c5: {  	v50 =	vmul.f32 v47, v47;
	v5 =	vmax.f32 v32, v3;
	v1 =	vadd.f32 v38, v1  }
0x1c6: {  	v0 =	vmin.f32 v0, v3;
	v36 =	vmax.f32 v5, v20;
	v2 =	vadd.f32 v34, v2  }
0x1c7: {  	v0 =	vmin.f32 v0, v20;
	v3 =	vmax.f32 v36, v22;
	v1 =	vadd.f32 v40, v1  }
0x1c8: {  	v0 =	vmin.f32 v0, v22;
	v3 =	vmax.f32 v3, v24;
	v2 =	vadd.f32 v37, v2  }
0x1c9: {  	v0 =	vmin.f32 v0, v24;
	v3 =	vmax.f32 v3, v26;
	v1 =	vadd.f32 v42, v1  }
0x1ca: {  	v0 =	vmin.f32 v0, v26;
	v3 =	vmax.f32 v3, v29;
	v2 =	vadd.f32 v39, v2  }
0x1cb: {  	v0 =	vmin.f32 v0, v29;
	v3 =	vmax.f32 v3, v34;
	v1 =	vadd.f32 v44, v1  }
0x1cc: {  	v0 =	vmin.f32 v0, v34;
	v3 =	vmax.f32 v3, v37;
	v2 =	vadd.f32 v41, v2  }
0x1cd: {  	v0 =	vmin.f32 v0, v37;
	v3 =	vmax.f32 v3, v39;
	v1 =	vadd.f32 v46, v1  }
0x1ce: {  	v0 =	vmin.f32 v0, v39;
	v3 =	vmax.f32 v3, v41;
	v2 =	vadd.f32 v43, v2  }
0x1cf: {  	v0 =	vmin.f32 v0, v41;
	v3 =	vmax.f32 v3, v43;
	v1 =	vadd.f32 v48, v1  }
0x1d0: {  	v0 =	vmin.f32 v0, v43;
	v3 =	vmax.f32 v3, v45;
	v2 =	vadd.f32 v45, v2  }
0x1d1: {  	v0 =	vmin.f32 v0, v45;
	v3 =	vmax.f32 v3, v47;
	v1 =	vadd.f32 v49, v1  }
0x1d2: {  	v0 =	vmin.f32 v0, v47;
	[tilespmem:s30+$0x8120] =	vst v3;
	v2 =	vadd.f32 v47, v2  }
0x1d3: {  	[tilespmem:s30+$0x8520] =	vst v0;
	v1 =	vadd.f32 v50, v1  }
0x1d4: {  	[tilespmem:s30+$0x8920] =	vst v2  }
0x1d5: {  	[tilespmem:s30+$0x8D20] =	vst v1  }
0x1d6: {  	v0 =	vld [tilespmem:s29+$0xFFFFFC30]  }
0x1d7: {  	v1 =	vld [tilespmem:s29+$0xFFFFFCB0];
	_ =	sdelay $0x1  }
0x1d8: {  	v2 =	vld [tilespmem:s29+$0xFFFFFD30];
	_ =	sdelay $0x1  }
0x1d9: {  	v3 =	vld [tilespmem:s29+$0xFFFFFDB0]  }
0x1da: {  	v54 =	vld [tilespmem:s29+$0xFFFFFE30];
	v51 =	vmul.f32 v0, v0;
	v52 =	vmul.f32 v1, v1  }
0x1db: {  	v56 =	vld [tilespmem:s29+$0xFFFFFEB0];
	v53 =	vadd.f32 v1, v0  }
0x1dc: {  	v58 =	vld [tilespmem:s29+$0xFFFFFF30];
	v55 =	vmul.f32 v2, v2;
	v4 =	vadd.f32 v52, v51  }
0x1dd: {  	v60 =	vld [tilespmem:s29+$0xFFFFFFB0];
	v6 =	vadd.f32 v2, v53  }
0x1de: {  	v63 =	vld [tilespmem:s29+$0x30];
	v57 =	vmul.f32 v3, v3;
	v4 =	vadd.f32 v55, v4  }
0x1df: {  	v17 =	vld [tilespmem:s29+$0xB0];
	v6 =	vadd.f32 v3, v6  }
0x1e0: {  	v20 =	vld [tilespmem:s29+$0x130];
	v59 =	vmul.f32 v54, v54;
	v4 =	vadd.f32 v57, v4  }
0x1e1: {  	v22 =	vld [tilespmem:s29+$0x1B0];
	v6 =	vadd.f32 v54, v6  }
0x1e2: {  	v24 =	vld [tilespmem:s29+$0x230];
	v61 =	vmul.f32 v56, v56;
	v4 =	vadd.f32 v59, v4  }
0x1e3: {  	v26 =	vld [tilespmem:s29+$0x2B0];
	v62 =	vmax.f32 v0, v1;
	v6 =	vadd.f32 v56, v6  }
0x1e4: {  	v28 =	vld [tilespmem:s29+$0x330];
	v0 =	vmin.f32 v0, v1;
	v14 =	vmul.f32 v58, v58;
	v13 =	vadd.f32 v61, v4  }
0x1e5: {  	v30 =	vld [tilespmem:s29+$0x3B0];
	v18 =	vmul.f32 v60, v60;
	v21 =	vmul.f32 v63, v63;
	v16 =	vadd.f32 v58, v6  }
0x1e6: {  	v23 =	vmul.f32 v17, v17;
	v25 =	vmul.f32 v20, v20;
	v1 =	vadd.f32 v14, v13  }
0x1e7: {  	v15 =	vmax.f32 v62, v2;
	v0 =	vmin.f32 v0, v2;
	v2 =	vadd.f32 v60, v16  }
0x1e8: {  	v27 =	vmul.f32 v22, v22;
	v29 =	vmul.f32 v24, v24;
	v1 =	vadd.f32 v18, v1  }
0x1e9: {  	v31 =	vmul.f32 v26, v26;
	v32 =	vmul.f32 v28, v28;
	v2 =	vadd.f32 v63, v2  }
0x1ea: {  	v33 =	vmul.f32 v30, v30;
	v5 =	vmax.f32 v15, v3;
	v1 =	vadd.f32 v21, v1  }
0x1eb: {  	v0 =	vmin.f32 v0, v3;
	v19 =	vmax.f32 v5, v54;
	v2 =	vadd.f32 v17, v2  }
0x1ec: {  	v0 =	vmin.f32 v0, v54;
	v3 =	vmax.f32 v19, v56;
	v1 =	vadd.f32 v23, v1  }
0x1ed: {  	v0 =	vmin.f32 v0, v56;
	v3 =	vmax.f32 v3, v58;
	v2 =	vadd.f32 v20, v2  }
0x1ee: {  	v0 =	vmin.f32 v0, v58;
	v3 =	vmax.f32 v3, v60;
	v1 =	vadd.f32 v25, v1  }
0x1ef: {  	v0 =	vmin.f32 v0, v60;
	v3 =	vmax.f32 v3, v63;
	v2 =	vadd.f32 v22, v2  }
0x1f0: {  	v0 =	vmin.f32 v0, v63;
	v3 =	vmax.f32 v3, v17;
	v1 =	vadd.f32 v27, v1  }
0x1f1: {  	v0 =	vmin.f32 v0, v17;
	v3 =	vmax.f32 v3, v20;
	v2 =	vadd.f32 v24, v2  }
0x1f2: {  	v0 =	vmin.f32 v0, v20;
	v3 =	vmax.f32 v3, v22;
	v1 =	vadd.f32 v29, v1  }
0x1f3: {  	v0 =	vmin.f32 v0, v22;
	v3 =	vmax.f32 v3, v24;
	v2 =	vadd.f32 v26, v2  }
0x1f4: {  	v0 =	vmin.f32 v0, v24;
	v3 =	vmax.f32 v3, v26;
	v1 =	vadd.f32 v31, v1  }
0x1f5: {  	v0 =	vmin.f32 v0, v26;
	v3 =	vmax.f32 v3, v28;
	v2 =	vadd.f32 v28, v2  }
0x1f6: {  	v0 =	vmin.f32 v0, v28;
	v3 =	vmax.f32 v3, v30;
	v1 =	vadd.f32 v32, v1  }
0x1f7: {  	v0 =	vmin.f32 v0, v30;
	[tilespmem:s30+$0x8130] =	vst v3;
	v2 =	vadd.f32 v30, v2  }
0x1f8: {  	[tilespmem:s30+$0x8530] =	vst v0;
	v1 =	vadd.f32 v33, v1  }
0x1f9: {  	[tilespmem:s30+$0x8930] =	vst v2  }
0x1fa: {  	[tilespmem:s30+$0x8D30] =	vst v1  }
0x1fb: {  	v0 =	vld [tilespmem:s29+$0xFFFFFC40]  }
0x1fc: {  	v1 =	vld [tilespmem:s29+$0xFFFFFCC0];
	_ =	sdelay $0x1  }
0x1fd: {  	v2 =	vld [tilespmem:s29+$0xFFFFFD40];
	_ =	sdelay $0x1  }
0x1fe: {  	v3 =	vld [tilespmem:s29+$0xFFFFFDC0]  }
0x1ff: {  	v37 =	vld [tilespmem:s29+$0xFFFFFE40];
	v34 =	vmul.f32 v0, v0;
	v35 =	vmul.f32 v1, v1  }
0x200: {  	v39 =	vld [tilespmem:s29+$0xFFFFFEC0];
	v36 =	vadd.f32 v1, v0  }
0x201: {  	v41 =	vld [tilespmem:s29+$0xFFFFFF40];
	v38 =	vmul.f32 v2, v2;
	v4 =	vadd.f32 v35, v34  }
0x202: {  	v43 =	vld [tilespmem:s29+$0xFFFFFFC0];
	v6 =	vadd.f32 v2, v36  }
0x203: {  	v46 =	vld [tilespmem:s29+$0x40];
	v40 =	vmul.f32 v3, v3;
	v4 =	vadd.f32 v38, v4  }
0x204: {  	v51 =	vld [tilespmem:s29+$0xC0];
	v6 =	vadd.f32 v3, v6  }
0x205: {  	v54 =	vld [tilespmem:s29+$0x140];
	v42 =	vmul.f32 v37, v37;
	v4 =	vadd.f32 v40, v4  }
0x206: {  	v56 =	vld [tilespmem:s29+$0x1C0];
	v6 =	vadd.f32 v37, v6  }
0x207: {  	v58 =	vld [tilespmem:s29+$0x240];
	v44 =	vmul.f32 v39, v39;
	v4 =	vadd.f32 v42, v4  }
0x208: {  	v60 =	vld [tilespmem:s29+$0x2C0];
	v45 =	vmax.f32 v0, v1;
	v6 =	vadd.f32 v39, v6  }
0x209: {  	v62 =	vld [tilespmem:s29+$0x340];
	v0 =	vmin.f32 v0, v1;
	v48 =	vmul.f32 v41, v41;
	v47 =	vadd.f32 v44, v4  }
0x20a: {  	v10 =	vld [tilespmem:s29+$0x3C0];
	v52 =	vmul.f32 v43, v43;
	v55 =	vmul.f32 v46, v46;
	v50 =	vadd.f32 v41, v6  }
0x20b: {  	v57 =	vmul.f32 v51, v51;
	v59 =	vmul.f32 v54, v54;
	v1 =	vadd.f32 v48, v47  }
0x20c: {  	v49 =	vmax.f32 v45, v2;
	v0 =	vmin.f32 v0, v2;
	v2 =	vadd.f32 v43, v50  }
0x20d: {  	v61 =	vmul.f32 v56, v56;
	v63 =	vmul.f32 v58, v58;
	v1 =	vadd.f32 v52, v1  }
0x20e: {  	v11 =	vmul.f32 v60, v60;
	v12 =	vmul.f32 v62, v62;
	v2 =	vadd.f32 v46, v2  }
0x20f: {  	v13 =	vmul.f32 v10, v10;
	v5 =	vmax.f32 v49, v3;
	v1 =	vadd.f32 v55, v1  }
0x210: {  	v0 =	vmin.f32 v0, v3;
	v53 =	vmax.f32 v5, v37;
	v2 =	vadd.f32 v51, v2  }
0x211: {  	v0 =	vmin.f32 v0, v37;
	v3 =	vmax.f32 v53, v39;
	v1 =	vadd.f32 v57, v1  }
0x212: {  	v0 =	vmin.f32 v0, v39;
	v3 =	vmax.f32 v3, v41;
	v2 =	vadd.f32 v54, v2  }
0x213: {  	v0 =	vmin.f32 v0, v41;
	v3 =	vmax.f32 v3, v43;
	v1 =	vadd.f32 v59, v1  }
0x214: {  	v0 =	vmin.f32 v0, v43;
	v3 =	vmax.f32 v3, v46;
	v2 =	vadd.f32 v56, v2  }
0x215: {  	v0 =	vmin.f32 v0, v46;
	v3 =	vmax.f32 v3, v51;
	v1 =	vadd.f32 v61, v1  }
0x216: {  	v0 =	vmin.f32 v0, v51;
	v3 =	vmax.f32 v3, v54;
	v2 =	vadd.f32 v58, v2  }
0x217: {  	v0 =	vmin.f32 v0, v54;
	v3 =	vmax.f32 v3, v56;
	v1 =	vadd.f32 v63, v1  }
0x218: {  	v0 =	vmin.f32 v0, v56;
	v3 =	vmax.f32 v3, v58;
	v2 =	vadd.f32 v60, v2  }
0x219: {  	v0 =	vmin.f32 v0, v58;
	v3 =	vmax.f32 v3, v60;
	v1 =	vadd.f32 v11, v1  }
0x21a: {  	v0 =	vmin.f32 v0, v60;
	v3 =	vmax.f32 v3, v62;
	v2 =	vadd.f32 v62, v2  }
0x21b: {  	v0 =	vmin.f32 v0, v62;
	v3 =	vmax.f32 v3, v10;
	v1 =	vadd.f32 v12, v1  }
0x21c: {  	v0 =	vmin.f32 v0, v10;
	[tilespmem:s30+$0x8140] =	vst v3;
	v2 =	vadd.f32 v10, v2  }
0x21d: {  	[tilespmem:s30+$0x8540] =	vst v0;
	v1 =	vadd.f32 v13, v1  }
0x21e: {  	[tilespmem:s30+$0x8940] =	vst v2  }
0x21f: {  	[tilespmem:s30+$0x8D40] =	vst v1  }
0x220: {  	v0 =	vld [tilespmem:s29+$0xFFFFFC50]  }
0x221: {  	v1 =	vld [tilespmem:s29+$0xFFFFFCD0];
	_ =	sdelay $0x1  }
0x222: {  	v2 =	vld [tilespmem:s29+$0xFFFFFD50];
	_ =	sdelay $0x1  }
0x223: {  	v3 =	vld [tilespmem:s29+$0xFFFFFDD0]  }
0x224: {  	v17 =	vld [tilespmem:s29+$0xFFFFFE50];
	v14 =	vmul.f32 v0, v0;
	v15 =	vmul.f32 v1, v1  }
0x225: {  	v19 =	vld [tilespmem:s29+$0xFFFFFED0];
	v16 =	vadd.f32 v1, v0  }
0x226: {  	v21 =	vld [tilespmem:s29+$0xFFFFFF50];
	v18 =	vmul.f32 v2, v2;
	v4 =	vadd.f32 v15, v14  }
0x227: {  	v23 =	vld [tilespmem:s29+$0xFFFFFFD0];
	v6 =	vadd.f32 v2, v16  }
0x228: {  	v26 =	vld [tilespmem:s29+$0x50];
	v20 =	vmul.f32 v3, v3;
	v4 =	vadd.f32 v18, v4  }
0x229: {  	v31 =	vld [tilespmem:s29+$0xD0];
	v6 =	vadd.f32 v3, v6  }
0x22a: {  	v34 =	vld [tilespmem:s29+$0x150];
	v22 =	vmul.f32 v17, v17;
	v4 =	vadd.f32 v20, v4  }
0x22b: {  	v36 =	vld [tilespmem:s29+$0x1D0];
	v6 =	vadd.f32 v17, v6  }
0x22c: {  	v38 =	vld [tilespmem:s29+$0x250];
	v24 =	vmul.f32 v19, v19;
	v4 =	vadd.f32 v22, v4  }
0x22d: {  	v40 =	vld [tilespmem:s29+$0x2D0];
	v25 =	vmax.f32 v0, v1;
	v6 =	vadd.f32 v19, v6  }
0x22e: {  	v42 =	vld [tilespmem:s29+$0x350];
	v0 =	vmin.f32 v0, v1;
	v28 =	vmul.f32 v21, v21;
	v27 =	vadd.f32 v24, v4  }
0x22f: {  	v44 =	vld [tilespmem:s29+$0x3D0];
	v32 =	vmul.f32 v23, v23;
	v35 =	vmul.f32 v26, v26;
	v30 =	vadd.f32 v21, v6  }
0x230: {  	v37 =	vmul.f32 v31, v31;
	v39 =	vmul.f32 v34, v34;
	v1 =	vadd.f32 v28, v27  }
0x231: {  	v29 =	vmax.f32 v25, v2;
	v0 =	vmin.f32 v0, v2;
	v2 =	vadd.f32 v23, v30  }
0x232: {  	v41 =	vmul.f32 v36, v36;
	v43 =	vmul.f32 v38, v38;
	v1 =	vadd.f32 v32, v1  }
0x233: {  	v45 =	vmul.f32 v40, v40;
	v46 =	vmul.f32 v42, v42;
	v2 =	vadd.f32 v26, v2  }
0x234: {  	v47 =	vmul.f32 v44, v44;
	v5 =	vmax.f32 v29, v3;
	v1 =	vadd.f32 v35, v1  }
0x235: {  	v0 =	vmin.f32 v0, v3;
	v33 =	vmax.f32 v5, v17;
	v2 =	vadd.f32 v31, v2  }
0x236: {  	v0 =	vmin.f32 v0, v17;
	v3 =	vmax.f32 v33, v19;
	v1 =	vadd.f32 v37, v1  }
0x237: {  	v0 =	vmin.f32 v0, v19;
	v3 =	vmax.f32 v3, v21;
	v2 =	vadd.f32 v34, v2  }
0x238: {  	v0 =	vmin.f32 v0, v21;
	v3 =	vmax.f32 v3, v23;
	v1 =	vadd.f32 v39, v1  }
0x239: {  	v0 =	vmin.f32 v0, v23;
	v3 =	vmax.f32 v3, v26;
	v2 =	vadd.f32 v36, v2  }
0x23a: {  	v0 =	vmin.f32 v0, v26;
	v3 =	vmax.f32 v3, v31;
	v1 =	vadd.f32 v41, v1  }
0x23b: {  	v0 =	vmin.f32 v0, v31;
	v3 =	vmax.f32 v3, v34;
	v2 =	vadd.f32 v38, v2  }
0x23c: {  	v0 =	vmin.f32 v0, v34;
	v3 =	vmax.f32 v3, v36;
	v1 =	vadd.f32 v43, v1  }
0x23d: {  	v0 =	vmin.f32 v0, v36;
	v3 =	vmax.f32 v3, v38;
	v2 =	vadd.f32 v40, v2  }
0x23e: {  	v0 =	vmin.f32 v0, v38;
	v3 =	vmax.f32 v3, v40;
	v1 =	vadd.f32 v45, v1  }
0x23f: {  	v0 =	vmin.f32 v0, v40;
	v3 =	vmax.f32 v3, v42;
	v2 =	vadd.f32 v42, v2  }
0x240: {  	v0 =	vmin.f32 v0, v42;
	v3 =	vmax.f32 v3, v44;
	v1 =	vadd.f32 v46, v1  }
0x241: {  	v0 =	vmin.f32 v0, v44;
	[tilespmem:s30+$0x8150] =	vst v3;
	v2 =	vadd.f32 v44, v2  }
0x242: {  	[tilespmem:s30+$0x8550] =	vst v0;
	v1 =	vadd.f32 v47, v1  }
0x243: {  	[tilespmem:s30+$0x8950] =	vst v2  }
0x244: {  	[tilespmem:s30+$0x8D50] =	vst v1  }
0x245: {  	v0 =	vld [tilespmem:s29+$0xFFFFFC60]  }
0x246: {  	v1 =	vld [tilespmem:s29+$0xFFFFFCE0];
	_ =	sdelay $0x1  }
0x247: {  	v2 =	vld [tilespmem:s29+$0xFFFFFD60];
	_ =	sdelay $0x1  }
0x248: {  	v3 =	vld [tilespmem:s29+$0xFFFFFDE0]  }
0x249: {  	v51 =	vld [tilespmem:s29+$0xFFFFFE60];
	v48 =	vmul.f32 v0, v0;
	v49 =	vmul.f32 v1, v1  }
0x24a: {  	v53 =	vld [tilespmem:s29+$0xFFFFFEE0];
	v50 =	vadd.f32 v1, v0  }
0x24b: {  	v55 =	vld [tilespmem:s29+$0xFFFFFF60];
	v52 =	vmul.f32 v2, v2;
	v4 =	vadd.f32 v49, v48  }
0x24c: {  	v57 =	vld [tilespmem:s29+$0xFFFFFFE0];
	v6 =	vadd.f32 v2, v50  }
0x24d: {  	v60 =	vld [tilespmem:s29+$0x60];
	v54 =	vmul.f32 v3, v3;
	v4 =	vadd.f32 v52, v4  }
0x24e: {  	v13 =	vld [tilespmem:s29+$0xE0];
	v6 =	vadd.f32 v3, v6  }
0x24f: {  	v16 =	vld [tilespmem:s29+$0x160];
	v56 =	vmul.f32 v51, v51;
	v4 =	vadd.f32 v54, v4  }
0x250: {  	v18 =	vld [tilespmem:s29+$0x1E0];
	v6 =	vadd.f32 v51, v6  }
0x251: {  	v20 =	vld [tilespmem:s29+$0x260];
	v58 =	vmul.f32 v53, v53;
	v4 =	vadd.f32 v56, v4  }
0x252: {  	v22 =	vld [tilespmem:s29+$0x2E0];
	v59 =	vmax.f32 v0, v1;
	v6 =	vadd.f32 v53, v6  }
0x253: {  	v24 =	vld [tilespmem:s29+$0x360];
	v0 =	vmin.f32 v0, v1;
	v62 =	vmul.f32 v55, v55;
	v61 =	vadd.f32 v58, v4  }
0x254: {  	v26 =	vld [tilespmem:s29+$0x3E0];
	v14 =	vmul.f32 v57, v57;
	v17 =	vmul.f32 v60, v60;
	v11 =	vadd.f32 v55, v6  }
0x255: {  	v19 =	vmul.f32 v13, v13;
	v21 =	vmul.f32 v16, v16;
	v1 =	vadd.f32 v62, v61  }
0x256: {  	v63 =	vmax.f32 v59, v2;
	v0 =	vmin.f32 v0, v2;
	v2 =	vadd.f32 v57, v11  }
0x257: {  	v23 =	vmul.f32 v18, v18;
	v25 =	vmul.f32 v20, v20;
	v1 =	vadd.f32 v14, v1  }
0x258: {  	v27 =	vmul.f32 v22, v22;
	v28 =	vmul.f32 v24, v24;
	v2 =	vadd.f32 v60, v2  }
0x259: {  	v29 =	vmul.f32 v26, v26;
	v5 =	vmax.f32 v63, v3;
	v1 =	vadd.f32 v17, v1  }
0x25a: {  	v0 =	vmin.f32 v0, v3;
	v15 =	vmax.f32 v5, v51;
	v2 =	vadd.f32 v13, v2  }
0x25b: {  	v0 =	vmin.f32 v0, v51;
	v3 =	vmax.f32 v15, v53;
	v1 =	vadd.f32 v19, v1  }
0x25c: {  	v0 =	vmin.f32 v0, v53;
	v3 =	vmax.f32 v3, v55;
	v2 =	vadd.f32 v16, v2  }
0x25d: {  	v0 =	vmin.f32 v0, v55;
	v3 =	vmax.f32 v3, v57;
	v1 =	vadd.f32 v21, v1  }
0x25e: {  	v0 =	vmin.f32 v0, v57;
	v3 =	vmax.f32 v3, v60;
	v2 =	vadd.f32 v18, v2  }
0x25f: {  	v0 =	vmin.f32 v0, v60;
	v3 =	vmax.f32 v3, v13;
	v1 =	vadd.f32 v23, v1  }
0x260: {  	v0 =	vmin.f32 v0, v13;
	v3 =	vmax.f32 v3, v16;
	v2 =	vadd.f32 v20, v2  }
0x261: {  	v0 =	vmin.f32 v0, v16;
	v3 =	vmax.f32 v3, v18;
	v1 =	vadd.f32 v25, v1  }
0x262: {  	v0 =	vmin.f32 v0, v18;
	v3 =	vmax.f32 v3, v20;
	v2 =	vadd.f32 v22, v2  }
0x263: {  	v0 =	vmin.f32 v0, v20;
	v3 =	vmax.f32 v3, v22;
	v1 =	vadd.f32 v27, v1  }
0x264: {  	v0 =	vmin.f32 v0, v22;
	v3 =	vmax.f32 v3, v24;
	v2 =	vadd.f32 v24, v2  }
0x265: {  	v0 =	vmin.f32 v0, v24;
	v3 =	vmax.f32 v3, v26;
	v1 =	vadd.f32 v28, v1  }
0x266: {  	v0 =	vmin.f32 v0, v26;
	[tilespmem:s30+$0x8160] =	vst v3;
	v2 =	vadd.f32 v26, v2  }
0x267: {  	[tilespmem:s30+$0x8560] =	vst v0;
	v1 =	vadd.f32 v29, v1  }
0x268: {  	[tilespmem:s30+$0x8960] =	vst v2  }
0x269: {  	[tilespmem:s30+$0x8D60] =	vst v1  }
0x26a: {  	v0 =	vld [tilespmem:s29+$0xFFFFFC70]  }
0x26b: {  	v1 =	vld [tilespmem:s29+$0xFFFFFCF0];
	_ =	sdelay $0x1  }
0x26c: {  	v2 =	vld [tilespmem:s29+$0xFFFFFD70];
	_ =	sdelay $0x1  }
0x26d: {  	v3 =	vld [tilespmem:s29+$0xFFFFFDF0]  }
0x26e: {  	v33 =	vld [tilespmem:s29+$0xFFFFFE70];
	v30 =	vmul.f32 v0, v0;
	v31 =	vmul.f32 v1, v1  }
0x26f: {  	v35 =	vld [tilespmem:s29+$0xFFFFFEF0];
	v32 =	vadd.f32 v1, v0  }
0x270: {  	v37 =	vld [tilespmem:s29+$0xFFFFFF70];
	v34 =	vmul.f32 v2, v2;
	v4 =	vadd.f32 v31, v30  }
0x271: {  	v39 =	vld [tilespmem:s29+$0xFFFFFFF0];
	v6 =	vadd.f32 v2, v32  }
0x272: {  	v42 =	vld [tilespmem:s29+$0x70];
	v36 =	vmul.f32 v3, v3;
	v4 =	vadd.f32 v34, v4  }
0x273: {  	v47 =	vld [tilespmem:s29+$0xF0];
	v6 =	vadd.f32 v3, v6  }
0x274: {  	v50 =	vld [tilespmem:s29+$0x170];
	v38 =	vmul.f32 v33, v33;
	v4 =	vadd.f32 v36, v4  }
0x275: {  	v52 =	vld [tilespmem:s29+$0x1F0];
	v6 =	vadd.f32 v33, v6  }
0x276: {  	v54 =	vld [tilespmem:s29+$0x270];
	v40 =	vmul.f32 v35, v35;
	v4 =	vadd.f32 v38, v4  }
0x277: {  	v56 =	vld [tilespmem:s29+$0x2F0];
	v41 =	vmax.f32 v0, v1;
	v6 =	vadd.f32 v35, v6  }
0x278: {  	v58 =	vld [tilespmem:s29+$0x370];
	v0 =	vmin.f32 v0, v1;
	v44 =	vmul.f32 v37, v37;
	v43 =	vadd.f32 v40, v4  }
0x279: {  	v60 =	vld [tilespmem:s29+$0x3F0];
	v48 =	vmul.f32 v39, v39;
	v51 =	vmul.f32 v42, v42;
	v46 =	vadd.f32 v37, v6  }
0x27a: {  	v53 =	vmul.f32 v47, v47;
	v55 =	vmul.f32 v50, v50;
	v1 =	vadd.f32 v44, v43  }
0x27b: {  	v45 =	vmax.f32 v41, v2;
	v0 =	vmin.f32 v0, v2;
	v2 =	vadd.f32 v39, v46  }
0x27c: {  	v57 =	vmul.f32 v52, v52;
	v59 =	vmul.f32 v54, v54;
	v1 =	vadd.f32 v48, v1  }
0x27d: {  	v61 =	vmul.f32 v56, v56;
	v62 =	vmul.f32 v58, v58;
	v2 =	vadd.f32 v42, v2  }
0x27e: {  	v63 =	vmul.f32 v60, v60;
	v5 =	vmax.f32 v45, v3;
	v1 =	vadd.f32 v51, v1  }
0x27f: {  	v0 =	vmin.f32 v0, v3;
	v49 =	vmax.f32 v5, v33;
	v2 =	vadd.f32 v47, v2  }
0x280: {  	v0 =	vmin.f32 v0, v33;
	v3 =	vmax.f32 v49, v35;
	v1 =	vadd.f32 v53, v1  }
0x281: {  	v0 =	vmin.f32 v0, v35;
	v3 =	vmax.f32 v3, v37;
	v2 =	vadd.f32 v50, v2  }
0x282: {  	v0 =	vmin.f32 v0, v37;
	v3 =	vmax.f32 v3, v39;
	v1 =	vadd.f32 v55, v1  }
0x283: {  	v0 =	vmin.f32 v0, v39;
	v3 =	vmax.f32 v3, v42;
	v2 =	vadd.f32 v52, v2  }
0x284: {  	v0 =	vmin.f32 v0, v42;
	v3 =	vmax.f32 v3, v47;
	v1 =	vadd.f32 v57, v1  }
0x285: {  	v0 =	vmin.f32 v0, v47;
	v3 =	vmax.f32 v3, v50;
	v2 =	vadd.f32 v54, v2  }
0x286: {  	v0 =	vmin.f32 v0, v50;
	v3 =	vmax.f32 v3, v52;
	v1 =	vadd.f32 v59, v1  }
0x287: {  	v0 =	vmin.f32 v0, v52;
	v3 =	vmax.f32 v3, v54;
	v2 =	vadd.f32 v56, v2  }
0x288: {  	v0 =	vmin.f32 v0, v54;
	v3 =	vmax.f32 v3, v56;
	v1 =	vadd.f32 v61, v1  }
0x289: {  	p0 =	sne.s32 s28, $0xE00;
	v0 =	vmin.f32 v0, v56;
	v3 =	vmax.f32 v3, v58;
	v2 =	vadd.f32 v58, v2  }
.Ltmp1:
0x28a: {  	v0 =	vmin.f32 v0, v58;
	v3 =	vmax.f32 v3, v60;
	v1 =	vadd.f32 v62, v1;
	(pc) =	sbr.rel @p0 .LBB2_5-.Ltmp1, $4  }
0x28b: {  	v0 =	vmin.f32 v0, v60;
	[tilespmem:s30+$0x8170] =	vst v3;
	v2 =	vadd.f32 v60, v2  }
0x28c: {  	[tilespmem:s30+$0x8570] =	vst v0;
	v1 =	vadd.f32 v63, v1  }
0x28d: {  	[tilespmem:s30+$0x8970] =	vst v2  }
0x28e: {  	s28 =	sadd.s32 $0x200, s28;
	s29 =	sadd.s32 $0x800, s29;
	[tilespmem:s30+$0x8D70] =	vst v1  }
0x28f: {  	s26 =	sshll.u32 s26, $0x7  }
0x290: {  	s26 =	sand.u32 $0x1FFFFF80, s26  }
0x291: {  	s28 =	sadd.s32 s5, s26  }
0x292: {  	[hbm4b:s28+s3] =	stream.linear.scatter [tilespmem:s19], [sflag:$0x3], $0x400, $0x38;
	[tilespmem:$0x9100] =	vst v63  }
0x293: {  	_ =	swait.ge [sflag:s14], $0x400  }
0x294: {  	[sflag:s14] =	ssyncset.done $0x0  }
0x295: {  	s30 =	sadd.s32 s6, s26;
	[sflag:s14] =	ssyncadd.s32 $0xFFFFFC00  }
0x296: {  	[hbm4b:s30+s3] =	stream.linear.scatter [tilespmem:s20], [sflag:$0x3], $0x400, $0x38;
	[tilespmem:$0x9100] =	vst v63  }
0x297: {  	_ =	swait.ge [sflag:s14], $0x400  }
0x298: {  	[sflag:s14] =	ssyncset.done $0x0  }
0x299: {  	s31 =	sadd.s32 s8, s26;
	[sflag:s14] =	ssyncadd.s32 $0xFFFFFC00  }
0x29a: {  	[hbm4b:s31+s3] =	stream.linear.scatter [tilespmem:s21], [sflag:$0x3], $0x400, $0x38;
	[tilespmem:$0x9100] =	vst v63  }
0x29b: {  	s25 =	sadd.s32 $0x1, s25;
	_ =	swait.ge [sflag:s14], $0x400  }
0x29c: {  	p0 =	sne.s32 s25, $0x14;
	[sflag:s14] =	ssyncset.done $0x0  }
.Ltmp2:
0x29d: {  	s26 =	sadd.s32 s9, s26;
	[sflag:s14] =	ssyncadd.s32 $0xFFFFFC00;
	(pc) =	sbr.rel @p0 .LBB2_2-.Ltmp2, $4  }
0x29e: {  	[hbm4b:s26+s3] =	stream.linear.scatter [tilespmem:s22], [sflag:$0x3], $0x400, $0x38;
	[tilespmem:$0x9100] =	vst v63  }
0x29f: {  	_ =	swait.ge [sflag:s14], $0x400  }
0x2a0: {  	[sflag:s14] =	ssyncset.done $0x0  }
0x2a1: {  	[sflag:s14] =	ssyncadd.s32 $0xFFFFFC00  }
0x2a2: {  	s24 =	sadd.s32 $0x1, s24  }
0x2a3: {  	p0 =	sne.s32 s24, s13  }
.Ltmp3:
0x2a4: {  	_ = 	snop;
	(pc) =	sbr.rel @p0 .LBB2_1-.Ltmp3, $1  }
0x2a5: {  	_ =	sdelay $0x3  }
0x2a6: {  	_ =	sfence.sel $0x180000  }
0x2a7: {  	[bflag:$0x0] =	sbarrier.arrive $0xFFFF  }
0x2a8: {  	p0 =	sne.s32 s2, $0x0;
	_ =	strace $0x90000047  }
0x2a9: {  	s0 =	sadd.s32 @!p0 $0x100000, s0;
	[bflag:$0x2] =	sbarrier.arrive $0xFFFF  }
0x2aa: {  	[sflag:s0] =	ssyncadd.tile.s32 @!p0 $0x1;
	_ =	shalt  }
.Lfunc_end2:
_tile_overlayer_lowered:
.L_overlay_start_2:
0x2ab: {  	(tag) =	ssettag $0x2  }
0x2ac: {  	s0 =	rddreg [dreg:$0x0];
	s2 =	stileid.u32  }
0x2ad: {  	s1 =	rddreg [dreg:$0x1];
	p0 =	sne.s32 s2, $0x0  }
0x2ae: {  	s3 =	rddreg [dreg:$0x2];
	[bflag:$0x3] =	sbarrier.arrive $0xFFFF;
	s2 =	simm.s32 @!p0 $0x1C03  }
0x2af: {  	[timem:s3], [sflag:s2] =	dma.local @!p0 [hbm:s0], s1  }
0x2b0: {  	s0 =	simm.s32 @!p0 $0x3  }
0x2b1: {  	_ =	swait.ge @!p0 [sflag:s0], s1  }
0x2b2: {  	s1 =	ssub.s32 @!p0 $0x0, s1;
	[sflag:s0] =	ssyncset.done @!p0 $0x0  }
0x2b3: {  	[sflag:s0] =	ssyncadd.s32 @!p0 s1  }
0x2b4: {  	[bflag:$0x3] =	sbarrier.arrive $0xFFFF  }
0x2b5: {  	_ =	shalt  }

</sc_bundles>
